<compile_context>
chip_gen: v7x
topology: tpu7x:2x2x1
jax: 0.10.2.dev20260603
libtpu: 0.0.44.dev20260713+nightly
codegen_flags: <defaults>
</compile_context>

<pallas_src>
import functools

import numpy as np
import jax
import jax.numpy as jnp
from jax import lax
from jax.experimental import pallas as pl
from jax.experimental.pallas import tpu as pltpu
from jax.experimental.pallas import tpu_sc as plsc

_B = 20
_NPER = 500
_NPAD = 512
_EPER = 8000
_D = 128
_N = _B * _NPER
_NW = 32
_GROWS = 384
_GPAD = _NW * _GROWS
_K1, _K2, _K3 = 450, 405, 365

_f32 = jnp.float32
_i32 = jnp.int32
_SIGN = np.int32(-(2 ** 31))


def _sc_mesh():
    return plsc.VectorSubcoreMesh(core_axis_name="c", subcore_axis_name="s")


_GB = _B * _NPAD
_GW = _GB // _NW
_GC = 64


def _sc_fused(item_idx, cat_idx, item_table, cat_table, src, dst, zeros):
    @functools.partial(
        pl.kernel,
        mesh=_sc_mesh(),
        out_type=[jax.ShapeDtypeStruct((_GB, _D), _f32),
                  jax.ShapeDtypeStruct((_GB, _D), _f32),
                  jax.ShapeDtypeStruct((_B, 128 * _NPAD * 4), _f32)],
        scratch_types=[pltpu.VMEM((_GW,), _i32),
                       pltpu.VMEM((_GW,), _i32),
                       pltpu.VMEM((_GC, _D), _f32),
                       pltpu.VMEM((_GC, _D), _f32),
                       pltpu.VMEM((_GC, _D), _f32),
                       pltpu.VMEM((_GC, _D), _f32),
                       pltpu.VMEM((128 * _NPAD,), _f32),
                       pltpu.VMEM((_EPER,), _i32),
                       pltpu.VMEM((_EPER,), _i32),
                       pltpu.SemaphoreType.DMA,
                       pltpu.SemaphoreType.DMA,
                       pltpu.SemaphoreType.DMA,
                       pltpu.SemaphoreType.DMA,
                       pltpu.SemaphoreType.DMA,
                       pltpu.SemaphoreType.DMA,
                       pltpu.SemaphoreType.DMA,
                       pltpu.SemaphoreType.DMA],
        compiler_params=pltpu.CompilerParams(needs_layout_passes=False),
    )
    def fused_k(item_idx_h, cat_idx_h, item_t, cat_t, src_h, dst_h, zeros_h,
                item_o, cat_o, a_h,
                iidx, cidx, ib0, ib1, cb0, cb1, abuf, sbuf, dbuf,
                gi0, gi1, gc0, gc1, so0, so1, so2, so3):
        wid = lax.axis_index("s") * 2 + lax.axis_index("c")
        base = pl.multiple_of(wid * _GW, 64)
        pltpu.sync_copy(item_idx_h.at[pl.ds(base, _GW)], iidx)
        pltpu.sync_copy(cat_idx_h.at[pl.ds(base, _GW)], cidx)
        ibufs, cbufs = (ib0, ib1), (cb0, cb1)
        gis, gcs = (gi0, gi1), (gc0, gc1)
        sis, scs = (so0, so1), (so2, so3)
        ones = jnp.full((16,), 1.0, _f32)

        def fire_item(k):
            return pltpu.async_copy(
                item_t.at[iidx.at[pl.ds(k * _GC, _GC)]],
                ibufs[k % 2], gis[k % 2])

        def fire_cat(k):
            return pltpu.async_copy(
                cat_t.at[cidx.at[pl.ds(k * _GC, _GC)]],
                cbufs[k % 2], gcs[k % 2])

        def store_item(k):
            return pltpu.async_copy(
                ibufs[k % 2], item_o.at[pl.ds(base + k * _GC, _GC)],
                sis[k % 2])

        def store_cat(k):
            return pltpu.async_copy(
                cbufs[k % 2], cat_o.at[pl.ds(base + k * _GC, _GC)],
                scs[k % 2])

        def a_task(t):
            task = t * _NW + wid

            @pl.when(task < _B * 4)
            def _():
                g = task // 4
                ch = task - g * 4
                row0 = ch * 128
                node0 = g * _NPER
                e0 = pl.multiple_of(g * _EPER, 8)
                pltpu.sync_copy(zeros_h, abuf)
                pltpu.sync_copy(src_h.at[pl.ds(e0, _EPER)], sbuf)
                pltpu.sync_copy(dst_h.at[pl.ds(e0, _EPER)], dbuf)

                def body(e, carry):
                    for u in range(4):
                        off = pl.multiple_of(e * 64 + u * 16, 8)
                        s = sbuf[pl.ds(off, 16)] - node0
                        d = dbuf[pl.ds(off, 16)] - (node0 + row0)
                        m = (d >= 0) & (d < 128)
                        flat = jnp.where(m, d, 0) * _NPAD + s
                        plsc.addupdate_scatter(abuf, [flat], ones, mask=m)
                    return carry

                lax.fori_loop(0, _EPER // 64, body, 0)
                dst0 = pl.multiple_of(ch * (128 * _NPAD), 8)
                pltpu.sync_copy(abuf, a_h.at[g, pl.ds(dst0, 128 * _NPAD)])

        g_i0, g_c0 = fire_item(0), fire_cat(0)
        g_i1, g_c1 = fire_item(1), fire_cat(1)
        a_task(0)
        g_i0.wait()
        st_i0 = store_item(0)
        g_c0.wait()
        st_c0 = store_cat(0)
        a_task(1)
        g_i1.wait()
        st_i1 = store_item(1)
        g_c1.wait()
        st_c1 = store_cat(1)
        st_i0.wait()
        g_i2 = fire_item(2)
        st_c0.wait()
        g_c2 = fire_cat(2)
        a_task(2)
        g_i2.wait()
        st_i2 = store_item(2)
        g_c2.wait()
        st_c2 = store_cat(2)
        st_i1.wait()
        g_i3 = fire_item(3)
        st_c1.wait()
        g_c3 = fire_cat(3)
        g_i3.wait()
        st_i3 = store_item(3)
        g_c3.wait()
        st_c3 = store_cat(3)
        st_i2.wait()
        g_i4 = fire_item(4)
        st_c2.wait()
        g_c4 = fire_cat(4)
        g_i4.wait()
        st_i4 = store_item(4)
        g_c4.wait()
        st_c4 = store_cat(4)
        st_i3.wait()
        st_c3.wait()
        st_i4.wait()
        st_c4.wait()

    return fused_k(item_idx, cat_idx, item_table, cat_table, src, dst, zeros)


_bf16 = jnp.bfloat16


def _int_matmul_split(a16, h):
    h_hi = h.astype(_bf16)
    h_lo = (h - h_hi.astype(_f32)).astype(_bf16)
    return (jnp.dot(a16, h_hi, preferred_element_type=_f32)
            + jnp.dot(a16, h_lo, preferred_element_type=_f32))


_GPB = 4
_NG = _B // _GPB


def _conv1_call(A, hi, hc, W_rel, W_root, b, p):
    def body(a_ref, hi_ref, hc_ref, wr_ref, wo_ref, b_ref, p_ref,
             h1_ref, sc_ref):
        pv = p_ref[...]
        pn = jnp.sqrt(jnp.sum(pv * pv))
        valid = lax.broadcasted_iota(_i32, (_NPAD, 1), 0) < _NPER
        for j in range(_GPB):
            h0b = jnp.concatenate([hi_ref[j], hc_ref[j]], axis=1)
            hr = jnp.dot(h0b, wr_ref[...], preferred_element_type=_f32)
            h1 = _int_matmul_split(a_ref[j], hr)
            h1 = h1 + jnp.dot(h0b, wo_ref[...], preferred_element_type=_f32)
            h1 = jnp.maximum(h1 + b_ref[...], 0.0)
            raw = jnp.sum(h1 * pv, axis=1, keepdims=True) / pn
            sc_ref[j] = jnp.where(valid, raw, -jnp.inf)
            h1_ref[j] = h1

    return pl.pallas_call(
        body,
        grid=(_NG,),
        in_specs=[
            pl.BlockSpec((_GPB, _NPAD, _NPAD), lambda g: (g, 0, 0)),
            pl.BlockSpec((_GPB, _NPAD, _D), lambda g: (g, 0, 0)),
            pl.BlockSpec((_GPB, _NPAD, _D), lambda g: (g, 0, 0)),
            pl.BlockSpec((2 * _D, _D), lambda g: (0, 0)),
            pl.BlockSpec((2 * _D, _D), lambda g: (0, 0)),
            pl.BlockSpec((1, _D), lambda g: (0, 0)),
            pl.BlockSpec((1, _D), lambda g: (0, 0)),
        ],
        out_specs=[
            pl.BlockSpec((_GPB, _NPAD, _D), lambda g: (g, 0, 0)),
            pl.BlockSpec((_GPB, _NPAD, 1), lambda g: (g, 0, 0)),
        ],
        out_shape=[jax.ShapeDtypeStruct((_B, _NPAD, _D), _f32),
                   jax.ShapeDtypeStruct((_B, _NPAD, 1), _f32)],
    )(A, hi, hc, W_rel, W_root, b, p)


def _conv_next(A, h, keep, gate, W_rel, W_root, b, p, k_prev):
    inv_k = 1.0 / float(k_prev)

    def body(a_ref, h_ref, k_ref, g_ref, wr_ref, wo_ref, b_ref, p_ref,
             x_ref, h2_ref, sc_ref):
        pv = p_ref[...]
        pn = jnp.sqrt(jnp.sum(pv * pv))
        for j in range(_GPB):
            kp = k_ref[j]
            gt = g_ref[j]
            hp = h_ref[j] * gt * kp
            kept = kp > 0.0
            gmp = jnp.max(jnp.where(kept, hp, -jnp.inf), axis=0,
                          keepdims=True)
            gap = jnp.sum(hp, axis=0, keepdims=True) * inv_k
            x_ref[j] = jnp.concatenate([gmp, gap], axis=1)
            hr = jnp.dot(hp, wr_ref[...], preferred_element_type=_f32)
            h2 = _int_matmul_split(a_ref[j], hr)
            h2 = h2 + jnp.dot(hp, wo_ref[...], preferred_element_type=_f32)
            h2 = jnp.maximum(h2 + b_ref[...], 0.0)
            raw = jnp.sum(h2 * pv, axis=1, keepdims=True) / pn
            sc_ref[j] = jnp.where(kept, raw, -jnp.inf)
            h2_ref[j] = h2

    return pl.pallas_call(
        body,
        grid=(_NG,),
        in_specs=[
            pl.BlockSpec((_GPB, _NPAD, _NPAD), lambda g: (g, 0, 0)),
            pl.BlockSpec((_GPB, _NPAD, _D), lambda g: (g, 0, 0)),
            pl.BlockSpec((_GPB, _NPAD, 1), lambda g: (g, 0, 0)),
            pl.BlockSpec((_GPB, _NPAD, 1), lambda g: (g, 0, 0)),
            pl.BlockSpec((_D, _D), lambda g: (0, 0)),
            pl.BlockSpec((_D, _D), lambda g: (0, 0)),
            pl.BlockSpec((1, _D), lambda g: (0, 0)),
            pl.BlockSpec((1, _D), lambda g: (0, 0)),
        ],
        out_specs=[
            pl.BlockSpec((_GPB, 1, 2 * _D), lambda g: (g, 0, 0)),
            pl.BlockSpec((_GPB, _NPAD, _D), lambda g: (g, 0, 0)),
            pl.BlockSpec((_GPB, _NPAD, 1), lambda g: (g, 0, 0)),
        ],
        out_shape=[jax.ShapeDtypeStruct((_B, 1, 2 * _D), _f32),
                   jax.ShapeDtypeStruct((_B, _NPAD, _D), _f32),
                   jax.ShapeDtypeStruct((_B, _NPAD, 1), _f32)],
    )(A, h, keep, gate, W_rel, W_root, b, p)


def _pool_select(score2d, k):
    def body(s_ref, keep_ref, gate_ref):
        s = s_ref[...]
        bits = lax.bitcast_convert_type(s, _i32)
        key = jnp.where(bits >= 0, bits, bits ^ np.int32(0x7FFFFFFF))
        pref = jnp.zeros((_B, 1), _i32)
        for bit in range(31, -1, -1):
            m = _SIGN if bit == 31 else np.int32(1 << bit)
            cand = pref | m
            t = cand ^ _SIGN
            c = jnp.sum((key >= t).astype(_i32), axis=1, keepdims=True)
            pref = jnp.where(c >= k, cand, pref)
        kth = pref ^ _SIGN
        gtm = key > kth
        eq = (key >= kth) & (~gtm)
        n_gt = jnp.sum(gtm.astype(_i32), axis=1, keepdims=True)
        run = eq.astype(_i32)
        for sh in (1, 2, 4, 8, 16, 32, 64, 128, 256):
            shifted = jnp.concatenate(
                [jnp.zeros((_B, sh), _i32), run[:, : _NPAD - sh]], axis=1)
            run = run + shifted
        keep = gtm | (eq & (run <= (k - n_gt)))
        keep_ref[...] = keep.astype(_f32)
        gate_ref[...] = jnp.tanh(jnp.maximum(s, -100.0))

    return pl.pallas_call(
        body,
        out_shape=[jax.ShapeDtypeStruct((_B, _NPAD), _f32),
                   jax.ShapeDtypeStruct((_B, _NPAD), _f32)],
    )(score2d)


def _final_call(h3, keep, gate, x1, x2, emb_item, l1W, l1b, l2W, l2b):
    inv_k = 1.0 / float(_K3)

    def body(h_ref, k_ref, g_ref, x1_ref, x2_ref, e_ref,
             w1_ref, b1_ref, w2_ref, b2_ref, o_ref):
        for j in range(_GPB):
            kp = k_ref[j]
            gt = g_ref[j]
            hp = h_ref[j] * gt * kp
            kept = kp > 0.0
            gmp = jnp.max(jnp.where(kept, hp, -jnp.inf), axis=0,
                          keepdims=True)
            gap = jnp.sum(hp, axis=0, keepdims=True) * inv_k
            gv = x1_ref[j] + x2_ref[j] + jnp.concatenate([gmp, gap], axis=1)
            gv = jnp.dot(gv, w1_ref[...], preferred_element_type=_f32)
            gv = jnp.maximum(gv + b1_ref[...], 0.0)
            gv = jnp.dot(gv, w2_ref[...], preferred_element_type=_f32)
            gv = jnp.maximum(gv + b2_ref[...], 0.0)
            logits = jnp.sum(e_ref[j] * gv, axis=1, keepdims=True)
            o_ref[j] = 1.0 / (1.0 + jnp.exp(-logits))

    return pl.pallas_call(
        body,
        grid=(_NG,),
        in_specs=[
            pl.BlockSpec((_GPB, _NPAD, _D), lambda g: (g, 0, 0)),
            pl.BlockSpec((_GPB, _NPAD, 1), lambda g: (g, 0, 0)),
            pl.BlockSpec((_GPB, _NPAD, 1), lambda g: (g, 0, 0)),
            pl.BlockSpec((_GPB, 1, 2 * _D), lambda g: (g, 0, 0)),
            pl.BlockSpec((_GPB, 1, 2 * _D), lambda g: (g, 0, 0)),
            pl.BlockSpec((_GPB, _NPAD, _D), lambda g: (g, 0, 0)),
            pl.BlockSpec((2 * _D, 2 * _D), lambda g: (0, 0)),
            pl.BlockSpec((1, 2 * _D), lambda g: (0, 0)),
            pl.BlockSpec((2 * _D, _D), lambda g: (0, 0)),
            pl.BlockSpec((1, _D), lambda g: (0, 0)),
        ],
        out_specs=[pl.BlockSpec((_GPB, _NPAD, 1), lambda g: (g, 0, 0))],
        out_shape=[jax.ShapeDtypeStruct((_B, _NPAD, 1), _f32)],
    )(h3, keep, gate, x1, x2, emb_item, l1W, l1b, l2W, l2b)


def kernel(x, edge_index, batch, item_table, cat_table, W1_rel, W1_root, b1,
           p1, W2_rel, W2_root, b2, p2, W3_rel, W3_root, b3, p3, lin1_W,
           lin1_b, lin2_W, lin2_b):
    idx_pad = jnp.zeros((_B, _NPAD - _NPER), _i32)
    item_idx = jnp.concatenate(
        [x[:, 0, 0].astype(_i32).reshape(_B, _NPER), idx_pad],
        axis=1).reshape(-1)
    cat_idx = jnp.concatenate(
        [x[:, 0, 1].astype(_i32).reshape(_B, _NPER), idx_pad],
        axis=1).reshape(-1)
    src = edge_index[0].astype(_i32)
    dst = edge_index[1].astype(_i32)
    emb_item_f, emb_cat_f, A_flat = _sc_fused(
        item_idx, cat_idx, item_table, cat_table, src, dst,
        jnp.zeros((128 * _NPAD,), _f32))
    emb_item = emb_item_f.reshape(_B, _NPAD, _D)
    emb_cat = emb_cat_f.reshape(_B, _NPAD, _D)
    A = A_flat.reshape(_B, _NPAD, _NPAD).astype(_bf16)

    h1, s1 = _conv1_call(A, emb_item, emb_cat, W1_rel, W1_root,
                         b1.reshape(1, _D), p1.reshape(1, _D))
    k1, g1 = _pool_select(s1.reshape(_B, _NPAD), _K1)
    keep1 = k1.reshape(_B, _NPAD, 1)
    gate1 = g1.reshape(_B, _NPAD, 1)

    x1, h2, s2 = _conv_next(A, h1, keep1, gate1, W2_rel, W2_root,
                            b2.reshape(1, _D), p2.reshape(1, _D), _K1)
    k2, g2 = _pool_select(s2.reshape(_B, _NPAD), _K2)
    keep2 = k2.reshape(_B, _NPAD, 1)
    gate2 = g2.reshape(_B, _NPAD, 1)

    x2, h3, s3 = _conv_next(A, h2, keep2, gate2, W3_rel, W3_root,
                            b3.reshape(1, _D), p3.reshape(1, _D), _K2)
    k3, g3 = _pool_select(s3.reshape(_B, _NPAD), _K3)
    keep3 = k3.reshape(_B, _NPAD, 1)
    gate3 = g3.reshape(_B, _NPAD, 1)

    (outp,) = _final_call(h3, keep3, gate3, x1, x2, emb_item,
                          lin1_W,
                          lin1_b.reshape(1, 2 * _D), lin2_W,
                          lin2_b.reshape(1, _D))
    return outp.reshape(_B, _NPAD)[:, :_NPER].reshape(-1)

# --- scband reference (transcript-rebuilt; emitter-appended) ---
"""Pipeline reference for scband-buy-net-29635274342639 (READ-ONLY COPY).

The authoritative reference and input builder live on the scoring server;
editing this copy changes nothing except your own understanding.
"""

import jax, jax.numpy as jnp
import numpy as np

N = 10000
B = 20
NPER = 500
EPER = 8000
D = 128
VOCAB = 100000
K1, K2, K3 = 450, 405, 365


def setup_inputs(seed: int = 0):
    key = jax.random.key(seed)
    ks = jax.random.split(key, 24)
    f = lambda k, shape, s: jax.random.normal(k, shape, dtype=jnp.float32) * s
    x = jax.random.randint(ks[0], (N, 1, 2), 0, VOCAB - 1)
    src = jax.random.randint(ks[1], (B, EPER), 0, NPER)
    dst = jax.random.randint(ks[2], (B, EPER), 0, NPER)
    off = (jnp.arange(B) * NPER)[:, None]
    edge_index = jnp.stack([(src + off).reshape(-1), (dst + off).reshape(-1)], axis=0)
    batch = jnp.repeat(jnp.arange(B), NPER)
    return {
        'x': x, 'edge_index': edge_index, 'batch': batch,
        'item_table': f(ks[3], (VOCAB, D), 0.1),
        'cat_table': f(ks[4], (VOCAB, D), 0.1),
        'W1_rel': f(ks[5], (2 * D, 128), 0.05),
        'W1_root': f(ks[6], (2 * D, 128), 0.05),
        'b1': f(ks[7], (128,), 0.05),
        'p1': f(ks[8], (128,), 0.1),
        'W2_rel': f(ks[9], (128, 128), 0.05),
        'W2_root': f(ks[10], (128, 128), 0.05),
        'b2': f(ks[11], (128,), 0.05),
        'p2': f(ks[12], (128,), 0.1),
        'W3_rel': f(ks[13], (128, 128), 0.05),
        'W3_root': f(ks[14], (128, 128), 0.05),
        'b3': f(ks[15], (128,), 0.05),
        'p3': f(ks[16], (128,), 0.1),
        'lin1_W': f(ks[17], (256, 256), 0.05),
        'lin1_b': f(ks[18], (256,), 0.05),
        'lin2_W': f(ks[19], (256, 128), 0.05),
        'lin2_b': f(ks[20], (128,), 0.05),
    }


def _forward(x, edge_index, item_table, cat_table, W1_rel, W1_root, b1, p1, W2_rel, W2_root, b2, p2, W3_rel, W3_root, b3, p3, lin1_W, lin1_b, lin2_W, lin2_b):
    src = edge_index[0]
    dst = edge_index[1]
    item_id = x[:, 0, 0]
    category = x[:, 0, 1]
    emb_item = jnp.take(item_table, item_id, axis=0)
    emb_cat = jnp.take(cat_table, category, axis=0)
    h = jnp.concatenate([emb_item, emb_cat], axis=1)

    def conv(h, Wrel, Wroot, b):
        # PyG GraphConv (aggr='add'): out = lin_rel(sum_j x_j) + lin_root(x)
        agg = jax.ops.segment_sum(h[src], dst, num_segments=N)
        return agg @ Wrel + b + h @ Wroot

    def pool(h, p, mask, k):
        # PyG TopKPooling: score = x@p/||p||; keep top ceil(ratio*n) per graph; x *= tanh(score)
        score = (h @ p) / jnp.linalg.norm(p)
        score = jnp.where(mask, score, -jnp.inf)
        _, idx = jax.lax.top_k(score.reshape(B, NPER), k)
        flat = (idx + (jnp.arange(B) * NPER)[:, None]).reshape(-1)
        new_mask = jnp.zeros(N, dtype=bool).at[flat].set(True)
        gate = jnp.tanh(score)
        h_new = jnp.where(new_mask[:, None], h * gate[:, None], 0.0)
        return h_new, new_mask

    def readout(h, mask, k):
        hm = jnp.where(mask[:, None], h, -jnp.inf).reshape(B, NPER, -1)
        gmp = hm.max(axis=1)
        gap = h.reshape(B, NPER, -1).sum(axis=1) / k
        return jnp.concatenate([gmp, gap], axis=1)

    mask = jnp.ones(N, dtype=bool)
    h = jax.nn.relu(conv(h, W1_rel, W1_root, b1))
    h, mask = pool(h, p1, mask, K1)
    x1 = readout(h, mask, K1)
    h = jax.nn.relu(conv(h, W2_rel, W2_root, b2))
    h, mask = pool(h, p2, mask, K2)
    x2 = readout(h, mask, K2)
    h = jax.nn.relu(conv(h, W3_rel, W3_root, b3))
    h, mask = pool(h, p3, mask, K3)
    x3 = readout(h, mask, K3)
    g = x1 + x2 + x3
    g = jax.nn.relu(g @ lin1_W + lin1_b)
    g = g @ lin2_W + lin2_b
    # dropout is identity in eval mode
    g = jax.nn.relu(g)
    out = jnp.einsum('bnd,bd->bn', emb_item.reshape(B, NPER, D), g).reshape(-1)
    return jax.nn.sigmoid(out)


def reference(x, edge_index, batch, item_table, cat_table, W1_rel, W1_root, b1, p1, W2_rel, W2_root, b2, p2, W3_rel, W3_root, b3, p3, lin1_W, lin1_b, lin2_W, lin2_b):
    return _forward(x, edge_index, item_table, cat_table, W1_rel, W1_root, b1, p1, W2_rel, W2_root, b2, p2, W3_rel, W3_root, b3, p3, lin1_W, lin1_b, lin2_W, lin2_b)

if __name__ == "__main__":
    import jax
    _d = setup_inputs()
    print(jax.jit(kernel)(*tuple(_d.values())))

</pallas_src>

<mosaic_0001>
#map = affine_map<(d0, d1) -> (0)>
#map1 = affine_map<(d0, d1) -> (0, 0)>
module attributes {stable_mosaic.version = 14 : i64} {
  func.func @fused_k(%arg0: i32, %arg1: i32, %arg2: memref<10240xi32, #tpu.memory_space<hbm>>, %arg3: memref<10240xi32, #tpu.memory_space<hbm>>, %arg4: memref<100000x128xf32, #tpu.memory_space<hbm>>, %arg5: memref<100000x128xf32, #tpu.memory_space<hbm>>, %arg6: memref<160000xi32, #tpu.memory_space<hbm>>, %arg7: memref<160000xi32, #tpu.memory_space<hbm>>, %arg8: memref<65536xf32, #tpu.memory_space<hbm>>, %arg9: memref<10240x128xf32, #tpu.memory_space<hbm>>, %arg10: memref<10240x128xf32, #tpu.memory_space<hbm>>, %arg11: memref<20x262144xf32, #tpu.memory_space<hbm>>, %arg12: memref<320xi32, #tpu.memory_space<vmem>>, %arg13: memref<320xi32, #tpu.memory_space<vmem>>, %arg14: memref<64x128xf32, #tpu.memory_space<vmem>>, %arg15: memref<64x128xf32, #tpu.memory_space<vmem>>, %arg16: memref<64x128xf32, #tpu.memory_space<vmem>>, %arg17: memref<64x128xf32, #tpu.memory_space<vmem>>, %arg18: memref<65536xf32, #tpu.memory_space<vmem>>, %arg19: memref<8000xi32, #tpu.memory_space<vmem>>, %arg20: memref<8000xi32, #tpu.memory_space<vmem>>, %arg21: memref<!tpu.dma_semaphore, #tpu.memory_space<semaphore_mem>>, %arg22: memref<!tpu.dma_semaphore, #tpu.memory_space<semaphore_mem>>, %arg23: memref<!tpu.dma_semaphore, #tpu.memory_space<semaphore_mem>>, %arg24: memref<!tpu.dma_semaphore, #tpu.memory_space<semaphore_mem>>, %arg25: memref<!tpu.dma_semaphore, #tpu.memory_space<semaphore_mem>>, %arg26: memref<!tpu.dma_semaphore, #tpu.memory_space<semaphore_mem>>, %arg27: memref<!tpu.dma_semaphore, #tpu.memory_space<semaphore_mem>>, %arg28: memref<!tpu.dma_semaphore, #tpu.memory_space<semaphore_mem>>) attributes {dimension_semantics = [#tpu.dimension_semantics<core_parallel>, #tpu.dimension_semantics<subcore_parallel>], iteration_bounds = array<i64: 2, 16>, scalar_prefetch = 0 : i64, scratch_operands = 17 : i64, tpu.core_type = #tpu.core_type<sc_vector_subcore>, window_params = [{transform_indices = #map}, {transform_indices = #map}, {transform_indices = #map1}, {transform_indices = #map1}, {transform_indices = #map}, {transform_indices = #map}, {transform_indices = #map}, {transform_indices = #map1}, {transform_indices = #map1}, {transform_indices = #map1}]} {
    %mul3A = arith.constant 2 : i32
    %mul3A_0 = arith.muli %arg1, %mul3A : i32
    %add3A = arith.addi %mul3A_0, %arg0 : i32
    %mul3A_1 = arith.constant 320 : i32
    %mul3A_2 = arith.muli %add3A, %mul3A_1 : i32
    %multiple_of3A = tpu.assume_multiple %mul3A_2, 64 : i32
    "tpu.region"() ({
      %run_scoped3A = tpu.sem_alloc : memref<!tpu.dma_semaphore, #tpu.memory_space<semaphore_mem>>
      %dma_start3A_220 = tpu.memref_slice %arg2[%multiple_of3A] : memref<10240xi32, #tpu.memory_space<hbm>> -> memref<320xi32, #tpu.memory_space<hbm>>
      %dma_start3A_221 = tpu.memref_slice %arg2[%multiple_of3A] : memref<10240xi32, #tpu.memory_space<hbm>> -> memref<320xi32, #tpu.memory_space<hbm>>
      tpu.enqueue_dma source(%dma_start3A_221 : memref<320xi32, #tpu.memory_space<hbm>>) target(%arg12 : memref<320xi32, #tpu.memory_space<vmem>>) target_semaphore(%run_scoped3A : memref<!tpu.dma_semaphore, #tpu.memory_space<semaphore_mem>>)
      %dma_wait3A_222 = tpu.memref_slice %arg2[%multiple_of3A] : memref<10240xi32, #tpu.memory_space<hbm>> -> memref<320xi32, #tpu.memory_space<hbm>>
      %dma_wait3A_223 = tpu.memref_slice %arg2[%multiple_of3A] : memref<10240xi32, #tpu.memory_space<hbm>> -> memref<320xi32, #tpu.memory_space<hbm>>
      tpu.wait_dma2 semaphore(%run_scoped3A : memref<!tpu.dma_semaphore, #tpu.memory_space<semaphore_mem>>) src(%dma_wait3A_223 : memref<320xi32, #tpu.memory_space<hbm>>) dst(%arg12 : memref<320xi32, #tpu.memory_space<vmem>>)
      tpu.yield
    }) : () -> ()
    "tpu.region"() ({
      %run_scoped3A = tpu.sem_alloc : memref<!tpu.dma_semaphore, #tpu.memory_space<semaphore_mem>>
      %dma_start3A_220 = tpu.memref_slice %arg3[%multiple_of3A] : memref<10240xi32, #tpu.memory_space<hbm>> -> memref<320xi32, #tpu.memory_space<hbm>>
      %dma_start3A_221 = tpu.memref_slice %arg3[%multiple_of3A] : memref<10240xi32, #tpu.memory_space<hbm>> -> memref<320xi32, #tpu.memory_space<hbm>>
      tpu.enqueue_dma source(%dma_start3A_221 : memref<320xi32, #tpu.memory_space<hbm>>) target(%arg13 : memref<320xi32, #tpu.memory_space<vmem>>) target_semaphore(%run_scoped3A : memref<!tpu.dma_semaphore, #tpu.memory_space<semaphore_mem>>)
      %dma_wait3A_222 = tpu.memref_slice %arg3[%multiple_of3A] : memref<10240xi32, #tpu.memory_space<hbm>> -> memref<320xi32, #tpu.memory_space<hbm>>
      %dma_wait3A_223 = tpu.memref_slice %arg3[%multiple_of3A] : memref<10240xi32, #tpu.memory_space<hbm>> -> memref<320xi32, #tpu.memory_space<hbm>>
      tpu.wait_dma2 semaphore(%run_scoped3A : memref<!tpu.dma_semaphore, #tpu.memory_space<semaphore_mem>>) src(%dma_wait3A_223 : memref<320xi32, #tpu.memory_space<hbm>>) dst(%arg13 : memref<320xi32, #tpu.memory_space<vmem>>)
      tpu.yield
    }) : () -> ()
    %broadcast_in_dim3A = arith.constant 1.000000e+00 : f32
    %broadcast_in_dim3A_3 = vector.broadcast %broadcast_in_dim3A : f32 to vector<16xf32>
    %dma_start3A = arith.constant 0 : i32
    %dma_start3A_4 = tpu.memref_slice %arg12[%dma_start3A] : memref<320xi32, #tpu.memory_space<vmem>> -> memref<64xi32, #tpu.memory_space<vmem>>
    %dma_start3A_5 = arith.constant 0 : i32
    %dma_start3A_6 = arith.constant 0 : i32
    %dma_start3A_7 = tpu.memref_slice %arg4[%dma_start3A_5, %dma_start3A_6] : memref<100000x128xf32, #tpu.memory_space<hbm>> -> memref<100000x128xf32, #tpu.memory_space<hbm>>
    tpu.enqueue_indirect_dma source(%dma_start3A_7 : memref<100000x128xf32, #tpu.memory_space<hbm>>) target(%arg14 : memref<64x128xf32, #tpu.memory_space<vmem>>) offsets(%dma_start3A_4 : memref<64xi32, #tpu.memory_space<vmem>>) semaphore(%arg21 : memref<!tpu.dma_semaphore, #tpu.memory_space<semaphore_mem>>)
    %dma_start3A_8 = arith.constant 0 : i32
    %dma_start3A_9 = tpu.memref_slice %arg13[%dma_start3A_8] : memref<320xi32, #tpu.memory_space<vmem>> -> memref<64xi32, #tpu.memory_space<vmem>>
    %dma_start3A_10 = arith.constant 0 : i32
    %dma_start3A_11 = arith.constant 0 : i32
    %dma_start3A_12 = tpu.memref_slice %arg5[%dma_start3A_10, %dma_start3A_11] : memref<100000x128xf32, #tpu.memory_space<hbm>> -> memref<100000x128xf32, #tpu.memory_space<hbm>>
    tpu.enqueue_indirect_dma source(%dma_start3A_12 : memref<100000x128xf32, #tpu.memory_space<hbm>>) target(%arg16 : memref<64x128xf32, #tpu.memory_space<vmem>>) offsets(%dma_start3A_9 : memref<64xi32, #tpu.memory_space<vmem>>) semaphore(%arg23 : memref<!tpu.dma_semaphore, #tpu.memory_space<semaphore_mem>>)
    %dma_start3A_13 = arith.constant 64 : i32
    %dma_start3A_14 = tpu.memref_slice %arg12[%dma_start3A_13] : memref<320xi32, #tpu.memory_space<vmem>> -> memref<64xi32, #tpu.memory_space<vmem>>
    %dma_start3A_15 = arith.constant 0 : i32
    %dma_start3A_16 = arith.constant 0 : i32
    %dma_start3A_17 = tpu.memref_slice %arg4[%dma_start3A_15, %dma_start3A_16] : memref<100000x128xf32, #tpu.memory_space<hbm>> -> memref<100000x128xf32, #tpu.memory_space<hbm>>
    tpu.enqueue_indirect_dma source(%dma_start3A_17 : memref<100000x128xf32, #tpu.memory_space<hbm>>) target(%arg15 : memref<64x128xf32, #tpu.memory_space<vmem>>) offsets(%dma_start3A_14 : memref<64xi32, #tpu.memory_space<vmem>>) semaphore(%arg22 : memref<!tpu.dma_semaphore, #tpu.memory_space<semaphore_mem>>)
    %dma_start3A_18 = arith.constant 64 : i32
    %dma_start3A_19 = tpu.memref_slice %arg13[%dma_start3A_18] : memref<320xi32, #tpu.memory_space<vmem>> -> memref<64xi32, #tpu.memory_space<vmem>>
    %dma_start3A_20 = arith.constant 0 : i32
    %dma_start3A_21 = arith.constant 0 : i32
    %dma_start3A_22 = tpu.memref_slice %arg5[%dma_start3A_20, %dma_start3A_21] : memref<100000x128xf32, #tpu.memory_space<hbm>> -> memref<100000x128xf32, #tpu.memory_space<hbm>>
    tpu.enqueue_indirect_dma source(%dma_start3A_22 : memref<100000x128xf32, #tpu.memory_space<hbm>>) target(%arg17 : memref<64x128xf32, #tpu.memory_space<vmem>>) offsets(%dma_start3A_19 : memref<64xi32, #tpu.memory_space<vmem>>) semaphore(%arg24 : memref<!tpu.dma_semaphore, #tpu.memory_space<semaphore_mem>>)
    %add3A_23 = arith.constant 0 : i32
    %add3A_24 = arith.addi %add3A_23, %add3A : i32
    %lt3A = arith.constant 80 : i32
    %lt3A_25 = arith.cmpi slt, %add3A_24, %lt3A : i32
    %convert_element_type3A = arith.extui %lt3A_25 : i1 to i32
    %cond3A = arith.constant 0 : i32
    %cond3A_26 = arith.cmpi ne, %convert_element_type3A, %cond3A : i32
    scf.if %cond3A_26 {
      %jit3A = arith.constant 4 : i32
      %div3A = arith.divsi %add3A_24, %jit3A : i32
      %sign3A = arith.constant 0 : i32
      %sign3A_220 = arith.cmpi sgt, %add3A_24, %sign3A : i32
      %sign3A_221 = arith.extui %sign3A_220 : i1 to i32
      %sign3A_222 = arith.constant 0 : i32
      %sign3A_223 = arith.cmpi slt, %add3A_24, %sign3A_222 : i32
      %sign3A_224 = arith.extui %sign3A_223 : i1 to i32
      %sign3A_225 = arith.subi %sign3A_221, %sign3A_224 : i32
      %sign3A_226 = arith.constant 0 : i32
      %sign3A_227 = arith.cmpi sgt, %jit3A, %sign3A_226 : i32
      %sign3A_228 = arith.extui %sign3A_227 : i1 to i32
      %sign3A_229 = arith.constant 0 : i32
      %sign3A_230 = arith.cmpi slt, %jit3A, %sign3A_229 : i32
      %sign3A_231 = arith.extui %sign3A_230 : i1 to i32
      %sign3A_232 = arith.subi %sign3A_228, %sign3A_231 : i32
      %ne3A = arith.cmpi ne, %sign3A_225, %sign3A_232 : i32
      %rem3A = arith.remsi %add3A_24, %jit3A : i32
      %ne3A_233 = arith.constant 0 : i32
      %ne3A_234 = arith.cmpi ne, %rem3A, %ne3A_233 : i32
      %and3A = arith.andi %ne3A, %ne3A_234 : i1
      %sub3A = arith.constant 1 : i32
      %sub3A_235 = arith.subi %div3A, %sub3A : i32
      %select_n3A = arith.select %and3A, %sub3A_235, %div3A : i32
      %mul3A_236 = arith.constant 4 : i32
      %mul3A_237 = arith.muli %select_n3A, %mul3A_236 : i32
      %sub3A_238 = arith.subi %add3A_24, %mul3A_237 : i32
      %mul3A_239 = arith.constant 128 : i32
      %mul3A_240 = arith.muli %sub3A_238, %mul3A_239 : i32
      %mul3A_241 = arith.constant 500 : i32
      %mul3A_242 = arith.muli %select_n3A, %mul3A_241 : i32
      %mul3A_243 = arith.constant 8000 : i32
      %mul3A_244 = arith.muli %select_n3A, %mul3A_243 : i32
      %multiple_of3A_245 = tpu.assume_multiple %mul3A_244, 8 : i32
      "tpu.region"() ({
        %run_scoped3A = tpu.sem_alloc : memref<!tpu.dma_semaphore, #tpu.memory_space<semaphore_mem>>
        tpu.enqueue_dma source(%arg8 : memref<65536xf32, #tpu.memory_space<hbm>>) target(%arg18 : memref<65536xf32, #tpu.memory_space<vmem>>) target_semaphore(%run_scoped3A : memref<!tpu.dma_semaphore, #tpu.memory_space<semaphore_mem>>)
        tpu.wait_dma2 semaphore(%run_scoped3A : memref<!tpu.dma_semaphore, #tpu.memory_space<semaphore_mem>>) src(%arg8 : memref<65536xf32, #tpu.memory_space<hbm>>) dst(%arg18 : memref<65536xf32, #tpu.memory_space<vmem>>)
        tpu.yield
      }) : () -> ()
      "tpu.region"() ({
        %run_scoped3A = tpu.sem_alloc : memref<!tpu.dma_semaphore, #tpu.memory_space<semaphore_mem>>
        %dma_start3A_254 = tpu.memref_slice %arg6[%multiple_of3A_245] : memref<160000xi32, #tpu.memory_space<hbm>> -> memref<8000xi32, #tpu.memory_space<hbm>>
        %dma_start3A_255 = tpu.memref_slice %arg6[%multiple_of3A_245] : memref<160000xi32, #tpu.memory_space<hbm>> -> memref<8000xi32, #tpu.memory_space<hbm>>
        tpu.enqueue_dma source(%dma_start3A_255 : memref<8000xi32, #tpu.memory_space<hbm>>) target(%arg19 : memref<8000xi32, #tpu.memory_space<vmem>>) target_semaphore(%run_scoped3A : memref<!tpu.dma_semaphore, #tpu.memory_space<semaphore_mem>>)
        %dma_wait3A_256 = tpu.memref_slice %arg6[%multiple_of3A_245] : memref<160000xi32, #tpu.memory_space<hbm>> -> memref<8000xi32, #tpu.memory_space<hbm>>
        %dma_wait3A_257 = tpu.memref_slice %arg6[%multiple_of3A_245] : memref<160000xi32, #tpu.memory_space<hbm>> -> memref<8000xi32, #tpu.memory_space<hbm>>
        tpu.wait_dma2 semaphore(%run_scoped3A : memref<!tpu.dma_semaphore, #tpu.memory_space<semaphore_mem>>) src(%dma_wait3A_257 : memref<8000xi32, #tpu.memory_space<hbm>>) dst(%arg19 : memref<8000xi32, #tpu.memory_space<vmem>>)
        tpu.yield
      }) : () -> ()
      "tpu.region"() ({
        %run_scoped3A = tpu.sem_alloc : memref<!tpu.dma_semaphore, #tpu.memory_space<semaphore_mem>>
        %dma_start3A_254 = tpu.memref_slice %arg7[%multiple_of3A_245] : memref<160000xi32, #tpu.memory_space<hbm>> -> memref<8000xi32, #tpu.memory_space<hbm>>
        %dma_start3A_255 = tpu.memref_slice %arg7[%multiple_of3A_245] : memref<160000xi32, #tpu.memory_space<hbm>> -> memref<8000xi32, #tpu.memory_space<hbm>>
        tpu.enqueue_dma source(%dma_start3A_255 : memref<8000xi32, #tpu.memory_space<hbm>>) target(%arg20 : memref<8000xi32, #tpu.memory_space<vmem>>) target_semaphore(%run_scoped3A : memref<!tpu.dma_semaphore, #tpu.memory_space<semaphore_mem>>)
        %dma_wait3A_256 = tpu.memref_slice %arg7[%multiple_of3A_245] : memref<160000xi32, #tpu.memory_space<hbm>> -> memref<8000xi32, #tpu.memory_space<hbm>>
        %dma_wait3A_257 = tpu.memref_slice %arg7[%multiple_of3A_245] : memref<160000xi32, #tpu.memory_space<hbm>> -> memref<8000xi32, #tpu.memory_space<hbm>>
        tpu.wait_dma2 semaphore(%run_scoped3A : memref<!tpu.dma_semaphore, #tpu.memory_space<semaphore_mem>>) src(%dma_wait3A_257 : memref<8000xi32, #tpu.memory_space<hbm>>) dst(%arg20 : memref<8000xi32, #tpu.memory_space<vmem>>)
        tpu.yield
      }) : () -> ()
      %scan3A = arith.constant 0 : i32
      %scan3A_246 = arith.constant 0 : i32
      %scan3A_247 = arith.constant 125 : i32
      %scan3A_248 = arith.addi %scan3A_246, %scan3A_247 : i32
      %scan3A_249 = arith.constant 1 : i32
      scf.for %scan3A_254 = %scan3A_246 to %scan3A_248 step %scan3A_249  : i32 {
        %mul3A_255 = arith.constant 64 : i32
        %mul3A_256 = arith.muli %scan3A_254, %mul3A_255 : i32
        %add3A_257 = arith.constant 0 : i32
        %add3A_258 = arith.addi %mul3A_256, %add3A_257 : i32
        %multiple_of3A_259 = tpu.assume_multiple %add3A_258, 8 : i32
        %get3A = arith.index_cast %multiple_of3A_259 : i32 to index
        %get3A_260 = tpu.vector_load %arg19[%get3A] {strides = array<i32>} : memref<8000xi32, #tpu.memory_space<vmem>>, vector<16xi32>,
        %sub3A_261 = vector.broadcast %mul3A_242 : i32 to vector<16xi32>
        %sub3A_262 = arith.subi %get3A_260, %sub3A_261 : vector<16xi32>
        %get3A_263 = arith.index_cast %multiple_of3A_259 : i32 to index
        %get3A_264 = tpu.vector_load %arg20[%get3A_263] {strides = array<i32>} : memref<8000xi32, #tpu.memory_space<vmem>>, vector<16xi32>,
        %add3A_265 = arith.addi %mul3A_242, %mul3A_240 : i32
        %sub3A_266 = vector.broadcast %add3A_265 : i32 to vector<16xi32>
        %sub3A_267 = arith.subi %get3A_264, %sub3A_266 : vector<16xi32>
        %ge3A = arith.constant 0 : i32
        %ge3A_268 = vector.broadcast %ge3A : i32 to vector<16xi32>
        %ge3A_269 = arith.cmpi sge, %sub3A_267, %ge3A_268 : vector<16xi32>
        %lt3A_270 = arith.constant 128 : i32
        %lt3A_271 = vector.broadcast %lt3A_270 : i32 to vector<16xi32>
        %lt3A_272 = arith.cmpi slt, %sub3A_267, %lt3A_271 : vector<16xi32>
        %and3A_273 = arith.andi %ge3A_269, %lt3A_272 : vector<16xi1>
        %jit3A_274 = arith.constant 0 : i32
        %broadcast_in_dim3A_275 = vector.broadcast %jit3A_274 : i32 to vector<16xi32>
        %select_n3A_276 = arith.select %and3A_273, %sub3A_267, %broadcast_in_dim3A_275 : vector<16xi1>, vector<16xi32>
        %mul3A_277 = arith.constant 512 : i32
        %mul3A_278 = vector.broadcast %mul3A_277 : i32 to vector<16xi32>
        %mul3A_279 = arith.muli %select_n3A_276, %mul3A_278 : vector<16xi32>
        %add3A_280 = arith.addi %mul3A_279, %sub3A_262 : vector<16xi32>
        tpu.vector_store_idx %arg18[%add3A_280], %broadcast_in_dim3A_3 masked %and3A_273 {add = true} : memref<65536xf32, #tpu.memory_space<vmem>>[vector<16xi32>], vector<16xf32>, vector<16xi1>
        %mul3A_281 = arith.constant 64 : i32
        %mul3A_282 = arith.muli %scan3A_254, %mul3A_281 : i32
        %add3A_283 = arith.constant 16 : i32
        %add3A_284 = arith.addi %mul3A_282, %add3A_283 : i32
        %multiple_of3A_285 = tpu.assume_multiple %add3A_284, 8 : i32
        %get3A_286 = arith.index_cast %multiple_of3A_285 : i32 to index
        %get3A_287 = tpu.vector_load %arg19[%get3A_286] {strides = array<i32>} : memref<8000xi32, #tpu.memory_space<vmem>>, vector<16xi32>,
        %sub3A_288 = vector.broadcast %mul3A_242 : i32 to vector<16xi32>
        %sub3A_289 = arith.subi %get3A_287, %sub3A_288 : vector<16xi32>
        %get3A_290 = arith.index_cast %multiple_of3A_285 : i32 to index
        %get3A_291 = tpu.vector_load %arg20[%get3A_290] {strides = array<i32>} : memref<8000xi32, #tpu.memory_space<vmem>>, vector<16xi32>,
        %add3A_292 = arith.addi %mul3A_242, %mul3A_240 : i32
        %sub3A_293 = vector.broadcast %add3A_292 : i32 to vector<16xi32>
        %sub3A_294 = arith.subi %get3A_291, %sub3A_293 : vector<16xi32>
        %ge3A_295 = arith.constant 0 : i32
        %ge3A_296 = vector.broadcast %ge3A_295 : i32 to vector<16xi32>
        %ge3A_297 = arith.cmpi sge, %sub3A_294, %ge3A_296 : vector<16xi32>
        %lt3A_298 = arith.constant 128 : i32
        %lt3A_299 = vector.broadcast %lt3A_298 : i32 to vector<16xi32>
        %lt3A_300 = arith.cmpi slt, %sub3A_294, %lt3A_299 : vector<16xi32>
        %and3A_301 = arith.andi %ge3A_297, %lt3A_300 : vector<16xi1>
        %jit3A_302 = arith.constant 0 : i32
        %broadcast_in_dim3A_303 = vector.broadcast %jit3A_302 : i32 to vector<16xi32>
        %select_n3A_304 = arith.select %and3A_301, %sub3A_294, %broadcast_in_dim3A_303 : vector<16xi1>, vector<16xi32>
        %mul3A_305 = arith.constant 512 : i32
        %mul3A_306 = vector.broadcast %mul3A_305 : i32 to vector<16xi32>
        %mul3A_307 = arith.muli %select_n3A_304, %mul3A_306 : vector<16xi32>
        %add3A_308 = arith.addi %mul3A_307, %sub3A_289 : vector<16xi32>
        tpu.vector_store_idx %arg18[%add3A_308], %broadcast_in_dim3A_3 masked %and3A_301 {add = true} : memref<65536xf32, #tpu.memory_space<vmem>>[vector<16xi32>], vector<16xf32>, vector<16xi1>
        %mul3A_309 = arith.constant 64 : i32
        %mul3A_310 = arith.muli %scan3A_254, %mul3A_309 : i32
        %add3A_311 = arith.constant 32 : i32
        %add3A_312 = arith.addi %mul3A_310, %add3A_311 : i32
        %multiple_of3A_313 = tpu.assume_multiple %add3A_312, 8 : i32
        %get3A_314 = arith.index_cast %multiple_of3A_313 : i32 to index
        %get3A_315 = tpu.vector_load %arg19[%get3A_314] {strides = array<i32>} : memref<8000xi32, #tpu.memory_space<vmem>>, vector<16xi32>,
        %sub3A_316 = vector.broadcast %mul3A_242 : i32 to vector<16xi32>
        %sub3A_317 = arith.subi %get3A_315, %sub3A_316 : vector<16xi32>
        %get3A_318 = arith.index_cast %multiple_of3A_313 : i32 to index
        %get3A_319 = tpu.vector_load %arg20[%get3A_318] {strides = array<i32>} : memref<8000xi32, #tpu.memory_space<vmem>>, vector<16xi32>,
        %add3A_320 = arith.addi %mul3A_242, %mul3A_240 : i32
        %sub3A_321 = vector.broadcast %add3A_320 : i32 to vector<16xi32>
        %sub3A_322 = arith.subi %get3A_319, %sub3A_321 : vector<16xi32>
        %ge3A_323 = arith.constant 0 : i32
        %ge3A_324 = vector.broadcast %ge3A_323 : i32 to vector<16xi32>
        %ge3A_325 = arith.cmpi sge, %sub3A_322, %ge3A_324 : vector<16xi32>
        %lt3A_326 = arith.constant 128 : i32
        %lt3A_327 = vector.broadcast %lt3A_326 : i32 to vector<16xi32>
        %lt3A_328 = arith.cmpi slt, %sub3A_322, %lt3A_327 : vector<16xi32>
        %and3A_329 = arith.andi %ge3A_325, %lt3A_328 : vector<16xi1>
        %jit3A_330 = arith.constant 0 : i32
        %broadcast_in_dim3A_331 = vector.broadcast %jit3A_330 : i32 to vector<16xi32>
        %select_n3A_332 = arith.select %and3A_329, %sub3A_322, %broadcast_in_dim3A_331 : vector<16xi1>, vector<16xi32>
        %mul3A_333 = arith.constant 512 : i32
        %mul3A_334 = vector.broadcast %mul3A_333 : i32 to vector<16xi32>
        %mul3A_335 = arith.muli %select_n3A_332, %mul3A_334 : vector<16xi32>
        %add3A_336 = arith.addi %mul3A_335, %sub3A_317 : vector<16xi32>
        tpu.vector_store_idx %arg18[%add3A_336], %broadcast_in_dim3A_3 masked %and3A_329 {add = true} : memref<65536xf32, #tpu.memory_space<vmem>>[vector<16xi32>], vector<16xf32>, vector<16xi1>
        %mul3A_337 = arith.constant 64 : i32
        %mul3A_338 = arith.muli %scan3A_254, %mul3A_337 : i32
        %add3A_339 = arith.constant 48 : i32
        %add3A_340 = arith.addi %mul3A_338, %add3A_339 : i32
        %multiple_of3A_341 = tpu.assume_multiple %add3A_340, 8 : i32
        %get3A_342 = arith.index_cast %multiple_of3A_341 : i32 to index
        %get3A_343 = tpu.vector_load %arg19[%get3A_342] {strides = array<i32>} : memref<8000xi32, #tpu.memory_space<vmem>>, vector<16xi32>,
        %sub3A_344 = vector.broadcast %mul3A_242 : i32 to vector<16xi32>
        %sub3A_345 = arith.subi %get3A_343, %sub3A_344 : vector<16xi32>
        %get3A_346 = arith.index_cast %multiple_of3A_341 : i32 to index
        %get3A_347 = tpu.vector_load %arg20[%get3A_346] {strides = array<i32>} : memref<8000xi32, #tpu.memory_space<vmem>>, vector<16xi32>,
        %add3A_348 = arith.addi %mul3A_242, %mul3A_240 : i32
        %sub3A_349 = vector.broadcast %add3A_348 : i32 to vector<16xi32>
        %sub3A_350 = arith.subi %get3A_347, %sub3A_349 : vector<16xi32>
        %ge3A_351 = arith.constant 0 : i32
        %ge3A_352 = vector.broadcast %ge3A_351 : i32 to vector<16xi32>
        %ge3A_353 = arith.cmpi sge, %sub3A_350, %ge3A_352 : vector<16xi32>
        %lt3A_354 = arith.constant 128 : i32
        %lt3A_355 = vector.broadcast %lt3A_354 : i32 to vector<16xi32>
        %lt3A_356 = arith.cmpi slt, %sub3A_350, %lt3A_355 : vector<16xi32>
        %and3A_357 = arith.andi %ge3A_353, %lt3A_356 : vector<16xi1>
        %jit3A_358 = arith.constant 0 : i32
        %broadcast_in_dim3A_359 = vector.broadcast %jit3A_358 : i32 to vector<16xi32>
        %select_n3A_360 = arith.select %and3A_357, %sub3A_350, %broadcast_in_dim3A_359 : vector<16xi1>, vector<16xi32>
        %mul3A_361 = arith.constant 512 : i32
        %mul3A_362 = vector.broadcast %mul3A_361 : i32 to vector<16xi32>
        %mul3A_363 = arith.muli %select_n3A_360, %mul3A_362 : vector<16xi32>
        %add3A_364 = arith.addi %mul3A_363, %sub3A_345 : vector<16xi32>
        tpu.vector_store_idx %arg18[%add3A_364], %broadcast_in_dim3A_3 masked %and3A_357 {add = true} : memref<65536xf32, #tpu.memory_space<vmem>>[vector<16xi32>], vector<16xf32>, vector<16xi1>
      }
      %scan3A_250 = arith.constant 125 : i32
      %mul3A_251 = arith.constant 65536 : i32
      %mul3A_252 = arith.muli %sub3A_238, %mul3A_251 : i32
      %multiple_of3A_253 = tpu.assume_multiple %mul3A_252, 8 : i32
      "tpu.region"() ({
        %run_scoped3A = tpu.sem_alloc : memref<!tpu.dma_semaphore, #tpu.memory_space<semaphore_mem>>
        %dma_start3A_254 = tpu.memref_slice %arg11[%select_n3A, %multiple_of3A_253] : memref<20x262144xf32, #tpu.memory_space<hbm>> -> memref<1x65536xf32, #tpu.memory_space<hbm>>
        %dma_start3A_255 = tpu.memref_squeeze %dma_start3A_254 : memref<1x65536xf32, #tpu.memory_space<hbm>> -> memref<65536xf32, #tpu.memory_space<hbm>>
        %dma_start3A_256 = tpu.memref_slice %arg11[%select_n3A, %multiple_of3A_253] : memref<20x262144xf32, #tpu.memory_space<hbm>> -> memref<1x65536xf32, #tpu.memory_space<hbm>>
        %dma_start3A_257 = tpu.memref_squeeze %dma_start3A_256 : memref<1x65536xf32, #tpu.memory_space<hbm>> -> memref<65536xf32, #tpu.memory_space<hbm>>
        tpu.enqueue_dma source(%arg18 : memref<65536xf32, #tpu.memory_space<vmem>>) target(%dma_start3A_257 : memref<65536xf32, #tpu.memory_space<hbm>>) target_semaphore(%run_scoped3A : memref<!tpu.dma_semaphore, #tpu.memory_space<semaphore_mem>>)
        %dma_wait3A_258 = tpu.memref_slice %arg11[%select_n3A, %multiple_of3A_253] : memref<20x262144xf32, #tpu.memory_space<hbm>> -> memref<1x65536xf32, #tpu.memory_space<hbm>>
        %dma_wait3A_259 = tpu.memref_squeeze %dma_wait3A_258 : memref<1x65536xf32, #tpu.memory_space<hbm>> -> memref<65536xf32, #tpu.memory_space<hbm>>
        %dma_wait3A_260 = tpu.memref_slice %arg11[%select_n3A, %multiple_of3A_253] : memref<20x262144xf32, #tpu.memory_space<hbm>> -> memref<1x65536xf32, #tpu.memory_space<hbm>>
        %dma_wait3A_261 = tpu.memref_squeeze %dma_wait3A_260 : memref<1x65536xf32, #tpu.memory_space<hbm>> -> memref<65536xf32, #tpu.memory_space<hbm>>
        tpu.wait_dma2 semaphore(%run_scoped3A : memref<!tpu.dma_semaphore, #tpu.memory_space<semaphore_mem>>) src(%arg18 : memref<65536xf32, #tpu.memory_space<vmem>>) dst(%dma_wait3A_261 : memref<65536xf32, #tpu.memory_space<hbm>>)
        tpu.yield
      }) : () -> ()
    } else {
    }
    %dma_wait3A = arith.constant 0 : i32
    %dma_wait3A_27 = tpu.memref_slice %arg12[%dma_wait3A] : memref<320xi32, #tpu.memory_space<vmem>> -> memref<64xi32, #tpu.memory_space<vmem>>
    %dma_wait3A_28 = arith.constant 0 : i32
    %dma_wait3A_29 = arith.constant 0 : i32
    %dma_wait3A_30 = tpu.memref_slice %arg4[%dma_wait3A_28, %dma_wait3A_29] : memref<100000x128xf32, #tpu.memory_space<hbm>> -> memref<100000x128xf32, #tpu.memory_space<hbm>>
    tpu.wait_indirect_dma semaphore(%arg21 : memref<!tpu.dma_semaphore, #tpu.memory_space<semaphore_mem>>) src(%dma_wait3A_30 : memref<100000x128xf32, #tpu.memory_space<hbm>>) dst(%arg14 : memref<64x128xf32, #tpu.memory_space<vmem>>)
    %add3A_31 = arith.constant 0 : i32
    %add3A_32 = arith.addi %multiple_of3A, %add3A_31 : i32
    %dma_start3A_33 = arith.constant 0 : i32
    %dma_start3A_34 = tpu.memref_slice %arg9[%add3A_32, %dma_start3A_33] : memref<10240x128xf32, #tpu.memory_space<hbm>> -> memref<64x128xf32, #tpu.memory_space<hbm>>
    %dma_start3A_35 = arith.constant 0 : i32
    %dma_start3A_36 = tpu.memref_slice %arg9[%add3A_32, %dma_start3A_35] : memref<10240x128xf32, #tpu.memory_space<hbm>> -> memref<64x128xf32, #tpu.memory_space<hbm>>
    tpu.enqueue_dma source(%arg14 : memref<64x128xf32, #tpu.memory_space<vmem>>) target(%dma_start3A_36 : memref<64x128xf32, #tpu.memory_space<hbm>>) target_semaphore(%arg25 : memref<!tpu.dma_semaphore, #tpu.memory_space<semaphore_mem>>)
    %dma_wait3A_37 = arith.constant 0 : i32
    %dma_wait3A_38 = tpu.memref_slice %arg13[%dma_wait3A_37] : memref<320xi32, #tpu.memory_space<vmem>> -> memref<64xi32, #tpu.memory_space<vmem>>
    %dma_wait3A_39 = arith.constant 0 : i32
    %dma_wait3A_40 = arith.constant 0 : i32
    %dma_wait3A_41 = tpu.memref_slice %arg5[%dma_wait3A_39, %dma_wait3A_40] : memref<100000x128xf32, #tpu.memory_space<hbm>> -> memref<100000x128xf32, #tpu.memory_space<hbm>>
    tpu.wait_indirect_dma semaphore(%arg23 : memref<!tpu.dma_semaphore, #tpu.memory_space<semaphore_mem>>) src(%dma_wait3A_41 : memref<100000x128xf32, #tpu.memory_space<hbm>>) dst(%arg16 : memref<64x128xf32, #tpu.memory_space<vmem>>)
    %add3A_42 = arith.constant 0 : i32
    %add3A_43 = arith.addi %multiple_of3A, %add3A_42 : i32
    %dma_start3A_44 = arith.constant 0 : i32
    %dma_start3A_45 = tpu.memref_slice %arg10[%add3A_43, %dma_start3A_44] : memref<10240x128xf32, #tpu.memory_space<hbm>> -> memref<64x128xf32, #tpu.memory_space<hbm>>
    %dma_start3A_46 = arith.constant 0 : i32
    %dma_start3A_47 = tpu.memref_slice %arg10[%add3A_43, %dma_start3A_46] : memref<10240x128xf32, #tpu.memory_space<hbm>> -> memref<64x128xf32, #tpu.memory_space<hbm>>
    tpu.enqueue_dma source(%arg16 : memref<64x128xf32, #tpu.memory_space<vmem>>) target(%dma_start3A_47 : memref<64x128xf32, #tpu.memory_space<hbm>>) target_semaphore(%arg27 : memref<!tpu.dma_semaphore, #tpu.memory_space<semaphore_mem>>)
    %add3A_48 = arith.constant 32 : i32
    %add3A_49 = arith.addi %add3A_48, %add3A : i32
    %lt3A_50 = arith.constant 80 : i32
    %lt3A_51 = arith.cmpi slt, %add3A_49, %lt3A_50 : i32
    %convert_element_type3A_52 = arith.extui %lt3A_51 : i1 to i32
    %cond3A_53 = arith.constant 0 : i32
    %cond3A_54 = arith.cmpi ne, %convert_element_type3A_52, %cond3A_53 : i32
    scf.if %cond3A_54 {
      %jit3A = arith.constant 4 : i32
      %div3A = arith.divsi %add3A_49, %jit3A : i32
      %sign3A = arith.constant 0 : i32
      %sign3A_220 = arith.cmpi sgt, %add3A_49, %sign3A : i32
      %sign3A_221 = arith.extui %sign3A_220 : i1 to i32
      %sign3A_222 = arith.constant 0 : i32
      %sign3A_223 = arith.cmpi slt, %add3A_49, %sign3A_222 : i32
      %sign3A_224 = arith.extui %sign3A_223 : i1 to i32
      %sign3A_225 = arith.subi %sign3A_221, %sign3A_224 : i32
      %sign3A_226 = arith.constant 0 : i32
      %sign3A_227 = arith.cmpi sgt, %jit3A, %sign3A_226 : i32
      %sign3A_228 = arith.extui %sign3A_227 : i1 to i32
      %sign3A_229 = arith.constant 0 : i32
      %sign3A_230 = arith.cmpi slt, %jit3A, %sign3A_229 : i32
      %sign3A_231 = arith.extui %sign3A_230 : i1 to i32
      %sign3A_232 = arith.subi %sign3A_228, %sign3A_231 : i32
      %ne3A = arith.cmpi ne, %sign3A_225, %sign3A_232 : i32
      %rem3A = arith.remsi %add3A_49, %jit3A : i32
      %ne3A_233 = arith.constant 0 : i32
      %ne3A_234 = arith.cmpi ne, %rem3A, %ne3A_233 : i32
      %and3A = arith.andi %ne3A, %ne3A_234 : i1
      %sub3A = arith.constant 1 : i32
      %sub3A_235 = arith.subi %div3A, %sub3A : i32
      %select_n3A = arith.select %and3A, %sub3A_235, %div3A : i32
      %mul3A_236 = arith.constant 4 : i32
      %mul3A_237 = arith.muli %select_n3A, %mul3A_236 : i32
      %sub3A_238 = arith.subi %add3A_49, %mul3A_237 : i32
      %mul3A_239 = arith.constant 128 : i32
      %mul3A_240 = arith.muli %sub3A_238, %mul3A_239 : i32
      %mul3A_241 = arith.constant 500 : i32
      %mul3A_242 = arith.muli %select_n3A, %mul3A_241 : i32
      %mul3A_243 = arith.constant 8000 : i32
      %mul3A_244 = arith.muli %select_n3A, %mul3A_243 : i32
      %multiple_of3A_245 = tpu.assume_multiple %mul3A_244, 8 : i32
      "tpu.region"() ({
        %run_scoped3A = tpu.sem_alloc : memref<!tpu.dma_semaphore, #tpu.memory_space<semaphore_mem>>
        tpu.enqueue_dma source(%arg8 : memref<65536xf32, #tpu.memory_space<hbm>>) target(%arg18 : memref<65536xf32, #tpu.memory_space<vmem>>) target_semaphore(%run_scoped3A : memref<!tpu.dma_semaphore, #tpu.memory_space<semaphore_mem>>)
        tpu.wait_dma2 semaphore(%run_scoped3A : memref<!tpu.dma_semaphore, #tpu.memory_space<semaphore_mem>>) src(%arg8 : memref<65536xf32, #tpu.memory_space<hbm>>) dst(%arg18 : memref<65536xf32, #tpu.memory_space<vmem>>)
        tpu.yield
      }) : () -> ()
      "tpu.region"() ({
        %run_scoped3A = tpu.sem_alloc : memref<!tpu.dma_semaphore, #tpu.memory_space<semaphore_mem>>
        %dma_start3A_254 = tpu.memref_slice %arg6[%multiple_of3A_245] : memref<160000xi32, #tpu.memory_space<hbm>> -> memref<8000xi32, #tpu.memory_space<hbm>>
        %dma_start3A_255 = tpu.memref_slice %arg6[%multiple_of3A_245] : memref<160000xi32, #tpu.memory_space<hbm>> -> memref<8000xi32, #tpu.memory_space<hbm>>
        tpu.enqueue_dma source(%dma_start3A_255 : memref<8000xi32, #tpu.memory_space<hbm>>) target(%arg19 : memref<8000xi32, #tpu.memory_space<vmem>>) target_semaphore(%run_scoped3A : memref<!tpu.dma_semaphore, #tpu.memory_space<semaphore_mem>>)
        %dma_wait3A_256 = tpu.memref_slice %arg6[%multiple_of3A_245] : memref<160000xi32, #tpu.memory_space<hbm>> -> memref<8000xi32, #tpu.memory_space<hbm>>
        %dma_wait3A_257 = tpu.memref_slice %arg6[%multiple_of3A_245] : memref<160000xi32, #tpu.memory_space<hbm>> -> memref<8000xi32, #tpu.memory_space<hbm>>
        tpu.wait_dma2 semaphore(%run_scoped3A : memref<!tpu.dma_semaphore, #tpu.memory_space<semaphore_mem>>) src(%dma_wait3A_257 : memref<8000xi32, #tpu.memory_space<hbm>>) dst(%arg19 : memref<8000xi32, #tpu.memory_space<vmem>>)
        tpu.yield
      }) : () -> ()
      "tpu.region"() ({
        %run_scoped3A = tpu.sem_alloc : memref<!tpu.dma_semaphore, #tpu.memory_space<semaphore_mem>>
        %dma_start3A_254 = tpu.memref_slice %arg7[%multiple_of3A_245] : memref<160000xi32, #tpu.memory_space<hbm>> -> memref<8000xi32, #tpu.memory_space<hbm>>
        %dma_start3A_255 = tpu.memref_slice %arg7[%multiple_of3A_245] : memref<160000xi32, #tpu.memory_space<hbm>> -> memref<8000xi32, #tpu.memory_space<hbm>>
        tpu.enqueue_dma source(%dma_start3A_255 : memref<8000xi32, #tpu.memory_space<hbm>>) target(%arg20 : memref<8000xi32, #tpu.memory_space<vmem>>) target_semaphore(%run_scoped3A : memref<!tpu.dma_semaphore, #tpu.memory_space<semaphore_mem>>)
        %dma_wait3A_256 = tpu.memref_slice %arg7[%multiple_of3A_245] : memref<160000xi32, #tpu.memory_space<hbm>> -> memref<8000xi32, #tpu.memory_space<hbm>>
        %dma_wait3A_257 = tpu.memref_slice %arg7[%multiple_of3A_245] : memref<160000xi32, #tpu.memory_space<hbm>> -> memref<8000xi32, #tpu.memory_space<hbm>>
        tpu.wait_dma2 semaphore(%run_scoped3A : memref<!tpu.dma_semaphore, #tpu.memory_space<semaphore_mem>>) src(%dma_wait3A_257 : memref<8000xi32, #tpu.memory_space<hbm>>) dst(%arg20 : memref<8000xi32, #tpu.memory_space<vmem>>)
        tpu.yield
      }) : () -> ()
      %scan3A = arith.constant 0 : i32
      %scan3A_246 = arith.constant 0 : i32
      %scan3A_247 = arith.constant 125 : i32
      %scan3A_248 = arith.addi %scan3A_246, %scan3A_247 : i32
      %scan3A_249 = arith.constant 1 : i32
      scf.for %scan3A_254 = %scan3A_246 to %scan3A_248 step %scan3A_249  : i32 {
        %mul3A_255 = arith.constant 64 : i32
        %mul3A_256 = arith.muli %scan3A_254, %mul3A_255 : i32
        %add3A_257 = arith.constant 0 : i32
        %add3A_258 = arith.addi %mul3A_256, %add3A_257 : i32
        %multiple_of3A_259 = tpu.assume_multiple %add3A_258, 8 : i32
        %get3A = arith.index_cast %multiple_of3A_259 : i32 to index
        %get3A_260 = tpu.vector_load %arg19[%get3A] {strides = array<i32>} : memref<8000xi32, #tpu.memory_space<vmem>>, vector<16xi32>,
        %sub3A_261 = vector.broadcast %mul3A_242 : i32 to vector<16xi32>
        %sub3A_262 = arith.subi %get3A_260, %sub3A_261 : vector<16xi32>
        %get3A_263 = arith.index_cast %multiple_of3A_259 : i32 to index
        %get3A_264 = tpu.vector_load %arg20[%get3A_263] {strides = array<i32>} : memref<8000xi32, #tpu.memory_space<vmem>>, vector<16xi32>,
        %add3A_265 = arith.addi %mul3A_242, %mul3A_240 : i32
        %sub3A_266 = vector.broadcast %add3A_265 : i32 to vector<16xi32>
        %sub3A_267 = arith.subi %get3A_264, %sub3A_266 : vector<16xi32>
        %ge3A = arith.constant 0 : i32
        %ge3A_268 = vector.broadcast %ge3A : i32 to vector<16xi32>
        %ge3A_269 = arith.cmpi sge, %sub3A_267, %ge3A_268 : vector<16xi32>
        %lt3A_270 = arith.constant 128 : i32
        %lt3A_271 = vector.broadcast %lt3A_270 : i32 to vector<16xi32>
        %lt3A_272 = arith.cmpi slt, %sub3A_267, %lt3A_271 : vector<16xi32>
        %and3A_273 = arith.andi %ge3A_269, %lt3A_272 : vector<16xi1>
        %jit3A_274 = arith.constant 0 : i32
        %broadcast_in_dim3A_275 = vector.broadcast %jit3A_274 : i32 to vector<16xi32>
        %select_n3A_276 = arith.select %and3A_273, %sub3A_267, %broadcast_in_dim3A_275 : vector<16xi1>, vector<16xi32>
        %mul3A_277 = arith.constant 512 : i32
        %mul3A_278 = vector.broadcast %mul3A_277 : i32 to vector<16xi32>
        %mul3A_279 = arith.muli %select_n3A_276, %mul3A_278 : vector<16xi32>
        %add3A_280 = arith.addi %mul3A_279, %sub3A_262 : vector<16xi32>
        tpu.vector_store_idx %arg18[%add3A_280], %broadcast_in_dim3A_3 masked %and3A_273 {add = true} : memref<65536xf32, #tpu.memory_space<vmem>>[vector<16xi32>], vector<16xf32>, vector<16xi1>
        %mul3A_281 = arith.constant 64 : i32
        %mul3A_282 = arith.muli %scan3A_254, %mul3A_281 : i32
        %add3A_283 = arith.constant 16 : i32
        %add3A_284 = arith.addi %mul3A_282, %add3A_283 : i32
        %multiple_of3A_285 = tpu.assume_multiple %add3A_284, 8 : i32
        %get3A_286 = arith.index_cast %multiple_of3A_285 : i32 to index
        %get3A_287 = tpu.vector_load %arg19[%get3A_286] {strides = array<i32>} : memref<8000xi32, #tpu.memory_space<vmem>>, vector<16xi32>,
        %sub3A_288 = vector.broadcast %mul3A_242 : i32 to vector<16xi32>
        %sub3A_289 = arith.subi %get3A_287, %sub3A_288 : vector<16xi32>
        %get3A_290 = arith.index_cast %multiple_of3A_285 : i32 to index
        %get3A_291 = tpu.vector_load %arg20[%get3A_290] {strides = array<i32>} : memref<8000xi32, #tpu.memory_space<vmem>>, vector<16xi32>,
        %add3A_292 = arith.addi %mul3A_242, %mul3A_240 : i32
        %sub3A_293 = vector.broadcast %add3A_292 : i32 to vector<16xi32>
        %sub3A_294 = arith.subi %get3A_291, %sub3A_293 : vector<16xi32>
        %ge3A_295 = arith.constant 0 : i32
        %ge3A_296 = vector.broadcast %ge3A_295 : i32 to vector<16xi32>
        %ge3A_297 = arith.cmpi sge, %sub3A_294, %ge3A_296 : vector<16xi32>
        %lt3A_298 = arith.constant 128 : i32
        %lt3A_299 = vector.broadcast %lt3A_298 : i32 to vector<16xi32>
        %lt3A_300 = arith.cmpi slt, %sub3A_294, %lt3A_299 : vector<16xi32>
        %and3A_301 = arith.andi %ge3A_297, %lt3A_300 : vector<16xi1>
        %jit3A_302 = arith.constant 0 : i32
        %broadcast_in_dim3A_303 = vector.broadcast %jit3A_302 : i32 to vector<16xi32>
        %select_n3A_304 = arith.select %and3A_301, %sub3A_294, %broadcast_in_dim3A_303 : vector<16xi1>, vector<16xi32>
        %mul3A_305 = arith.constant 512 : i32
        %mul3A_306 = vector.broadcast %mul3A_305 : i32 to vector<16xi32>
        %mul3A_307 = arith.muli %select_n3A_304, %mul3A_306 : vector<16xi32>
        %add3A_308 = arith.addi %mul3A_307, %sub3A_289 : vector<16xi32>
        tpu.vector_store_idx %arg18[%add3A_308], %broadcast_in_dim3A_3 masked %and3A_301 {add = true} : memref<65536xf32, #tpu.memory_space<vmem>>[vector<16xi32>], vector<16xf32>, vector<16xi1>
        %mul3A_309 = arith.constant 64 : i32
        %mul3A_310 = arith.muli %scan3A_254, %mul3A_309 : i32
        %add3A_311 = arith.constant 32 : i32
        %add3A_312 = arith.addi %mul3A_310, %add3A_311 : i32
        %multiple_of3A_313 = tpu.assume_multiple %add3A_312, 8 : i32
        %get3A_314 = arith.index_cast %multiple_of3A_313 : i32 to index
        %get3A_315 = tpu.vector_load %arg19[%get3A_314] {strides = array<i32>} : memref<8000xi32, #tpu.memory_space<vmem>>, vector<16xi32>,
        %sub3A_316 = vector.broadcast %mul3A_242 : i32 to vector<16xi32>
        %sub3A_317 = arith.subi %get3A_315, %sub3A_316 : vector<16xi32>
        %get3A_318 = arith.index_cast %multiple_of3A_313 : i32 to index
        %get3A_319 = tpu.vector_load %arg20[%get3A_318] {strides = array<i32>} : memref<8000xi32, #tpu.memory_space<vmem>>, vector<16xi32>,
        %add3A_320 = arith.addi %mul3A_242, %mul3A_240 : i32
        %sub3A_321 = vector.broadcast %add3A_320 : i32 to vector<16xi32>
        %sub3A_322 = arith.subi %get3A_319, %sub3A_321 : vector<16xi32>
        %ge3A_323 = arith.constant 0 : i32
        %ge3A_324 = vector.broadcast %ge3A_323 : i32 to vector<16xi32>
        %ge3A_325 = arith.cmpi sge, %sub3A_322, %ge3A_324 : vector<16xi32>
        %lt3A_326 = arith.constant 128 : i32
        %lt3A_327 = vector.broadcast %lt3A_326 : i32 to vector<16xi32>
        %lt3A_328 = arith.cmpi slt, %sub3A_322, %lt3A_327 : vector<16xi32>
        %and3A_329 = arith.andi %ge3A_325, %lt3A_328 : vector<16xi1>
        %jit3A_330 = arith.constant 0 : i32
        %broadcast_in_dim3A_331 = vector.broadcast %jit3A_330 : i32 to vector<16xi32>
        %select_n3A_332 = arith.select %and3A_329, %sub3A_322, %broadcast_in_dim3A_331 : vector<16xi1>, vector<16xi32>
        %mul3A_333 = arith.constant 512 : i32
        %mul3A_334 = vector.broadcast %mul3A_333 : i32 to vector<16xi32>
        %mul3A_335 = arith.muli %select_n3A_332, %mul3A_334 : vector<16xi32>
        %add3A_336 = arith.addi %mul3A_335, %sub3A_317 : vector<16xi32>
        tpu.vector_store_idx %arg18[%add3A_336], %broadcast_in_dim3A_3 masked %and3A_329 {add = true} : memref<65536xf32, #tpu.memory_space<vmem>>[vector<16xi32>], vector<16xf32>, vector<16xi1>
        %mul3A_337 = arith.constant 64 : i32
        %mul3A_338 = arith.muli %scan3A_254, %mul3A_337 : i32
        %add3A_339 = arith.constant 48 : i32
        %add3A_340 = arith.addi %mul3A_338, %add3A_339 : i32
        %multiple_of3A_341 = tpu.assume_multiple %add3A_340, 8 : i32
        %get3A_342 = arith.index_cast %multiple_of3A_341 : i32 to index
        %get3A_343 = tpu.vector_load %arg19[%get3A_342] {strides = array<i32>} : memref<8000xi32, #tpu.memory_space<vmem>>, vector<16xi32>,
        %sub3A_344 = vector.broadcast %mul3A_242 : i32 to vector<16xi32>
        %sub3A_345 = arith.subi %get3A_343, %sub3A_344 : vector<16xi32>
        %get3A_346 = arith.index_cast %multiple_of3A_341 : i32 to index
        %get3A_347 = tpu.vector_load %arg20[%get3A_346] {strides = array<i32>} : memref<8000xi32, #tpu.memory_space<vmem>>, vector<16xi32>,
        %add3A_348 = arith.addi %mul3A_242, %mul3A_240 : i32
        %sub3A_349 = vector.broadcast %add3A_348 : i32 to vector<16xi32>
        %sub3A_350 = arith.subi %get3A_347, %sub3A_349 : vector<16xi32>
        %ge3A_351 = arith.constant 0 : i32
        %ge3A_352 = vector.broadcast %ge3A_351 : i32 to vector<16xi32>
        %ge3A_353 = arith.cmpi sge, %sub3A_350, %ge3A_352 : vector<16xi32>
        %lt3A_354 = arith.constant 128 : i32
        %lt3A_355 = vector.broadcast %lt3A_354 : i32 to vector<16xi32>
        %lt3A_356 = arith.cmpi slt, %sub3A_350, %lt3A_355 : vector<16xi32>
        %and3A_357 = arith.andi %ge3A_353, %lt3A_356 : vector<16xi1>
        %jit3A_358 = arith.constant 0 : i32
        %broadcast_in_dim3A_359 = vector.broadcast %jit3A_358 : i32 to vector<16xi32>
        %select_n3A_360 = arith.select %and3A_357, %sub3A_350, %broadcast_in_dim3A_359 : vector<16xi1>, vector<16xi32>
        %mul3A_361 = arith.constant 512 : i32
        %mul3A_362 = vector.broadcast %mul3A_361 : i32 to vector<16xi32>
        %mul3A_363 = arith.muli %select_n3A_360, %mul3A_362 : vector<16xi32>
        %add3A_364 = arith.addi %mul3A_363, %sub3A_345 : vector<16xi32>
        tpu.vector_store_idx %arg18[%add3A_364], %broadcast_in_dim3A_3 masked %and3A_357 {add = true} : memref<65536xf32, #tpu.memory_space<vmem>>[vector<16xi32>], vector<16xf32>, vector<16xi1>
      }
      %scan3A_250 = arith.constant 125 : i32
      %mul3A_251 = arith.constant 65536 : i32
      %mul3A_252 = arith.muli %sub3A_238, %mul3A_251 : i32
      %multiple_of3A_253 = tpu.assume_multiple %mul3A_252, 8 : i32
      "tpu.region"() ({
        %run_scoped3A = tpu.sem_alloc : memref<!tpu.dma_semaphore, #tpu.memory_space<semaphore_mem>>
        %dma_start3A_254 = tpu.memref_slice %arg11[%select_n3A, %multiple_of3A_253] : memref<20x262144xf32, #tpu.memory_space<hbm>> -> memref<1x65536xf32, #tpu.memory_space<hbm>>
        %dma_start3A_255 = tpu.memref_squeeze %dma_start3A_254 : memref<1x65536xf32, #tpu.memory_space<hbm>> -> memref<65536xf32, #tpu.memory_space<hbm>>
        %dma_start3A_256 = tpu.memref_slice %arg11[%select_n3A, %multiple_of3A_253] : memref<20x262144xf32, #tpu.memory_space<hbm>> -> memref<1x65536xf32, #tpu.memory_space<hbm>>
        %dma_start3A_257 = tpu.memref_squeeze %dma_start3A_256 : memref<1x65536xf32, #tpu.memory_space<hbm>> -> memref<65536xf32, #tpu.memory_space<hbm>>
        tpu.enqueue_dma source(%arg18 : memref<65536xf32, #tpu.memory_space<vmem>>) target(%dma_start3A_257 : memref<65536xf32, #tpu.memory_space<hbm>>) target_semaphore(%run_scoped3A : memref<!tpu.dma_semaphore, #tpu.memory_space<semaphore_mem>>)
        %dma_wait3A_258 = tpu.memref_slice %arg11[%select_n3A, %multiple_of3A_253] : memref<20x262144xf32, #tpu.memory_space<hbm>> -> memref<1x65536xf32, #tpu.memory_space<hbm>>
        %dma_wait3A_259 = tpu.memref_squeeze %dma_wait3A_258 : memref<1x65536xf32, #tpu.memory_space<hbm>> -> memref<65536xf32, #tpu.memory_space<hbm>>
        %dma_wait3A_260 = tpu.memref_slice %arg11[%select_n3A, %multiple_of3A_253] : memref<20x262144xf32, #tpu.memory_space<hbm>> -> memref<1x65536xf32, #tpu.memory_space<hbm>>
        %dma_wait3A_261 = tpu.memref_squeeze %dma_wait3A_260 : memref<1x65536xf32, #tpu.memory_space<hbm>> -> memref<65536xf32, #tpu.memory_space<hbm>>
        tpu.wait_dma2 semaphore(%run_scoped3A : memref<!tpu.dma_semaphore, #tpu.memory_space<semaphore_mem>>) src(%arg18 : memref<65536xf32, #tpu.memory_space<vmem>>) dst(%dma_wait3A_261 : memref<65536xf32, #tpu.memory_space<hbm>>)
        tpu.yield
      }) : () -> ()
    } else {
    }
    %dma_wait3A_55 = arith.constant 64 : i32
    %dma_wait3A_56 = tpu.memref_slice %arg12[%dma_wait3A_55] : memref<320xi32, #tpu.memory_space<vmem>> -> memref<64xi32, #tpu.memory_space<vmem>>
    %dma_wait3A_57 = arith.constant 0 : i32
    %dma_wait3A_58 = arith.constant 0 : i32
    %dma_wait3A_59 = tpu.memref_slice %arg4[%dma_wait3A_57, %dma_wait3A_58] : memref<100000x128xf32, #tpu.memory_space<hbm>> -> memref<100000x128xf32, #tpu.memory_space<hbm>>
    tpu.wait_indirect_dma semaphore(%arg22 : memref<!tpu.dma_semaphore, #tpu.memory_space<semaphore_mem>>) src(%dma_wait3A_59 : memref<100000x128xf32, #tpu.memory_space<hbm>>) dst(%arg15 : memref<64x128xf32, #tpu.memory_space<vmem>>)
    %add3A_60 = arith.constant 64 : i32
    %add3A_61 = arith.addi %multiple_of3A, %add3A_60 : i32
    %dma_start3A_62 = arith.constant 0 : i32
    %dma_start3A_63 = tpu.memref_slice %arg9[%add3A_61, %dma_start3A_62] : memref<10240x128xf32, #tpu.memory_space<hbm>> -> memref<64x128xf32, #tpu.memory_space<hbm>>
    %dma_start3A_64 = arith.constant 0 : i32
    %dma_start3A_65 = tpu.memref_slice %arg9[%add3A_61, %dma_start3A_64] : memref<10240x128xf32, #tpu.memory_space<hbm>> -> memref<64x128xf32, #tpu.memory_space<hbm>>
    tpu.enqueue_dma source(%arg15 : memref<64x128xf32, #tpu.memory_space<vmem>>) target(%dma_start3A_65 : memref<64x128xf32, #tpu.memory_space<hbm>>) target_semaphore(%arg26 : memref<!tpu.dma_semaphore, #tpu.memory_space<semaphore_mem>>)
    %dma_wait3A_66 = arith.constant 64 : i32
    %dma_wait3A_67 = tpu.memref_slice %arg13[%dma_wait3A_66] : memref<320xi32, #tpu.memory_space<vmem>> -> memref<64xi32, #tpu.memory_space<vmem>>
    %dma_wait3A_68 = arith.constant 0 : i32
    %dma_wait3A_69 = arith.constant 0 : i32
    %dma_wait3A_70 = tpu.memref_slice %arg5[%dma_wait3A_68, %dma_wait3A_69] : memref<100000x128xf32, #tpu.memory_space<hbm>> -> memref<100000x128xf32, #tpu.memory_space<hbm>>
    tpu.wait_indirect_dma semaphore(%arg24 : memref<!tpu.dma_semaphore, #tpu.memory_space<semaphore_mem>>) src(%dma_wait3A_70 : memref<100000x128xf32, #tpu.memory_space<hbm>>) dst(%arg17 : memref<64x128xf32, #tpu.memory_space<vmem>>)
    %add3A_71 = arith.constant 64 : i32
    %add3A_72 = arith.addi %multiple_of3A, %add3A_71 : i32
    %dma_start3A_73 = arith.constant 0 : i32
    %dma_start3A_74 = tpu.memref_slice %arg10[%add3A_72, %dma_start3A_73] : memref<10240x128xf32, #tpu.memory_space<hbm>> -> memref<64x128xf32, #tpu.memory_space<hbm>>
    %dma_start3A_75 = arith.constant 0 : i32
    %dma_start3A_76 = tpu.memref_slice %arg10[%add3A_72, %dma_start3A_75] : memref<10240x128xf32, #tpu.memory_space<hbm>> -> memref<64x128xf32, #tpu.memory_space<hbm>>
    tpu.enqueue_dma source(%arg17 : memref<64x128xf32, #tpu.memory_space<vmem>>) target(%dma_start3A_76 : memref<64x128xf32, #tpu.memory_space<hbm>>) target_semaphore(%arg28 : memref<!tpu.dma_semaphore, #tpu.memory_space<semaphore_mem>>)
    %dma_wait3A_77 = arith.constant 0 : i32
    %dma_wait3A_78 = tpu.memref_slice %arg9[%add3A_32, %dma_wait3A_77] : memref<10240x128xf32, #tpu.memory_space<hbm>> -> memref<64x128xf32, #tpu.memory_space<hbm>>
    %dma_wait3A_79 = arith.constant 0 : i32
    %dma_wait3A_80 = tpu.memref_slice %arg9[%add3A_32, %dma_wait3A_79] : memref<10240x128xf32, #tpu.memory_space<hbm>> -> memref<64x128xf32, #tpu.memory_space<hbm>>
    tpu.wait_dma2 semaphore(%arg25 : memref<!tpu.dma_semaphore, #tpu.memory_space<semaphore_mem>>) src(%arg14 : memref<64x128xf32, #tpu.memory_space<vmem>>) dst(%dma_wait3A_80 : memref<64x128xf32, #tpu.memory_space<hbm>>)
    %dma_start3A_81 = arith.constant 128 : i32
    %dma_start3A_82 = tpu.memref_slice %arg12[%dma_start3A_81] : memref<320xi32, #tpu.memory_space<vmem>> -> memref<64xi32, #tpu.memory_space<vmem>>
    %dma_start3A_83 = arith.constant 0 : i32
    %dma_start3A_84 = arith.constant 0 : i32
    %dma_start3A_85 = tpu.memref_slice %arg4[%dma_start3A_83, %dma_start3A_84] : memref<100000x128xf32, #tpu.memory_space<hbm>> -> memref<100000x128xf32, #tpu.memory_space<hbm>>
    tpu.enqueue_indirect_dma source(%dma_start3A_85 : memref<100000x128xf32, #tpu.memory_space<hbm>>) target(%arg14 : memref<64x128xf32, #tpu.memory_space<vmem>>) offsets(%dma_start3A_82 : memref<64xi32, #tpu.memory_space<vmem>>) semaphore(%arg21 : memref<!tpu.dma_semaphore, #tpu.memory_space<semaphore_mem>>)
    %dma_wait3A_86 = arith.constant 0 : i32
    %dma_wait3A_87 = tpu.memref_slice %arg10[%add3A_43, %dma_wait3A_86] : memref<10240x128xf32, #tpu.memory_space<hbm>> -> memref<64x128xf32, #tpu.memory_space<hbm>>
    %dma_wait3A_88 = arith.constant 0 : i32
    %dma_wait3A_89 = tpu.memref_slice %arg10[%add3A_43, %dma_wait3A_88] : memref<10240x128xf32, #tpu.memory_space<hbm>> -> memref<64x128xf32, #tpu.memory_space<hbm>>
    tpu.wait_dma2 semaphore(%arg27 : memref<!tpu.dma_semaphore, #tpu.memory_space<semaphore_mem>>) src(%arg16 : memref<64x128xf32, #tpu.memory_space<vmem>>) dst(%dma_wait3A_89 : memref<64x128xf32, #tpu.memory_space<hbm>>)
    %dma_start3A_90 = arith.constant 128 : i32
    %dma_start3A_91 = tpu.memref_slice %arg13[%dma_start3A_90] : memref<320xi32, #tpu.memory_space<vmem>> -> memref<64xi32, #tpu.memory_space<vmem>>
    %dma_start3A_92 = arith.constant 0 : i32
    %dma_start3A_93 = arith.constant 0 : i32
    %dma_start3A_94 = tpu.memref_slice %arg5[%dma_start3A_92, %dma_start3A_93] : memref<100000x128xf32, #tpu.memory_space<hbm>> -> memref<100000x128xf32, #tpu.memory_space<hbm>>
    tpu.enqueue_indirect_dma source(%dma_start3A_94 : memref<100000x128xf32, #tpu.memory_space<hbm>>) target(%arg16 : memref<64x128xf32, #tpu.memory_space<vmem>>) offsets(%dma_start3A_91 : memref<64xi32, #tpu.memory_space<vmem>>) semaphore(%arg23 : memref<!tpu.dma_semaphore, #tpu.memory_space<semaphore_mem>>)
    %add3A_95 = arith.constant 64 : i32
    %add3A_96 = arith.addi %add3A_95, %add3A : i32
    %lt3A_97 = arith.constant 80 : i32
    %lt3A_98 = arith.cmpi slt, %add3A_96, %lt3A_97 : i32
    %convert_element_type3A_99 = arith.extui %lt3A_98 : i1 to i32
    %cond3A_100 = arith.constant 0 : i32
    %cond3A_101 = arith.cmpi ne, %convert_element_type3A_99, %cond3A_100 : i32
    scf.if %cond3A_101 {
      %jit3A = arith.constant 4 : i32
      %div3A = arith.divsi %add3A_96, %jit3A : i32
      %sign3A = arith.constant 0 : i32
      %sign3A_220 = arith.cmpi sgt, %add3A_96, %sign3A : i32
      %sign3A_221 = arith.extui %sign3A_220 : i1 to i32
      %sign3A_222 = arith.constant 0 : i32
      %sign3A_223 = arith.cmpi slt, %add3A_96, %sign3A_222 : i32
      %sign3A_224 = arith.extui %sign3A_223 : i1 to i32
      %sign3A_225 = arith.subi %sign3A_221, %sign3A_224 : i32
      %sign3A_226 = arith.constant 0 : i32
      %sign3A_227 = arith.cmpi sgt, %jit3A, %sign3A_226 : i32
      %sign3A_228 = arith.extui %sign3A_227 : i1 to i32
      %sign3A_229 = arith.constant 0 : i32
      %sign3A_230 = arith.cmpi slt, %jit3A, %sign3A_229 : i32
      %sign3A_231 = arith.extui %sign3A_230 : i1 to i32
      %sign3A_232 = arith.subi %sign3A_228, %sign3A_231 : i32
      %ne3A = arith.cmpi ne, %sign3A_225, %sign3A_232 : i32
      %rem3A = arith.remsi %add3A_96, %jit3A : i32
      %ne3A_233 = arith.constant 0 : i32
      %ne3A_234 = arith.cmpi ne, %rem3A, %ne3A_233 : i32
      %and3A = arith.andi %ne3A, %ne3A_234 : i1
      %sub3A = arith.constant 1 : i32
      %sub3A_235 = arith.subi %div3A, %sub3A : i32
      %select_n3A = arith.select %and3A, %sub3A_235, %div3A : i32
      %mul3A_236 = arith.constant 4 : i32
      %mul3A_237 = arith.muli %select_n3A, %mul3A_236 : i32
      %sub3A_238 = arith.subi %add3A_96, %mul3A_237 : i32
      %mul3A_239 = arith.constant 128 : i32
      %mul3A_240 = arith.muli %sub3A_238, %mul3A_239 : i32
      %mul3A_241 = arith.constant 500 : i32
      %mul3A_242 = arith.muli %select_n3A, %mul3A_241 : i32
      %mul3A_243 = arith.constant 8000 : i32
      %mul3A_244 = arith.muli %select_n3A, %mul3A_243 : i32
      %multiple_of3A_245 = tpu.assume_multiple %mul3A_244, 8 : i32
      "tpu.region"() ({
        %run_scoped3A = tpu.sem_alloc : memref<!tpu.dma_semaphore, #tpu.memory_space<semaphore_mem>>
        tpu.enqueue_dma source(%arg8 : memref<65536xf32, #tpu.memory_space<hbm>>) target(%arg18 : memref<65536xf32, #tpu.memory_space<vmem>>) target_semaphore(%run_scoped3A : memref<!tpu.dma_semaphore, #tpu.memory_space<semaphore_mem>>)
        tpu.wait_dma2 semaphore(%run_scoped3A : memref<!tpu.dma_semaphore, #tpu.memory_space<semaphore_mem>>) src(%arg8 : memref<65536xf32, #tpu.memory_space<hbm>>) dst(%arg18 : memref<65536xf32, #tpu.memory_space<vmem>>)
        tpu.yield
      }) : () -> ()
      "tpu.region"() ({
        %run_scoped3A = tpu.sem_alloc : memref<!tpu.dma_semaphore, #tpu.memory_space<semaphore_mem>>
        %dma_start3A_254 = tpu.memref_slice %arg6[%multiple_of3A_245] : memref<160000xi32, #tpu.memory_space<hbm>> -> memref<8000xi32, #tpu.memory_space<hbm>>
        %dma_start3A_255 = tpu.memref_slice %arg6[%multiple_of3A_245] : memref<160000xi32, #tpu.memory_space<hbm>> -> memref<8000xi32, #tpu.memory_space<hbm>>
        tpu.enqueue_dma source(%dma_start3A_255 : memref<8000xi32, #tpu.memory_space<hbm>>) target(%arg19 : memref<8000xi32, #tpu.memory_space<vmem>>) target_semaphore(%run_scoped3A : memref<!tpu.dma_semaphore, #tpu.memory_space<semaphore_mem>>)
        %dma_wait3A_256 = tpu.memref_slice %arg6[%multiple_of3A_245] : memref<160000xi32, #tpu.memory_space<hbm>> -> memref<8000xi32, #tpu.memory_space<hbm>>
        %dma_wait3A_257 = tpu.memref_slice %arg6[%multiple_of3A_245] : memref<160000xi32, #tpu.memory_space<hbm>> -> memref<8000xi32, #tpu.memory_space<hbm>>
        tpu.wait_dma2 semaphore(%run_scoped3A : memref<!tpu.dma_semaphore, #tpu.memory_space<semaphore_mem>>) src(%dma_wait3A_257 : memref<8000xi32, #tpu.memory_space<hbm>>) dst(%arg19 : memref<8000xi32, #tpu.memory_space<vmem>>)
        tpu.yield
      }) : () -> ()
      "tpu.region"() ({
        %run_scoped3A = tpu.sem_alloc : memref<!tpu.dma_semaphore, #tpu.memory_space<semaphore_mem>>
        %dma_start3A_254 = tpu.memref_slice %arg7[%multiple_of3A_245] : memref<160000xi32, #tpu.memory_space<hbm>> -> memref<8000xi32, #tpu.memory_space<hbm>>
        %dma_start3A_255 = tpu.memref_slice %arg7[%multiple_of3A_245] : memref<160000xi32, #tpu.memory_space<hbm>> -> memref<8000xi32, #tpu.memory_space<hbm>>
        tpu.enqueue_dma source(%dma_start3A_255 : memref<8000xi32, #tpu.memory_space<hbm>>) target(%arg20 : memref<8000xi32, #tpu.memory_space<vmem>>) target_semaphore(%run_scoped3A : memref<!tpu.dma_semaphore, #tpu.memory_space<semaphore_mem>>)
        %dma_wait3A_256 = tpu.memref_slice %arg7[%multiple_of3A_245] : memref<160000xi32, #tpu.memory_space<hbm>> -> memref<8000xi32, #tpu.memory_space<hbm>>
        %dma_wait3A_257 = tpu.memref_slice %arg7[%multiple_of3A_245] : memref<160000xi32, #tpu.memory_space<hbm>> -> memref<8000xi32, #tpu.memory_space<hbm>>
        tpu.wait_dma2 semaphore(%run_scoped3A : memref<!tpu.dma_semaphore, #tpu.memory_space<semaphore_mem>>) src(%dma_wait3A_257 : memref<8000xi32, #tpu.memory_space<hbm>>) dst(%arg20 : memref<8000xi32, #tpu.memory_space<vmem>>)
        tpu.yield
      }) : () -> ()
      %scan3A = arith.constant 0 : i32
      %scan3A_246 = arith.constant 0 : i32
      %scan3A_247 = arith.constant 125 : i32
      %scan3A_248 = arith.addi %scan3A_246, %scan3A_247 : i32
      %scan3A_249 = arith.constant 1 : i32
      scf.for %scan3A_254 = %scan3A_246 to %scan3A_248 step %scan3A_249  : i32 {
        %mul3A_255 = arith.constant 64 : i32
        %mul3A_256 = arith.muli %scan3A_254, %mul3A_255 : i32
        %add3A_257 = arith.constant 0 : i32
        %add3A_258 = arith.addi %mul3A_256, %add3A_257 : i32
        %multiple_of3A_259 = tpu.assume_multiple %add3A_258, 8 : i32
        %get3A = arith.index_cast %multiple_of3A_259 : i32 to index
        %get3A_260 = tpu.vector_load %arg19[%get3A] {strides = array<i32>} : memref<8000xi32, #tpu.memory_space<vmem>>, vector<16xi32>,
        %sub3A_261 = vector.broadcast %mul3A_242 : i32 to vector<16xi32>
        %sub3A_262 = arith.subi %get3A_260, %sub3A_261 : vector<16xi32>
        %get3A_263 = arith.index_cast %multiple_of3A_259 : i32 to index
        %get3A_264 = tpu.vector_load %arg20[%get3A_263] {strides = array<i32>} : memref<8000xi32, #tpu.memory_space<vmem>>, vector<16xi32>,
        %add3A_265 = arith.addi %mul3A_242, %mul3A_240 : i32
        %sub3A_266 = vector.broadcast %add3A_265 : i32 to vector<16xi32>
        %sub3A_267 = arith.subi %get3A_264, %sub3A_266 : vector<16xi32>
        %ge3A = arith.constant 0 : i32
        %ge3A_268 = vector.broadcast %ge3A : i32 to vector<16xi32>
        %ge3A_269 = arith.cmpi sge, %sub3A_267, %ge3A_268 : vector<16xi32>
        %lt3A_270 = arith.constant 128 : i32
        %lt3A_271 = vector.broadcast %lt3A_270 : i32 to vector<16xi32>
        %lt3A_272 = arith.cmpi slt, %sub3A_267, %lt3A_271 : vector<16xi32>
        %and3A_273 = arith.andi %ge3A_269, %lt3A_272 : vector<16xi1>
        %jit3A_274 = arith.constant 0 : i32
        %broadcast_in_dim3A_275 = vector.broadcast %jit3A_274 : i32 to vector<16xi32>
        %select_n3A_276 = arith.select %and3A_273, %sub3A_267, %broadcast_in_dim3A_275 : vector<16xi1>, vector<16xi32>
        %mul3A_277 = arith.constant 512 : i32
        %mul3A_278 = vector.broadcast %mul3A_277 : i32 to vector<16xi32>
        %mul3A_279 = arith.muli %select_n3A_276, %mul3A_278 : vector<16xi32>
        %add3A_280 = arith.addi %mul3A_279, %sub3A_262 : vector<16xi32>
        tpu.vector_store_idx %arg18[%add3A_280], %broadcast_in_dim3A_3 masked %and3A_273 {add = true} : memref<65536xf32, #tpu.memory_space<vmem>>[vector<16xi32>], vector<16xf32>, vector<16xi1>
        %mul3A_281 = arith.constant 64 : i32
        %mul3A_282 = arith.muli %scan3A_254, %mul3A_281 : i32
        %add3A_283 = arith.constant 16 : i32
        %add3A_284 = arith.addi %mul3A_282, %add3A_283 : i32
        %multiple_of3A_285 = tpu.assume_multiple %add3A_284, 8 : i32
        %get3A_286 = arith.index_cast %multiple_of3A_285 : i32 to index
        %get3A_287 = tpu.vector_load %arg19[%get3A_286] {strides = array<i32>} : memref<8000xi32, #tpu.memory_space<vmem>>, vector<16xi32>,
        %sub3A_288 = vector.broadcast %mul3A_242 : i32 to vector<16xi32>
        %sub3A_289 = arith.subi %get3A_287, %sub3A_288 : vector<16xi32>
        %get3A_290 = arith.index_cast %multiple_of3A_285 : i32 to index
        %get3A_291 = tpu.vector_load %arg20[%get3A_290] {strides = array<i32>} : memref<8000xi32, #tpu.memory_space<vmem>>, vector<16xi32>,
        %add3A_292 = arith.addi %mul3A_242, %mul3A_240 : i32
        %sub3A_293 = vector.broadcast %add3A_292 : i32 to vector<16xi32>
        %sub3A_294 = arith.subi %get3A_291, %sub3A_293 : vector<16xi32>
        %ge3A_295 = arith.constant 0 : i32
        %ge3A_296 = vector.broadcast %ge3A_295 : i32 to vector<16xi32>
        %ge3A_297 = arith.cmpi sge, %sub3A_294, %ge3A_296 : vector<16xi32>
        %lt3A_298 = arith.constant 128 : i32
        %lt3A_299 = vector.broadcast %lt3A_298 : i32 to vector<16xi32>
        %lt3A_300 = arith.cmpi slt, %sub3A_294, %lt3A_299 : vector<16xi32>
        %and3A_301 = arith.andi %ge3A_297, %lt3A_300 : vector<16xi1>
        %jit3A_302 = arith.constant 0 : i32
        %broadcast_in_dim3A_303 = vector.broadcast %jit3A_302 : i32 to vector<16xi32>
        %select_n3A_304 = arith.select %and3A_301, %sub3A_294, %broadcast_in_dim3A_303 : vector<16xi1>, vector<16xi32>
        %mul3A_305 = arith.constant 512 : i32
        %mul3A_306 = vector.broadcast %mul3A_305 : i32 to vector<16xi32>
        %mul3A_307 = arith.muli %select_n3A_304, %mul3A_306 : vector<16xi32>
        %add3A_308 = arith.addi %mul3A_307, %sub3A_289 : vector<16xi32>
        tpu.vector_store_idx %arg18[%add3A_308], %broadcast_in_dim3A_3 masked %and3A_301 {add = true} : memref<65536xf32, #tpu.memory_space<vmem>>[vector<16xi32>], vector<16xf32>, vector<16xi1>
        %mul3A_309 = arith.constant 64 : i32
        %mul3A_310 = arith.muli %scan3A_254, %mul3A_309 : i32
        %add3A_311 = arith.constant 32 : i32
        %add3A_312 = arith.addi %mul3A_310, %add3A_311 : i32
        %multiple_of3A_313 = tpu.assume_multiple %add3A_312, 8 : i32
        %get3A_314 = arith.index_cast %multiple_of3A_313 : i32 to index
        %get3A_315 = tpu.vector_load %arg19[%get3A_314] {strides = array<i32>} : memref<8000xi32, #tpu.memory_space<vmem>>, vector<16xi32>,
        %sub3A_316 = vector.broadcast %mul3A_242 : i32 to vector<16xi32>
        %sub3A_317 = arith.subi %get3A_315, %sub3A_316 : vector<16xi32>
        %get3A_318 = arith.index_cast %multiple_of3A_313 : i32 to index
        %get3A_319 = tpu.vector_load %arg20[%get3A_318] {strides = array<i32>} : memref<8000xi32, #tpu.memory_space<vmem>>, vector<16xi32>,
        %add3A_320 = arith.addi %mul3A_242, %mul3A_240 : i32
        %sub3A_321 = vector.broadcast %add3A_320 : i32 to vector<16xi32>
        %sub3A_322 = arith.subi %get3A_319, %sub3A_321 : vector<16xi32>
        %ge3A_323 = arith.constant 0 : i32
        %ge3A_324 = vector.broadcast %ge3A_323 : i32 to vector<16xi32>
        %ge3A_325 = arith.cmpi sge, %sub3A_322, %ge3A_324 : vector<16xi32>
        %lt3A_326 = arith.constant 128 : i32
        %lt3A_327 = vector.broadcast %lt3A_326 : i32 to vector<16xi32>
        %lt3A_328 = arith.cmpi slt, %sub3A_322, %lt3A_327 : vector<16xi32>
        %and3A_329 = arith.andi %ge3A_325, %lt3A_328 : vector<16xi1>
        %jit3A_330 = arith.constant 0 : i32
        %broadcast_in_dim3A_331 = vector.broadcast %jit3A_330 : i32 to vector<16xi32>
        %select_n3A_332 = arith.select %and3A_329, %sub3A_322, %broadcast_in_dim3A_331 : vector<16xi1>, vector<16xi32>
        %mul3A_333 = arith.constant 512 : i32
        %mul3A_334 = vector.broadcast %mul3A_333 : i32 to vector<16xi32>
        %mul3A_335 = arith.muli %select_n3A_332, %mul3A_334 : vector<16xi32>
        %add3A_336 = arith.addi %mul3A_335, %sub3A_317 : vector<16xi32>
        tpu.vector_store_idx %arg18[%add3A_336], %broadcast_in_dim3A_3 masked %and3A_329 {add = true} : memref<65536xf32, #tpu.memory_space<vmem>>[vector<16xi32>], vector<16xf32>, vector<16xi1>
        %mul3A_337 = arith.constant 64 : i32
        %mul3A_338 = arith.muli %scan3A_254, %mul3A_337 : i32
        %add3A_339 = arith.constant 48 : i32
        %add3A_340 = arith.addi %mul3A_338, %add3A_339 : i32
        %multiple_of3A_341 = tpu.assume_multiple %add3A_340, 8 : i32
        %get3A_342 = arith.index_cast %multiple_of3A_341 : i32 to index
        %get3A_343 = tpu.vector_load %arg19[%get3A_342] {strides = array<i32>} : memref<8000xi32, #tpu.memory_space<vmem>>, vector<16xi32>,
        %sub3A_344 = vector.broadcast %mul3A_242 : i32 to vector<16xi32>
        %sub3A_345 = arith.subi %get3A_343, %sub3A_344 : vector<16xi32>
        %get3A_346 = arith.index_cast %multiple_of3A_341 : i32 to index
        %get3A_347 = tpu.vector_load %arg20[%get3A_346] {strides = array<i32>} : memref<8000xi32, #tpu.memory_space<vmem>>, vector<16xi32>,
        %add3A_348 = arith.addi %mul3A_242, %mul3A_240 : i32
        %sub3A_349 = vector.broadcast %add3A_348 : i32 to vector<16xi32>
        %sub3A_350 = arith.subi %get3A_347, %sub3A_349 : vector<16xi32>
        %ge3A_351 = arith.constant 0 : i32
        %ge3A_352 = vector.broadcast %ge3A_351 : i32 to vector<16xi32>
        %ge3A_353 = arith.cmpi sge, %sub3A_350, %ge3A_352 : vector<16xi32>
        %lt3A_354 = arith.constant 128 : i32
        %lt3A_355 = vector.broadcast %lt3A_354 : i32 to vector<16xi32>
        %lt3A_356 = arith.cmpi slt, %sub3A_350, %lt3A_355 : vector<16xi32>
        %and3A_357 = arith.andi %ge3A_353, %lt3A_356 : vector<16xi1>
        %jit3A_358 = arith.constant 0 : i32
        %broadcast_in_dim3A_359 = vector.broadcast %jit3A_358 : i32 to vector<16xi32>
        %select_n3A_360 = arith.select %and3A_357, %sub3A_350, %broadcast_in_dim3A_359 : vector<16xi1>, vector<16xi32>
        %mul3A_361 = arith.constant 512 : i32
        %mul3A_362 = vector.broadcast %mul3A_361 : i32 to vector<16xi32>
        %mul3A_363 = arith.muli %select_n3A_360, %mul3A_362 : vector<16xi32>
        %add3A_364 = arith.addi %mul3A_363, %sub3A_345 : vector<16xi32>
        tpu.vector_store_idx %arg18[%add3A_364], %broadcast_in_dim3A_3 masked %and3A_357 {add = true} : memref<65536xf32, #tpu.memory_space<vmem>>[vector<16xi32>], vector<16xf32>, vector<16xi1>
      }
      %scan3A_250 = arith.constant 125 : i32
      %mul3A_251 = arith.constant 65536 : i32
      %mul3A_252 = arith.muli %sub3A_238, %mul3A_251 : i32
      %multiple_of3A_253 = tpu.assume_multiple %mul3A_252, 8 : i32
      "tpu.region"() ({
        %run_scoped3A = tpu.sem_alloc : memref<!tpu.dma_semaphore, #tpu.memory_space<semaphore_mem>>
        %dma_start3A_254 = tpu.memref_slice %arg11[%select_n3A, %multiple_of3A_253] : memref<20x262144xf32, #tpu.memory_space<hbm>> -> memref<1x65536xf32, #tpu.memory_space<hbm>>
        %dma_start3A_255 = tpu.memref_squeeze %dma_start3A_254 : memref<1x65536xf32, #tpu.memory_space<hbm>> -> memref<65536xf32, #tpu.memory_space<hbm>>
        %dma_start3A_256 = tpu.memref_slice %arg11[%select_n3A, %multiple_of3A_253] : memref<20x262144xf32, #tpu.memory_space<hbm>> -> memref<1x65536xf32, #tpu.memory_space<hbm>>
        %dma_start3A_257 = tpu.memref_squeeze %dma_start3A_256 : memref<1x65536xf32, #tpu.memory_space<hbm>> -> memref<65536xf32, #tpu.memory_space<hbm>>
        tpu.enqueue_dma source(%arg18 : memref<65536xf32, #tpu.memory_space<vmem>>) target(%dma_start3A_257 : memref<65536xf32, #tpu.memory_space<hbm>>) target_semaphore(%run_scoped3A : memref<!tpu.dma_semaphore, #tpu.memory_space<semaphore_mem>>)
        %dma_wait3A_258 = tpu.memref_slice %arg11[%select_n3A, %multiple_of3A_253] : memref<20x262144xf32, #tpu.memory_space<hbm>> -> memref<1x65536xf32, #tpu.memory_space<hbm>>
        %dma_wait3A_259 = tpu.memref_squeeze %dma_wait3A_258 : memref<1x65536xf32, #tpu.memory_space<hbm>> -> memref<65536xf32, #tpu.memory_space<hbm>>
        %dma_wait3A_260 = tpu.memref_slice %arg11[%select_n3A, %multiple_of3A_253] : memref<20x262144xf32, #tpu.memory_space<hbm>> -> memref<1x65536xf32, #tpu.memory_space<hbm>>
        %dma_wait3A_261 = tpu.memref_squeeze %dma_wait3A_260 : memref<1x65536xf32, #tpu.memory_space<hbm>> -> memref<65536xf32, #tpu.memory_space<hbm>>
        tpu.wait_dma2 semaphore(%run_scoped3A : memref<!tpu.dma_semaphore, #tpu.memory_space<semaphore_mem>>) src(%arg18 : memref<65536xf32, #tpu.memory_space<vmem>>) dst(%dma_wait3A_261 : memref<65536xf32, #tpu.memory_space<hbm>>)
        tpu.yield
      }) : () -> ()
    } else {
    }
    %dma_wait3A_102 = arith.constant 128 : i32
    %dma_wait3A_103 = tpu.memref_slice %arg12[%dma_wait3A_102] : memref<320xi32, #tpu.memory_space<vmem>> -> memref<64xi32, #tpu.memory_space<vmem>>
    %dma_wait3A_104 = arith.constant 0 : i32
    %dma_wait3A_105 = arith.constant 0 : i32
    %dma_wait3A_106 = tpu.memref_slice %arg4[%dma_wait3A_104, %dma_wait3A_105] : memref<100000x128xf32, #tpu.memory_space<hbm>> -> memref<100000x128xf32, #tpu.memory_space<hbm>>
    tpu.wait_indirect_dma semaphore(%arg21 : memref<!tpu.dma_semaphore, #tpu.memory_space<semaphore_mem>>) src(%dma_wait3A_106 : memref<100000x128xf32, #tpu.memory_space<hbm>>) dst(%arg14 : memref<64x128xf32, #tpu.memory_space<vmem>>)
    %add3A_107 = arith.constant 128 : i32
    %add3A_108 = arith.addi %multiple_of3A, %add3A_107 : i32
    %dma_start3A_109 = arith.constant 0 : i32
    %dma_start3A_110 = tpu.memref_slice %arg9[%add3A_108, %dma_start3A_109] : memref<10240x128xf32, #tpu.memory_space<hbm>> -> memref<64x128xf32, #tpu.memory_space<hbm>>
    %dma_start3A_111 = arith.constant 0 : i32
    %dma_start3A_112 = tpu.memref_slice %arg9[%add3A_108, %dma_start3A_111] : memref<10240x128xf32, #tpu.memory_space<hbm>> -> memref<64x128xf32, #tpu.memory_space<hbm>>
    tpu.enqueue_dma source(%arg14 : memref<64x128xf32, #tpu.memory_space<vmem>>) target(%dma_start3A_112 : memref<64x128xf32, #tpu.memory_space<hbm>>) target_semaphore(%arg25 : memref<!tpu.dma_semaphore, #tpu.memory_space<semaphore_mem>>)
    %dma_wait3A_113 = arith.constant 128 : i32
    %dma_wait3A_114 = tpu.memref_slice %arg13[%dma_wait3A_113] : memref<320xi32, #tpu.memory_space<vmem>> -> memref<64xi32, #tpu.memory_space<vmem>>
    %dma_wait3A_115 = arith.constant 0 : i32
    %dma_wait3A_116 = arith.constant 0 : i32
    %dma_wait3A_117 = tpu.memref_slice %arg5[%dma_wait3A_115, %dma_wait3A_116] : memref<100000x128xf32, #tpu.memory_space<hbm>> -> memref<100000x128xf32, #tpu.memory_space<hbm>>
    tpu.wait_indirect_dma semaphore(%arg23 : memref<!tpu.dma_semaphore, #tpu.memory_space<semaphore_mem>>) src(%dma_wait3A_117 : memref<100000x128xf32, #tpu.memory_space<hbm>>) dst(%arg16 : memref<64x128xf32, #tpu.memory_space<vmem>>)
    %add3A_118 = arith.constant 128 : i32
    %add3A_119 = arith.addi %multiple_of3A, %add3A_118 : i32
    %dma_start3A_120 = arith.constant 0 : i32
    %dma_start3A_121 = tpu.memref_slice %arg10[%add3A_119, %dma_start3A_120] : memref<10240x128xf32, #tpu.memory_space<hbm>> -> memref<64x128xf32, #tpu.memory_space<hbm>>
    %dma_start3A_122 = arith.constant 0 : i32
    %dma_start3A_123 = tpu.memref_slice %arg10[%add3A_119, %dma_start3A_122] : memref<10240x128xf32, #tpu.memory_space<hbm>> -> memref<64x128xf32, #tpu.memory_space<hbm>>
    tpu.enqueue_dma source(%arg16 : memref<64x128xf32, #tpu.memory_space<vmem>>) target(%dma_start3A_123 : memref<64x128xf32, #tpu.memory_space<hbm>>) target_semaphore(%arg27 : memref<!tpu.dma_semaphore, #tpu.memory_space<semaphore_mem>>)
    %dma_wait3A_124 = arith.constant 0 : i32
    %dma_wait3A_125 = tpu.memref_slice %arg9[%add3A_61, %dma_wait3A_124] : memref<10240x128xf32, #tpu.memory_space<hbm>> -> memref<64x128xf32, #tpu.memory_space<hbm>>
    %dma_wait3A_126 = arith.constant 0 : i32
    %dma_wait3A_127 = tpu.memref_slice %arg9[%add3A_61, %dma_wait3A_126] : memref<10240x128xf32, #tpu.memory_space<hbm>> -> memref<64x128xf32, #tpu.memory_space<hbm>>
    tpu.wait_dma2 semaphore(%arg26 : memref<!tpu.dma_semaphore, #tpu.memory_space<semaphore_mem>>) src(%arg15 : memref<64x128xf32, #tpu.memory_space<vmem>>) dst(%dma_wait3A_127 : memref<64x128xf32, #tpu.memory_space<hbm>>)
    %dma_start3A_128 = arith.constant 192 : i32
    %dma_start3A_129 = tpu.memref_slice %arg12[%dma_start3A_128] : memref<320xi32, #tpu.memory_space<vmem>> -> memref<64xi32, #tpu.memory_space<vmem>>
    %dma_start3A_130 = arith.constant 0 : i32
    %dma_start3A_131 = arith.constant 0 : i32
    %dma_start3A_132 = tpu.memref_slice %arg4[%dma_start3A_130, %dma_start3A_131] : memref<100000x128xf32, #tpu.memory_space<hbm>> -> memref<100000x128xf32, #tpu.memory_space<hbm>>
    tpu.enqueue_indirect_dma source(%dma_start3A_132 : memref<100000x128xf32, #tpu.memory_space<hbm>>) target(%arg15 : memref<64x128xf32, #tpu.memory_space<vmem>>) offsets(%dma_start3A_129 : memref<64xi32, #tpu.memory_space<vmem>>) semaphore(%arg22 : memref<!tpu.dma_semaphore, #tpu.memory_space<semaphore_mem>>)
    %dma_wait3A_133 = arith.constant 0 : i32
    %dma_wait3A_134 = tpu.memref_slice %arg10[%add3A_72, %dma_wait3A_133] : memref<10240x128xf32, #tpu.memory_space<hbm>> -> memref<64x128xf32, #tpu.memory_space<hbm>>
    %dma_wait3A_135 = arith.constant 0 : i32
    %dma_wait3A_136 = tpu.memref_slice %arg10[%add3A_72, %dma_wait3A_135] : memref<10240x128xf32, #tpu.memory_space<hbm>> -> memref<64x128xf32, #tpu.memory_space<hbm>>
    tpu.wait_dma2 semaphore(%arg28 : memref<!tpu.dma_semaphore, #tpu.memory_space<semaphore_mem>>) src(%arg17 : memref<64x128xf32, #tpu.memory_space<vmem>>) dst(%dma_wait3A_136 : memref<64x128xf32, #tpu.memory_space<hbm>>)
    %dma_start3A_137 = arith.constant 192 : i32
    %dma_start3A_138 = tpu.memref_slice %arg13[%dma_start3A_137] : memref<320xi32, #tpu.memory_space<vmem>> -> memref<64xi32, #tpu.memory_space<vmem>>
    %dma_start3A_139 = arith.constant 0 : i32
    %dma_start3A_140 = arith.constant 0 : i32
    %dma_start3A_141 = tpu.memref_slice %arg5[%dma_start3A_139, %dma_start3A_140] : memref<100000x128xf32, #tpu.memory_space<hbm>> -> memref<100000x128xf32, #tpu.memory_space<hbm>>
    tpu.enqueue_indirect_dma source(%dma_start3A_141 : memref<100000x128xf32, #tpu.memory_space<hbm>>) target(%arg17 : memref<64x128xf32, #tpu.memory_space<vmem>>) offsets(%dma_start3A_138 : memref<64xi32, #tpu.memory_space<vmem>>) semaphore(%arg24 : memref<!tpu.dma_semaphore, #tpu.memory_space<semaphore_mem>>)
    %dma_wait3A_142 = arith.constant 192 : i32
    %dma_wait3A_143 = tpu.memref_slice %arg12[%dma_wait3A_142] : memref<320xi32, #tpu.memory_space<vmem>> -> memref<64xi32, #tpu.memory_space<vmem>>
    %dma_wait3A_144 = arith.constant 0 : i32
    %dma_wait3A_145 = arith.constant 0 : i32
    %dma_wait3A_146 = tpu.memref_slice %arg4[%dma_wait3A_144, %dma_wait3A_145] : memref<100000x128xf32, #tpu.memory_space<hbm>> -> memref<100000x128xf32, #tpu.memory_space<hbm>>
    tpu.wait_indirect_dma semaphore(%arg22 : memref<!tpu.dma_semaphore, #tpu.memory_space<semaphore_mem>>) src(%dma_wait3A_146 : memref<100000x128xf32, #tpu.memory_space<hbm>>) dst(%arg15 : memref<64x128xf32, #tpu.memory_space<vmem>>)
    %add3A_147 = arith.constant 192 : i32
    %add3A_148 = arith.addi %multiple_of3A, %add3A_147 : i32
    %dma_start3A_149 = arith.constant 0 : i32
    %dma_start3A_150 = tpu.memref_slice %arg9[%add3A_148, %dma_start3A_149] : memref<10240x128xf32, #tpu.memory_space<hbm>> -> memref<64x128xf32, #tpu.memory_space<hbm>>
    %dma_start3A_151 = arith.constant 0 : i32
    %dma_start3A_152 = tpu.memref_slice %arg9[%add3A_148, %dma_start3A_151] : memref<10240x128xf32, #tpu.memory_space<hbm>> -> memref<64x128xf32, #tpu.memory_space<hbm>>
    tpu.enqueue_dma source(%arg15 : memref<64x128xf32, #tpu.memory_space<vmem>>) target(%dma_start3A_152 : memref<64x128xf32, #tpu.memory_space<hbm>>) target_semaphore(%arg26 : memref<!tpu.dma_semaphore, #tpu.memory_space<semaphore_mem>>)
    %dma_wait3A_153 = arith.constant 192 : i32
    %dma_wait3A_154 = tpu.memref_slice %arg13[%dma_wait3A_153] : memref<320xi32, #tpu.memory_space<vmem>> -> memref<64xi32, #tpu.memory_space<vmem>>
    %dma_wait3A_155 = arith.constant 0 : i32
    %dma_wait3A_156 = arith.constant 0 : i32
    %dma_wait3A_157 = tpu.memref_slice %arg5[%dma_wait3A_155, %dma_wait3A_156] : memref<100000x128xf32, #tpu.memory_space<hbm>> -> memref<100000x128xf32, #tpu.memory_space<hbm>>
    tpu.wait_indirect_dma semaphore(%arg24 : memref<!tpu.dma_semaphore, #tpu.memory_space<semaphore_mem>>) src(%dma_wait3A_157 : memref<100000x128xf32, #tpu.memory_space<hbm>>) dst(%arg17 : memref<64x128xf32, #tpu.memory_space<vmem>>)
    %add3A_158 = arith.constant 192 : i32
    %add3A_159 = arith.addi %multiple_of3A, %add3A_158 : i32
    %dma_start3A_160 = arith.constant 0 : i32
    %dma_start3A_161 = tpu.memref_slice %arg10[%add3A_159, %dma_start3A_160] : memref<10240x128xf32, #tpu.memory_space<hbm>> -> memref<64x128xf32, #tpu.memory_space<hbm>>
    %dma_start3A_162 = arith.constant 0 : i32
    %dma_start3A_163 = tpu.memref_slice %arg10[%add3A_159, %dma_start3A_162] : memref<10240x128xf32, #tpu.memory_space<hbm>> -> memref<64x128xf32, #tpu.memory_space<hbm>>
    tpu.enqueue_dma source(%arg17 : memref<64x128xf32, #tpu.memory_space<vmem>>) target(%dma_start3A_163 : memref<64x128xf32, #tpu.memory_space<hbm>>) target_semaphore(%arg28 : memref<!tpu.dma_semaphore, #tpu.memory_space<semaphore_mem>>)
    %dma_wait3A_164 = arith.constant 0 : i32
    %dma_wait3A_165 = tpu.memref_slice %arg9[%add3A_108, %dma_wait3A_164] : memref<10240x128xf32, #tpu.memory_space<hbm>> -> memref<64x128xf32, #tpu.memory_space<hbm>>
    %dma_wait3A_166 = arith.constant 0 : i32
    %dma_wait3A_167 = tpu.memref_slice %arg9[%add3A_108, %dma_wait3A_166] : memref<10240x128xf32, #tpu.memory_space<hbm>> -> memref<64x128xf32, #tpu.memory_space<hbm>>
    tpu.wait_dma2 semaphore(%arg25 : memref<!tpu.dma_semaphore, #tpu.memory_space<semaphore_mem>>) src(%arg14 : memref<64x128xf32, #tpu.memory_space<vmem>>) dst(%dma_wait3A_167 : memref<64x128xf32, #tpu.memory_space<hbm>>)
    %dma_start3A_168 = arith.constant 256 : i32
    %dma_start3A_169 = tpu.memref_slice %arg12[%dma_start3A_168] : memref<320xi32, #tpu.memory_space<vmem>> -> memref<64xi32, #tpu.memory_space<vmem>>
    %dma_start3A_170 = arith.constant 0 : i32
    %dma_start3A_171 = arith.constant 0 : i32
    %dma_start3A_172 = tpu.memref_slice %arg4[%dma_start3A_170, %dma_start3A_171] : memref<100000x128xf32, #tpu.memory_space<hbm>> -> memref<100000x128xf32, #tpu.memory_space<hbm>>
    tpu.enqueue_indirect_dma source(%dma_start3A_172 : memref<100000x128xf32, #tpu.memory_space<hbm>>) target(%arg14 : memref<64x128xf32, #tpu.memory_space<vmem>>) offsets(%dma_start3A_169 : memref<64xi32, #tpu.memory_space<vmem>>) semaphore(%arg21 : memref<!tpu.dma_semaphore, #tpu.memory_space<semaphore_mem>>)
    %dma_wait3A_173 = arith.constant 0 : i32
    %dma_wait3A_174 = tpu.memref_slice %arg10[%add3A_119, %dma_wait3A_173] : memref<10240x128xf32, #tpu.memory_space<hbm>> -> memref<64x128xf32, #tpu.memory_space<hbm>>
    %dma_wait3A_175 = arith.constant 0 : i32
    %dma_wait3A_176 = tpu.memref_slice %arg10[%add3A_119, %dma_wait3A_175] : memref<10240x128xf32, #tpu.memory_space<hbm>> -> memref<64x128xf32, #tpu.memory_space<hbm>>
    tpu.wait_dma2 semaphore(%arg27 : memref<!tpu.dma_semaphore, #tpu.memory_space<semaphore_mem>>) src(%arg16 : memref<64x128xf32, #tpu.memory_space<vmem>>) dst(%dma_wait3A_176 : memref<64x128xf32, #tpu.memory_space<hbm>>)
    %dma_start3A_177 = arith.constant 256 : i32
    %dma_start3A_178 = tpu.memref_slice %arg13[%dma_start3A_177] : memref<320xi32, #tpu.memory_space<vmem>> -> memref<64xi32, #tpu.memory_space<vmem>>
    %dma_start3A_179 = arith.constant 0 : i32
    %dma_start3A_180 = arith.constant 0 : i32
    %dma_start3A_181 = tpu.memref_slice %arg5[%dma_start3A_179, %dma_start3A_180] : memref<100000x128xf32, #tpu.memory_space<hbm>> -> memref<100000x128xf32, #tpu.memory_space<hbm>>
    tpu.enqueue_indirect_dma source(%dma_start3A_181 : memref<100000x128xf32, #tpu.memory_space<hbm>>) target(%arg16 : memref<64x128xf32, #tpu.memory_space<vmem>>) offsets(%dma_start3A_178 : memref<64xi32, #tpu.memory_space<vmem>>) semaphore(%arg23 : memref<!tpu.dma_semaphore, #tpu.memory_space<semaphore_mem>>)
    %dma_wait3A_182 = arith.constant 256 : i32
    %dma_wait3A_183 = tpu.memref_slice %arg12[%dma_wait3A_182] : memref<320xi32, #tpu.memory_space<vmem>> -> memref<64xi32, #tpu.memory_space<vmem>>
    %dma_wait3A_184 = arith.constant 0 : i32
    %dma_wait3A_185 = arith.constant 0 : i32
    %dma_wait3A_186 = tpu.memref_slice %arg4[%dma_wait3A_184, %dma_wait3A_185] : memref<100000x128xf32, #tpu.memory_space<hbm>> -> memref<100000x128xf32, #tpu.memory_space<hbm>>
    tpu.wait_indirect_dma semaphore(%arg21 : memref<!tpu.dma_semaphore, #tpu.memory_space<semaphore_mem>>) src(%dma_wait3A_186 : memref<100000x128xf32, #tpu.memory_space<hbm>>) dst(%arg14 : memref<64x128xf32, #tpu.memory_space<vmem>>)
    %add3A_187 = arith.constant 256 : i32
    %add3A_188 = arith.addi %multiple_of3A, %add3A_187 : i32
    %dma_start3A_189 = arith.constant 0 : i32
    %dma_start3A_190 = tpu.memref_slice %arg9[%add3A_188, %dma_start3A_189] : memref<10240x128xf32, #tpu.memory_space<hbm>> -> memref<64x128xf32, #tpu.memory_space<hbm>>
    %dma_start3A_191 = arith.constant 0 : i32
    %dma_start3A_192 = tpu.memref_slice %arg9[%add3A_188, %dma_start3A_191] : memref<10240x128xf32, #tpu.memory_space<hbm>> -> memref<64x128xf32, #tpu.memory_space<hbm>>
    tpu.enqueue_dma source(%arg14 : memref<64x128xf32, #tpu.memory_space<vmem>>) target(%dma_start3A_192 : memref<64x128xf32, #tpu.memory_space<hbm>>) target_semaphore(%arg25 : memref<!tpu.dma_semaphore, #tpu.memory_space<semaphore_mem>>)
    %dma_wait3A_193 = arith.constant 256 : i32
    %dma_wait3A_194 = tpu.memref_slice %arg13[%dma_wait3A_193] : memref<320xi32, #tpu.memory_space<vmem>> -> memref<64xi32, #tpu.memory_space<vmem>>
    %dma_wait3A_195 = arith.constant 0 : i32
    %dma_wait3A_196 = arith.constant 0 : i32
    %dma_wait3A_197 = tpu.memref_slice %arg5[%dma_wait3A_195, %dma_wait3A_196] : memref<100000x128xf32, #tpu.memory_space<hbm>> -> memref<100000x128xf32, #tpu.memory_space<hbm>>
    tpu.wait_indirect_dma semaphore(%arg23 : memref<!tpu.dma_semaphore, #tpu.memory_space<semaphore_mem>>) src(%dma_wait3A_197 : memref<100000x128xf32, #tpu.memory_space<hbm>>) dst(%arg16 : memref<64x128xf32, #tpu.memory_space<vmem>>)
    %add3A_198 = arith.constant 256 : i32
    %add3A_199 = arith.addi %multiple_of3A, %add3A_198 : i32
    %dma_start3A_200 = arith.constant 0 : i32
    %dma_start3A_201 = tpu.memref_slice %arg10[%add3A_199, %dma_start3A_200] : memref<10240x128xf32, #tpu.memory_space<hbm>> -> memref<64x128xf32, #tpu.memory_space<hbm>>
    %dma_start3A_202 = arith.constant 0 : i32
    %dma_start3A_203 = tpu.memref_slice %arg10[%add3A_199, %dma_start3A_202] : memref<10240x128xf32, #tpu.memory_space<hbm>> -> memref<64x128xf32, #tpu.memory_space<hbm>>
    tpu.enqueue_dma source(%arg16 : memref<64x128xf32, #tpu.memory_space<vmem>>) target(%dma_start3A_203 : memref<64x128xf32, #tpu.memory_space<hbm>>) target_semaphore(%arg27 : memref<!tpu.dma_semaphore, #tpu.memory_space<semaphore_mem>>)
    %dma_wait3A_204 = arith.constant 0 : i32
    %dma_wait3A_205 = tpu.memref_slice %arg9[%add3A_148, %dma_wait3A_204] : memref<10240x128xf32, #tpu.memory_space<hbm>> -> memref<64x128xf32, #tpu.memory_space<hbm>>
    %dma_wait3A_206 = arith.constant 0 : i32
    %dma_wait3A_207 = tpu.memref_slice %arg9[%add3A_148, %dma_wait3A_206] : memref<10240x128xf32, #tpu.memory_space<hbm>> -> memref<64x128xf32, #tpu.memory_space<hbm>>
    tpu.wait_dma2 semaphore(%arg26 : memref<!tpu.dma_semaphore, #tpu.memory_space<semaphore_mem>>) src(%arg15 : memref<64x128xf32, #tpu.memory_space<vmem>>) dst(%dma_wait3A_207 : memref<64x128xf32, #tpu.memory_space<hbm>>)
    %dma_wait3A_208 = arith.constant 0 : i32
    %dma_wait3A_209 = tpu.memref_slice %arg10[%add3A_159, %dma_wait3A_208] : memref<10240x128xf32, #tpu.memory_space<hbm>> -> memref<64x128xf32, #tpu.memory_space<hbm>>
    %dma_wait3A_210 = arith.constant 0 : i32
    %dma_wait3A_211 = tpu.memref_slice %arg10[%add3A_159, %dma_wait3A_210] : memref<10240x128xf32, #tpu.memory_space<hbm>> -> memref<64x128xf32, #tpu.memory_space<hbm>>
    tpu.wait_dma2 semaphore(%arg28 : memref<!tpu.dma_semaphore, #tpu.memory_space<semaphore_mem>>) src(%arg17 : memref<64x128xf32, #tpu.memory_space<vmem>>) dst(%dma_wait3A_211 : memref<64x128xf32, #tpu.memory_space<hbm>>)
    %dma_wait3A_212 = arith.constant 0 : i32
    %dma_wait3A_213 = tpu.memref_slice %arg9[%add3A_188, %dma_wait3A_212] : memref<10240x128xf32, #tpu.memory_space<hbm>> -> memref<64x128xf32, #tpu.memory_space<hbm>>
    %dma_wait3A_214 = arith.constant 0 : i32
    %dma_wait3A_215 = tpu.memref_slice %arg9[%add3A_188, %dma_wait3A_214] : memref<10240x128xf32, #tpu.memory_space<hbm>> -> memref<64x128xf32, #tpu.memory_space<hbm>>
    tpu.wait_dma2 semaphore(%arg25 : memref<!tpu.dma_semaphore, #tpu.memory_space<semaphore_mem>>) src(%arg14 : memref<64x128xf32, #tpu.memory_space<vmem>>) dst(%dma_wait3A_215 : memref<64x128xf32, #tpu.memory_space<hbm>>)
    %dma_wait3A_216 = arith.constant 0 : i32
    %dma_wait3A_217 = tpu.memref_slice %arg10[%add3A_199, %dma_wait3A_216] : memref<10240x128xf32, #tpu.memory_space<hbm>> -> memref<64x128xf32, #tpu.memory_space<hbm>>
    %dma_wait3A_218 = arith.constant 0 : i32
    %dma_wait3A_219 = tpu.memref_slice %arg10[%add3A_199, %dma_wait3A_218] : memref<10240x128xf32, #tpu.memory_space<hbm>> -> memref<64x128xf32, #tpu.memory_space<hbm>>
    tpu.wait_dma2 semaphore(%arg27 : memref<!tpu.dma_semaphore, #tpu.memory_space<semaphore_mem>>) src(%arg16 : memref<64x128xf32, #tpu.memory_space<vmem>>) dst(%dma_wait3A_219 : memref<64x128xf32, #tpu.memory_space<hbm>>)
    return
  }
}

module attributes {stable_mosaic.version = 14 : i64} {
  func.func @body(%arg0: i32, %arg1: memref<4x512x512xbf16, #tpu.memory_space<vmem>>, %arg2: memref<4x512x128xf32, #tpu.memory_space<vmem>>, %arg3: memref<4x512x128xf32, #tpu.memory_space<vmem>>, %arg4: memref<256x128xf32, #tpu.memory_space<vmem>>, %arg5: memref<256x128xf32, #tpu.memory_space<vmem>>, %arg6: memref<1x128xf32, #tpu.memory_space<vmem>>, %arg7: memref<1x128xf32, #tpu.memory_space<vmem>>, %arg8: memref<4x512x128xf32, #tpu.memory_space<vmem>>, %arg9: memref<4x512x1xf32, #tpu.memory_space<vmem>>) attributes {dimension_semantics = [#tpu.dimension_semantics<arbitrary>], iteration_bounds = array<i64: 5>, scalar_prefetch = 0 : i64, scratch_operands = 0 : i64, tpu.core_type = #tpu.core_type<tc>, window_params = [{transform_indices = @transform_0, window_bounds = array<i64: 4, 512, 512>}, {transform_indices = @transform_1, window_bounds = array<i64: 4, 512, 128>}, {transform_indices = @transform_2, window_bounds = array<i64: 4, 512, 128>}, {pipeline_mode = #tpu.pipeline_mode<synchronous>, transform_indices = @transform_3, window_bounds = array<i64: 256, 128>}, {pipeline_mode = #tpu.pipeline_mode<synchronous>, transform_indices = @transform_4, window_bounds = array<i64: 256, 128>}, {pipeline_mode = #tpu.pipeline_mode<synchronous>, transform_indices = @transform_5, window_bounds = array<i64: 1, 128>}, {pipeline_mode = #tpu.pipeline_mode<synchronous>, transform_indices = @transform_6, window_bounds = array<i64: 1, 128>}, {transform_indices = @transform_7, window_bounds = array<i64: 4, 512, 128>}, {transform_indices = @transform_8, window_bounds = array<i64: 4, 512, 1>}]} {
    %get3A = arith.constant 0 : index
    %get3A_0 = arith.constant 0 : index
    %get3A_1 = vector.load %arg7[%get3A, %get3A_0] : memref<1x128xf32, #tpu.memory_space<vmem>>, vector<1x128xf32>
    %mul3A = arith.mulf %get3A_1, %get3A_1 : vector<1x128xf32>
    %reduce_sum3A = vector.shape_cast %mul3A : vector<1x128xf32> to vector<1x1x128xf32>
    %reduce_sum3A_2 = arith.constant dense<0.000000e+00> : vector<1xf32>
    %reduce_sum3A_3 = vector.multi_reduction <add>, %reduce_sum3A, %reduce_sum3A_2 [1, 2] : vector<1x1x128xf32> to vector<1xf32>
    %reduce_sum3A_4 = vector.shape_cast %reduce_sum3A_3 : vector<1xf32> to vector<1x1x1xf32>
    %reduce_sum3A_5 = vector.extract %reduce_sum3A_4[0, 0, 0] : f32 from vector<1x1x1xf32>
    %sqrt3A = math.sqrt %reduce_sum3A_5 : f32
    %iota3A = tpu.iota {dimensions = array<i32: 0>} : vector<512x1xi32>
    %lt3A = arith.constant 500 : i32
    %lt3A_6 = vector.broadcast %lt3A : i32 to vector<512x1xi32>
    %lt3A_7 = arith.cmpi slt, %iota3A, %lt3A_6 : vector<512x1xi32>
    %get3A_8 = arith.constant 0 : index
    %get3A_9 = arith.constant 0 : index
    %get3A_10 = arith.constant 0 : index
    %get3A_11 = vector.load %arg2[%get3A_8, %get3A_9, %get3A_10] : memref<4x512x128xf32, #tpu.memory_space<vmem>>, vector<1x512x128xf32>
    %get3A_12 = vector.shape_cast %get3A_11 : vector<1x512x128xf32> to vector<512x128xf32>
    %get3A_13 = arith.constant 0 : index
    %get3A_14 = arith.constant 0 : index
    %get3A_15 = arith.constant 0 : index
    %get3A_16 = vector.load %arg3[%get3A_13, %get3A_14, %get3A_15] : memref<4x512x128xf32, #tpu.memory_space<vmem>>, vector<1x512x128xf32>
    %get3A_17 = vector.shape_cast %get3A_16 : vector<1x512x128xf32> to vector<512x128xf32>
    %concatenate3A = tpu.concatenate %get3A_12, %get3A_17 in 1 : vector<512x128xf32>, vector<512x128xf32> -> vector<512x256xf32>
    %get3A_18 = arith.constant 0 : index
    %get3A_19 = arith.constant 0 : index
    %get3A_20 = vector.load %arg4[%get3A_18, %get3A_19] : memref<256x128xf32, #tpu.memory_space<vmem>>, vector<256x128xf32>
    %dot_general3A = arith.constant dense<0.000000e+00> : vector<512x128xf32>
    %dot_general3A_21 = tpu.matmul %concatenate3A, %get3A_20, %dot_general3A {dimension_numbers = #tpu.dot_dimension_numbers<[1], [0], [0], [1], [0, 0, 1, 1], [], []>, transpose_lhs_hint = false} : vector<512x256xf32>, vector<256x128xf32>, vector<512x128xf32> -> vector<512x128xf32>
    %get3A_22 = arith.constant 0 : index
    %get3A_23 = arith.constant 0 : index
    %get3A_24 = arith.constant 0 : index
    %get3A_25 = vector.load %arg1[%get3A_22, %get3A_23, %get3A_24] : memref<4x512x512xbf16, #tpu.memory_space<vmem>>, vector<1x512x512xbf16>
    %get3A_26 = vector.shape_cast %get3A_25 : vector<1x512x512xbf16> to vector<512x512xbf16>
    %convert_element_type3A = arith.truncf %dot_general3A_21 : vector<512x128xf32> to vector<512x128xbf16>
    %convert_element_type3A_27 = arith.extf %convert_element_type3A : vector<512x128xbf16> to vector<512x128xf32>
    %sub3A = arith.subf %dot_general3A_21, %convert_element_type3A_27 : vector<512x128xf32>
    %convert_element_type3A_28 = arith.truncf %sub3A : vector<512x128xf32> to vector<512x128xbf16>
    %dot_general3A_29 = arith.constant dense<0.000000e+00> : vector<512x128xf32>
    %dot_general3A_30 = tpu.matmul %get3A_26, %convert_element_type3A, %dot_general3A_29 {dimension_numbers = #tpu.dot_dimension_numbers<[1], [0], [0], [1], [0, 0, 1, 1], [], []>, transpose_lhs_hint = false} : vector<512x512xbf16>, vector<512x128xbf16>, vector<512x128xf32> -> vector<512x128xf32>
    %dot_general3A_31 = arith.constant dense<0.000000e+00> : vector<512x128xf32>
    %dot_general3A_32 = tpu.matmul %get3A_26, %convert_element_type3A_28, %dot_general3A_31 {dimension_numbers = #tpu.dot_dimension_numbers<[1], [0], [0], [1], [0, 0, 1, 1], [], []>, transpose_lhs_hint = false} : vector<512x512xbf16>, vector<512x128xbf16>, vector<512x128xf32> -> vector<512x128xf32>
    %add3A = arith.addf %dot_general3A_30, %dot_general3A_32 : vector<512x128xf32>
    %get3A_33 = arith.constant 0 : index
    %get3A_34 = arith.constant 0 : index
    %get3A_35 = vector.load %arg5[%get3A_33, %get3A_34] : memref<256x128xf32, #tpu.memory_space<vmem>>, vector<256x128xf32>
    %dot_general3A_36 = arith.constant dense<0.000000e+00> : vector<512x128xf32>
    %dot_general3A_37 = tpu.matmul %concatenate3A, %get3A_35, %dot_general3A_36 {dimension_numbers = #tpu.dot_dimension_numbers<[1], [0], [0], [1], [0, 0, 1, 1], [], []>, transpose_lhs_hint = false} : vector<512x256xf32>, vector<256x128xf32>, vector<512x128xf32> -> vector<512x128xf32>
    %add3A_38 = arith.addf %add3A, %dot_general3A_37 : vector<512x128xf32>
    %get3A_39 = arith.constant 0 : index
    %get3A_40 = arith.constant 0 : index
    %get3A_41 = vector.load %arg6[%get3A_39, %get3A_40] : memref<1x128xf32, #tpu.memory_space<vmem>>, vector<1x128xf32>
    %add3A_42 = vector.broadcast %get3A_41 : vector<1x128xf32> to vector<512x128xf32>
    %add3A_43 = arith.addf %add3A_38, %add3A_42 : vector<512x128xf32>
    %max3A = arith.constant 0.000000e+00 : f32
    %max3A_44 = vector.broadcast %max3A : f32 to vector<512x128xf32>
    %max3A_45 = arith.maximumf %add3A_43, %max3A_44 : vector<512x128xf32>
    %mul3A_46 = vector.broadcast %get3A_1 : vector<1x128xf32> to vector<512x128xf32>
    %mul3A_47 = arith.mulf %max3A_45, %mul3A_46 : vector<512x128xf32>
    %reduce_sum3A_48 = arith.constant dense<0.000000e+00> : vector<512xf32>
    %reduce_sum3A_49 = vector.multi_reduction <add>, %mul3A_47, %reduce_sum3A_48 [1] : vector<512x128xf32> to vector<512xf32>
    %broadcast_in_dim3A = vector.shape_cast %reduce_sum3A_49 : vector<512xf32> to vector<512x1xf32>
    %div3A = vector.broadcast %sqrt3A : f32 to vector<512x1xf32>
    %div3A_50 = arith.divf %broadcast_in_dim3A, %div3A : vector<512x1xf32>
    %jit3A = arith.constant 0xFF800000 : f32
    %broadcast_in_dim3A_51 = vector.broadcast %jit3A : f32 to vector<512x1xf32>
    %select_n3A = arith.select %lt3A_7, %div3A_50, %broadcast_in_dim3A_51 : vector<512x1xi1>, vector<512x1xf32>
    %swap3A = arith.constant 0 : index
    %swap3A_52 = arith.constant 0 : index
    %swap3A_53 = arith.constant 0 : index
    %swap3A_54 = vector.load %arg9[%swap3A, %swap3A_52, %swap3A_53] : memref<4x512x1xf32, #tpu.memory_space<vmem>>, vector<1x512x1xf32>
    %swap3A_55 = vector.shape_cast %swap3A_54 : vector<1x512x1xf32> to vector<512x1xf32>
    %swap3A_56 = vector.shape_cast %select_n3A : vector<512x1xf32> to vector<1x512x1xf32>
    tpu.vector_store %arg9[%swap3A, %swap3A_52, %swap3A_53], %swap3A_56 {strides = array<i32>} : memref<4x512x1xf32, #tpu.memory_space<vmem>>, vector<1x512x1xf32>,
    %swap3A_57 = arith.constant 0 : index
    %swap3A_58 = arith.constant 0 : index
    %swap3A_59 = arith.constant 0 : index
    %swap3A_60 = vector.load %arg8[%swap3A_57, %swap3A_58, %swap3A_59] : memref<4x512x128xf32, #tpu.memory_space<vmem>>, vector<1x512x128xf32>
    %swap3A_61 = vector.shape_cast %swap3A_60 : vector<1x512x128xf32> to vector<512x128xf32>
    %swap3A_62 = vector.shape_cast %max3A_45 : vector<512x128xf32> to vector<1x512x128xf32>
    tpu.vector_store %arg8[%swap3A_57, %swap3A_58, %swap3A_59], %swap3A_62 {strides = array<i32>} : memref<4x512x128xf32, #tpu.memory_space<vmem>>, vector<1x512x128xf32>,
    %get3A_63 = arith.constant 1 : index
    %get3A_64 = arith.constant 0 : index
    %get3A_65 = arith.constant 0 : index
    %get3A_66 = vector.load %arg2[%get3A_63, %get3A_64, %get3A_65] : memref<4x512x128xf32, #tpu.memory_space<vmem>>, vector<1x512x128xf32>
    %get3A_67 = vector.shape_cast %get3A_66 : vector<1x512x128xf32> to vector<512x128xf32>
    %get3A_68 = arith.constant 1 : index
    %get3A_69 = arith.constant 0 : index
    %get3A_70 = arith.constant 0 : index
    %get3A_71 = vector.load %arg3[%get3A_68, %get3A_69, %get3A_70] : memref<4x512x128xf32, #tpu.memory_space<vmem>>, vector<1x512x128xf32>
    %get3A_72 = vector.shape_cast %get3A_71 : vector<1x512x128xf32> to vector<512x128xf32>
    %concatenate3A_73 = tpu.concatenate %get3A_67, %get3A_72 in 1 : vector<512x128xf32>, vector<512x128xf32> -> vector<512x256xf32>
    %get3A_74 = arith.constant 0 : index
    %get3A_75 = arith.constant 0 : index
    %get3A_76 = vector.load %arg4[%get3A_74, %get3A_75] : memref<256x128xf32, #tpu.memory_space<vmem>>, vector<256x128xf32>
    %dot_general3A_77 = arith.constant dense<0.000000e+00> : vector<512x128xf32>
    %dot_general3A_78 = tpu.matmul %concatenate3A_73, %get3A_76, %dot_general3A_77 {dimension_numbers = #tpu.dot_dimension_numbers<[1], [0], [0], [1], [0, 0, 1, 1], [], []>, transpose_lhs_hint = false} : vector<512x256xf32>, vector<256x128xf32>, vector<512x128xf32> -> vector<512x128xf32>
    %get3A_79 = arith.constant 1 : index
    %get3A_80 = arith.constant 0 : index
    %get3A_81 = arith.constant 0 : index
    %get3A_82 = vector.load %arg1[%get3A_79, %get3A_80, %get3A_81] : memref<4x512x512xbf16, #tpu.memory_space<vmem>>, vector<1x512x512xbf16>
    %get3A_83 = vector.shape_cast %get3A_82 : vector<1x512x512xbf16> to vector<512x512xbf16>
    %convert_element_type3A_84 = arith.truncf %dot_general3A_78 : vector<512x128xf32> to vector<512x128xbf16>
    %convert_element_type3A_85 = arith.extf %convert_element_type3A_84 : vector<512x128xbf16> to vector<512x128xf32>
    %sub3A_86 = arith.subf %dot_general3A_78, %convert_element_type3A_85 : vector<512x128xf32>
    %convert_element_type3A_87 = arith.truncf %sub3A_86 : vector<512x128xf32> to vector<512x128xbf16>
    %dot_general3A_88 = arith.constant dense<0.000000e+00> : vector<512x128xf32>
    %dot_general3A_89 = tpu.matmul %get3A_83, %convert_element_type3A_84, %dot_general3A_88 {dimension_numbers = #tpu.dot_dimension_numbers<[1], [0], [0], [1], [0, 0, 1, 1], [], []>, transpose_lhs_hint = false} : vector<512x512xbf16>, vector<512x128xbf16>, vector<512x128xf32> -> vector<512x128xf32>
    %dot_general3A_90 = arith.constant dense<0.000000e+00> : vector<512x128xf32>
    %dot_general3A_91 = tpu.matmul %get3A_83, %convert_element_type3A_87, %dot_general3A_90 {dimension_numbers = #tpu.dot_dimension_numbers<[1], [0], [0], [1], [0, 0, 1, 1], [], []>, transpose_lhs_hint = false} : vector<512x512xbf16>, vector<512x128xbf16>, vector<512x128xf32> -> vector<512x128xf32>
    %add3A_92 = arith.addf %dot_general3A_89, %dot_general3A_91 : vector<512x128xf32>
    %get3A_93 = arith.constant 0 : index
    %get3A_94 = arith.constant 0 : index
    %get3A_95 = vector.load %arg5[%get3A_93, %get3A_94] : memref<256x128xf32, #tpu.memory_space<vmem>>, vector<256x128xf32>
    %dot_general3A_96 = arith.constant dense<0.000000e+00> : vector<512x128xf32>
    %dot_general3A_97 = tpu.matmul %concatenate3A_73, %get3A_95, %dot_general3A_96 {dimension_numbers = #tpu.dot_dimension_numbers<[1], [0], [0], [1], [0, 0, 1, 1], [], []>, transpose_lhs_hint = false} : vector<512x256xf32>, vector<256x128xf32>, vector<512x128xf32> -> vector<512x128xf32>
    %add3A_98 = arith.addf %add3A_92, %dot_general3A_97 : vector<512x128xf32>
    %get3A_99 = arith.constant 0 : index
    %get3A_100 = arith.constant 0 : index
    %get3A_101 = vector.load %arg6[%get3A_99, %get3A_100] : memref<1x128xf32, #tpu.memory_space<vmem>>, vector<1x128xf32>
    %add3A_102 = vector.broadcast %get3A_101 : vector<1x128xf32> to vector<512x128xf32>
    %add3A_103 = arith.addf %add3A_98, %add3A_102 : vector<512x128xf32>
    %max3A_104 = arith.constant 0.000000e+00 : f32
    %max3A_105 = vector.broadcast %max3A_104 : f32 to vector<512x128xf32>
    %max3A_106 = arith.maximumf %add3A_103, %max3A_105 : vector<512x128xf32>
    %mul3A_107 = vector.broadcast %get3A_1 : vector<1x128xf32> to vector<512x128xf32>
    %mul3A_108 = arith.mulf %max3A_106, %mul3A_107 : vector<512x128xf32>
    %reduce_sum3A_109 = arith.constant dense<0.000000e+00> : vector<512xf32>
    %reduce_sum3A_110 = vector.multi_reduction <add>, %mul3A_108, %reduce_sum3A_109 [1] : vector<512x128xf32> to vector<512xf32>
    %broadcast_in_dim3A_111 = vector.shape_cast %reduce_sum3A_110 : vector<512xf32> to vector<512x1xf32>
    %div3A_112 = vector.broadcast %sqrt3A : f32 to vector<512x1xf32>
    %div3A_113 = arith.divf %broadcast_in_dim3A_111, %div3A_112 : vector<512x1xf32>
    %jit3A_114 = arith.constant 0xFF800000 : f32
    %broadcast_in_dim3A_115 = vector.broadcast %jit3A_114 : f32 to vector<512x1xf32>
    %select_n3A_116 = arith.select %lt3A_7, %div3A_113, %broadcast_in_dim3A_115 : vector<512x1xi1>, vector<512x1xf32>
    %swap3A_117 = arith.constant 1 : index
    %swap3A_118 = arith.constant 0 : index
    %swap3A_119 = arith.constant 0 : index
    %swap3A_120 = vector.load %arg9[%swap3A_117, %swap3A_118, %swap3A_119] : memref<4x512x1xf32, #tpu.memory_space<vmem>>, vector<1x512x1xf32>
    %swap3A_121 = vector.shape_cast %swap3A_120 : vector<1x512x1xf32> to vector<512x1xf32>
    %swap3A_122 = vector.shape_cast %select_n3A_116 : vector<512x1xf32> to vector<1x512x1xf32>
    tpu.vector_store %arg9[%swap3A_117, %swap3A_118, %swap3A_119], %swap3A_122 {strides = array<i32>} : memref<4x512x1xf32, #tpu.memory_space<vmem>>, vector<1x512x1xf32>,
    %swap3A_123 = arith.constant 1 : index
    %swap3A_124 = arith.constant 0 : index
    %swap3A_125 = arith.constant 0 : index
    %swap3A_126 = vector.load %arg8[%swap3A_123, %swap3A_124, %swap3A_125] : memref<4x512x128xf32, #tpu.memory_space<vmem>>, vector<1x512x128xf32>
    %swap3A_127 = vector.shape_cast %swap3A_126 : vector<1x512x128xf32> to vector<512x128xf32>
    %swap3A_128 = vector.shape_cast %max3A_106 : vector<512x128xf32> to vector<1x512x128xf32>
    tpu.vector_store %arg8[%swap3A_123, %swap3A_124, %swap3A_125], %swap3A_128 {strides = array<i32>} : memref<4x512x128xf32, #tpu.memory_space<vmem>>, vector<1x512x128xf32>,
    %get3A_129 = arith.constant 2 : index
    %get3A_130 = arith.constant 0 : index
    %get3A_131 = arith.constant 0 : index
    %get3A_132 = vector.load %arg2[%get3A_129, %get3A_130, %get3A_131] : memref<4x512x128xf32, #tpu.memory_space<vmem>>, vector<1x512x128xf32>
    %get3A_133 = vector.shape_cast %get3A_132 : vector<1x512x128xf32> to vector<512x128xf32>
    %get3A_134 = arith.constant 2 : index
    %get3A_135 = arith.constant 0 : index
    %get3A_136 = arith.constant 0 : index
    %get3A_137 = vector.load %arg3[%get3A_134, %get3A_135, %get3A_136] : memref<4x512x128xf32, #tpu.memory_space<vmem>>, vector<1x512x128xf32>
    %get3A_138 = vector.shape_cast %get3A_137 : vector<1x512x128xf32> to vector<512x128xf32>
    %concatenate3A_139 = tpu.concatenate %get3A_133, %get3A_138 in 1 : vector<512x128xf32>, vector<512x128xf32> -> vector<512x256xf32>
    %get3A_140 = arith.constant 0 : index
    %get3A_141 = arith.constant 0 : index
    %get3A_142 = vector.load %arg4[%get3A_140, %get3A_141] : memref<256x128xf32, #tpu.memory_space<vmem>>, vector<256x128xf32>
    %dot_general3A_143 = arith.constant dense<0.000000e+00> : vector<512x128xf32>
    %dot_general3A_144 = tpu.matmul %concatenate3A_139, %get3A_142, %dot_general3A_143 {dimension_numbers = #tpu.dot_dimension_numbers<[1], [0], [0], [1], [0, 0, 1, 1], [], []>, transpose_lhs_hint = false} : vector<512x256xf32>, vector<256x128xf32>, vector<512x128xf32> -> vector<512x128xf32>
    %get3A_145 = arith.constant 2 : index
    %get3A_146 = arith.constant 0 : index
    %get3A_147 = arith.constant 0 : index
    %get3A_148 = vector.load %arg1[%get3A_145, %get3A_146, %get3A_147] : memref<4x512x512xbf16, #tpu.memory_space<vmem>>, vector<1x512x512xbf16>
    %get3A_149 = vector.shape_cast %get3A_148 : vector<1x512x512xbf16> to vector<512x512xbf16>
    %convert_element_type3A_150 = arith.truncf %dot_general3A_144 : vector<512x128xf32> to vector<512x128xbf16>
    %convert_element_type3A_151 = arith.extf %convert_element_type3A_150 : vector<512x128xbf16> to vector<512x128xf32>
    %sub3A_152 = arith.subf %dot_general3A_144, %convert_element_type3A_151 : vector<512x128xf32>
    %convert_element_type3A_153 = arith.truncf %sub3A_152 : vector<512x128xf32> to vector<512x128xbf16>
    %dot_general3A_154 = arith.constant dense<0.000000e+00> : vector<512x128xf32>
    %dot_general3A_155 = tpu.matmul %get3A_149, %convert_element_type3A_150, %dot_general3A_154 {dimension_numbers = #tpu.dot_dimension_numbers<[1], [0], [0], [1], [0, 0, 1, 1], [], []>, transpose_lhs_hint = false} : vector<512x512xbf16>, vector<512x128xbf16>, vector<512x128xf32> -> vector<512x128xf32>
    %dot_general3A_156 = arith.constant dense<0.000000e+00> : vector<512x128xf32>
    %dot_general3A_157 = tpu.matmul %get3A_149, %convert_element_type3A_153, %dot_general3A_156 {dimension_numbers = #tpu.dot_dimension_numbers<[1], [0], [0], [1], [0, 0, 1, 1], [], []>, transpose_lhs_hint = false} : vector<512x512xbf16>, vector<512x128xbf16>, vector<512x128xf32> -> vector<512x128xf32>
    %add3A_158 = arith.addf %dot_general3A_155, %dot_general3A_157 : vector<512x128xf32>
    %get3A_159 = arith.constant 0 : index
    %get3A_160 = arith.constant 0 : index
    %get3A_161 = vector.load %arg5[%get3A_159, %get3A_160] : memref<256x128xf32, #tpu.memory_space<vmem>>, vector<256x128xf32>
    %dot_general3A_162 = arith.constant dense<0.000000e+00> : vector<512x128xf32>
    %dot_general3A_163 = tpu.matmul %concatenate3A_139, %get3A_161, %dot_general3A_162 {dimension_numbers = #tpu.dot_dimension_numbers<[1], [0], [0], [1], [0, 0, 1, 1], [], []>, transpose_lhs_hint = false} : vector<512x256xf32>, vector<256x128xf32>, vector<512x128xf32> -> vector<512x128xf32>
    %add3A_164 = arith.addf %add3A_158, %dot_general3A_163 : vector<512x128xf32>
    %get3A_165 = arith.constant 0 : index
    %get3A_166 = arith.constant 0 : index
    %get3A_167 = vector.load %arg6[%get3A_165, %get3A_166] : memref<1x128xf32, #tpu.memory_space<vmem>>, vector<1x128xf32>
    %add3A_168 = vector.broadcast %get3A_167 : vector<1x128xf32> to vector<512x128xf32>
    %add3A_169 = arith.addf %add3A_164, %add3A_168 : vector<512x128xf32>
    %max3A_170 = arith.constant 0.000000e+00 : f32
    %max3A_171 = vector.broadcast %max3A_170 : f32 to vector<512x128xf32>
    %max3A_172 = arith.maximumf %add3A_169, %max3A_171 : vector<512x128xf32>
    %mul3A_173 = vector.broadcast %get3A_1 : vector<1x128xf32> to vector<512x128xf32>
    %mul3A_174 = arith.mulf %max3A_172, %mul3A_173 : vector<512x128xf32>
    %reduce_sum3A_175 = arith.constant dense<0.000000e+00> : vector<512xf32>
    %reduce_sum3A_176 = vector.multi_reduction <add>, %mul3A_174, %reduce_sum3A_175 [1] : vector<512x128xf32> to vector<512xf32>
    %broadcast_in_dim3A_177 = vector.shape_cast %reduce_sum3A_176 : vector<512xf32> to vector<512x1xf32>
    %div3A_178 = vector.broadcast %sqrt3A : f32 to vector<512x1xf32>
    %div3A_179 = arith.divf %broadcast_in_dim3A_177, %div3A_178 : vector<512x1xf32>
    %jit3A_180 = arith.constant 0xFF800000 : f32
    %broadcast_in_dim3A_181 = vector.broadcast %jit3A_180 : f32 to vector<512x1xf32>
    %select_n3A_182 = arith.select %lt3A_7, %div3A_179, %broadcast_in_dim3A_181 : vector<512x1xi1>, vector<512x1xf32>
    %swap3A_183 = arith.constant 2 : index
    %swap3A_184 = arith.constant 0 : index
    %swap3A_185 = arith.constant 0 : index
    %swap3A_186 = vector.load %arg9[%swap3A_183, %swap3A_184, %swap3A_185] : memref<4x512x1xf32, #tpu.memory_space<vmem>>, vector<1x512x1xf32>
    %swap3A_187 = vector.shape_cast %swap3A_186 : vector<1x512x1xf32> to vector<512x1xf32>
    %swap3A_188 = vector.shape_cast %select_n3A_182 : vector<512x1xf32> to vector<1x512x1xf32>
    tpu.vector_store %arg9[%swap3A_183, %swap3A_184, %swap3A_185], %swap3A_188 {strides = array<i32>} : memref<4x512x1xf32, #tpu.memory_space<vmem>>, vector<1x512x1xf32>,
    %swap3A_189 = arith.constant 2 : index
    %swap3A_190 = arith.constant 0 : index
    %swap3A_191 = arith.constant 0 : index
    %swap3A_192 = vector.load %arg8[%swap3A_189, %swap3A_190, %swap3A_191] : memref<4x512x128xf32, #tpu.memory_space<vmem>>, vector<1x512x128xf32>
    %swap3A_193 = vector.shape_cast %swap3A_192 : vector<1x512x128xf32> to vector<512x128xf32>
    %swap3A_194 = vector.shape_cast %max3A_172 : vector<512x128xf32> to vector<1x512x128xf32>
    tpu.vector_store %arg8[%swap3A_189, %swap3A_190, %swap3A_191], %swap3A_194 {strides = array<i32>} : memref<4x512x128xf32, #tpu.memory_space<vmem>>, vector<1x512x128xf32>,
    %get3A_195 = arith.constant 3 : index
    %get3A_196 = arith.constant 0 : index
    %get3A_197 = arith.constant 0 : index
    %get3A_198 = vector.load %arg2[%get3A_195, %get3A_196, %get3A_197] : memref<4x512x128xf32, #tpu.memory_space<vmem>>, vector<1x512x128xf32>
    %get3A_199 = vector.shape_cast %get3A_198 : vector<1x512x128xf32> to vector<512x128xf32>
    %get3A_200 = arith.constant 3 : index
    %get3A_201 = arith.constant 0 : index
    %get3A_202 = arith.constant 0 : index
    %get3A_203 = vector.load %arg3[%get3A_200, %get3A_201, %get3A_202] : memref<4x512x128xf32, #tpu.memory_space<vmem>>, vector<1x512x128xf32>
    %get3A_204 = vector.shape_cast %get3A_203 : vector<1x512x128xf32> to vector<512x128xf32>
    %concatenate3A_205 = tpu.concatenate %get3A_199, %get3A_204 in 1 : vector<512x128xf32>, vector<512x128xf32> -> vector<512x256xf32>
    %get3A_206 = arith.constant 0 : index
    %get3A_207 = arith.constant 0 : index
    %get3A_208 = vector.load %arg4[%get3A_206, %get3A_207] : memref<256x128xf32, #tpu.memory_space<vmem>>, vector<256x128xf32>
    %dot_general3A_209 = arith.constant dense<0.000000e+00> : vector<512x128xf32>
    %dot_general3A_210 = tpu.matmul %concatenate3A_205, %get3A_208, %dot_general3A_209 {dimension_numbers = #tpu.dot_dimension_numbers<[1], [0], [0], [1], [0, 0, 1, 1], [], []>, transpose_lhs_hint = false} : vector<512x256xf32>, vector<256x128xf32>, vector<512x128xf32> -> vector<512x128xf32>
    %get3A_211 = arith.constant 3 : index
    %get3A_212 = arith.constant 0 : index
    %get3A_213 = arith.constant 0 : index
    %get3A_214 = vector.load %arg1[%get3A_211, %get3A_212, %get3A_213] : memref<4x512x512xbf16, #tpu.memory_space<vmem>>, vector<1x512x512xbf16>
    %get3A_215 = vector.shape_cast %get3A_214 : vector<1x512x512xbf16> to vector<512x512xbf16>
    %convert_element_type3A_216 = arith.truncf %dot_general3A_210 : vector<512x128xf32> to vector<512x128xbf16>
    %convert_element_type3A_217 = arith.extf %convert_element_type3A_216 : vector<512x128xbf16> to vector<512x128xf32>
    %sub3A_218 = arith.subf %dot_general3A_210, %convert_element_type3A_217 : vector<512x128xf32>
    %convert_element_type3A_219 = arith.truncf %sub3A_218 : vector<512x128xf32> to vector<512x128xbf16>
    %dot_general3A_220 = arith.constant dense<0.000000e+00> : vector<512x128xf32>
    %dot_general3A_221 = tpu.matmul %get3A_215, %convert_element_type3A_216, %dot_general3A_220 {dimension_numbers = #tpu.dot_dimension_numbers<[1], [0], [0], [1], [0, 0, 1, 1], [], []>, transpose_lhs_hint = false} : vector<512x512xbf16>, vector<512x128xbf16>, vector<512x128xf32> -> vector<512x128xf32>
    %dot_general3A_222 = arith.constant dense<0.000000e+00> : vector<512x128xf32>
    %dot_general3A_223 = tpu.matmul %get3A_215, %convert_element_type3A_219, %dot_general3A_222 {dimension_numbers = #tpu.dot_dimension_numbers<[1], [0], [0], [1], [0, 0, 1, 1], [], []>, transpose_lhs_hint = false} : vector<512x512xbf16>, vector<512x128xbf16>, vector<512x128xf32> -> vector<512x128xf32>
    %add3A_224 = arith.addf %dot_general3A_221, %dot_general3A_223 : vector<512x128xf32>
    %get3A_225 = arith.constant 0 : index
    %get3A_226 = arith.constant 0 : index
    %get3A_227 = vector.load %arg5[%get3A_225, %get3A_226] : memref<256x128xf32, #tpu.memory_space<vmem>>, vector<256x128xf32>
    %dot_general3A_228 = arith.constant dense<0.000000e+00> : vector<512x128xf32>
    %dot_general3A_229 = tpu.matmul %concatenate3A_205, %get3A_227, %dot_general3A_228 {dimension_numbers = #tpu.dot_dimension_numbers<[1], [0], [0], [1], [0, 0, 1, 1], [], []>, transpose_lhs_hint = false} : vector<512x256xf32>, vector<256x128xf32>, vector<512x128xf32> -> vector<512x128xf32>
    %add3A_230 = arith.addf %add3A_224, %dot_general3A_229 : vector<512x128xf32>
    %get3A_231 = arith.constant 0 : index
    %get3A_232 = arith.constant 0 : index
    %get3A_233 = vector.load %arg6[%get3A_231, %get3A_232] : memref<1x128xf32, #tpu.memory_space<vmem>>, vector<1x128xf32>
    %add3A_234 = vector.broadcast %get3A_233 : vector<1x128xf32> to vector<512x128xf32>
    %add3A_235 = arith.addf %add3A_230, %add3A_234 : vector<512x128xf32>
    %max3A_236 = arith.constant 0.000000e+00 : f32
    %max3A_237 = vector.broadcast %max3A_236 : f32 to vector<512x128xf32>
    %max3A_238 = arith.maximumf %add3A_235, %max3A_237 : vector<512x128xf32>
    %mul3A_239 = vector.broadcast %get3A_1 : vector<1x128xf32> to vector<512x128xf32>
    %mul3A_240 = arith.mulf %max3A_238, %mul3A_239 : vector<512x128xf32>
    %reduce_sum3A_241 = arith.constant dense<0.000000e+00> : vector<512xf32>
    %reduce_sum3A_242 = vector.multi_reduction <add>, %mul3A_240, %reduce_sum3A_241 [1] : vector<512x128xf32> to vector<512xf32>
    %broadcast_in_dim3A_243 = vector.shape_cast %reduce_sum3A_242 : vector<512xf32> to vector<512x1xf32>
    %div3A_244 = vector.broadcast %sqrt3A : f32 to vector<512x1xf32>
    %div3A_245 = arith.divf %broadcast_in_dim3A_243, %div3A_244 : vector<512x1xf32>
    %jit3A_246 = arith.constant 0xFF800000 : f32
    %broadcast_in_dim3A_247 = vector.broadcast %jit3A_246 : f32 to vector<512x1xf32>
    %select_n3A_248 = arith.select %lt3A_7, %div3A_245, %broadcast_in_dim3A_247 : vector<512x1xi1>, vector<512x1xf32>
    %swap3A_249 = arith.constant 3 : index
    %swap3A_250 = arith.constant 0 : index
    %swap3A_251 = arith.constant 0 : index
    %swap3A_252 = vector.load %arg9[%swap3A_249, %swap3A_250, %swap3A_251] : memref<4x512x1xf32, #tpu.memory_space<vmem>>, vector<1x512x1xf32>
    %swap3A_253 = vector.shape_cast %swap3A_252 : vector<1x512x1xf32> to vector<512x1xf32>
    %swap3A_254 = vector.shape_cast %select_n3A_248 : vector<512x1xf32> to vector<1x512x1xf32>
    tpu.vector_store %arg9[%swap3A_249, %swap3A_250, %swap3A_251], %swap3A_254 {strides = array<i32>} : memref<4x512x1xf32, #tpu.memory_space<vmem>>, vector<1x512x1xf32>,
    %swap3A_255 = arith.constant 3 : index
    %swap3A_256 = arith.constant 0 : index
    %swap3A_257 = arith.constant 0 : index
    %swap3A_258 = vector.load %arg8[%swap3A_255, %swap3A_256, %swap3A_257] : memref<4x512x128xf32, #tpu.memory_space<vmem>>, vector<1x512x128xf32>
    %swap3A_259 = vector.shape_cast %swap3A_258 : vector<1x512x128xf32> to vector<512x128xf32>
    %swap3A_260 = vector.shape_cast %max3A_238 : vector<512x128xf32> to vector<1x512x128xf32>
    tpu.vector_store %arg8[%swap3A_255, %swap3A_256, %swap3A_257], %swap3A_260 {strides = array<i32>} : memref<4x512x128xf32, #tpu.memory_space<vmem>>, vector<1x512x128xf32>,
    return
  }
  func.func @transform_0(%arg0: i32) -> (i32, i32, i32) {
    %c0_i32 = arith.constant 0 : i32
    %c0_i32_0 = arith.constant 0 : i32
    %c0_i32_1 = arith.constant 0 : i32
    return %arg0, %c0_i32, %c0_i32_0 : i32, i32, i32
  }
  func.func @transform_1(%arg0: i32) -> (i32, i32, i32) {
    %c0_i32 = arith.constant 0 : i32
    %c0_i32_0 = arith.constant 0 : i32
    %c0_i32_1 = arith.constant 0 : i32
    return %arg0, %c0_i32, %c0_i32_0 : i32, i32, i32
  }
  func.func @transform_2(%arg0: i32) -> (i32, i32, i32) {
    %c0_i32 = arith.constant 0 : i32
    %c0_i32_0 = arith.constant 0 : i32
    %c0_i32_1 = arith.constant 0 : i32
    return %arg0, %c0_i32, %c0_i32_0 : i32, i32, i32
  }
  func.func @transform_3(%arg0: i32) -> (i32, i32) {
    %c0_i32 = arith.constant 0 : i32
    %c0_i32_0 = arith.constant 0 : i32
    %c0_i32_1 = arith.constant 0 : i32
    return %c0_i32, %c0_i32_0 : i32, i32
  }
  func.func @transform_4(%arg0: i32) -> (i32, i32) {
    %c0_i32 = arith.constant 0 : i32
    %c0_i32_0 = arith.constant 0 : i32
    %c0_i32_1 = arith.constant 0 : i32
    return %c0_i32, %c0_i32_0 : i32, i32
  }
  func.func @transform_5(%arg0: i32) -> (i32, i32) {
    %c0_i32 = arith.constant 0 : i32
    %c0_i32_0 = arith.constant 0 : i32
    %c0_i32_1 = arith.constant 0 : i32
    return %c0_i32, %c0_i32_0 : i32, i32
  }
  func.func @transform_6(%arg0: i32) -> (i32, i32) {
    %c0_i32 = arith.constant 0 : i32
    %c0_i32_0 = arith.constant 0 : i32
    %c0_i32_1 = arith.constant 0 : i32
    return %c0_i32, %c0_i32_0 : i32, i32
  }
  func.func @transform_7(%arg0: i32) -> (i32, i32, i32) {
    %c0_i32 = arith.constant 0 : i32
    %c0_i32_0 = arith.constant 0 : i32
    %c0_i32_1 = arith.constant 0 : i32
    return %arg0, %c0_i32, %c0_i32_0 : i32, i32, i32
  }
  func.func @transform_8(%arg0: i32) -> (i32, i32, i32) {
    %c0_i32 = arith.constant 0 : i32
    %c0_i32_0 = arith.constant 0 : i32
    %c0_i32_1 = arith.constant 0 : i32
    return %arg0, %c0_i32, %c0_i32_0 : i32, i32, i32
  }
}

module attributes {stable_mosaic.version = 14 : i64} {
  func.func @body(%arg0: memref<20x512xf32, #tpu.memory_space<vmem>>, %arg1: memref<20x512xf32, #tpu.memory_space<vmem>>, %arg2: memref<20x512xf32, #tpu.memory_space<vmem>>) attributes {dimension_semantics = [], scalar_prefetch = 0 : i64, scratch_operands = 0 : i64, tpu.core_type = #tpu.core_type<tc>} {
    %get3A = arith.constant 0 : index
    %get3A_0 = arith.constant 0 : index
    %get3A_1 = vector.load %arg0[%get3A, %get3A_0] : memref<20x512xf32, #tpu.memory_space<vmem>>, vector<20x512xf32>
    %bitcast_convert_type3A = tpu.bitcast %get3A_1 : vector<20x512xf32> -> vector<20x512xi32>
    %ge3A = arith.constant 0 : i32
    %ge3A_2 = vector.broadcast %ge3A : i32 to vector<20x512xi32>
    %ge3A_3 = arith.cmpi sge, %bitcast_convert_type3A, %ge3A_2 : vector<20x512xi32>
    %xor3A = arith.constant 2147483647 : i32
    %xor3A_4 = vector.broadcast %xor3A : i32 to vector<20x512xi32>
    %xor3A_5 = arith.xori %bitcast_convert_type3A, %xor3A_4 : vector<20x512xi32>
    %select_n3A = arith.select %ge3A_3, %bitcast_convert_type3A, %xor3A_5 : vector<20x512xi1>, vector<20x512xi32>
    %broadcast_in_dim3A = arith.constant 0 : i32
    %broadcast_in_dim3A_6 = vector.broadcast %broadcast_in_dim3A : i32 to vector<20x1xi32>
    %or3A = arith.constant -2147483648 : i32
    %or3A_7 = vector.broadcast %or3A : i32 to vector<20x1xi32>
    %or3A_8 = arith.ori %broadcast_in_dim3A_6, %or3A_7 : vector<20x1xi32>
    %xor3A_9 = arith.constant -2147483648 : i32
    %xor3A_10 = vector.broadcast %xor3A_9 : i32 to vector<20x1xi32>
    %xor3A_11 = arith.xori %or3A_8, %xor3A_10 : vector<20x1xi32>
    %ge3A_12 = vector.broadcast %xor3A_11 : vector<20x1xi32> to vector<20x512xi32>
    %ge3A_13 = arith.cmpi sge, %select_n3A, %ge3A_12 : vector<20x512xi32>
    %convert_element_type3A = arith.extui %ge3A_13 : vector<20x512xi1> to vector<20x512xi32>
    %reduce_sum3A = arith.constant dense<0> : vector<20xi32>
    %reduce_sum3A_14 = vector.multi_reduction <add>, %convert_element_type3A, %reduce_sum3A [1] : vector<20x512xi32> to vector<20xi32>
    %broadcast_in_dim3A_15 = vector.shape_cast %reduce_sum3A_14 : vector<20xi32> to vector<20x1xi32>
    %ge3A_16 = arith.constant 450 : i32
    %ge3A_17 = vector.broadcast %ge3A_16 : i32 to vector<20x1xi32>
    %ge3A_18 = arith.cmpi sge, %broadcast_in_dim3A_15, %ge3A_17 : vector<20x1xi32>
    %select_n3A_19 = arith.select %ge3A_18, %or3A_8, %broadcast_in_dim3A_6 : vector<20x1xi1>, vector<20x1xi32>
    %or3A_20 = arith.constant 1073741824 : i32
    %or3A_21 = vector.broadcast %or3A_20 : i32 to vector<20x1xi32>
    %or3A_22 = arith.ori %select_n3A_19, %or3A_21 : vector<20x1xi32>
    %xor3A_23 = arith.constant -2147483648 : i32
    %xor3A_24 = vector.broadcast %xor3A_23 : i32 to vector<20x1xi32>
    %xor3A_25 = arith.xori %or3A_22, %xor3A_24 : vector<20x1xi32>
    %ge3A_26 = vector.broadcast %xor3A_25 : vector<20x1xi32> to vector<20x512xi32>
    %ge3A_27 = arith.cmpi sge, %select_n3A, %ge3A_26 : vector<20x512xi32>
    %convert_element_type3A_28 = arith.extui %ge3A_27 : vector<20x512xi1> to vector<20x512xi32>
    %reduce_sum3A_29 = arith.constant dense<0> : vector<20xi32>
    %reduce_sum3A_30 = vector.multi_reduction <add>, %convert_element_type3A_28, %reduce_sum3A_29 [1] : vector<20x512xi32> to vector<20xi32>
    %broadcast_in_dim3A_31 = vector.shape_cast %reduce_sum3A_30 : vector<20xi32> to vector<20x1xi32>
    %ge3A_32 = arith.constant 450 : i32
    %ge3A_33 = vector.broadcast %ge3A_32 : i32 to vector<20x1xi32>
    %ge3A_34 = arith.cmpi sge, %broadcast_in_dim3A_31, %ge3A_33 : vector<20x1xi32>
    %select_n3A_35 = arith.select %ge3A_34, %or3A_22, %select_n3A_19 : vector<20x1xi1>, vector<20x1xi32>
    %or3A_36 = arith.constant 536870912 : i32
    %or3A_37 = vector.broadcast %or3A_36 : i32 to vector<20x1xi32>
    %or3A_38 = arith.ori %select_n3A_35, %or3A_37 : vector<20x1xi32>
    %xor3A_39 = arith.constant -2147483648 : i32
    %xor3A_40 = vector.broadcast %xor3A_39 : i32 to vector<20x1xi32>
    %xor3A_41 = arith.xori %or3A_38, %xor3A_40 : vector<20x1xi32>
    %ge3A_42 = vector.broadcast %xor3A_41 : vector<20x1xi32> to vector<20x512xi32>
    %ge3A_43 = arith.cmpi sge, %select_n3A, %ge3A_42 : vector<20x512xi32>
    %convert_element_type3A_44 = arith.extui %ge3A_43 : vector<20x512xi1> to vector<20x512xi32>
    %reduce_sum3A_45 = arith.constant dense<0> : vector<20xi32>
    %reduce_sum3A_46 = vector.multi_reduction <add>, %convert_element_type3A_44, %reduce_sum3A_45 [1] : vector<20x512xi32> to vector<20xi32>
    %broadcast_in_dim3A_47 = vector.shape_cast %reduce_sum3A_46 : vector<20xi32> to vector<20x1xi32>
    %ge3A_48 = arith.constant 450 : i32
    %ge3A_49 = vector.broadcast %ge3A_48 : i32 to vector<20x1xi32>
    %ge3A_50 = arith.cmpi sge, %broadcast_in_dim3A_47, %ge3A_49 : vector<20x1xi32>
    %select_n3A_51 = arith.select %ge3A_50, %or3A_38, %select_n3A_35 : vector<20x1xi1>, vector<20x1xi32>
    %or3A_52 = arith.constant 268435456 : i32
    %or3A_53 = vector.broadcast %or3A_52 : i32 to vector<20x1xi32>
    %or3A_54 = arith.ori %select_n3A_51, %or3A_53 : vector<20x1xi32>
    %xor3A_55 = arith.constant -2147483648 : i32
    %xor3A_56 = vector.broadcast %xor3A_55 : i32 to vector<20x1xi32>
    %xor3A_57 = arith.xori %or3A_54, %xor3A_56 : vector<20x1xi32>
    %ge3A_58 = vector.broadcast %xor3A_57 : vector<20x1xi32> to vector<20x512xi32>
    %ge3A_59 = arith.cmpi sge, %select_n3A, %ge3A_58 : vector<20x512xi32>
    %convert_element_type3A_60 = arith.extui %ge3A_59 : vector<20x512xi1> to vector<20x512xi32>
    %reduce_sum3A_61 = arith.constant dense<0> : vector<20xi32>
    %reduce_sum3A_62 = vector.multi_reduction <add>, %convert_element_type3A_60, %reduce_sum3A_61 [1] : vector<20x512xi32> to vector<20xi32>
    %broadcast_in_dim3A_63 = vector.shape_cast %reduce_sum3A_62 : vector<20xi32> to vector<20x1xi32>
    %ge3A_64 = arith.constant 450 : i32
    %ge3A_65 = vector.broadcast %ge3A_64 : i32 to vector<20x1xi32>
    %ge3A_66 = arith.cmpi sge, %broadcast_in_dim3A_63, %ge3A_65 : vector<20x1xi32>
    %select_n3A_67 = arith.select %ge3A_66, %or3A_54, %select_n3A_51 : vector<20x1xi1>, vector<20x1xi32>
    %or3A_68 = arith.constant 134217728 : i32
    %or3A_69 = vector.broadcast %or3A_68 : i32 to vector<20x1xi32>
    %or3A_70 = arith.ori %select_n3A_67, %or3A_69 : vector<20x1xi32>
    %xor3A_71 = arith.constant -2147483648 : i32
    %xor3A_72 = vector.broadcast %xor3A_71 : i32 to vector<20x1xi32>
    %xor3A_73 = arith.xori %or3A_70, %xor3A_72 : vector<20x1xi32>
    %ge3A_74 = vector.broadcast %xor3A_73 : vector<20x1xi32> to vector<20x512xi32>
    %ge3A_75 = arith.cmpi sge, %select_n3A, %ge3A_74 : vector<20x512xi32>
    %convert_element_type3A_76 = arith.extui %ge3A_75 : vector<20x512xi1> to vector<20x512xi32>
    %reduce_sum3A_77 = arith.constant dense<0> : vector<20xi32>
    %reduce_sum3A_78 = vector.multi_reduction <add>, %convert_element_type3A_76, %reduce_sum3A_77 [1] : vector<20x512xi32> to vector<20xi32>
    %broadcast_in_dim3A_79 = vector.shape_cast %reduce_sum3A_78 : vector<20xi32> to vector<20x1xi32>
    %ge3A_80 = arith.constant 450 : i32
    %ge3A_81 = vector.broadcast %ge3A_80 : i32 to vector<20x1xi32>
    %ge3A_82 = arith.cmpi sge, %broadcast_in_dim3A_79, %ge3A_81 : vector<20x1xi32>
    %select_n3A_83 = arith.select %ge3A_82, %or3A_70, %select_n3A_67 : vector<20x1xi1>, vector<20x1xi32>
    %or3A_84 = arith.constant 67108864 : i32
    %or3A_85 = vector.broadcast %or3A_84 : i32 to vector<20x1xi32>
    %or3A_86 = arith.ori %select_n3A_83, %or3A_85 : vector<20x1xi32>
    %xor3A_87 = arith.constant -2147483648 : i32
    %xor3A_88 = vector.broadcast %xor3A_87 : i32 to vector<20x1xi32>
    %xor3A_89 = arith.xori %or3A_86, %xor3A_88 : vector<20x1xi32>
    %ge3A_90 = vector.broadcast %xor3A_89 : vector<20x1xi32> to vector<20x512xi32>
    %ge3A_91 = arith.cmpi sge, %select_n3A, %ge3A_90 : vector<20x512xi32>
    %convert_element_type3A_92 = arith.extui %ge3A_91 : vector<20x512xi1> to vector<20x512xi32>
    %reduce_sum3A_93 = arith.constant dense<0> : vector<20xi32>
    %reduce_sum3A_94 = vector.multi_reduction <add>, %convert_element_type3A_92, %reduce_sum3A_93 [1] : vector<20x512xi32> to vector<20xi32>
    %broadcast_in_dim3A_95 = vector.shape_cast %reduce_sum3A_94 : vector<20xi32> to vector<20x1xi32>
    %ge3A_96 = arith.constant 450 : i32
    %ge3A_97 = vector.broadcast %ge3A_96 : i32 to vector<20x1xi32>
    %ge3A_98 = arith.cmpi sge, %broadcast_in_dim3A_95, %ge3A_97 : vector<20x1xi32>
    %select_n3A_99 = arith.select %ge3A_98, %or3A_86, %select_n3A_83 : vector<20x1xi1>, vector<20x1xi32>
    %or3A_100 = arith.constant 33554432 : i32
    %or3A_101 = vector.broadcast %or3A_100 : i32 to vector<20x1xi32>
    %or3A_102 = arith.ori %select_n3A_99, %or3A_101 : vector<20x1xi32>
    %xor3A_103 = arith.constant -2147483648 : i32
    %xor3A_104 = vector.broadcast %xor3A_103 : i32 to vector<20x1xi32>
    %xor3A_105 = arith.xori %or3A_102, %xor3A_104 : vector<20x1xi32>
    %ge3A_106 = vector.broadcast %xor3A_105 : vector<20x1xi32> to vector<20x512xi32>
    %ge3A_107 = arith.cmpi sge, %select_n3A, %ge3A_106 : vector<20x512xi32>
    %convert_element_type3A_108 = arith.extui %ge3A_107 : vector<20x512xi1> to vector<20x512xi32>
    %reduce_sum3A_109 = arith.constant dense<0> : vector<20xi32>
    %reduce_sum3A_110 = vector.multi_reduction <add>, %convert_element_type3A_108, %reduce_sum3A_109 [1] : vector<20x512xi32> to vector<20xi32>
    %broadcast_in_dim3A_111 = vector.shape_cast %reduce_sum3A_110 : vector<20xi32> to vector<20x1xi32>
    %ge3A_112 = arith.constant 450 : i32
    %ge3A_113 = vector.broadcast %ge3A_112 : i32 to vector<20x1xi32>
    %ge3A_114 = arith.cmpi sge, %broadcast_in_dim3A_111, %ge3A_113 : vector<20x1xi32>
    %select_n3A_115 = arith.select %ge3A_114, %or3A_102, %select_n3A_99 : vector<20x1xi1>, vector<20x1xi32>
    %or3A_116 = arith.constant 16777216 : i32
    %or3A_117 = vector.broadcast %or3A_116 : i32 to vector<20x1xi32>
    %or3A_118 = arith.ori %select_n3A_115, %or3A_117 : vector<20x1xi32>
    %xor3A_119 = arith.constant -2147483648 : i32
    %xor3A_120 = vector.broadcast %xor3A_119 : i32 to vector<20x1xi32>
    %xor3A_121 = arith.xori %or3A_118, %xor3A_120 : vector<20x1xi32>
    %ge3A_122 = vector.broadcast %xor3A_121 : vector<20x1xi32> to vector<20x512xi32>
    %ge3A_123 = arith.cmpi sge, %select_n3A, %ge3A_122 : vector<20x512xi32>
    %convert_element_type3A_124 = arith.extui %ge3A_123 : vector<20x512xi1> to vector<20x512xi32>
    %reduce_sum3A_125 = arith.constant dense<0> : vector<20xi32>
    %reduce_sum3A_126 = vector.multi_reduction <add>, %convert_element_type3A_124, %reduce_sum3A_125 [1] : vector<20x512xi32> to vector<20xi32>
    %broadcast_in_dim3A_127 = vector.shape_cast %reduce_sum3A_126 : vector<20xi32> to vector<20x1xi32>
    %ge3A_128 = arith.constant 450 : i32
    %ge3A_129 = vector.broadcast %ge3A_128 : i32 to vector<20x1xi32>
    %ge3A_130 = arith.cmpi sge, %broadcast_in_dim3A_127, %ge3A_129 : vector<20x1xi32>
    %select_n3A_131 = arith.select %ge3A_130, %or3A_118, %select_n3A_115 : vector<20x1xi1>, vector<20x1xi32>
    %or3A_132 = arith.constant 8388608 : i32
    %or3A_133 = vector.broadcast %or3A_132 : i32 to vector<20x1xi32>
    %or3A_134 = arith.ori %select_n3A_131, %or3A_133 : vector<20x1xi32>
    %xor3A_135 = arith.constant -2147483648 : i32
    %xor3A_136 = vector.broadcast %xor3A_135 : i32 to vector<20x1xi32>
    %xor3A_137 = arith.xori %or3A_134, %xor3A_136 : vector<20x1xi32>
    %ge3A_138 = vector.broadcast %xor3A_137 : vector<20x1xi32> to vector<20x512xi32>
    %ge3A_139 = arith.cmpi sge, %select_n3A, %ge3A_138 : vector<20x512xi32>
    %convert_element_type3A_140 = arith.extui %ge3A_139 : vector<20x512xi1> to vector<20x512xi32>
    %reduce_sum3A_141 = arith.constant dense<0> : vector<20xi32>
    %reduce_sum3A_142 = vector.multi_reduction <add>, %convert_element_type3A_140, %reduce_sum3A_141 [1] : vector<20x512xi32> to vector<20xi32>
    %broadcast_in_dim3A_143 = vector.shape_cast %reduce_sum3A_142 : vector<20xi32> to vector<20x1xi32>
    %ge3A_144 = arith.constant 450 : i32
    %ge3A_145 = vector.broadcast %ge3A_144 : i32 to vector<20x1xi32>
    %ge3A_146 = arith.cmpi sge, %broadcast_in_dim3A_143, %ge3A_145 : vector<20x1xi32>
    %select_n3A_147 = arith.select %ge3A_146, %or3A_134, %select_n3A_131 : vector<20x1xi1>, vector<20x1xi32>
    %or3A_148 = arith.constant 4194304 : i32
    %or3A_149 = vector.broadcast %or3A_148 : i32 to vector<20x1xi32>
    %or3A_150 = arith.ori %select_n3A_147, %or3A_149 : vector<20x1xi32>
    %xor3A_151 = arith.constant -2147483648 : i32
    %xor3A_152 = vector.broadcast %xor3A_151 : i32 to vector<20x1xi32>
    %xor3A_153 = arith.xori %or3A_150, %xor3A_152 : vector<20x1xi32>
    %ge3A_154 = vector.broadcast %xor3A_153 : vector<20x1xi32> to vector<20x512xi32>
    %ge3A_155 = arith.cmpi sge, %select_n3A, %ge3A_154 : vector<20x512xi32>
    %convert_element_type3A_156 = arith.extui %ge3A_155 : vector<20x512xi1> to vector<20x512xi32>
    %reduce_sum3A_157 = arith.constant dense<0> : vector<20xi32>
    %reduce_sum3A_158 = vector.multi_reduction <add>, %convert_element_type3A_156, %reduce_sum3A_157 [1] : vector<20x512xi32> to vector<20xi32>
    %broadcast_in_dim3A_159 = vector.shape_cast %reduce_sum3A_158 : vector<20xi32> to vector<20x1xi32>
    %ge3A_160 = arith.constant 450 : i32
    %ge3A_161 = vector.broadcast %ge3A_160 : i32 to vector<20x1xi32>
    %ge3A_162 = arith.cmpi sge, %broadcast_in_dim3A_159, %ge3A_161 : vector<20x1xi32>
    %select_n3A_163 = arith.select %ge3A_162, %or3A_150, %select_n3A_147 : vector<20x1xi1>, vector<20x1xi32>
    %or3A_164 = arith.constant 2097152 : i32
    %or3A_165 = vector.broadcast %or3A_164 : i32 to vector<20x1xi32>
    %or3A_166 = arith.ori %select_n3A_163, %or3A_165 : vector<20x1xi32>
    %xor3A_167 = arith.constant -2147483648 : i32
    %xor3A_168 = vector.broadcast %xor3A_167 : i32 to vector<20x1xi32>
    %xor3A_169 = arith.xori %or3A_166, %xor3A_168 : vector<20x1xi32>
    %ge3A_170 = vector.broadcast %xor3A_169 : vector<20x1xi32> to vector<20x512xi32>
    %ge3A_171 = arith.cmpi sge, %select_n3A, %ge3A_170 : vector<20x512xi32>
    %convert_element_type3A_172 = arith.extui %ge3A_171 : vector<20x512xi1> to vector<20x512xi32>
    %reduce_sum3A_173 = arith.constant dense<0> : vector<20xi32>
    %reduce_sum3A_174 = vector.multi_reduction <add>, %convert_element_type3A_172, %reduce_sum3A_173 [1] : vector<20x512xi32> to vector<20xi32>
    %broadcast_in_dim3A_175 = vector.shape_cast %reduce_sum3A_174 : vector<20xi32> to vector<20x1xi32>
    %ge3A_176 = arith.constant 450 : i32
    %ge3A_177 = vector.broadcast %ge3A_176 : i32 to vector<20x1xi32>
    %ge3A_178 = arith.cmpi sge, %broadcast_in_dim3A_175, %ge3A_177 : vector<20x1xi32>
    %select_n3A_179 = arith.select %ge3A_178, %or3A_166, %select_n3A_163 : vector<20x1xi1>, vector<20x1xi32>
    %or3A_180 = arith.constant 1048576 : i32
    %or3A_181 = vector.broadcast %or3A_180 : i32 to vector<20x1xi32>
    %or3A_182 = arith.ori %select_n3A_179, %or3A_181 : vector<20x1xi32>
    %xor3A_183 = arith.constant -2147483648 : i32
    %xor3A_184 = vector.broadcast %xor3A_183 : i32 to vector<20x1xi32>
    %xor3A_185 = arith.xori %or3A_182, %xor3A_184 : vector<20x1xi32>
    %ge3A_186 = vector.broadcast %xor3A_185 : vector<20x1xi32> to vector<20x512xi32>
    %ge3A_187 = arith.cmpi sge, %select_n3A, %ge3A_186 : vector<20x512xi32>
    %convert_element_type3A_188 = arith.extui %ge3A_187 : vector<20x512xi1> to vector<20x512xi32>
    %reduce_sum3A_189 = arith.constant dense<0> : vector<20xi32>
    %reduce_sum3A_190 = vector.multi_reduction <add>, %convert_element_type3A_188, %reduce_sum3A_189 [1] : vector<20x512xi32> to vector<20xi32>
    %broadcast_in_dim3A_191 = vector.shape_cast %reduce_sum3A_190 : vector<20xi32> to vector<20x1xi32>
    %ge3A_192 = arith.constant 450 : i32
    %ge3A_193 = vector.broadcast %ge3A_192 : i32 to vector<20x1xi32>
    %ge3A_194 = arith.cmpi sge, %broadcast_in_dim3A_191, %ge3A_193 : vector<20x1xi32>
    %select_n3A_195 = arith.select %ge3A_194, %or3A_182, %select_n3A_179 : vector<20x1xi1>, vector<20x1xi32>
    %or3A_196 = arith.constant 524288 : i32
    %or3A_197 = vector.broadcast %or3A_196 : i32 to vector<20x1xi32>
    %or3A_198 = arith.ori %select_n3A_195, %or3A_197 : vector<20x1xi32>
    %xor3A_199 = arith.constant -2147483648 : i32
    %xor3A_200 = vector.broadcast %xor3A_199 : i32 to vector<20x1xi32>
    %xor3A_201 = arith.xori %or3A_198, %xor3A_200 : vector<20x1xi32>
    %ge3A_202 = vector.broadcast %xor3A_201 : vector<20x1xi32> to vector<20x512xi32>
    %ge3A_203 = arith.cmpi sge, %select_n3A, %ge3A_202 : vector<20x512xi32>
    %convert_element_type3A_204 = arith.extui %ge3A_203 : vector<20x512xi1> to vector<20x512xi32>
    %reduce_sum3A_205 = arith.constant dense<0> : vector<20xi32>
    %reduce_sum3A_206 = vector.multi_reduction <add>, %convert_element_type3A_204, %reduce_sum3A_205 [1] : vector<20x512xi32> to vector<20xi32>
    %broadcast_in_dim3A_207 = vector.shape_cast %reduce_sum3A_206 : vector<20xi32> to vector<20x1xi32>
    %ge3A_208 = arith.constant 450 : i32
    %ge3A_209 = vector.broadcast %ge3A_208 : i32 to vector<20x1xi32>
    %ge3A_210 = arith.cmpi sge, %broadcast_in_dim3A_207, %ge3A_209 : vector<20x1xi32>
    %select_n3A_211 = arith.select %ge3A_210, %or3A_198, %select_n3A_195 : vector<20x1xi1>, vector<20x1xi32>
    %or3A_212 = arith.constant 262144 : i32
    %or3A_213 = vector.broadcast %or3A_212 : i32 to vector<20x1xi32>
    %or3A_214 = arith.ori %select_n3A_211, %or3A_213 : vector<20x1xi32>
    %xor3A_215 = arith.constant -2147483648 : i32
    %xor3A_216 = vector.broadcast %xor3A_215 : i32 to vector<20x1xi32>
    %xor3A_217 = arith.xori %or3A_214, %xor3A_216 : vector<20x1xi32>
    %ge3A_218 = vector.broadcast %xor3A_217 : vector<20x1xi32> to vector<20x512xi32>
    %ge3A_219 = arith.cmpi sge, %select_n3A, %ge3A_218 : vector<20x512xi32>
    %convert_element_type3A_220 = arith.extui %ge3A_219 : vector<20x512xi1> to vector<20x512xi32>
    %reduce_sum3A_221 = arith.constant dense<0> : vector<20xi32>
    %reduce_sum3A_222 = vector.multi_reduction <add>, %convert_element_type3A_220, %reduce_sum3A_221 [1] : vector<20x512xi32> to vector<20xi32>
    %broadcast_in_dim3A_223 = vector.shape_cast %reduce_sum3A_222 : vector<20xi32> to vector<20x1xi32>
    %ge3A_224 = arith.constant 450 : i32
    %ge3A_225 = vector.broadcast %ge3A_224 : i32 to vector<20x1xi32>
    %ge3A_226 = arith.cmpi sge, %broadcast_in_dim3A_223, %ge3A_225 : vector<20x1xi32>
    %select_n3A_227 = arith.select %ge3A_226, %or3A_214, %select_n3A_211 : vector<20x1xi1>, vector<20x1xi32>
    %or3A_228 = arith.constant 131072 : i32
    %or3A_229 = vector.broadcast %or3A_228 : i32 to vector<20x1xi32>
    %or3A_230 = arith.ori %select_n3A_227, %or3A_229 : vector<20x1xi32>
    %xor3A_231 = arith.constant -2147483648 : i32
    %xor3A_232 = vector.broadcast %xor3A_231 : i32 to vector<20x1xi32>
    %xor3A_233 = arith.xori %or3A_230, %xor3A_232 : vector<20x1xi32>
    %ge3A_234 = vector.broadcast %xor3A_233 : vector<20x1xi32> to vector<20x512xi32>
    %ge3A_235 = arith.cmpi sge, %select_n3A, %ge3A_234 : vector<20x512xi32>
    %convert_element_type3A_236 = arith.extui %ge3A_235 : vector<20x512xi1> to vector<20x512xi32>
    %reduce_sum3A_237 = arith.constant dense<0> : vector<20xi32>
    %reduce_sum3A_238 = vector.multi_reduction <add>, %convert_element_type3A_236, %reduce_sum3A_237 [1] : vector<20x512xi32> to vector<20xi32>
    %broadcast_in_dim3A_239 = vector.shape_cast %reduce_sum3A_238 : vector<20xi32> to vector<20x1xi32>
    %ge3A_240 = arith.constant 450 : i32
    %ge3A_241 = vector.broadcast %ge3A_240 : i32 to vector<20x1xi32>
    %ge3A_242 = arith.cmpi sge, %broadcast_in_dim3A_239, %ge3A_241 : vector<20x1xi32>
    %select_n3A_243 = arith.select %ge3A_242, %or3A_230, %select_n3A_227 : vector<20x1xi1>, vector<20x1xi32>
    %or3A_244 = arith.constant 65536 : i32
    %or3A_245 = vector.broadcast %or3A_244 : i32 to vector<20x1xi32>
    %or3A_246 = arith.ori %select_n3A_243, %or3A_245 : vector<20x1xi32>
    %xor3A_247 = arith.constant -2147483648 : i32
    %xor3A_248 = vector.broadcast %xor3A_247 : i32 to vector<20x1xi32>
    %xor3A_249 = arith.xori %or3A_246, %xor3A_248 : vector<20x1xi32>
    %ge3A_250 = vector.broadcast %xor3A_249 : vector<20x1xi32> to vector<20x512xi32>
    %ge3A_251 = arith.cmpi sge, %select_n3A, %ge3A_250 : vector<20x512xi32>
    %convert_element_type3A_252 = arith.extui %ge3A_251 : vector<20x512xi1> to vector<20x512xi32>
    %reduce_sum3A_253 = arith.constant dense<0> : vector<20xi32>
    %reduce_sum3A_254 = vector.multi_reduction <add>, %convert_element_type3A_252, %reduce_sum3A_253 [1] : vector<20x512xi32> to vector<20xi32>
    %broadcast_in_dim3A_255 = vector.shape_cast %reduce_sum3A_254 : vector<20xi32> to vector<20x1xi32>
    %ge3A_256 = arith.constant 450 : i32
    %ge3A_257 = vector.broadcast %ge3A_256 : i32 to vector<20x1xi32>
    %ge3A_258 = arith.cmpi sge, %broadcast_in_dim3A_255, %ge3A_257 : vector<20x1xi32>
    %select_n3A_259 = arith.select %ge3A_258, %or3A_246, %select_n3A_243 : vector<20x1xi1>, vector<20x1xi32>
    %or3A_260 = arith.constant 32768 : i32
    %or3A_261 = vector.broadcast %or3A_260 : i32 to vector<20x1xi32>
    %or3A_262 = arith.ori %select_n3A_259, %or3A_261 : vector<20x1xi32>
    %xor3A_263 = arith.constant -2147483648 : i32
    %xor3A_264 = vector.broadcast %xor3A_263 : i32 to vector<20x1xi32>
    %xor3A_265 = arith.xori %or3A_262, %xor3A_264 : vector<20x1xi32>
    %ge3A_266 = vector.broadcast %xor3A_265 : vector<20x1xi32> to vector<20x512xi32>
    %ge3A_267 = arith.cmpi sge, %select_n3A, %ge3A_266 : vector<20x512xi32>
    %convert_element_type3A_268 = arith.extui %ge3A_267 : vector<20x512xi1> to vector<20x512xi32>
    %reduce_sum3A_269 = arith.constant dense<0> : vector<20xi32>
    %reduce_sum3A_270 = vector.multi_reduction <add>, %convert_element_type3A_268, %reduce_sum3A_269 [1] : vector<20x512xi32> to vector<20xi32>
    %broadcast_in_dim3A_271 = vector.shape_cast %reduce_sum3A_270 : vector<20xi32> to vector<20x1xi32>
    %ge3A_272 = arith.constant 450 : i32
    %ge3A_273 = vector.broadcast %ge3A_272 : i32 to vector<20x1xi32>
    %ge3A_274 = arith.cmpi sge, %broadcast_in_dim3A_271, %ge3A_273 : vector<20x1xi32>
    %select_n3A_275 = arith.select %ge3A_274, %or3A_262, %select_n3A_259 : vector<20x1xi1>, vector<20x1xi32>
    %or3A_276 = arith.constant 16384 : i32
    %or3A_277 = vector.broadcast %or3A_276 : i32 to vector<20x1xi32>
    %or3A_278 = arith.ori %select_n3A_275, %or3A_277 : vector<20x1xi32>
    %xor3A_279 = arith.constant -2147483648 : i32
    %xor3A_280 = vector.broadcast %xor3A_279 : i32 to vector<20x1xi32>
    %xor3A_281 = arith.xori %or3A_278, %xor3A_280 : vector<20x1xi32>
    %ge3A_282 = vector.broadcast %xor3A_281 : vector<20x1xi32> to vector<20x512xi32>
    %ge3A_283 = arith.cmpi sge, %select_n3A, %ge3A_282 : vector<20x512xi32>
    %convert_element_type3A_284 = arith.extui %ge3A_283 : vector<20x512xi1> to vector<20x512xi32>
    %reduce_sum3A_285 = arith.constant dense<0> : vector<20xi32>
    %reduce_sum3A_286 = vector.multi_reduction <add>, %convert_element_type3A_284, %reduce_sum3A_285 [1] : vector<20x512xi32> to vector<20xi32>
    %broadcast_in_dim3A_287 = vector.shape_cast %reduce_sum3A_286 : vector<20xi32> to vector<20x1xi32>
    %ge3A_288 = arith.constant 450 : i32
    %ge3A_289 = vector.broadcast %ge3A_288 : i32 to vector<20x1xi32>
    %ge3A_290 = arith.cmpi sge, %broadcast_in_dim3A_287, %ge3A_289 : vector<20x1xi32>
    %select_n3A_291 = arith.select %ge3A_290, %or3A_278, %select_n3A_275 : vector<20x1xi1>, vector<20x1xi32>
    %or3A_292 = arith.constant 8192 : i32
    %or3A_293 = vector.broadcast %or3A_292 : i32 to vector<20x1xi32>
    %or3A_294 = arith.ori %select_n3A_291, %or3A_293 : vector<20x1xi32>
    %xor3A_295 = arith.constant -2147483648 : i32
    %xor3A_296 = vector.broadcast %xor3A_295 : i32 to vector<20x1xi32>
    %xor3A_297 = arith.xori %or3A_294, %xor3A_296 : vector<20x1xi32>
    %ge3A_298 = vector.broadcast %xor3A_297 : vector<20x1xi32> to vector<20x512xi32>
    %ge3A_299 = arith.cmpi sge, %select_n3A, %ge3A_298 : vector<20x512xi32>
    %convert_element_type3A_300 = arith.extui %ge3A_299 : vector<20x512xi1> to vector<20x512xi32>
    %reduce_sum3A_301 = arith.constant dense<0> : vector<20xi32>
    %reduce_sum3A_302 = vector.multi_reduction <add>, %convert_element_type3A_300, %reduce_sum3A_301 [1] : vector<20x512xi32> to vector<20xi32>
    %broadcast_in_dim3A_303 = vector.shape_cast %reduce_sum3A_302 : vector<20xi32> to vector<20x1xi32>
    %ge3A_304 = arith.constant 450 : i32
    %ge3A_305 = vector.broadcast %ge3A_304 : i32 to vector<20x1xi32>
    %ge3A_306 = arith.cmpi sge, %broadcast_in_dim3A_303, %ge3A_305 : vector<20x1xi32>
    %select_n3A_307 = arith.select %ge3A_306, %or3A_294, %select_n3A_291 : vector<20x1xi1>, vector<20x1xi32>
    %or3A_308 = arith.constant 4096 : i32
    %or3A_309 = vector.broadcast %or3A_308 : i32 to vector<20x1xi32>
    %or3A_310 = arith.ori %select_n3A_307, %or3A_309 : vector<20x1xi32>
    %xor3A_311 = arith.constant -2147483648 : i32
    %xor3A_312 = vector.broadcast %xor3A_311 : i32 to vector<20x1xi32>
    %xor3A_313 = arith.xori %or3A_310, %xor3A_312 : vector<20x1xi32>
    %ge3A_314 = vector.broadcast %xor3A_313 : vector<20x1xi32> to vector<20x512xi32>
    %ge3A_315 = arith.cmpi sge, %select_n3A, %ge3A_314 : vector<20x512xi32>
    %convert_element_type3A_316 = arith.extui %ge3A_315 : vector<20x512xi1> to vector<20x512xi32>
    %reduce_sum3A_317 = arith.constant dense<0> : vector<20xi32>
    %reduce_sum3A_318 = vector.multi_reduction <add>, %convert_element_type3A_316, %reduce_sum3A_317 [1] : vector<20x512xi32> to vector<20xi32>
    %broadcast_in_dim3A_319 = vector.shape_cast %reduce_sum3A_318 : vector<20xi32> to vector<20x1xi32>
    %ge3A_320 = arith.constant 450 : i32
    %ge3A_321 = vector.broadcast %ge3A_320 : i32 to vector<20x1xi32>
    %ge3A_322 = arith.cmpi sge, %broadcast_in_dim3A_319, %ge3A_321 : vector<20x1xi32>
    %select_n3A_323 = arith.select %ge3A_322, %or3A_310, %select_n3A_307 : vector<20x1xi1>, vector<20x1xi32>
    %or3A_324 = arith.constant 2048 : i32
    %or3A_325 = vector.broadcast %or3A_324 : i32 to vector<20x1xi32>
    %or3A_326 = arith.ori %select_n3A_323, %or3A_325 : vector<20x1xi32>
    %xor3A_327 = arith.constant -2147483648 : i32
    %xor3A_328 = vector.broadcast %xor3A_327 : i32 to vector<20x1xi32>
    %xor3A_329 = arith.xori %or3A_326, %xor3A_328 : vector<20x1xi32>
    %ge3A_330 = vector.broadcast %xor3A_329 : vector<20x1xi32> to vector<20x512xi32>
    %ge3A_331 = arith.cmpi sge, %select_n3A, %ge3A_330 : vector<20x512xi32>
    %convert_element_type3A_332 = arith.extui %ge3A_331 : vector<20x512xi1> to vector<20x512xi32>
    %reduce_sum3A_333 = arith.constant dense<0> : vector<20xi32>
    %reduce_sum3A_334 = vector.multi_reduction <add>, %convert_element_type3A_332, %reduce_sum3A_333 [1] : vector<20x512xi32> to vector<20xi32>
    %broadcast_in_dim3A_335 = vector.shape_cast %reduce_sum3A_334 : vector<20xi32> to vector<20x1xi32>
    %ge3A_336 = arith.constant 450 : i32
    %ge3A_337 = vector.broadcast %ge3A_336 : i32 to vector<20x1xi32>
    %ge3A_338 = arith.cmpi sge, %broadcast_in_dim3A_335, %ge3A_337 : vector<20x1xi32>
    %select_n3A_339 = arith.select %ge3A_338, %or3A_326, %select_n3A_323 : vector<20x1xi1>, vector<20x1xi32>
    %or3A_340 = arith.constant 1024 : i32
    %or3A_341 = vector.broadcast %or3A_340 : i32 to vector<20x1xi32>
    %or3A_342 = arith.ori %select_n3A_339, %or3A_341 : vector<20x1xi32>
    %xor3A_343 = arith.constant -2147483648 : i32
    %xor3A_344 = vector.broadcast %xor3A_343 : i32 to vector<20x1xi32>
    %xor3A_345 = arith.xori %or3A_342, %xor3A_344 : vector<20x1xi32>
    %ge3A_346 = vector.broadcast %xor3A_345 : vector<20x1xi32> to vector<20x512xi32>
    %ge3A_347 = arith.cmpi sge, %select_n3A, %ge3A_346 : vector<20x512xi32>
    %convert_element_type3A_348 = arith.extui %ge3A_347 : vector<20x512xi1> to vector<20x512xi32>
    %reduce_sum3A_349 = arith.constant dense<0> : vector<20xi32>
    %reduce_sum3A_350 = vector.multi_reduction <add>, %convert_element_type3A_348, %reduce_sum3A_349 [1] : vector<20x512xi32> to vector<20xi32>
    %broadcast_in_dim3A_351 = vector.shape_cast %reduce_sum3A_350 : vector<20xi32> to vector<20x1xi32>
    %ge3A_352 = arith.constant 450 : i32
    %ge3A_353 = vector.broadcast %ge3A_352 : i32 to vector<20x1xi32>
    %ge3A_354 = arith.cmpi sge, %broadcast_in_dim3A_351, %ge3A_353 : vector<20x1xi32>
    %select_n3A_355 = arith.select %ge3A_354, %or3A_342, %select_n3A_339 : vector<20x1xi1>, vector<20x1xi32>
    %or3A_356 = arith.constant 512 : i32
    %or3A_357 = vector.broadcast %or3A_356 : i32 to vector<20x1xi32>
    %or3A_358 = arith.ori %select_n3A_355, %or3A_357 : vector<20x1xi32>
    %xor3A_359 = arith.constant -2147483648 : i32
    %xor3A_360 = vector.broadcast %xor3A_359 : i32 to vector<20x1xi32>
    %xor3A_361 = arith.xori %or3A_358, %xor3A_360 : vector<20x1xi32>
    %ge3A_362 = vector.broadcast %xor3A_361 : vector<20x1xi32> to vector<20x512xi32>
    %ge3A_363 = arith.cmpi sge, %select_n3A, %ge3A_362 : vector<20x512xi32>
    %convert_element_type3A_364 = arith.extui %ge3A_363 : vector<20x512xi1> to vector<20x512xi32>
    %reduce_sum3A_365 = arith.constant dense<0> : vector<20xi32>
    %reduce_sum3A_366 = vector.multi_reduction <add>, %convert_element_type3A_364, %reduce_sum3A_365 [1] : vector<20x512xi32> to vector<20xi32>
    %broadcast_in_dim3A_367 = vector.shape_cast %reduce_sum3A_366 : vector<20xi32> to vector<20x1xi32>
    %ge3A_368 = arith.constant 450 : i32
    %ge3A_369 = vector.broadcast %ge3A_368 : i32 to vector<20x1xi32>
    %ge3A_370 = arith.cmpi sge, %broadcast_in_dim3A_367, %ge3A_369 : vector<20x1xi32>
    %select_n3A_371 = arith.select %ge3A_370, %or3A_358, %select_n3A_355 : vector<20x1xi1>, vector<20x1xi32>
    %or3A_372 = arith.constant 256 : i32
    %or3A_373 = vector.broadcast %or3A_372 : i32 to vector<20x1xi32>
    %or3A_374 = arith.ori %select_n3A_371, %or3A_373 : vector<20x1xi32>
    %xor3A_375 = arith.constant -2147483648 : i32
    %xor3A_376 = vector.broadcast %xor3A_375 : i32 to vector<20x1xi32>
    %xor3A_377 = arith.xori %or3A_374, %xor3A_376 : vector<20x1xi32>
    %ge3A_378 = vector.broadcast %xor3A_377 : vector<20x1xi32> to vector<20x512xi32>
    %ge3A_379 = arith.cmpi sge, %select_n3A, %ge3A_378 : vector<20x512xi32>
    %convert_element_type3A_380 = arith.extui %ge3A_379 : vector<20x512xi1> to vector<20x512xi32>
    %reduce_sum3A_381 = arith.constant dense<0> : vector<20xi32>
    %reduce_sum3A_382 = vector.multi_reduction <add>, %convert_element_type3A_380, %reduce_sum3A_381 [1] : vector<20x512xi32> to vector<20xi32>
    %broadcast_in_dim3A_383 = vector.shape_cast %reduce_sum3A_382 : vector<20xi32> to vector<20x1xi32>
    %ge3A_384 = arith.constant 450 : i32
    %ge3A_385 = vector.broadcast %ge3A_384 : i32 to vector<20x1xi32>
    %ge3A_386 = arith.cmpi sge, %broadcast_in_dim3A_383, %ge3A_385 : vector<20x1xi32>
    %select_n3A_387 = arith.select %ge3A_386, %or3A_374, %select_n3A_371 : vector<20x1xi1>, vector<20x1xi32>
    %or3A_388 = arith.constant 128 : i32
    %or3A_389 = vector.broadcast %or3A_388 : i32 to vector<20x1xi32>
    %or3A_390 = arith.ori %select_n3A_387, %or3A_389 : vector<20x1xi32>
    %xor3A_391 = arith.constant -2147483648 : i32
    %xor3A_392 = vector.broadcast %xor3A_391 : i32 to vector<20x1xi32>
    %xor3A_393 = arith.xori %or3A_390, %xor3A_392 : vector<20x1xi32>
    %ge3A_394 = vector.broadcast %xor3A_393 : vector<20x1xi32> to vector<20x512xi32>
    %ge3A_395 = arith.cmpi sge, %select_n3A, %ge3A_394 : vector<20x512xi32>
    %convert_element_type3A_396 = arith.extui %ge3A_395 : vector<20x512xi1> to vector<20x512xi32>
    %reduce_sum3A_397 = arith.constant dense<0> : vector<20xi32>
    %reduce_sum3A_398 = vector.multi_reduction <add>, %convert_element_type3A_396, %reduce_sum3A_397 [1] : vector<20x512xi32> to vector<20xi32>
    %broadcast_in_dim3A_399 = vector.shape_cast %reduce_sum3A_398 : vector<20xi32> to vector<20x1xi32>
    %ge3A_400 = arith.constant 450 : i32
    %ge3A_401 = vector.broadcast %ge3A_400 : i32 to vector<20x1xi32>
    %ge3A_402 = arith.cmpi sge, %broadcast_in_dim3A_399, %ge3A_401 : vector<20x1xi32>
    %select_n3A_403 = arith.select %ge3A_402, %or3A_390, %select_n3A_387 : vector<20x1xi1>, vector<20x1xi32>
    %or3A_404 = arith.constant 64 : i32
    %or3A_405 = vector.broadcast %or3A_404 : i32 to vector<20x1xi32>
    %or3A_406 = arith.ori %select_n3A_403, %or3A_405 : vector<20x1xi32>
    %xor3A_407 = arith.constant -2147483648 : i32
    %xor3A_408 = vector.broadcast %xor3A_407 : i32 to vector<20x1xi32>
    %xor3A_409 = arith.xori %or3A_406, %xor3A_408 : vector<20x1xi32>
    %ge3A_410 = vector.broadcast %xor3A_409 : vector<20x1xi32> to vector<20x512xi32>
    %ge3A_411 = arith.cmpi sge, %select_n3A, %ge3A_410 : vector<20x512xi32>
    %convert_element_type3A_412 = arith.extui %ge3A_411 : vector<20x512xi1> to vector<20x512xi32>
    %reduce_sum3A_413 = arith.constant dense<0> : vector<20xi32>
    %reduce_sum3A_414 = vector.multi_reduction <add>, %convert_element_type3A_412, %reduce_sum3A_413 [1] : vector<20x512xi32> to vector<20xi32>
    %broadcast_in_dim3A_415 = vector.shape_cast %reduce_sum3A_414 : vector<20xi32> to vector<20x1xi32>
    %ge3A_416 = arith.constant 450 : i32
    %ge3A_417 = vector.broadcast %ge3A_416 : i32 to vector<20x1xi32>
    %ge3A_418 = arith.cmpi sge, %broadcast_in_dim3A_415, %ge3A_417 : vector<20x1xi32>
    %select_n3A_419 = arith.select %ge3A_418, %or3A_406, %select_n3A_403 : vector<20x1xi1>, vector<20x1xi32>
    %or3A_420 = arith.constant 32 : i32
    %or3A_421 = vector.broadcast %or3A_420 : i32 to vector<20x1xi32>
    %or3A_422 = arith.ori %select_n3A_419, %or3A_421 : vector<20x1xi32>
    %xor3A_423 = arith.constant -2147483648 : i32
    %xor3A_424 = vector.broadcast %xor3A_423 : i32 to vector<20x1xi32>
    %xor3A_425 = arith.xori %or3A_422, %xor3A_424 : vector<20x1xi32>
    %ge3A_426 = vector.broadcast %xor3A_425 : vector<20x1xi32> to vector<20x512xi32>
    %ge3A_427 = arith.cmpi sge, %select_n3A, %ge3A_426 : vector<20x512xi32>
    %convert_element_type3A_428 = arith.extui %ge3A_427 : vector<20x512xi1> to vector<20x512xi32>
    %reduce_sum3A_429 = arith.constant dense<0> : vector<20xi32>
    %reduce_sum3A_430 = vector.multi_reduction <add>, %convert_element_type3A_428, %reduce_sum3A_429 [1] : vector<20x512xi32> to vector<20xi32>
    %broadcast_in_dim3A_431 = vector.shape_cast %reduce_sum3A_430 : vector<20xi32> to vector<20x1xi32>
    %ge3A_432 = arith.constant 450 : i32
    %ge3A_433 = vector.broadcast %ge3A_432 : i32 to vector<20x1xi32>
    %ge3A_434 = arith.cmpi sge, %broadcast_in_dim3A_431, %ge3A_433 : vector<20x1xi32>
    %select_n3A_435 = arith.select %ge3A_434, %or3A_422, %select_n3A_419 : vector<20x1xi1>, vector<20x1xi32>
    %or3A_436 = arith.constant 16 : i32
    %or3A_437 = vector.broadcast %or3A_436 : i32 to vector<20x1xi32>
    %or3A_438 = arith.ori %select_n3A_435, %or3A_437 : vector<20x1xi32>
    %xor3A_439 = arith.constant -2147483648 : i32
    %xor3A_440 = vector.broadcast %xor3A_439 : i32 to vector<20x1xi32>
    %xor3A_441 = arith.xori %or3A_438, %xor3A_440 : vector<20x1xi32>
    %ge3A_442 = vector.broadcast %xor3A_441 : vector<20x1xi32> to vector<20x512xi32>
    %ge3A_443 = arith.cmpi sge, %select_n3A, %ge3A_442 : vector<20x512xi32>
    %convert_element_type3A_444 = arith.extui %ge3A_443 : vector<20x512xi1> to vector<20x512xi32>
    %reduce_sum3A_445 = arith.constant dense<0> : vector<20xi32>
    %reduce_sum3A_446 = vector.multi_reduction <add>, %convert_element_type3A_444, %reduce_sum3A_445 [1] : vector<20x512xi32> to vector<20xi32>
    %broadcast_in_dim3A_447 = vector.shape_cast %reduce_sum3A_446 : vector<20xi32> to vector<20x1xi32>
    %ge3A_448 = arith.constant 450 : i32
    %ge3A_449 = vector.broadcast %ge3A_448 : i32 to vector<20x1xi32>
    %ge3A_450 = arith.cmpi sge, %broadcast_in_dim3A_447, %ge3A_449 : vector<20x1xi32>
    %select_n3A_451 = arith.select %ge3A_450, %or3A_438, %select_n3A_435 : vector<20x1xi1>, vector<20x1xi32>
    %or3A_452 = arith.constant 8 : i32
    %or3A_453 = vector.broadcast %or3A_452 : i32 to vector<20x1xi32>
    %or3A_454 = arith.ori %select_n3A_451, %or3A_453 : vector<20x1xi32>
    %xor3A_455 = arith.constant -2147483648 : i32
    %xor3A_456 = vector.broadcast %xor3A_455 : i32 to vector<20x1xi32>
    %xor3A_457 = arith.xori %or3A_454, %xor3A_456 : vector<20x1xi32>
    %ge3A_458 = vector.broadcast %xor3A_457 : vector<20x1xi32> to vector<20x512xi32>
    %ge3A_459 = arith.cmpi sge, %select_n3A, %ge3A_458 : vector<20x512xi32>
    %convert_element_type3A_460 = arith.extui %ge3A_459 : vector<20x512xi1> to vector<20x512xi32>
    %reduce_sum3A_461 = arith.constant dense<0> : vector<20xi32>
    %reduce_sum3A_462 = vector.multi_reduction <add>, %convert_element_type3A_460, %reduce_sum3A_461 [1] : vector<20x512xi32> to vector<20xi32>
    %broadcast_in_dim3A_463 = vector.shape_cast %reduce_sum3A_462 : vector<20xi32> to vector<20x1xi32>
    %ge3A_464 = arith.constant 450 : i32
    %ge3A_465 = vector.broadcast %ge3A_464 : i32 to vector<20x1xi32>
    %ge3A_466 = arith.cmpi sge, %broadcast_in_dim3A_463, %ge3A_465 : vector<20x1xi32>
    %select_n3A_467 = arith.select %ge3A_466, %or3A_454, %select_n3A_451 : vector<20x1xi1>, vector<20x1xi32>
    %or3A_468 = arith.constant 4 : i32
    %or3A_469 = vector.broadcast %or3A_468 : i32 to vector<20x1xi32>
    %or3A_470 = arith.ori %select_n3A_467, %or3A_469 : vector<20x1xi32>
    %xor3A_471 = arith.constant -2147483648 : i32
    %xor3A_472 = vector.broadcast %xor3A_471 : i32 to vector<20x1xi32>
    %xor3A_473 = arith.xori %or3A_470, %xor3A_472 : vector<20x1xi32>
    %ge3A_474 = vector.broadcast %xor3A_473 : vector<20x1xi32> to vector<20x512xi32>
    %ge3A_475 = arith.cmpi sge, %select_n3A, %ge3A_474 : vector<20x512xi32>
    %convert_element_type3A_476 = arith.extui %ge3A_475 : vector<20x512xi1> to vector<20x512xi32>
    %reduce_sum3A_477 = arith.constant dense<0> : vector<20xi32>
    %reduce_sum3A_478 = vector.multi_reduction <add>, %convert_element_type3A_476, %reduce_sum3A_477 [1] : vector<20x512xi32> to vector<20xi32>
    %broadcast_in_dim3A_479 = vector.shape_cast %reduce_sum3A_478 : vector<20xi32> to vector<20x1xi32>
    %ge3A_480 = arith.constant 450 : i32
    %ge3A_481 = vector.broadcast %ge3A_480 : i32 to vector<20x1xi32>
    %ge3A_482 = arith.cmpi sge, %broadcast_in_dim3A_479, %ge3A_481 : vector<20x1xi32>
    %select_n3A_483 = arith.select %ge3A_482, %or3A_470, %select_n3A_467 : vector<20x1xi1>, vector<20x1xi32>
    %or3A_484 = arith.constant 2 : i32
    %or3A_485 = vector.broadcast %or3A_484 : i32 to vector<20x1xi32>
    %or3A_486 = arith.ori %select_n3A_483, %or3A_485 : vector<20x1xi32>
    %xor3A_487 = arith.constant -2147483648 : i32
    %xor3A_488 = vector.broadcast %xor3A_487 : i32 to vector<20x1xi32>
    %xor3A_489 = arith.xori %or3A_486, %xor3A_488 : vector<20x1xi32>
    %ge3A_490 = vector.broadcast %xor3A_489 : vector<20x1xi32> to vector<20x512xi32>
    %ge3A_491 = arith.cmpi sge, %select_n3A, %ge3A_490 : vector<20x512xi32>
    %convert_element_type3A_492 = arith.extui %ge3A_491 : vector<20x512xi1> to vector<20x512xi32>
    %reduce_sum3A_493 = arith.constant dense<0> : vector<20xi32>
    %reduce_sum3A_494 = vector.multi_reduction <add>, %convert_element_type3A_492, %reduce_sum3A_493 [1] : vector<20x512xi32> to vector<20xi32>
    %broadcast_in_dim3A_495 = vector.shape_cast %reduce_sum3A_494 : vector<20xi32> to vector<20x1xi32>
    %ge3A_496 = arith.constant 450 : i32
    %ge3A_497 = vector.broadcast %ge3A_496 : i32 to vector<20x1xi32>
    %ge3A_498 = arith.cmpi sge, %broadcast_in_dim3A_495, %ge3A_497 : vector<20x1xi32>
    %select_n3A_499 = arith.select %ge3A_498, %or3A_486, %select_n3A_483 : vector<20x1xi1>, vector<20x1xi32>
    %or3A_500 = arith.constant 1 : i32
    %or3A_501 = vector.broadcast %or3A_500 : i32 to vector<20x1xi32>
    %or3A_502 = arith.ori %select_n3A_499, %or3A_501 : vector<20x1xi32>
    %xor3A_503 = arith.constant -2147483648 : i32
    %xor3A_504 = vector.broadcast %xor3A_503 : i32 to vector<20x1xi32>
    %xor3A_505 = arith.xori %or3A_502, %xor3A_504 : vector<20x1xi32>
    %ge3A_506 = vector.broadcast %xor3A_505 : vector<20x1xi32> to vector<20x512xi32>
    %ge3A_507 = arith.cmpi sge, %select_n3A, %ge3A_506 : vector<20x512xi32>
    %convert_element_type3A_508 = arith.extui %ge3A_507 : vector<20x512xi1> to vector<20x512xi32>
    %reduce_sum3A_509 = arith.constant dense<0> : vector<20xi32>
    %reduce_sum3A_510 = vector.multi_reduction <add>, %convert_element_type3A_508, %reduce_sum3A_509 [1] : vector<20x512xi32> to vector<20xi32>
    %broadcast_in_dim3A_511 = vector.shape_cast %reduce_sum3A_510 : vector<20xi32> to vector<20x1xi32>
    %ge3A_512 = arith.constant 450 : i32
    %ge3A_513 = vector.broadcast %ge3A_512 : i32 to vector<20x1xi32>
    %ge3A_514 = arith.cmpi sge, %broadcast_in_dim3A_511, %ge3A_513 : vector<20x1xi32>
    %select_n3A_515 = arith.select %ge3A_514, %or3A_502, %select_n3A_499 : vector<20x1xi1>, vector<20x1xi32>
    %xor3A_516 = arith.constant -2147483648 : i32
    %xor3A_517 = vector.broadcast %xor3A_516 : i32 to vector<20x1xi32>
    %xor3A_518 = arith.xori %select_n3A_515, %xor3A_517 : vector<20x1xi32>
    %gt3A = vector.broadcast %xor3A_518 : vector<20x1xi32> to vector<20x512xi32>
    %gt3A_519 = arith.cmpi sgt, %select_n3A, %gt3A : vector<20x512xi32>
    %ge3A_520 = vector.broadcast %xor3A_518 : vector<20x1xi32> to vector<20x512xi32>
    %ge3A_521 = arith.cmpi sge, %select_n3A, %ge3A_520 : vector<20x512xi32>
    %not3A = arith.constant dense<true> : vector<20x512xi1>
    %not3A_522 = arith.xori %gt3A_519, %not3A : vector<20x512xi1>
    %and3A = arith.andi %ge3A_521, %not3A_522 : vector<20x512xi1>
    %convert_element_type3A_523 = arith.extui %gt3A_519 : vector<20x512xi1> to vector<20x512xi32>
    %reduce_sum3A_524 = arith.constant dense<0> : vector<20xi32>
    %reduce_sum3A_525 = vector.multi_reduction <add>, %convert_element_type3A_523, %reduce_sum3A_524 [1] : vector<20x512xi32> to vector<20xi32>
    %broadcast_in_dim3A_526 = vector.shape_cast %reduce_sum3A_525 : vector<20xi32> to vector<20x1xi32>
    %convert_element_type3A_527 = arith.extui %and3A : vector<20x512xi1> to vector<20x512xi32>
    %broadcast_in_dim3A_528 = arith.constant 0 : i32
    %broadcast_in_dim3A_529 = vector.broadcast %broadcast_in_dim3A_528 : i32 to vector<20x1xi32>
    %slice3A = vector.extract_strided_slice %convert_element_type3A_527 {offsets = [0, 0], sizes = [20, 511], strides = [1, 1]} : vector<20x512xi32> to vector<20x511xi32>
    %concatenate3A = tpu.concatenate %broadcast_in_dim3A_529, %slice3A in 1 : vector<20x1xi32>, vector<20x511xi32> -> vector<20x512xi32>
    %add3A = arith.addi %convert_element_type3A_527, %concatenate3A : vector<20x512xi32>
    %broadcast_in_dim3A_530 = arith.constant 0 : i32
    %broadcast_in_dim3A_531 = vector.broadcast %broadcast_in_dim3A_530 : i32 to vector<20x2xi32>
    %slice3A_532 = vector.extract_strided_slice %add3A {offsets = [0, 0], sizes = [20, 510], strides = [1, 1]} : vector<20x512xi32> to vector<20x510xi32>
    %concatenate3A_533 = tpu.concatenate %broadcast_in_dim3A_531, %slice3A_532 in 1 : vector<20x2xi32>, vector<20x510xi32> -> vector<20x512xi32>
    %add3A_534 = arith.addi %add3A, %concatenate3A_533 : vector<20x512xi32>
    %broadcast_in_dim3A_535 = arith.constant 0 : i32
    %broadcast_in_dim3A_536 = vector.broadcast %broadcast_in_dim3A_535 : i32 to vector<20x4xi32>
    %slice3A_537 = vector.extract_strided_slice %add3A_534 {offsets = [0, 0], sizes = [20, 508], strides = [1, 1]} : vector<20x512xi32> to vector<20x508xi32>
    %concatenate3A_538 = tpu.concatenate %broadcast_in_dim3A_536, %slice3A_537 in 1 : vector<20x4xi32>, vector<20x508xi32> -> vector<20x512xi32>
    %add3A_539 = arith.addi %add3A_534, %concatenate3A_538 : vector<20x512xi32>
    %broadcast_in_dim3A_540 = arith.constant 0 : i32
    %broadcast_in_dim3A_541 = vector.broadcast %broadcast_in_dim3A_540 : i32 to vector<20x8xi32>
    %slice3A_542 = vector.extract_strided_slice %add3A_539 {offsets = [0, 0], sizes = [20, 504], strides = [1, 1]} : vector<20x512xi32> to vector<20x504xi32>
    %concatenate3A_543 = tpu.concatenate %broadcast_in_dim3A_541, %slice3A_542 in 1 : vector<20x8xi32>, vector<20x504xi32> -> vector<20x512xi32>
    %add3A_544 = arith.addi %add3A_539, %concatenate3A_543 : vector<20x512xi32>
    %broadcast_in_dim3A_545 = arith.constant 0 : i32
    %broadcast_in_dim3A_546 = vector.broadcast %broadcast_in_dim3A_545 : i32 to vector<20x16xi32>
    %slice3A_547 = vector.extract_strided_slice %add3A_544 {offsets = [0, 0], sizes = [20, 496], strides = [1, 1]} : vector<20x512xi32> to vector<20x496xi32>
    %concatenate3A_548 = tpu.concatenate %broadcast_in_dim3A_546, %slice3A_547 in 1 : vector<20x16xi32>, vector<20x496xi32> -> vector<20x512xi32>
    %add3A_549 = arith.addi %add3A_544, %concatenate3A_548 : vector<20x512xi32>
    %broadcast_in_dim3A_550 = arith.constant 0 : i32
    %broadcast_in_dim3A_551 = vector.broadcast %broadcast_in_dim3A_550 : i32 to vector<20x32xi32>
    %slice3A_552 = vector.extract_strided_slice %add3A_549 {offsets = [0, 0], sizes = [20, 480], strides = [1, 1]} : vector<20x512xi32> to vector<20x480xi32>
    %concatenate3A_553 = tpu.concatenate %broadcast_in_dim3A_551, %slice3A_552 in 1 : vector<20x32xi32>, vector<20x480xi32> -> vector<20x512xi32>
    %add3A_554 = arith.addi %add3A_549, %concatenate3A_553 : vector<20x512xi32>
    %broadcast_in_dim3A_555 = arith.constant 0 : i32
    %broadcast_in_dim3A_556 = vector.broadcast %broadcast_in_dim3A_555 : i32 to vector<20x64xi32>
    %slice3A_557 = vector.extract_strided_slice %add3A_554 {offsets = [0, 0], sizes = [20, 448], strides = [1, 1]} : vector<20x512xi32> to vector<20x448xi32>
    %concatenate3A_558 = tpu.concatenate %broadcast_in_dim3A_556, %slice3A_557 in 1 : vector<20x64xi32>, vector<20x448xi32> -> vector<20x512xi32>
    %add3A_559 = arith.addi %add3A_554, %concatenate3A_558 : vector<20x512xi32>
    %broadcast_in_dim3A_560 = arith.constant 0 : i32
    %broadcast_in_dim3A_561 = vector.broadcast %broadcast_in_dim3A_560 : i32 to vector<20x128xi32>
    %slice3A_562 = vector.extract_strided_slice %add3A_559 {offsets = [0, 0], sizes = [20, 384], strides = [1, 1]} : vector<20x512xi32> to vector<20x384xi32>
    %concatenate3A_563 = tpu.concatenate %broadcast_in_dim3A_561, %slice3A_562 in 1 : vector<20x128xi32>, vector<20x384xi32> -> vector<20x512xi32>
    %add3A_564 = arith.addi %add3A_559, %concatenate3A_563 : vector<20x512xi32>
    %broadcast_in_dim3A_565 = arith.constant 0 : i32
    %broadcast_in_dim3A_566 = vector.broadcast %broadcast_in_dim3A_565 : i32 to vector<20x256xi32>
    %slice3A_567 = vector.extract_strided_slice %add3A_564 {offsets = [0, 0], sizes = [20, 256], strides = [1, 1]} : vector<20x512xi32> to vector<20x256xi32>
    %concatenate3A_568 = tpu.concatenate %broadcast_in_dim3A_566, %slice3A_567 in 1 : vector<20x256xi32>, vector<20x256xi32> -> vector<20x512xi32>
    %add3A_569 = arith.addi %add3A_564, %concatenate3A_568 : vector<20x512xi32>
    %sub3A = arith.constant 450 : i32
    %sub3A_570 = vector.broadcast %sub3A : i32 to vector<20x1xi32>
    %sub3A_571 = arith.subi %sub3A_570, %broadcast_in_dim3A_526 : vector<20x1xi32>
    %le3A = vector.broadcast %sub3A_571 : vector<20x1xi32> to vector<20x512xi32>
    %le3A_572 = arith.cmpi sle, %add3A_569, %le3A : vector<20x512xi32>
    %and3A_573 = arith.andi %and3A, %le3A_572 : vector<20x512xi1>
    %or3A_574 = arith.ori %gt3A_519, %and3A_573 : vector<20x512xi1>
    %convert_element_type3A_575 = arith.extui %or3A_574 : vector<20x512xi1> to vector<20x512xi32>
    %convert_element_type3A_576 = arith.sitofp %convert_element_type3A_575 : vector<20x512xi32> to vector<20x512xf32>
    %swap3A = arith.constant 0 : index
    %swap3A_577 = arith.constant 0 : index
    %swap3A_578 = vector.load %arg1[%swap3A, %swap3A_577] : memref<20x512xf32, #tpu.memory_space<vmem>>, vector<20x512xf32>
    tpu.vector_store %arg1[%swap3A, %swap3A_577], %convert_element_type3A_576 {strides = array<i32>} : memref<20x512xf32, #tpu.memory_space<vmem>>, vector<20x512xf32>,
    %max3A = arith.constant -1.000000e+02 : f32
    %max3A_579 = vector.broadcast %max3A : f32 to vector<20x512xf32>
    %max3A_580 = arith.maximumf %get3A_1, %max3A_579 : vector<20x512xf32>
    %tanh3A = math.tanh %max3A_580 : vector<20x512xf32>
    %swap3A_581 = arith.constant 0 : index
    %swap3A_582 = arith.constant 0 : index
    %swap3A_583 = vector.load %arg2[%swap3A_581, %swap3A_582] : memref<20x512xf32, #tpu.memory_space<vmem>>, vector<20x512xf32>
    tpu.vector_store %arg2[%swap3A_581, %swap3A_582], %tanh3A {strides = array<i32>} : memref<20x512xf32, #tpu.memory_space<vmem>>, vector<20x512xf32>,
    return
  }
}

module attributes {stable_mosaic.version = 14 : i64} {
  func.func @body(%arg0: i32, %arg1: memref<4x512x512xbf16, #tpu.memory_space<vmem>>, %arg2: memref<4x512x128xf32, #tpu.memory_space<vmem>>, %arg3: memref<4x512x1xf32, #tpu.memory_space<vmem>>, %arg4: memref<4x512x1xf32, #tpu.memory_space<vmem>>, %arg5: memref<128x128xf32, #tpu.memory_space<vmem>>, %arg6: memref<128x128xf32, #tpu.memory_space<vmem>>, %arg7: memref<1x128xf32, #tpu.memory_space<vmem>>, %arg8: memref<1x128xf32, #tpu.memory_space<vmem>>, %arg9: memref<4x1x256xf32, #tpu.memory_space<vmem>>, %arg10: memref<4x512x128xf32, #tpu.memory_space<vmem>>, %arg11: memref<4x512x1xf32, #tpu.memory_space<vmem>>) attributes {dimension_semantics = [#tpu.dimension_semantics<arbitrary>], iteration_bounds = array<i64: 5>, scalar_prefetch = 0 : i64, scratch_operands = 0 : i64, tpu.core_type = #tpu.core_type<tc>, window_params = [{transform_indices = @transform_0, window_bounds = array<i64: 4, 512, 512>}, {transform_indices = @transform_1, window_bounds = array<i64: 4, 512, 128>}, {transform_indices = @transform_2, window_bounds = array<i64: 4, 512, 1>}, {transform_indices = @transform_3, window_bounds = array<i64: 4, 512, 1>}, {pipeline_mode = #tpu.pipeline_mode<synchronous>, transform_indices = @transform_4, window_bounds = array<i64: 128, 128>}, {pipeline_mode = #tpu.pipeline_mode<synchronous>, transform_indices = @transform_5, window_bounds = array<i64: 128, 128>}, {pipeline_mode = #tpu.pipeline_mode<synchronous>, transform_indices = @transform_6, window_bounds = array<i64: 1, 128>}, {pipeline_mode = #tpu.pipeline_mode<synchronous>, transform_indices = @transform_7, window_bounds = array<i64: 1, 128>}, {transform_indices = @transform_8, window_bounds = array<i64: 4, 1, 256>}, {transform_indices = @transform_9, window_bounds = array<i64: 4, 512, 128>}, {transform_indices = @transform_10, window_bounds = array<i64: 4, 512, 1>}]} {
    %get3A = arith.constant 0 : index
    %get3A_0 = arith.constant 0 : index
    %get3A_1 = vector.load %arg8[%get3A, %get3A_0] : memref<1x128xf32, #tpu.memory_space<vmem>>, vector<1x128xf32>
    %mul3A = arith.mulf %get3A_1, %get3A_1 : vector<1x128xf32>
    %reduce_sum3A = vector.shape_cast %mul3A : vector<1x128xf32> to vector<1x1x128xf32>
    %reduce_sum3A_2 = arith.constant dense<0.000000e+00> : vector<1xf32>
    %reduce_sum3A_3 = vector.multi_reduction <add>, %reduce_sum3A, %reduce_sum3A_2 [1, 2] : vector<1x1x128xf32> to vector<1xf32>
    %reduce_sum3A_4 = vector.shape_cast %reduce_sum3A_3 : vector<1xf32> to vector<1x1x1xf32>
    %reduce_sum3A_5 = vector.extract %reduce_sum3A_4[0, 0, 0] : f32 from vector<1x1x1xf32>
    %sqrt3A = math.sqrt %reduce_sum3A_5 : f32
    %get3A_6 = arith.constant 0 : index
    %get3A_7 = arith.constant 0 : index
    %get3A_8 = arith.constant 0 : index
    %get3A_9 = vector.load %arg3[%get3A_6, %get3A_7, %get3A_8] : memref<4x512x1xf32, #tpu.memory_space<vmem>>, vector<1x512x1xf32>
    %get3A_10 = vector.shape_cast %get3A_9 : vector<1x512x1xf32> to vector<512x1xf32>
    %get3A_11 = arith.constant 0 : index
    %get3A_12 = arith.constant 0 : index
    %get3A_13 = arith.constant 0 : index
    %get3A_14 = vector.load %arg4[%get3A_11, %get3A_12, %get3A_13] : memref<4x512x1xf32, #tpu.memory_space<vmem>>, vector<1x512x1xf32>
    %get3A_15 = vector.shape_cast %get3A_14 : vector<1x512x1xf32> to vector<512x1xf32>
    %get3A_16 = arith.constant 0 : index
    %get3A_17 = arith.constant 0 : index
    %get3A_18 = arith.constant 0 : index
    %get3A_19 = vector.load %arg2[%get3A_16, %get3A_17, %get3A_18] : memref<4x512x128xf32, #tpu.memory_space<vmem>>, vector<1x512x128xf32>
    %get3A_20 = vector.shape_cast %get3A_19 : vector<1x512x128xf32> to vector<512x128xf32>
    %mul3A_21 = vector.broadcast %get3A_15 : vector<512x1xf32> to vector<512x128xf32>
    %mul3A_22 = arith.mulf %get3A_20, %mul3A_21 : vector<512x128xf32>
    %mul3A_23 = vector.broadcast %get3A_10 : vector<512x1xf32> to vector<512x128xf32>
    %mul3A_24 = arith.mulf %mul3A_22, %mul3A_23 : vector<512x128xf32>
    %gt3A = arith.constant 0.000000e+00 : f32
    %gt3A_25 = vector.broadcast %gt3A : f32 to vector<512x1xf32>
    %gt3A_26 = arith.cmpf ogt, %get3A_10, %gt3A_25 : vector<512x1xf32>
    %jit3A = arith.constant 0xFF800000 : f32
    %broadcast_in_dim3A = vector.shape_cast %gt3A_26 : vector<512x1xi1> to vector<512x1xi1>
    %broadcast_in_dim3A_27 = vector.broadcast %broadcast_in_dim3A : vector<512x1xi1> to vector<512x128xi1>
    %broadcast_in_dim3A_28 = vector.broadcast %jit3A : f32 to vector<512x128xf32>
    %select_n3A = arith.select %broadcast_in_dim3A_27, %mul3A_24, %broadcast_in_dim3A_28 : vector<512x128xi1>, vector<512x128xf32>
    %reduce_max3A = arith.constant dense<0xFF800000> : vector<128xf32>
    %reduce_max3A_29 = vector.multi_reduction <maximumf>, %select_n3A, %reduce_max3A [0] : vector<512x128xf32> to vector<128xf32>
    %broadcast_in_dim3A_30 = vector.shape_cast %reduce_max3A_29 : vector<128xf32> to vector<1x128xf32>
    %reduce_sum3A_31 = arith.constant dense<0.000000e+00> : vector<128xf32>
    %reduce_sum3A_32 = vector.multi_reduction <add>, %mul3A_24, %reduce_sum3A_31 [0] : vector<512x128xf32> to vector<128xf32>
    %broadcast_in_dim3A_33 = vector.shape_cast %reduce_sum3A_32 : vector<128xf32> to vector<1x128xf32>
    %mul3A_34 = arith.constant 0.00222222228 : f32
    %mul3A_35 = vector.broadcast %mul3A_34 : f32 to vector<1x128xf32>
    %mul3A_36 = arith.mulf %broadcast_in_dim3A_33, %mul3A_35 : vector<1x128xf32>
    %concatenate3A = tpu.concatenate %broadcast_in_dim3A_30, %mul3A_36 in 1 : vector<1x128xf32>, vector<1x128xf32> -> vector<1x256xf32>
    %swap3A = arith.constant 0 : index
    %swap3A_37 = arith.constant 0 : index
    %swap3A_38 = arith.constant 0 : index
    %swap3A_39 = vector.load %arg9[%swap3A, %swap3A_37, %swap3A_38] : memref<4x1x256xf32, #tpu.memory_space<vmem>>, vector<1x1x256xf32>
    %swap3A_40 = vector.shape_cast %swap3A_39 : vector<1x1x256xf32> to vector<1x256xf32>
    %swap3A_41 = vector.shape_cast %concatenate3A : vector<1x256xf32> to vector<1x1x256xf32>
    tpu.vector_store %arg9[%swap3A, %swap3A_37, %swap3A_38], %swap3A_41 {strides = array<i32>} : memref<4x1x256xf32, #tpu.memory_space<vmem>>, vector<1x1x256xf32>,
    %get3A_42 = arith.constant 0 : index
    %get3A_43 = arith.constant 0 : index
    %get3A_44 = vector.load %arg5[%get3A_42, %get3A_43] : memref<128x128xf32, #tpu.memory_space<vmem>>, vector<128x128xf32>
    %dot_general3A = arith.constant dense<0.000000e+00> : vector<512x128xf32>
    %dot_general3A_45 = tpu.matmul %mul3A_24, %get3A_44, %dot_general3A {dimension_numbers = #tpu.dot_dimension_numbers<[1], [0], [0], [1], [0, 0, 1, 1], [], []>, transpose_lhs_hint = false} : vector<512x128xf32>, vector<128x128xf32>, vector<512x128xf32> -> vector<512x128xf32>
    %get3A_46 = arith.constant 0 : index
    %get3A_47 = arith.constant 0 : index
    %get3A_48 = arith.constant 0 : index
    %get3A_49 = vector.load %arg1[%get3A_46, %get3A_47, %get3A_48] : memref<4x512x512xbf16, #tpu.memory_space<vmem>>, vector<1x512x512xbf16>
    %get3A_50 = vector.shape_cast %get3A_49 : vector<1x512x512xbf16> to vector<512x512xbf16>
    %convert_element_type3A = arith.truncf %dot_general3A_45 : vector<512x128xf32> to vector<512x128xbf16>
    %convert_element_type3A_51 = arith.extf %convert_element_type3A : vector<512x128xbf16> to vector<512x128xf32>
    %sub3A = arith.subf %dot_general3A_45, %convert_element_type3A_51 : vector<512x128xf32>
    %convert_element_type3A_52 = arith.truncf %sub3A : vector<512x128xf32> to vector<512x128xbf16>
    %dot_general3A_53 = arith.constant dense<0.000000e+00> : vector<512x128xf32>
    %dot_general3A_54 = tpu.matmul %get3A_50, %convert_element_type3A, %dot_general3A_53 {dimension_numbers = #tpu.dot_dimension_numbers<[1], [0], [0], [1], [0, 0, 1, 1], [], []>, transpose_lhs_hint = false} : vector<512x512xbf16>, vector<512x128xbf16>, vector<512x128xf32> -> vector<512x128xf32>
    %dot_general3A_55 = arith.constant dense<0.000000e+00> : vector<512x128xf32>
    %dot_general3A_56 = tpu.matmul %get3A_50, %convert_element_type3A_52, %dot_general3A_55 {dimension_numbers = #tpu.dot_dimension_numbers<[1], [0], [0], [1], [0, 0, 1, 1], [], []>, transpose_lhs_hint = false} : vector<512x512xbf16>, vector<512x128xbf16>, vector<512x128xf32> -> vector<512x128xf32>
    %add3A = arith.addf %dot_general3A_54, %dot_general3A_56 : vector<512x128xf32>
    %get3A_57 = arith.constant 0 : index
    %get3A_58 = arith.constant 0 : index
    %get3A_59 = vector.load %arg6[%get3A_57, %get3A_58] : memref<128x128xf32, #tpu.memory_space<vmem>>, vector<128x128xf32>
    %dot_general3A_60 = arith.constant dense<0.000000e+00> : vector<512x128xf32>
    %dot_general3A_61 = tpu.matmul %mul3A_24, %get3A_59, %dot_general3A_60 {dimension_numbers = #tpu.dot_dimension_numbers<[1], [0], [0], [1], [0, 0, 1, 1], [], []>, transpose_lhs_hint = false} : vector<512x128xf32>, vector<128x128xf32>, vector<512x128xf32> -> vector<512x128xf32>
    %add3A_62 = arith.addf %add3A, %dot_general3A_61 : vector<512x128xf32>
    %get3A_63 = arith.constant 0 : index
    %get3A_64 = arith.constant 0 : index
    %get3A_65 = vector.load %arg7[%get3A_63, %get3A_64] : memref<1x128xf32, #tpu.memory_space<vmem>>, vector<1x128xf32>
    %add3A_66 = vector.broadcast %get3A_65 : vector<1x128xf32> to vector<512x128xf32>
    %add3A_67 = arith.addf %add3A_62, %add3A_66 : vector<512x128xf32>
    %max3A = arith.constant 0.000000e+00 : f32
    %max3A_68 = vector.broadcast %max3A : f32 to vector<512x128xf32>
    %max3A_69 = arith.maximumf %add3A_67, %max3A_68 : vector<512x128xf32>
    %mul3A_70 = vector.broadcast %get3A_1 : vector<1x128xf32> to vector<512x128xf32>
    %mul3A_71 = arith.mulf %max3A_69, %mul3A_70 : vector<512x128xf32>
    %reduce_sum3A_72 = arith.constant dense<0.000000e+00> : vector<512xf32>
    %reduce_sum3A_73 = vector.multi_reduction <add>, %mul3A_71, %reduce_sum3A_72 [1] : vector<512x128xf32> to vector<512xf32>
    %broadcast_in_dim3A_74 = vector.shape_cast %reduce_sum3A_73 : vector<512xf32> to vector<512x1xf32>
    %div3A = vector.broadcast %sqrt3A : f32 to vector<512x1xf32>
    %div3A_75 = arith.divf %broadcast_in_dim3A_74, %div3A : vector<512x1xf32>
    %jit3A_76 = arith.constant 0xFF800000 : f32
    %broadcast_in_dim3A_77 = vector.broadcast %jit3A_76 : f32 to vector<512x1xf32>
    %select_n3A_78 = arith.select %gt3A_26, %div3A_75, %broadcast_in_dim3A_77 : vector<512x1xi1>, vector<512x1xf32>
    %swap3A_79 = arith.constant 0 : index
    %swap3A_80 = arith.constant 0 : index
    %swap3A_81 = arith.constant 0 : index
    %swap3A_82 = vector.load %arg11[%swap3A_79, %swap3A_80, %swap3A_81] : memref<4x512x1xf32, #tpu.memory_space<vmem>>, vector<1x512x1xf32>
    %swap3A_83 = vector.shape_cast %swap3A_82 : vector<1x512x1xf32> to vector<512x1xf32>
    %swap3A_84 = vector.shape_cast %select_n3A_78 : vector<512x1xf32> to vector<1x512x1xf32>
    tpu.vector_store %arg11[%swap3A_79, %swap3A_80, %swap3A_81], %swap3A_84 {strides = array<i32>} : memref<4x512x1xf32, #tpu.memory_space<vmem>>, vector<1x512x1xf32>,
    %swap3A_85 = arith.constant 0 : index
    %swap3A_86 = arith.constant 0 : index
    %swap3A_87 = arith.constant 0 : index
    %swap3A_88 = vector.load %arg10[%swap3A_85, %swap3A_86, %swap3A_87] : memref<4x512x128xf32, #tpu.memory_space<vmem>>, vector<1x512x128xf32>
    %swap3A_89 = vector.shape_cast %swap3A_88 : vector<1x512x128xf32> to vector<512x128xf32>
    %swap3A_90 = vector.shape_cast %max3A_69 : vector<512x128xf32> to vector<1x512x128xf32>
    tpu.vector_store %arg10[%swap3A_85, %swap3A_86, %swap3A_87], %swap3A_90 {strides = array<i32>} : memref<4x512x128xf32, #tpu.memory_space<vmem>>, vector<1x512x128xf32>,
    %get3A_91 = arith.constant 1 : index
    %get3A_92 = arith.constant 0 : index
    %get3A_93 = arith.constant 0 : index
    %get3A_94 = vector.load %arg3[%get3A_91, %get3A_92, %get3A_93] : memref<4x512x1xf32, #tpu.memory_space<vmem>>, vector<1x512x1xf32>
    %get3A_95 = vector.shape_cast %get3A_94 : vector<1x512x1xf32> to vector<512x1xf32>
    %get3A_96 = arith.constant 1 : index
    %get3A_97 = arith.constant 0 : index
    %get3A_98 = arith.constant 0 : index
    %get3A_99 = vector.load %arg4[%get3A_96, %get3A_97, %get3A_98] : memref<4x512x1xf32, #tpu.memory_space<vmem>>, vector<1x512x1xf32>
    %get3A_100 = vector.shape_cast %get3A_99 : vector<1x512x1xf32> to vector<512x1xf32>
    %get3A_101 = arith.constant 1 : index
    %get3A_102 = arith.constant 0 : index
    %get3A_103 = arith.constant 0 : index
    %get3A_104 = vector.load %arg2[%get3A_101, %get3A_102, %get3A_103] : memref<4x512x128xf32, #tpu.memory_space<vmem>>, vector<1x512x128xf32>
    %get3A_105 = vector.shape_cast %get3A_104 : vector<1x512x128xf32> to vector<512x128xf32>
    %mul3A_106 = vector.broadcast %get3A_100 : vector<512x1xf32> to vector<512x128xf32>
    %mul3A_107 = arith.mulf %get3A_105, %mul3A_106 : vector<512x128xf32>
    %mul3A_108 = vector.broadcast %get3A_95 : vector<512x1xf32> to vector<512x128xf32>
    %mul3A_109 = arith.mulf %mul3A_107, %mul3A_108 : vector<512x128xf32>
    %gt3A_110 = arith.constant 0.000000e+00 : f32
    %gt3A_111 = vector.broadcast %gt3A_110 : f32 to vector<512x1xf32>
    %gt3A_112 = arith.cmpf ogt, %get3A_95, %gt3A_111 : vector<512x1xf32>
    %jit3A_113 = arith.constant 0xFF800000 : f32
    %broadcast_in_dim3A_114 = vector.shape_cast %gt3A_112 : vector<512x1xi1> to vector<512x1xi1>
    %broadcast_in_dim3A_115 = vector.broadcast %broadcast_in_dim3A_114 : vector<512x1xi1> to vector<512x128xi1>
    %broadcast_in_dim3A_116 = vector.broadcast %jit3A_113 : f32 to vector<512x128xf32>
    %select_n3A_117 = arith.select %broadcast_in_dim3A_115, %mul3A_109, %broadcast_in_dim3A_116 : vector<512x128xi1>, vector<512x128xf32>
    %reduce_max3A_118 = arith.constant dense<0xFF800000> : vector<128xf32>
    %reduce_max3A_119 = vector.multi_reduction <maximumf>, %select_n3A_117, %reduce_max3A_118 [0] : vector<512x128xf32> to vector<128xf32>
    %broadcast_in_dim3A_120 = vector.shape_cast %reduce_max3A_119 : vector<128xf32> to vector<1x128xf32>
    %reduce_sum3A_121 = arith.constant dense<0.000000e+00> : vector<128xf32>
    %reduce_sum3A_122 = vector.multi_reduction <add>, %mul3A_109, %reduce_sum3A_121 [0] : vector<512x128xf32> to vector<128xf32>
    %broadcast_in_dim3A_123 = vector.shape_cast %reduce_sum3A_122 : vector<128xf32> to vector<1x128xf32>
    %mul3A_124 = arith.constant 0.00222222228 : f32
    %mul3A_125 = vector.broadcast %mul3A_124 : f32 to vector<1x128xf32>
    %mul3A_126 = arith.mulf %broadcast_in_dim3A_123, %mul3A_125 : vector<1x128xf32>
    %concatenate3A_127 = tpu.concatenate %broadcast_in_dim3A_120, %mul3A_126 in 1 : vector<1x128xf32>, vector<1x128xf32> -> vector<1x256xf32>
    %swap3A_128 = arith.constant 1 : index
    %swap3A_129 = arith.constant 0 : index
    %swap3A_130 = arith.constant 0 : index
    %swap3A_131 = vector.load %arg9[%swap3A_128, %swap3A_129, %swap3A_130] : memref<4x1x256xf32, #tpu.memory_space<vmem>>, vector<1x1x256xf32>
    %swap3A_132 = vector.shape_cast %swap3A_131 : vector<1x1x256xf32> to vector<1x256xf32>
    %swap3A_133 = vector.shape_cast %concatenate3A_127 : vector<1x256xf32> to vector<1x1x256xf32>
    tpu.vector_store %arg9[%swap3A_128, %swap3A_129, %swap3A_130], %swap3A_133 {strides = array<i32>} : memref<4x1x256xf32, #tpu.memory_space<vmem>>, vector<1x1x256xf32>,
    %get3A_134 = arith.constant 0 : index
    %get3A_135 = arith.constant 0 : index
    %get3A_136 = vector.load %arg5[%get3A_134, %get3A_135] : memref<128x128xf32, #tpu.memory_space<vmem>>, vector<128x128xf32>
    %dot_general3A_137 = arith.constant dense<0.000000e+00> : vector<512x128xf32>
    %dot_general3A_138 = tpu.matmul %mul3A_109, %get3A_136, %dot_general3A_137 {dimension_numbers = #tpu.dot_dimension_numbers<[1], [0], [0], [1], [0, 0, 1, 1], [], []>, transpose_lhs_hint = false} : vector<512x128xf32>, vector<128x128xf32>, vector<512x128xf32> -> vector<512x128xf32>
    %get3A_139 = arith.constant 1 : index
    %get3A_140 = arith.constant 0 : index
    %get3A_141 = arith.constant 0 : index
    %get3A_142 = vector.load %arg1[%get3A_139, %get3A_140, %get3A_141] : memref<4x512x512xbf16, #tpu.memory_space<vmem>>, vector<1x512x512xbf16>
    %get3A_143 = vector.shape_cast %get3A_142 : vector<1x512x512xbf16> to vector<512x512xbf16>
    %convert_element_type3A_144 = arith.truncf %dot_general3A_138 : vector<512x128xf32> to vector<512x128xbf16>
    %convert_element_type3A_145 = arith.extf %convert_element_type3A_144 : vector<512x128xbf16> to vector<512x128xf32>
    %sub3A_146 = arith.subf %dot_general3A_138, %convert_element_type3A_145 : vector<512x128xf32>
    %convert_element_type3A_147 = arith.truncf %sub3A_146 : vector<512x128xf32> to vector<512x128xbf16>
    %dot_general3A_148 = arith.constant dense<0.000000e+00> : vector<512x128xf32>
    %dot_general3A_149 = tpu.matmul %get3A_143, %convert_element_type3A_144, %dot_general3A_148 {dimension_numbers = #tpu.dot_dimension_numbers<[1], [0], [0], [1], [0, 0, 1, 1], [], []>, transpose_lhs_hint = false} : vector<512x512xbf16>, vector<512x128xbf16>, vector<512x128xf32> -> vector<512x128xf32>
    %dot_general3A_150 = arith.constant dense<0.000000e+00> : vector<512x128xf32>
    %dot_general3A_151 = tpu.matmul %get3A_143, %convert_element_type3A_147, %dot_general3A_150 {dimension_numbers = #tpu.dot_dimension_numbers<[1], [0], [0], [1], [0, 0, 1, 1], [], []>, transpose_lhs_hint = false} : vector<512x512xbf16>, vector<512x128xbf16>, vector<512x128xf32> -> vector<512x128xf32>
    %add3A_152 = arith.addf %dot_general3A_149, %dot_general3A_151 : vector<512x128xf32>
    %get3A_153 = arith.constant 0 : index
    %get3A_154 = arith.constant 0 : index
    %get3A_155 = vector.load %arg6[%get3A_153, %get3A_154] : memref<128x128xf32, #tpu.memory_space<vmem>>, vector<128x128xf32>
    %dot_general3A_156 = arith.constant dense<0.000000e+00> : vector<512x128xf32>
    %dot_general3A_157 = tpu.matmul %mul3A_109, %get3A_155, %dot_general3A_156 {dimension_numbers = #tpu.dot_dimension_numbers<[1], [0], [0], [1], [0, 0, 1, 1], [], []>, transpose_lhs_hint = false} : vector<512x128xf32>, vector<128x128xf32>, vector<512x128xf32> -> vector<512x128xf32>
    %add3A_158 = arith.addf %add3A_152, %dot_general3A_157 : vector<512x128xf32>
    %get3A_159 = arith.constant 0 : index
    %get3A_160 = arith.constant 0 : index
    %get3A_161 = vector.load %arg7[%get3A_159, %get3A_160] : memref<1x128xf32, #tpu.memory_space<vmem>>, vector<1x128xf32>
    %add3A_162 = vector.broadcast %get3A_161 : vector<1x128xf32> to vector<512x128xf32>
    %add3A_163 = arith.addf %add3A_158, %add3A_162 : vector<512x128xf32>
    %max3A_164 = arith.constant 0.000000e+00 : f32
    %max3A_165 = vector.broadcast %max3A_164 : f32 to vector<512x128xf32>
    %max3A_166 = arith.maximumf %add3A_163, %max3A_165 : vector<512x128xf32>
    %mul3A_167 = vector.broadcast %get3A_1 : vector<1x128xf32> to vector<512x128xf32>
    %mul3A_168 = arith.mulf %max3A_166, %mul3A_167 : vector<512x128xf32>
    %reduce_sum3A_169 = arith.constant dense<0.000000e+00> : vector<512xf32>
    %reduce_sum3A_170 = vector.multi_reduction <add>, %mul3A_168, %reduce_sum3A_169 [1] : vector<512x128xf32> to vector<512xf32>
    %broadcast_in_dim3A_171 = vector.shape_cast %reduce_sum3A_170 : vector<512xf32> to vector<512x1xf32>
    %div3A_172 = vector.broadcast %sqrt3A : f32 to vector<512x1xf32>
    %div3A_173 = arith.divf %broadcast_in_dim3A_171, %div3A_172 : vector<512x1xf32>
    %jit3A_174 = arith.constant 0xFF800000 : f32
    %broadcast_in_dim3A_175 = vector.broadcast %jit3A_174 : f32 to vector<512x1xf32>
    %select_n3A_176 = arith.select %gt3A_112, %div3A_173, %broadcast_in_dim3A_175 : vector<512x1xi1>, vector<512x1xf32>
    %swap3A_177 = arith.constant 1 : index
    %swap3A_178 = arith.constant 0 : index
    %swap3A_179 = arith.constant 0 : index
    %swap3A_180 = vector.load %arg11[%swap3A_177, %swap3A_178, %swap3A_179] : memref<4x512x1xf32, #tpu.memory_space<vmem>>, vector<1x512x1xf32>
    %swap3A_181 = vector.shape_cast %swap3A_180 : vector<1x512x1xf32> to vector<512x1xf32>
    %swap3A_182 = vector.shape_cast %select_n3A_176 : vector<512x1xf32> to vector<1x512x1xf32>
    tpu.vector_store %arg11[%swap3A_177, %swap3A_178, %swap3A_179], %swap3A_182 {strides = array<i32>} : memref<4x512x1xf32, #tpu.memory_space<vmem>>, vector<1x512x1xf32>,
    %swap3A_183 = arith.constant 1 : index
    %swap3A_184 = arith.constant 0 : index
    %swap3A_185 = arith.constant 0 : index
    %swap3A_186 = vector.load %arg10[%swap3A_183, %swap3A_184, %swap3A_185] : memref<4x512x128xf32, #tpu.memory_space<vmem>>, vector<1x512x128xf32>
    %swap3A_187 = vector.shape_cast %swap3A_186 : vector<1x512x128xf32> to vector<512x128xf32>
    %swap3A_188 = vector.shape_cast %max3A_166 : vector<512x128xf32> to vector<1x512x128xf32>
    tpu.vector_store %arg10[%swap3A_183, %swap3A_184, %swap3A_185], %swap3A_188 {strides = array<i32>} : memref<4x512x128xf32, #tpu.memory_space<vmem>>, vector<1x512x128xf32>,
    %get3A_189 = arith.constant 2 : index
    %get3A_190 = arith.constant 0 : index
    %get3A_191 = arith.constant 0 : index
    %get3A_192 = vector.load %arg3[%get3A_189, %get3A_190, %get3A_191] : memref<4x512x1xf32, #tpu.memory_space<vmem>>, vector<1x512x1xf32>
    %get3A_193 = vector.shape_cast %get3A_192 : vector<1x512x1xf32> to vector<512x1xf32>
    %get3A_194 = arith.constant 2 : index
    %get3A_195 = arith.constant 0 : index
    %get3A_196 = arith.constant 0 : index
    %get3A_197 = vector.load %arg4[%get3A_194, %get3A_195, %get3A_196] : memref<4x512x1xf32, #tpu.memory_space<vmem>>, vector<1x512x1xf32>
    %get3A_198 = vector.shape_cast %get3A_197 : vector<1x512x1xf32> to vector<512x1xf32>
    %get3A_199 = arith.constant 2 : index
    %get3A_200 = arith.constant 0 : index
    %get3A_201 = arith.constant 0 : index
    %get3A_202 = vector.load %arg2[%get3A_199, %get3A_200, %get3A_201] : memref<4x512x128xf32, #tpu.memory_space<vmem>>, vector<1x512x128xf32>
    %get3A_203 = vector.shape_cast %get3A_202 : vector<1x512x128xf32> to vector<512x128xf32>
    %mul3A_204 = vector.broadcast %get3A_198 : vector<512x1xf32> to vector<512x128xf32>
    %mul3A_205 = arith.mulf %get3A_203, %mul3A_204 : vector<512x128xf32>
    %mul3A_206 = vector.broadcast %get3A_193 : vector<512x1xf32> to vector<512x128xf32>
    %mul3A_207 = arith.mulf %mul3A_205, %mul3A_206 : vector<512x128xf32>
    %gt3A_208 = arith.constant 0.000000e+00 : f32
    %gt3A_209 = vector.broadcast %gt3A_208 : f32 to vector<512x1xf32>
    %gt3A_210 = arith.cmpf ogt, %get3A_193, %gt3A_209 : vector<512x1xf32>
    %jit3A_211 = arith.constant 0xFF800000 : f32
    %broadcast_in_dim3A_212 = vector.shape_cast %gt3A_210 : vector<512x1xi1> to vector<512x1xi1>
    %broadcast_in_dim3A_213 = vector.broadcast %broadcast_in_dim3A_212 : vector<512x1xi1> to vector<512x128xi1>
    %broadcast_in_dim3A_214 = vector.broadcast %jit3A_211 : f32 to vector<512x128xf32>
    %select_n3A_215 = arith.select %broadcast_in_dim3A_213, %mul3A_207, %broadcast_in_dim3A_214 : vector<512x128xi1>, vector<512x128xf32>
    %reduce_max3A_216 = arith.constant dense<0xFF800000> : vector<128xf32>
    %reduce_max3A_217 = vector.multi_reduction <maximumf>, %select_n3A_215, %reduce_max3A_216 [0] : vector<512x128xf32> to vector<128xf32>
    %broadcast_in_dim3A_218 = vector.shape_cast %reduce_max3A_217 : vector<128xf32> to vector<1x128xf32>
    %reduce_sum3A_219 = arith.constant dense<0.000000e+00> : vector<128xf32>
    %reduce_sum3A_220 = vector.multi_reduction <add>, %mul3A_207, %reduce_sum3A_219 [0] : vector<512x128xf32> to vector<128xf32>
    %broadcast_in_dim3A_221 = vector.shape_cast %reduce_sum3A_220 : vector<128xf32> to vector<1x128xf32>
    %mul3A_222 = arith.constant 0.00222222228 : f32
    %mul3A_223 = vector.broadcast %mul3A_222 : f32 to vector<1x128xf32>
    %mul3A_224 = arith.mulf %broadcast_in_dim3A_221, %mul3A_223 : vector<1x128xf32>
    %concatenate3A_225 = tpu.concatenate %broadcast_in_dim3A_218, %mul3A_224 in 1 : vector<1x128xf32>, vector<1x128xf32> -> vector<1x256xf32>
    %swap3A_226 = arith.constant 2 : index
    %swap3A_227 = arith.constant 0 : index
    %swap3A_228 = arith.constant 0 : index
    %swap3A_229 = vector.load %arg9[%swap3A_226, %swap3A_227, %swap3A_228] : memref<4x1x256xf32, #tpu.memory_space<vmem>>, vector<1x1x256xf32>
    %swap3A_230 = vector.shape_cast %swap3A_229 : vector<1x1x256xf32> to vector<1x256xf32>
    %swap3A_231 = vector.shape_cast %concatenate3A_225 : vector<1x256xf32> to vector<1x1x256xf32>
    tpu.vector_store %arg9[%swap3A_226, %swap3A_227, %swap3A_228], %swap3A_231 {strides = array<i32>} : memref<4x1x256xf32, #tpu.memory_space<vmem>>, vector<1x1x256xf32>,
    %get3A_232 = arith.constant 0 : index
    %get3A_233 = arith.constant 0 : index
    %get3A_234 = vector.load %arg5[%get3A_232, %get3A_233] : memref<128x128xf32, #tpu.memory_space<vmem>>, vector<128x128xf32>
    %dot_general3A_235 = arith.constant dense<0.000000e+00> : vector<512x128xf32>
    %dot_general3A_236 = tpu.matmul %mul3A_207, %get3A_234, %dot_general3A_235 {dimension_numbers = #tpu.dot_dimension_numbers<[1], [0], [0], [1], [0, 0, 1, 1], [], []>, transpose_lhs_hint = false} : vector<512x128xf32>, vector<128x128xf32>, vector<512x128xf32> -> vector<512x128xf32>
    %get3A_237 = arith.constant 2 : index
    %get3A_238 = arith.constant 0 : index
    %get3A_239 = arith.constant 0 : index
    %get3A_240 = vector.load %arg1[%get3A_237, %get3A_238, %get3A_239] : memref<4x512x512xbf16, #tpu.memory_space<vmem>>, vector<1x512x512xbf16>
    %get3A_241 = vector.shape_cast %get3A_240 : vector<1x512x512xbf16> to vector<512x512xbf16>
    %convert_element_type3A_242 = arith.truncf %dot_general3A_236 : vector<512x128xf32> to vector<512x128xbf16>
    %convert_element_type3A_243 = arith.extf %convert_element_type3A_242 : vector<512x128xbf16> to vector<512x128xf32>
    %sub3A_244 = arith.subf %dot_general3A_236, %convert_element_type3A_243 : vector<512x128xf32>
    %convert_element_type3A_245 = arith.truncf %sub3A_244 : vector<512x128xf32> to vector<512x128xbf16>
    %dot_general3A_246 = arith.constant dense<0.000000e+00> : vector<512x128xf32>
    %dot_general3A_247 = tpu.matmul %get3A_241, %convert_element_type3A_242, %dot_general3A_246 {dimension_numbers = #tpu.dot_dimension_numbers<[1], [0], [0], [1], [0, 0, 1, 1], [], []>, transpose_lhs_hint = false} : vector<512x512xbf16>, vector<512x128xbf16>, vector<512x128xf32> -> vector<512x128xf32>
    %dot_general3A_248 = arith.constant dense<0.000000e+00> : vector<512x128xf32>
    %dot_general3A_249 = tpu.matmul %get3A_241, %convert_element_type3A_245, %dot_general3A_248 {dimension_numbers = #tpu.dot_dimension_numbers<[1], [0], [0], [1], [0, 0, 1, 1], [], []>, transpose_lhs_hint = false} : vector<512x512xbf16>, vector<512x128xbf16>, vector<512x128xf32> -> vector<512x128xf32>
    %add3A_250 = arith.addf %dot_general3A_247, %dot_general3A_249 : vector<512x128xf32>
    %get3A_251 = arith.constant 0 : index
    %get3A_252 = arith.constant 0 : index
    %get3A_253 = vector.load %arg6[%get3A_251, %get3A_252] : memref<128x128xf32, #tpu.memory_space<vmem>>, vector<128x128xf32>
    %dot_general3A_254 = arith.constant dense<0.000000e+00> : vector<512x128xf32>
    %dot_general3A_255 = tpu.matmul %mul3A_207, %get3A_253, %dot_general3A_254 {dimension_numbers = #tpu.dot_dimension_numbers<[1], [0], [0], [1], [0, 0, 1, 1], [], []>, transpose_lhs_hint = false} : vector<512x128xf32>, vector<128x128xf32>, vector<512x128xf32> -> vector<512x128xf32>
    %add3A_256 = arith.addf %add3A_250, %dot_general3A_255 : vector<512x128xf32>
    %get3A_257 = arith.constant 0 : index
    %get3A_258 = arith.constant 0 : index
    %get3A_259 = vector.load %arg7[%get3A_257, %get3A_258] : memref<1x128xf32, #tpu.memory_space<vmem>>, vector<1x128xf32>
    %add3A_260 = vector.broadcast %get3A_259 : vector<1x128xf32> to vector<512x128xf32>
    %add3A_261 = arith.addf %add3A_256, %add3A_260 : vector<512x128xf32>
    %max3A_262 = arith.constant 0.000000e+00 : f32
    %max3A_263 = vector.broadcast %max3A_262 : f32 to vector<512x128xf32>
    %max3A_264 = arith.maximumf %add3A_261, %max3A_263 : vector<512x128xf32>
    %mul3A_265 = vector.broadcast %get3A_1 : vector<1x128xf32> to vector<512x128xf32>
    %mul3A_266 = arith.mulf %max3A_264, %mul3A_265 : vector<512x128xf32>
    %reduce_sum3A_267 = arith.constant dense<0.000000e+00> : vector<512xf32>
    %reduce_sum3A_268 = vector.multi_reduction <add>, %mul3A_266, %reduce_sum3A_267 [1] : vector<512x128xf32> to vector<512xf32>
    %broadcast_in_dim3A_269 = vector.shape_cast %reduce_sum3A_268 : vector<512xf32> to vector<512x1xf32>
    %div3A_270 = vector.broadcast %sqrt3A : f32 to vector<512x1xf32>
    %div3A_271 = arith.divf %broadcast_in_dim3A_269, %div3A_270 : vector<512x1xf32>
    %jit3A_272 = arith.constant 0xFF800000 : f32
    %broadcast_in_dim3A_273 = vector.broadcast %jit3A_272 : f32 to vector<512x1xf32>
    %select_n3A_274 = arith.select %gt3A_210, %div3A_271, %broadcast_in_dim3A_273 : vector<512x1xi1>, vector<512x1xf32>
    %swap3A_275 = arith.constant 2 : index
    %swap3A_276 = arith.constant 0 : index
    %swap3A_277 = arith.constant 0 : index
    %swap3A_278 = vector.load %arg11[%swap3A_275, %swap3A_276, %swap3A_277] : memref<4x512x1xf32, #tpu.memory_space<vmem>>, vector<1x512x1xf32>
    %swap3A_279 = vector.shape_cast %swap3A_278 : vector<1x512x1xf32> to vector<512x1xf32>
    %swap3A_280 = vector.shape_cast %select_n3A_274 : vector<512x1xf32> to vector<1x512x1xf32>
    tpu.vector_store %arg11[%swap3A_275, %swap3A_276, %swap3A_277], %swap3A_280 {strides = array<i32>} : memref<4x512x1xf32, #tpu.memory_space<vmem>>, vector<1x512x1xf32>,
    %swap3A_281 = arith.constant 2 : index
    %swap3A_282 = arith.constant 0 : index
    %swap3A_283 = arith.constant 0 : index
    %swap3A_284 = vector.load %arg10[%swap3A_281, %swap3A_282, %swap3A_283] : memref<4x512x128xf32, #tpu.memory_space<vmem>>, vector<1x512x128xf32>
    %swap3A_285 = vector.shape_cast %swap3A_284 : vector<1x512x128xf32> to vector<512x128xf32>
    %swap3A_286 = vector.shape_cast %max3A_264 : vector<512x128xf32> to vector<1x512x128xf32>
    tpu.vector_store %arg10[%swap3A_281, %swap3A_282, %swap3A_283], %swap3A_286 {strides = array<i32>} : memref<4x512x128xf32, #tpu.memory_space<vmem>>, vector<1x512x128xf32>,
    %get3A_287 = arith.constant 3 : index
    %get3A_288 = arith.constant 0 : index
    %get3A_289 = arith.constant 0 : index
    %get3A_290 = vector.load %arg3[%get3A_287, %get3A_288, %get3A_289] : memref<4x512x1xf32, #tpu.memory_space<vmem>>, vector<1x512x1xf32>
    %get3A_291 = vector.shape_cast %get3A_290 : vector<1x512x1xf32> to vector<512x1xf32>
    %get3A_292 = arith.constant 3 : index
    %get3A_293 = arith.constant 0 : index
    %get3A_294 = arith.constant 0 : index
    %get3A_295 = vector.load %arg4[%get3A_292, %get3A_293, %get3A_294] : memref<4x512x1xf32, #tpu.memory_space<vmem>>, vector<1x512x1xf32>
    %get3A_296 = vector.shape_cast %get3A_295 : vector<1x512x1xf32> to vector<512x1xf32>
    %get3A_297 = arith.constant 3 : index
    %get3A_298 = arith.constant 0 : index
    %get3A_299 = arith.constant 0 : index
    %get3A_300 = vector.load %arg2[%get3A_297, %get3A_298, %get3A_299] : memref<4x512x128xf32, #tpu.memory_space<vmem>>, vector<1x512x128xf32>
    %get3A_301 = vector.shape_cast %get3A_300 : vector<1x512x128xf32> to vector<512x128xf32>
    %mul3A_302 = vector.broadcast %get3A_296 : vector<512x1xf32> to vector<512x128xf32>
    %mul3A_303 = arith.mulf %get3A_301, %mul3A_302 : vector<512x128xf32>
    %mul3A_304 = vector.broadcast %get3A_291 : vector<512x1xf32> to vector<512x128xf32>
    %mul3A_305 = arith.mulf %mul3A_303, %mul3A_304 : vector<512x128xf32>
    %gt3A_306 = arith.constant 0.000000e+00 : f32
    %gt3A_307 = vector.broadcast %gt3A_306 : f32 to vector<512x1xf32>
    %gt3A_308 = arith.cmpf ogt, %get3A_291, %gt3A_307 : vector<512x1xf32>
    %jit3A_309 = arith.constant 0xFF800000 : f32
    %broadcast_in_dim3A_310 = vector.shape_cast %gt3A_308 : vector<512x1xi1> to vector<512x1xi1>
    %broadcast_in_dim3A_311 = vector.broadcast %broadcast_in_dim3A_310 : vector<512x1xi1> to vector<512x128xi1>
    %broadcast_in_dim3A_312 = vector.broadcast %jit3A_309 : f32 to vector<512x128xf32>
    %select_n3A_313 = arith.select %broadcast_in_dim3A_311, %mul3A_305, %broadcast_in_dim3A_312 : vector<512x128xi1>, vector<512x128xf32>
    %reduce_max3A_314 = arith.constant dense<0xFF800000> : vector<128xf32>
    %reduce_max3A_315 = vector.multi_reduction <maximumf>, %select_n3A_313, %reduce_max3A_314 [0] : vector<512x128xf32> to vector<128xf32>
    %broadcast_in_dim3A_316 = vector.shape_cast %reduce_max3A_315 : vector<128xf32> to vector<1x128xf32>
    %reduce_sum3A_317 = arith.constant dense<0.000000e+00> : vector<128xf32>
    %reduce_sum3A_318 = vector.multi_reduction <add>, %mul3A_305, %reduce_sum3A_317 [0] : vector<512x128xf32> to vector<128xf32>
    %broadcast_in_dim3A_319 = vector.shape_cast %reduce_sum3A_318 : vector<128xf32> to vector<1x128xf32>
    %mul3A_320 = arith.constant 0.00222222228 : f32
    %mul3A_321 = vector.broadcast %mul3A_320 : f32 to vector<1x128xf32>
    %mul3A_322 = arith.mulf %broadcast_in_dim3A_319, %mul3A_321 : vector<1x128xf32>
    %concatenate3A_323 = tpu.concatenate %broadcast_in_dim3A_316, %mul3A_322 in 1 : vector<1x128xf32>, vector<1x128xf32> -> vector<1x256xf32>
    %swap3A_324 = arith.constant 3 : index
    %swap3A_325 = arith.constant 0 : index
    %swap3A_326 = arith.constant 0 : index
    %swap3A_327 = vector.load %arg9[%swap3A_324, %swap3A_325, %swap3A_326] : memref<4x1x256xf32, #tpu.memory_space<vmem>>, vector<1x1x256xf32>
    %swap3A_328 = vector.shape_cast %swap3A_327 : vector<1x1x256xf32> to vector<1x256xf32>
    %swap3A_329 = vector.shape_cast %concatenate3A_323 : vector<1x256xf32> to vector<1x1x256xf32>
    tpu.vector_store %arg9[%swap3A_324, %swap3A_325, %swap3A_326], %swap3A_329 {strides = array<i32>} : memref<4x1x256xf32, #tpu.memory_space<vmem>>, vector<1x1x256xf32>,
    %get3A_330 = arith.constant 0 : index
    %get3A_331 = arith.constant 0 : index
    %get3A_332 = vector.load %arg5[%get3A_330, %get3A_331] : memref<128x128xf32, #tpu.memory_space<vmem>>, vector<128x128xf32>
    %dot_general3A_333 = arith.constant dense<0.000000e+00> : vector<512x128xf32>
    %dot_general3A_334 = tpu.matmul %mul3A_305, %get3A_332, %dot_general3A_333 {dimension_numbers = #tpu.dot_dimension_numbers<[1], [0], [0], [1], [0, 0, 1, 1], [], []>, transpose_lhs_hint = false} : vector<512x128xf32>, vector<128x128xf32>, vector<512x128xf32> -> vector<512x128xf32>
    %get3A_335 = arith.constant 3 : index
    %get3A_336 = arith.constant 0 : index
    %get3A_337 = arith.constant 0 : index
    %get3A_338 = vector.load %arg1[%get3A_335, %get3A_336, %get3A_337] : memref<4x512x512xbf16, #tpu.memory_space<vmem>>, vector<1x512x512xbf16>
    %get3A_339 = vector.shape_cast %get3A_338 : vector<1x512x512xbf16> to vector<512x512xbf16>
    %convert_element_type3A_340 = arith.truncf %dot_general3A_334 : vector<512x128xf32> to vector<512x128xbf16>
    %convert_element_type3A_341 = arith.extf %convert_element_type3A_340 : vector<512x128xbf16> to vector<512x128xf32>
    %sub3A_342 = arith.subf %dot_general3A_334, %convert_element_type3A_341 : vector<512x128xf32>
    %convert_element_type3A_343 = arith.truncf %sub3A_342 : vector<512x128xf32> to vector<512x128xbf16>
    %dot_general3A_344 = arith.constant dense<0.000000e+00> : vector<512x128xf32>
    %dot_general3A_345 = tpu.matmul %get3A_339, %convert_element_type3A_340, %dot_general3A_344 {dimension_numbers = #tpu.dot_dimension_numbers<[1], [0], [0], [1], [0, 0, 1, 1], [], []>, transpose_lhs_hint = false} : vector<512x512xbf16>, vector<512x128xbf16>, vector<512x128xf32> -> vector<512x128xf32>
    %dot_general3A_346 = arith.constant dense<0.000000e+00> : vector<512x128xf32>
    %dot_general3A_347 = tpu.matmul %get3A_339, %convert_element_type3A_343, %dot_general3A_346 {dimension_numbers = #tpu.dot_dimension_numbers<[1], [0], [0], [1], [0, 0, 1, 1], [], []>, transpose_lhs_hint = false} : vector<512x512xbf16>, vector<512x128xbf16>, vector<512x128xf32> -> vector<512x128xf32>
    %add3A_348 = arith.addf %dot_general3A_345, %dot_general3A_347 : vector<512x128xf32>
    %get3A_349 = arith.constant 0 : index
    %get3A_350 = arith.constant 0 : index
    %get3A_351 = vector.load %arg6[%get3A_349, %get3A_350] : memref<128x128xf32, #tpu.memory_space<vmem>>, vector<128x128xf32>
    %dot_general3A_352 = arith.constant dense<0.000000e+00> : vector<512x128xf32>
    %dot_general3A_353 = tpu.matmul %mul3A_305, %get3A_351, %dot_general3A_352 {dimension_numbers = #tpu.dot_dimension_numbers<[1], [0], [0], [1], [0, 0, 1, 1], [], []>, transpose_lhs_hint = false} : vector<512x128xf32>, vector<128x128xf32>, vector<512x128xf32> -> vector<512x128xf32>
    %add3A_354 = arith.addf %add3A_348, %dot_general3A_353 : vector<512x128xf32>
    %get3A_355 = arith.constant 0 : index
    %get3A_356 = arith.constant 0 : index
    %get3A_357 = vector.load %arg7[%get3A_355, %get3A_356] : memref<1x128xf32, #tpu.memory_space<vmem>>, vector<1x128xf32>
    %add3A_358 = vector.broadcast %get3A_357 : vector<1x128xf32> to vector<512x128xf32>
    %add3A_359 = arith.addf %add3A_354, %add3A_358 : vector<512x128xf32>
    %max3A_360 = arith.constant 0.000000e+00 : f32
    %max3A_361 = vector.broadcast %max3A_360 : f32 to vector<512x128xf32>
    %max3A_362 = arith.maximumf %add3A_359, %max3A_361 : vector<512x128xf32>
    %mul3A_363 = vector.broadcast %get3A_1 : vector<1x128xf32> to vector<512x128xf32>
    %mul3A_364 = arith.mulf %max3A_362, %mul3A_363 : vector<512x128xf32>
    %reduce_sum3A_365 = arith.constant dense<0.000000e+00> : vector<512xf32>
    %reduce_sum3A_366 = vector.multi_reduction <add>, %mul3A_364, %reduce_sum3A_365 [1] : vector<512x128xf32> to vector<512xf32>
    %broadcast_in_dim3A_367 = vector.shape_cast %reduce_sum3A_366 : vector<512xf32> to vector<512x1xf32>
    %div3A_368 = vector.broadcast %sqrt3A : f32 to vector<512x1xf32>
    %div3A_369 = arith.divf %broadcast_in_dim3A_367, %div3A_368 : vector<512x1xf32>
    %jit3A_370 = arith.constant 0xFF800000 : f32
    %broadcast_in_dim3A_371 = vector.broadcast %jit3A_370 : f32 to vector<512x1xf32>
    %select_n3A_372 = arith.select %gt3A_308, %div3A_369, %broadcast_in_dim3A_371 : vector<512x1xi1>, vector<512x1xf32>
    %swap3A_373 = arith.constant 3 : index
    %swap3A_374 = arith.constant 0 : index
    %swap3A_375 = arith.constant 0 : index
    %swap3A_376 = vector.load %arg11[%swap3A_373, %swap3A_374, %swap3A_375] : memref<4x512x1xf32, #tpu.memory_space<vmem>>, vector<1x512x1xf32>
    %swap3A_377 = vector.shape_cast %swap3A_376 : vector<1x512x1xf32> to vector<512x1xf32>
    %swap3A_378 = vector.shape_cast %select_n3A_372 : vector<512x1xf32> to vector<1x512x1xf32>
    tpu.vector_store %arg11[%swap3A_373, %swap3A_374, %swap3A_375], %swap3A_378 {strides = array<i32>} : memref<4x512x1xf32, #tpu.memory_space<vmem>>, vector<1x512x1xf32>,
    %swap3A_379 = arith.constant 3 : index
    %swap3A_380 = arith.constant 0 : index
    %swap3A_381 = arith.constant 0 : index
    %swap3A_382 = vector.load %arg10[%swap3A_379, %swap3A_380, %swap3A_381] : memref<4x512x128xf32, #tpu.memory_space<vmem>>, vector<1x512x128xf32>
    %swap3A_383 = vector.shape_cast %swap3A_382 : vector<1x512x128xf32> to vector<512x128xf32>
    %swap3A_384 = vector.shape_cast %max3A_362 : vector<512x128xf32> to vector<1x512x128xf32>
    tpu.vector_store %arg10[%swap3A_379, %swap3A_380, %swap3A_381], %swap3A_384 {strides = array<i32>} : memref<4x512x128xf32, #tpu.memory_space<vmem>>, vector<1x512x128xf32>,
    return
  }
  func.func @transform_0(%arg0: i32) -> (i32, i32, i32) {
    %c0_i32 = arith.constant 0 : i32
    %c0_i32_0 = arith.constant 0 : i32
    %c0_i32_1 = arith.constant 0 : i32
    return %arg0, %c0_i32, %c0_i32_0 : i32, i32, i32
  }
  func.func @transform_1(%arg0: i32) -> (i32, i32, i32) {
    %c0_i32 = arith.constant 0 : i32
    %c0_i32_0 = arith.constant 0 : i32
    %c0_i32_1 = arith.constant 0 : i32
    return %arg0, %c0_i32, %c0_i32_0 : i32, i32, i32
  }
  func.func @transform_2(%arg0: i32) -> (i32, i32, i32) {
    %c0_i32 = arith.constant 0 : i32
    %c0_i32_0 = arith.constant 0 : i32
    %c0_i32_1 = arith.constant 0 : i32
    return %arg0, %c0_i32, %c0_i32_0 : i32, i32, i32
  }
  func.func @transform_3(%arg0: i32) -> (i32, i32, i32) {
    %c0_i32 = arith.constant 0 : i32
    %c0_i32_0 = arith.constant 0 : i32
    %c0_i32_1 = arith.constant 0 : i32
    return %arg0, %c0_i32, %c0_i32_0 : i32, i32, i32
  }
  func.func @transform_4(%arg0: i32) -> (i32, i32) {
    %c0_i32 = arith.constant 0 : i32
    %c0_i32_0 = arith.constant 0 : i32
    %c0_i32_1 = arith.constant 0 : i32
    return %c0_i32, %c0_i32_0 : i32, i32
  }
  func.func @transform_5(%arg0: i32) -> (i32, i32) {
    %c0_i32 = arith.constant 0 : i32
    %c0_i32_0 = arith.constant 0 : i32
    %c0_i32_1 = arith.constant 0 : i32
    return %c0_i32, %c0_i32_0 : i32, i32
  }
  func.func @transform_6(%arg0: i32) -> (i32, i32) {
    %c0_i32 = arith.constant 0 : i32
    %c0_i32_0 = arith.constant 0 : i32
    %c0_i32_1 = arith.constant 0 : i32
    return %c0_i32, %c0_i32_0 : i32, i32
  }
  func.func @transform_7(%arg0: i32) -> (i32, i32) {
    %c0_i32 = arith.constant 0 : i32
    %c0_i32_0 = arith.constant 0 : i32
    %c0_i32_1 = arith.constant 0 : i32
    return %c0_i32, %c0_i32_0 : i32, i32
  }
  func.func @transform_8(%arg0: i32) -> (i32, i32, i32) {
    %c0_i32 = arith.constant 0 : i32
    %c0_i32_0 = arith.constant 0 : i32
    %c0_i32_1 = arith.constant 0 : i32
    return %arg0, %c0_i32, %c0_i32_0 : i32, i32, i32
  }
  func.func @transform_9(%arg0: i32) -> (i32, i32, i32) {
    %c0_i32 = arith.constant 0 : i32
    %c0_i32_0 = arith.constant 0 : i32
    %c0_i32_1 = arith.constant 0 : i32
    return %arg0, %c0_i32, %c0_i32_0 : i32, i32, i32
  }
  func.func @transform_10(%arg0: i32) -> (i32, i32, i32) {
    %c0_i32 = arith.constant 0 : i32
    %c0_i32_0 = arith.constant 0 : i32
    %c0_i32_1 = arith.constant 0 : i32
    return %arg0, %c0_i32, %c0_i32_0 : i32, i32, i32
  }
}

module attributes {stable_mosaic.version = 14 : i64} {
  func.func @body(%arg0: memref<20x512xf32, #tpu.memory_space<vmem>>, %arg1: memref<20x512xf32, #tpu.memory_space<vmem>>, %arg2: memref<20x512xf32, #tpu.memory_space<vmem>>) attributes {dimension_semantics = [], scalar_prefetch = 0 : i64, scratch_operands = 0 : i64, tpu.core_type = #tpu.core_type<tc>} {
    %get3A = arith.constant 0 : index
    %get3A_0 = arith.constant 0 : index
    %get3A_1 = vector.load %arg0[%get3A, %get3A_0] : memref<20x512xf32, #tpu.memory_space<vmem>>, vector<20x512xf32>
    %bitcast_convert_type3A = tpu.bitcast %get3A_1 : vector<20x512xf32> -> vector<20x512xi32>
    %ge3A = arith.constant 0 : i32
    %ge3A_2 = vector.broadcast %ge3A : i32 to vector<20x512xi32>
    %ge3A_3 = arith.cmpi sge, %bitcast_convert_type3A, %ge3A_2 : vector<20x512xi32>
    %xor3A = arith.constant 2147483647 : i32
    %xor3A_4 = vector.broadcast %xor3A : i32 to vector<20x512xi32>
    %xor3A_5 = arith.xori %bitcast_convert_type3A, %xor3A_4 : vector<20x512xi32>
    %select_n3A = arith.select %ge3A_3, %bitcast_convert_type3A, %xor3A_5 : vector<20x512xi1>, vector<20x512xi32>
    %broadcast_in_dim3A = arith.constant 0 : i32
    %broadcast_in_dim3A_6 = vector.broadcast %broadcast_in_dim3A : i32 to vector<20x1xi32>
    %or3A = arith.constant -2147483648 : i32
    %or3A_7 = vector.broadcast %or3A : i32 to vector<20x1xi32>
    %or3A_8 = arith.ori %broadcast_in_dim3A_6, %or3A_7 : vector<20x1xi32>
    %xor3A_9 = arith.constant -2147483648 : i32
    %xor3A_10 = vector.broadcast %xor3A_9 : i32 to vector<20x1xi32>
    %xor3A_11 = arith.xori %or3A_8, %xor3A_10 : vector<20x1xi32>
    %ge3A_12 = vector.broadcast %xor3A_11 : vector<20x1xi32> to vector<20x512xi32>
    %ge3A_13 = arith.cmpi sge, %select_n3A, %ge3A_12 : vector<20x512xi32>
    %convert_element_type3A = arith.extui %ge3A_13 : vector<20x512xi1> to vector<20x512xi32>
    %reduce_sum3A = arith.constant dense<0> : vector<20xi32>
    %reduce_sum3A_14 = vector.multi_reduction <add>, %convert_element_type3A, %reduce_sum3A [1] : vector<20x512xi32> to vector<20xi32>
    %broadcast_in_dim3A_15 = vector.shape_cast %reduce_sum3A_14 : vector<20xi32> to vector<20x1xi32>
    %ge3A_16 = arith.constant 405 : i32
    %ge3A_17 = vector.broadcast %ge3A_16 : i32 to vector<20x1xi32>
    %ge3A_18 = arith.cmpi sge, %broadcast_in_dim3A_15, %ge3A_17 : vector<20x1xi32>
    %select_n3A_19 = arith.select %ge3A_18, %or3A_8, %broadcast_in_dim3A_6 : vector<20x1xi1>, vector<20x1xi32>
    %or3A_20 = arith.constant 1073741824 : i32
    %or3A_21 = vector.broadcast %or3A_20 : i32 to vector<20x1xi32>
    %or3A_22 = arith.ori %select_n3A_19, %or3A_21 : vector<20x1xi32>
    %xor3A_23 = arith.constant -2147483648 : i32
    %xor3A_24 = vector.broadcast %xor3A_23 : i32 to vector<20x1xi32>
    %xor3A_25 = arith.xori %or3A_22, %xor3A_24 : vector<20x1xi32>
    %ge3A_26 = vector.broadcast %xor3A_25 : vector<20x1xi32> to vector<20x512xi32>
    %ge3A_27 = arith.cmpi sge, %select_n3A, %ge3A_26 : vector<20x512xi32>
    %convert_element_type3A_28 = arith.extui %ge3A_27 : vector<20x512xi1> to vector<20x512xi32>
    %reduce_sum3A_29 = arith.constant dense<0> : vector<20xi32>
    %reduce_sum3A_30 = vector.multi_reduction <add>, %convert_element_type3A_28, %reduce_sum3A_29 [1] : vector<20x512xi32> to vector<20xi32>
    %broadcast_in_dim3A_31 = vector.shape_cast %reduce_sum3A_30 : vector<20xi32> to vector<20x1xi32>
    %ge3A_32 = arith.constant 405 : i32
    %ge3A_33 = vector.broadcast %ge3A_32 : i32 to vector<20x1xi32>
    %ge3A_34 = arith.cmpi sge, %broadcast_in_dim3A_31, %ge3A_33 : vector<20x1xi32>
    %select_n3A_35 = arith.select %ge3A_34, %or3A_22, %select_n3A_19 : vector<20x1xi1>, vector<20x1xi32>
    %or3A_36 = arith.constant 536870912 : i32
    %or3A_37 = vector.broadcast %or3A_36 : i32 to vector<20x1xi32>
    %or3A_38 = arith.ori %select_n3A_35, %or3A_37 : vector<20x1xi32>
    %xor3A_39 = arith.constant -2147483648 : i32
    %xor3A_40 = vector.broadcast %xor3A_39 : i32 to vector<20x1xi32>
    %xor3A_41 = arith.xori %or3A_38, %xor3A_40 : vector<20x1xi32>
    %ge3A_42 = vector.broadcast %xor3A_41 : vector<20x1xi32> to vector<20x512xi32>
    %ge3A_43 = arith.cmpi sge, %select_n3A, %ge3A_42 : vector<20x512xi32>
    %convert_element_type3A_44 = arith.extui %ge3A_43 : vector<20x512xi1> to vector<20x512xi32>
    %reduce_sum3A_45 = arith.constant dense<0> : vector<20xi32>
    %reduce_sum3A_46 = vector.multi_reduction <add>, %convert_element_type3A_44, %reduce_sum3A_45 [1] : vector<20x512xi32> to vector<20xi32>
    %broadcast_in_dim3A_47 = vector.shape_cast %reduce_sum3A_46 : vector<20xi32> to vector<20x1xi32>
    %ge3A_48 = arith.constant 405 : i32
    %ge3A_49 = vector.broadcast %ge3A_48 : i32 to vector<20x1xi32>
    %ge3A_50 = arith.cmpi sge, %broadcast_in_dim3A_47, %ge3A_49 : vector<20x1xi32>
    %select_n3A_51 = arith.select %ge3A_50, %or3A_38, %select_n3A_35 : vector<20x1xi1>, vector<20x1xi32>
    %or3A_52 = arith.constant 268435456 : i32
    %or3A_53 = vector.broadcast %or3A_52 : i32 to vector<20x1xi32>
    %or3A_54 = arith.ori %select_n3A_51, %or3A_53 : vector<20x1xi32>
    %xor3A_55 = arith.constant -2147483648 : i32
    %xor3A_56 = vector.broadcast %xor3A_55 : i32 to vector<20x1xi32>
    %xor3A_57 = arith.xori %or3A_54, %xor3A_56 : vector<20x1xi32>
    %ge3A_58 = vector.broadcast %xor3A_57 : vector<20x1xi32> to vector<20x512xi32>
    %ge3A_59 = arith.cmpi sge, %select_n3A, %ge3A_58 : vector<20x512xi32>
    %convert_element_type3A_60 = arith.extui %ge3A_59 : vector<20x512xi1> to vector<20x512xi32>
    %reduce_sum3A_61 = arith.constant dense<0> : vector<20xi32>
    %reduce_sum3A_62 = vector.multi_reduction <add>, %convert_element_type3A_60, %reduce_sum3A_61 [1] : vector<20x512xi32> to vector<20xi32>
    %broadcast_in_dim3A_63 = vector.shape_cast %reduce_sum3A_62 : vector<20xi32> to vector<20x1xi32>
    %ge3A_64 = arith.constant 405 : i32
    %ge3A_65 = vector.broadcast %ge3A_64 : i32 to vector<20x1xi32>
    %ge3A_66 = arith.cmpi sge, %broadcast_in_dim3A_63, %ge3A_65 : vector<20x1xi32>
    %select_n3A_67 = arith.select %ge3A_66, %or3A_54, %select_n3A_51 : vector<20x1xi1>, vector<20x1xi32>
    %or3A_68 = arith.constant 134217728 : i32
    %or3A_69 = vector.broadcast %or3A_68 : i32 to vector<20x1xi32>
    %or3A_70 = arith.ori %select_n3A_67, %or3A_69 : vector<20x1xi32>
    %xor3A_71 = arith.constant -2147483648 : i32
    %xor3A_72 = vector.broadcast %xor3A_71 : i32 to vector<20x1xi32>
    %xor3A_73 = arith.xori %or3A_70, %xor3A_72 : vector<20x1xi32>
    %ge3A_74 = vector.broadcast %xor3A_73 : vector<20x1xi32> to vector<20x512xi32>
    %ge3A_75 = arith.cmpi sge, %select_n3A, %ge3A_74 : vector<20x512xi32>
    %convert_element_type3A_76 = arith.extui %ge3A_75 : vector<20x512xi1> to vector<20x512xi32>
    %reduce_sum3A_77 = arith.constant dense<0> : vector<20xi32>
    %reduce_sum3A_78 = vector.multi_reduction <add>, %convert_element_type3A_76, %reduce_sum3A_77 [1] : vector<20x512xi32> to vector<20xi32>
    %broadcast_in_dim3A_79 = vector.shape_cast %reduce_sum3A_78 : vector<20xi32> to vector<20x1xi32>
    %ge3A_80 = arith.constant 405 : i32
    %ge3A_81 = vector.broadcast %ge3A_80 : i32 to vector<20x1xi32>
    %ge3A_82 = arith.cmpi sge, %broadcast_in_dim3A_79, %ge3A_81 : vector<20x1xi32>
    %select_n3A_83 = arith.select %ge3A_82, %or3A_70, %select_n3A_67 : vector<20x1xi1>, vector<20x1xi32>
    %or3A_84 = arith.constant 67108864 : i32
    %or3A_85 = vector.broadcast %or3A_84 : i32 to vector<20x1xi32>
    %or3A_86 = arith.ori %select_n3A_83, %or3A_85 : vector<20x1xi32>
    %xor3A_87 = arith.constant -2147483648 : i32
    %xor3A_88 = vector.broadcast %xor3A_87 : i32 to vector<20x1xi32>
    %xor3A_89 = arith.xori %or3A_86, %xor3A_88 : vector<20x1xi32>
    %ge3A_90 = vector.broadcast %xor3A_89 : vector<20x1xi32> to vector<20x512xi32>
    %ge3A_91 = arith.cmpi sge, %select_n3A, %ge3A_90 : vector<20x512xi32>
    %convert_element_type3A_92 = arith.extui %ge3A_91 : vector<20x512xi1> to vector<20x512xi32>
    %reduce_sum3A_93 = arith.constant dense<0> : vector<20xi32>
    %reduce_sum3A_94 = vector.multi_reduction <add>, %convert_element_type3A_92, %reduce_sum3A_93 [1] : vector<20x512xi32> to vector<20xi32>
    %broadcast_in_dim3A_95 = vector.shape_cast %reduce_sum3A_94 : vector<20xi32> to vector<20x1xi32>
    %ge3A_96 = arith.constant 405 : i32
    %ge3A_97 = vector.broadcast %ge3A_96 : i32 to vector<20x1xi32>
    %ge3A_98 = arith.cmpi sge, %broadcast_in_dim3A_95, %ge3A_97 : vector<20x1xi32>
    %select_n3A_99 = arith.select %ge3A_98, %or3A_86, %select_n3A_83 : vector<20x1xi1>, vector<20x1xi32>
    %or3A_100 = arith.constant 33554432 : i32
    %or3A_101 = vector.broadcast %or3A_100 : i32 to vector<20x1xi32>
    %or3A_102 = arith.ori %select_n3A_99, %or3A_101 : vector<20x1xi32>
    %xor3A_103 = arith.constant -2147483648 : i32
    %xor3A_104 = vector.broadcast %xor3A_103 : i32 to vector<20x1xi32>
    %xor3A_105 = arith.xori %or3A_102, %xor3A_104 : vector<20x1xi32>
    %ge3A_106 = vector.broadcast %xor3A_105 : vector<20x1xi32> to vector<20x512xi32>
    %ge3A_107 = arith.cmpi sge, %select_n3A, %ge3A_106 : vector<20x512xi32>
    %convert_element_type3A_108 = arith.extui %ge3A_107 : vector<20x512xi1> to vector<20x512xi32>
    %reduce_sum3A_109 = arith.constant dense<0> : vector<20xi32>
    %reduce_sum3A_110 = vector.multi_reduction <add>, %convert_element_type3A_108, %reduce_sum3A_109 [1] : vector<20x512xi32> to vector<20xi32>
    %broadcast_in_dim3A_111 = vector.shape_cast %reduce_sum3A_110 : vector<20xi32> to vector<20x1xi32>
    %ge3A_112 = arith.constant 405 : i32
    %ge3A_113 = vector.broadcast %ge3A_112 : i32 to vector<20x1xi32>
    %ge3A_114 = arith.cmpi sge, %broadcast_in_dim3A_111, %ge3A_113 : vector<20x1xi32>
    %select_n3A_115 = arith.select %ge3A_114, %or3A_102, %select_n3A_99 : vector<20x1xi1>, vector<20x1xi32>
    %or3A_116 = arith.constant 16777216 : i32
    %or3A_117 = vector.broadcast %or3A_116 : i32 to vector<20x1xi32>
    %or3A_118 = arith.ori %select_n3A_115, %or3A_117 : vector<20x1xi32>
    %xor3A_119 = arith.constant -2147483648 : i32
    %xor3A_120 = vector.broadcast %xor3A_119 : i32 to vector<20x1xi32>
    %xor3A_121 = arith.xori %or3A_118, %xor3A_120 : vector<20x1xi32>
    %ge3A_122 = vector.broadcast %xor3A_121 : vector<20x1xi32> to vector<20x512xi32>
    %ge3A_123 = arith.cmpi sge, %select_n3A, %ge3A_122 : vector<20x512xi32>
    %convert_element_type3A_124 = arith.extui %ge3A_123 : vector<20x512xi1> to vector<20x512xi32>
    %reduce_sum3A_125 = arith.constant dense<0> : vector<20xi32>
    %reduce_sum3A_126 = vector.multi_reduction <add>, %convert_element_type3A_124, %reduce_sum3A_125 [1] : vector<20x512xi32> to vector<20xi32>
    %broadcast_in_dim3A_127 = vector.shape_cast %reduce_sum3A_126 : vector<20xi32> to vector<20x1xi32>
    %ge3A_128 = arith.constant 405 : i32
    %ge3A_129 = vector.broadcast %ge3A_128 : i32 to vector<20x1xi32>
    %ge3A_130 = arith.cmpi sge, %broadcast_in_dim3A_127, %ge3A_129 : vector<20x1xi32>
    %select_n3A_131 = arith.select %ge3A_130, %or3A_118, %select_n3A_115 : vector<20x1xi1>, vector<20x1xi32>
    %or3A_132 = arith.constant 8388608 : i32
    %or3A_133 = vector.broadcast %or3A_132 : i32 to vector<20x1xi32>
    %or3A_134 = arith.ori %select_n3A_131, %or3A_133 : vector<20x1xi32>
    %xor3A_135 = arith.constant -2147483648 : i32
    %xor3A_136 = vector.broadcast %xor3A_135 : i32 to vector<20x1xi32>
    %xor3A_137 = arith.xori %or3A_134, %xor3A_136 : vector<20x1xi32>
    %ge3A_138 = vector.broadcast %xor3A_137 : vector<20x1xi32> to vector<20x512xi32>
    %ge3A_139 = arith.cmpi sge, %select_n3A, %ge3A_138 : vector<20x512xi32>
    %convert_element_type3A_140 = arith.extui %ge3A_139 : vector<20x512xi1> to vector<20x512xi32>
    %reduce_sum3A_141 = arith.constant dense<0> : vector<20xi32>
    %reduce_sum3A_142 = vector.multi_reduction <add>, %convert_element_type3A_140, %reduce_sum3A_141 [1] : vector<20x512xi32> to vector<20xi32>
    %broadcast_in_dim3A_143 = vector.shape_cast %reduce_sum3A_142 : vector<20xi32> to vector<20x1xi32>
    %ge3A_144 = arith.constant 405 : i32
    %ge3A_145 = vector.broadcast %ge3A_144 : i32 to vector<20x1xi32>
    %ge3A_146 = arith.cmpi sge, %broadcast_in_dim3A_143, %ge3A_145 : vector<20x1xi32>
    %select_n3A_147 = arith.select %ge3A_146, %or3A_134, %select_n3A_131 : vector<20x1xi1>, vector<20x1xi32>
    %or3A_148 = arith.constant 4194304 : i32
    %or3A_149 = vector.broadcast %or3A_148 : i32 to vector<20x1xi32>
    %or3A_150 = arith.ori %select_n3A_147, %or3A_149 : vector<20x1xi32>
    %xor3A_151 = arith.constant -2147483648 : i32
    %xor3A_152 = vector.broadcast %xor3A_151 : i32 to vector<20x1xi32>
    %xor3A_153 = arith.xori %or3A_150, %xor3A_152 : vector<20x1xi32>
    %ge3A_154 = vector.broadcast %xor3A_153 : vector<20x1xi32> to vector<20x512xi32>
    %ge3A_155 = arith.cmpi sge, %select_n3A, %ge3A_154 : vector<20x512xi32>
    %convert_element_type3A_156 = arith.extui %ge3A_155 : vector<20x512xi1> to vector<20x512xi32>
    %reduce_sum3A_157 = arith.constant dense<0> : vector<20xi32>
    %reduce_sum3A_158 = vector.multi_reduction <add>, %convert_element_type3A_156, %reduce_sum3A_157 [1] : vector<20x512xi32> to vector<20xi32>
    %broadcast_in_dim3A_159 = vector.shape_cast %reduce_sum3A_158 : vector<20xi32> to vector<20x1xi32>
    %ge3A_160 = arith.constant 405 : i32
    %ge3A_161 = vector.broadcast %ge3A_160 : i32 to vector<20x1xi32>
    %ge3A_162 = arith.cmpi sge, %broadcast_in_dim3A_159, %ge3A_161 : vector<20x1xi32>
    %select_n3A_163 = arith.select %ge3A_162, %or3A_150, %select_n3A_147 : vector<20x1xi1>, vector<20x1xi32>
    %or3A_164 = arith.constant 2097152 : i32
    %or3A_165 = vector.broadcast %or3A_164 : i32 to vector<20x1xi32>
    %or3A_166 = arith.ori %select_n3A_163, %or3A_165 : vector<20x1xi32>
    %xor3A_167 = arith.constant -2147483648 : i32
    %xor3A_168 = vector.broadcast %xor3A_167 : i32 to vector<20x1xi32>
    %xor3A_169 = arith.xori %or3A_166, %xor3A_168 : vector<20x1xi32>
    %ge3A_170 = vector.broadcast %xor3A_169 : vector<20x1xi32> to vector<20x512xi32>
    %ge3A_171 = arith.cmpi sge, %select_n3A, %ge3A_170 : vector<20x512xi32>
    %convert_element_type3A_172 = arith.extui %ge3A_171 : vector<20x512xi1> to vector<20x512xi32>
    %reduce_sum3A_173 = arith.constant dense<0> : vector<20xi32>
    %reduce_sum3A_174 = vector.multi_reduction <add>, %convert_element_type3A_172, %reduce_sum3A_173 [1] : vector<20x512xi32> to vector<20xi32>
    %broadcast_in_dim3A_175 = vector.shape_cast %reduce_sum3A_174 : vector<20xi32> to vector<20x1xi32>
    %ge3A_176 = arith.constant 405 : i32
    %ge3A_177 = vector.broadcast %ge3A_176 : i32 to vector<20x1xi32>
    %ge3A_178 = arith.cmpi sge, %broadcast_in_dim3A_175, %ge3A_177 : vector<20x1xi32>
    %select_n3A_179 = arith.select %ge3A_178, %or3A_166, %select_n3A_163 : vector<20x1xi1>, vector<20x1xi32>
    %or3A_180 = arith.constant 1048576 : i32
    %or3A_181 = vector.broadcast %or3A_180 : i32 to vector<20x1xi32>
    %or3A_182 = arith.ori %select_n3A_179, %or3A_181 : vector<20x1xi32>
    %xor3A_183 = arith.constant -2147483648 : i32
    %xor3A_184 = vector.broadcast %xor3A_183 : i32 to vector<20x1xi32>
    %xor3A_185 = arith.xori %or3A_182, %xor3A_184 : vector<20x1xi32>
    %ge3A_186 = vector.broadcast %xor3A_185 : vector<20x1xi32> to vector<20x512xi32>
    %ge3A_187 = arith.cmpi sge, %select_n3A, %ge3A_186 : vector<20x512xi32>
    %convert_element_type3A_188 = arith.extui %ge3A_187 : vector<20x512xi1> to vector<20x512xi32>
    %reduce_sum3A_189 = arith.constant dense<0> : vector<20xi32>
    %reduce_sum3A_190 = vector.multi_reduction <add>, %convert_element_type3A_188, %reduce_sum3A_189 [1] : vector<20x512xi32> to vector<20xi32>
    %broadcast_in_dim3A_191 = vector.shape_cast %reduce_sum3A_190 : vector<20xi32> to vector<20x1xi32>
    %ge3A_192 = arith.constant 405 : i32
    %ge3A_193 = vector.broadcast %ge3A_192 : i32 to vector<20x1xi32>
    %ge3A_194 = arith.cmpi sge, %broadcast_in_dim3A_191, %ge3A_193 : vector<20x1xi32>
    %select_n3A_195 = arith.select %ge3A_194, %or3A_182, %select_n3A_179 : vector<20x1xi1>, vector<20x1xi32>
    %or3A_196 = arith.constant 524288 : i32
    %or3A_197 = vector.broadcast %or3A_196 : i32 to vector<20x1xi32>
    %or3A_198 = arith.ori %select_n3A_195, %or3A_197 : vector<20x1xi32>
    %xor3A_199 = arith.constant -2147483648 : i32
    %xor3A_200 = vector.broadcast %xor3A_199 : i32 to vector<20x1xi32>
    %xor3A_201 = arith.xori %or3A_198, %xor3A_200 : vector<20x1xi32>
    %ge3A_202 = vector.broadcast %xor3A_201 : vector<20x1xi32> to vector<20x512xi32>
    %ge3A_203 = arith.cmpi sge, %select_n3A, %ge3A_202 : vector<20x512xi32>
    %convert_element_type3A_204 = arith.extui %ge3A_203 : vector<20x512xi1> to vector<20x512xi32>
    %reduce_sum3A_205 = arith.constant dense<0> : vector<20xi32>
    %reduce_sum3A_206 = vector.multi_reduction <add>, %convert_element_type3A_204, %reduce_sum3A_205 [1] : vector<20x512xi32> to vector<20xi32>
    %broadcast_in_dim3A_207 = vector.shape_cast %reduce_sum3A_206 : vector<20xi32> to vector<20x1xi32>
    %ge3A_208 = arith.constant 405 : i32
    %ge3A_209 = vector.broadcast %ge3A_208 : i32 to vector<20x1xi32>
    %ge3A_210 = arith.cmpi sge, %broadcast_in_dim3A_207, %ge3A_209 : vector<20x1xi32>
    %select_n3A_211 = arith.select %ge3A_210, %or3A_198, %select_n3A_195 : vector<20x1xi1>, vector<20x1xi32>
    %or3A_212 = arith.constant 262144 : i32
    %or3A_213 = vector.broadcast %or3A_212 : i32 to vector<20x1xi32>
    %or3A_214 = arith.ori %select_n3A_211, %or3A_213 : vector<20x1xi32>
    %xor3A_215 = arith.constant -2147483648 : i32
    %xor3A_216 = vector.broadcast %xor3A_215 : i32 to vector<20x1xi32>
    %xor3A_217 = arith.xori %or3A_214, %xor3A_216 : vector<20x1xi32>
    %ge3A_218 = vector.broadcast %xor3A_217 : vector<20x1xi32> to vector<20x512xi32>
    %ge3A_219 = arith.cmpi sge, %select_n3A, %ge3A_218 : vector<20x512xi32>
    %convert_element_type3A_220 = arith.extui %ge3A_219 : vector<20x512xi1> to vector<20x512xi32>
    %reduce_sum3A_221 = arith.constant dense<0> : vector<20xi32>
    %reduce_sum3A_222 = vector.multi_reduction <add>, %convert_element_type3A_220, %reduce_sum3A_221 [1] : vector<20x512xi32> to vector<20xi32>
    %broadcast_in_dim3A_223 = vector.shape_cast %reduce_sum3A_222 : vector<20xi32> to vector<20x1xi32>
    %ge3A_224 = arith.constant 405 : i32
    %ge3A_225 = vector.broadcast %ge3A_224 : i32 to vector<20x1xi32>
    %ge3A_226 = arith.cmpi sge, %broadcast_in_dim3A_223, %ge3A_225 : vector<20x1xi32>
    %select_n3A_227 = arith.select %ge3A_226, %or3A_214, %select_n3A_211 : vector<20x1xi1>, vector<20x1xi32>
    %or3A_228 = arith.constant 131072 : i32
    %or3A_229 = vector.broadcast %or3A_228 : i32 to vector<20x1xi32>
    %or3A_230 = arith.ori %select_n3A_227, %or3A_229 : vector<20x1xi32>
    %xor3A_231 = arith.constant -2147483648 : i32
    %xor3A_232 = vector.broadcast %xor3A_231 : i32 to vector<20x1xi32>
    %xor3A_233 = arith.xori %or3A_230, %xor3A_232 : vector<20x1xi32>
    %ge3A_234 = vector.broadcast %xor3A_233 : vector<20x1xi32> to vector<20x512xi32>
    %ge3A_235 = arith.cmpi sge, %select_n3A, %ge3A_234 : vector<20x512xi32>
    %convert_element_type3A_236 = arith.extui %ge3A_235 : vector<20x512xi1> to vector<20x512xi32>
    %reduce_sum3A_237 = arith.constant dense<0> : vector<20xi32>
    %reduce_sum3A_238 = vector.multi_reduction <add>, %convert_element_type3A_236, %reduce_sum3A_237 [1] : vector<20x512xi32> to vector<20xi32>
    %broadcast_in_dim3A_239 = vector.shape_cast %reduce_sum3A_238 : vector<20xi32> to vector<20x1xi32>
    %ge3A_240 = arith.constant 405 : i32
    %ge3A_241 = vector.broadcast %ge3A_240 : i32 to vector<20x1xi32>
    %ge3A_242 = arith.cmpi sge, %broadcast_in_dim3A_239, %ge3A_241 : vector<20x1xi32>
    %select_n3A_243 = arith.select %ge3A_242, %or3A_230, %select_n3A_227 : vector<20x1xi1>, vector<20x1xi32>
    %or3A_244 = arith.constant 65536 : i32
    %or3A_245 = vector.broadcast %or3A_244 : i32 to vector<20x1xi32>
    %or3A_246 = arith.ori %select_n3A_243, %or3A_245 : vector<20x1xi32>
    %xor3A_247 = arith.constant -2147483648 : i32
    %xor3A_248 = vector.broadcast %xor3A_247 : i32 to vector<20x1xi32>
    %xor3A_249 = arith.xori %or3A_246, %xor3A_248 : vector<20x1xi32>
    %ge3A_250 = vector.broadcast %xor3A_249 : vector<20x1xi32> to vector<20x512xi32>
    %ge3A_251 = arith.cmpi sge, %select_n3A, %ge3A_250 : vector<20x512xi32>
    %convert_element_type3A_252 = arith.extui %ge3A_251 : vector<20x512xi1> to vector<20x512xi32>
    %reduce_sum3A_253 = arith.constant dense<0> : vector<20xi32>
    %reduce_sum3A_254 = vector.multi_reduction <add>, %convert_element_type3A_252, %reduce_sum3A_253 [1] : vector<20x512xi32> to vector<20xi32>
    %broadcast_in_dim3A_255 = vector.shape_cast %reduce_sum3A_254 : vector<20xi32> to vector<20x1xi32>
    %ge3A_256 = arith.constant 405 : i32
    %ge3A_257 = vector.broadcast %ge3A_256 : i32 to vector<20x1xi32>
    %ge3A_258 = arith.cmpi sge, %broadcast_in_dim3A_255, %ge3A_257 : vector<20x1xi32>
    %select_n3A_259 = arith.select %ge3A_258, %or3A_246, %select_n3A_243 : vector<20x1xi1>, vector<20x1xi32>
    %or3A_260 = arith.constant 32768 : i32
    %or3A_261 = vector.broadcast %or3A_260 : i32 to vector<20x1xi32>
    %or3A_262 = arith.ori %select_n3A_259, %or3A_261 : vector<20x1xi32>
    %xor3A_263 = arith.constant -2147483648 : i32
    %xor3A_264 = vector.broadcast %xor3A_263 : i32 to vector<20x1xi32>
    %xor3A_265 = arith.xori %or3A_262, %xor3A_264 : vector<20x1xi32>
    %ge3A_266 = vector.broadcast %xor3A_265 : vector<20x1xi32> to vector<20x512xi32>
    %ge3A_267 = arith.cmpi sge, %select_n3A, %ge3A_266 : vector<20x512xi32>
    %convert_element_type3A_268 = arith.extui %ge3A_267 : vector<20x512xi1> to vector<20x512xi32>
    %reduce_sum3A_269 = arith.constant dense<0> : vector<20xi32>
    %reduce_sum3A_270 = vector.multi_reduction <add>, %convert_element_type3A_268, %reduce_sum3A_269 [1] : vector<20x512xi32> to vector<20xi32>
    %broadcast_in_dim3A_271 = vector.shape_cast %reduce_sum3A_270 : vector<20xi32> to vector<20x1xi32>
    %ge3A_272 = arith.constant 405 : i32
    %ge3A_273 = vector.broadcast %ge3A_272 : i32 to vector<20x1xi32>
    %ge3A_274 = arith.cmpi sge, %broadcast_in_dim3A_271, %ge3A_273 : vector<20x1xi32>
    %select_n3A_275 = arith.select %ge3A_274, %or3A_262, %select_n3A_259 : vector<20x1xi1>, vector<20x1xi32>
    %or3A_276 = arith.constant 16384 : i32
    %or3A_277 = vector.broadcast %or3A_276 : i32 to vector<20x1xi32>
    %or3A_278 = arith.ori %select_n3A_275, %or3A_277 : vector<20x1xi32>
    %xor3A_279 = arith.constant -2147483648 : i32
    %xor3A_280 = vector.broadcast %xor3A_279 : i32 to vector<20x1xi32>
    %xor3A_281 = arith.xori %or3A_278, %xor3A_280 : vector<20x1xi32>
    %ge3A_282 = vector.broadcast %xor3A_281 : vector<20x1xi32> to vector<20x512xi32>
    %ge3A_283 = arith.cmpi sge, %select_n3A, %ge3A_282 : vector<20x512xi32>
    %convert_element_type3A_284 = arith.extui %ge3A_283 : vector<20x512xi1> to vector<20x512xi32>
    %reduce_sum3A_285 = arith.constant dense<0> : vector<20xi32>
    %reduce_sum3A_286 = vector.multi_reduction <add>, %convert_element_type3A_284, %reduce_sum3A_285 [1] : vector<20x512xi32> to vector<20xi32>
    %broadcast_in_dim3A_287 = vector.shape_cast %reduce_sum3A_286 : vector<20xi32> to vector<20x1xi32>
    %ge3A_288 = arith.constant 405 : i32
    %ge3A_289 = vector.broadcast %ge3A_288 : i32 to vector<20x1xi32>
    %ge3A_290 = arith.cmpi sge, %broadcast_in_dim3A_287, %ge3A_289 : vector<20x1xi32>
    %select_n3A_291 = arith.select %ge3A_290, %or3A_278, %select_n3A_275 : vector<20x1xi1>, vector<20x1xi32>
    %or3A_292 = arith.constant 8192 : i32
    %or3A_293 = vector.broadcast %or3A_292 : i32 to vector<20x1xi32>
    %or3A_294 = arith.ori %select_n3A_291, %or3A_293 : vector<20x1xi32>
    %xor3A_295 = arith.constant -2147483648 : i32
    %xor3A_296 = vector.broadcast %xor3A_295 : i32 to vector<20x1xi32>
    %xor3A_297 = arith.xori %or3A_294, %xor3A_296 : vector<20x1xi32>
    %ge3A_298 = vector.broadcast %xor3A_297 : vector<20x1xi32> to vector<20x512xi32>
    %ge3A_299 = arith.cmpi sge, %select_n3A, %ge3A_298 : vector<20x512xi32>
    %convert_element_type3A_300 = arith.extui %ge3A_299 : vector<20x512xi1> to vector<20x512xi32>
    %reduce_sum3A_301 = arith.constant dense<0> : vector<20xi32>
    %reduce_sum3A_302 = vector.multi_reduction <add>, %convert_element_type3A_300, %reduce_sum3A_301 [1] : vector<20x512xi32> to vector<20xi32>
    %broadcast_in_dim3A_303 = vector.shape_cast %reduce_sum3A_302 : vector<20xi32> to vector<20x1xi32>
    %ge3A_304 = arith.constant 405 : i32
    %ge3A_305 = vector.broadcast %ge3A_304 : i32 to vector<20x1xi32>
    %ge3A_306 = arith.cmpi sge, %broadcast_in_dim3A_303, %ge3A_305 : vector<20x1xi32>
    %select_n3A_307 = arith.select %ge3A_306, %or3A_294, %select_n3A_291 : vector<20x1xi1>, vector<20x1xi32>
    %or3A_308 = arith.constant 4096 : i32
    %or3A_309 = vector.broadcast %or3A_308 : i32 to vector<20x1xi32>
    %or3A_310 = arith.ori %select_n3A_307, %or3A_309 : vector<20x1xi32>
    %xor3A_311 = arith.constant -2147483648 : i32
    %xor3A_312 = vector.broadcast %xor3A_311 : i32 to vector<20x1xi32>
    %xor3A_313 = arith.xori %or3A_310, %xor3A_312 : vector<20x1xi32>
    %ge3A_314 = vector.broadcast %xor3A_313 : vector<20x1xi32> to vector<20x512xi32>
    %ge3A_315 = arith.cmpi sge, %select_n3A, %ge3A_314 : vector<20x512xi32>
    %convert_element_type3A_316 = arith.extui %ge3A_315 : vector<20x512xi1> to vector<20x512xi32>
    %reduce_sum3A_317 = arith.constant dense<0> : vector<20xi32>
    %reduce_sum3A_318 = vector.multi_reduction <add>, %convert_element_type3A_316, %reduce_sum3A_317 [1] : vector<20x512xi32> to vector<20xi32>
    %broadcast_in_dim3A_319 = vector.shape_cast %reduce_sum3A_318 : vector<20xi32> to vector<20x1xi32>
    %ge3A_320 = arith.constant 405 : i32
    %ge3A_321 = vector.broadcast %ge3A_320 : i32 to vector<20x1xi32>
    %ge3A_322 = arith.cmpi sge, %broadcast_in_dim3A_319, %ge3A_321 : vector<20x1xi32>
    %select_n3A_323 = arith.select %ge3A_322, %or3A_310, %select_n3A_307 : vector<20x1xi1>, vector<20x1xi32>
    %or3A_324 = arith.constant 2048 : i32
    %or3A_325 = vector.broadcast %or3A_324 : i32 to vector<20x1xi32>
    %or3A_326 = arith.ori %select_n3A_323, %or3A_325 : vector<20x1xi32>
    %xor3A_327 = arith.constant -2147483648 : i32
    %xor3A_328 = vector.broadcast %xor3A_327 : i32 to vector<20x1xi32>
    %xor3A_329 = arith.xori %or3A_326, %xor3A_328 : vector<20x1xi32>
    %ge3A_330 = vector.broadcast %xor3A_329 : vector<20x1xi32> to vector<20x512xi32>
    %ge3A_331 = arith.cmpi sge, %select_n3A, %ge3A_330 : vector<20x512xi32>
    %convert_element_type3A_332 = arith.extui %ge3A_331 : vector<20x512xi1> to vector<20x512xi32>
    %reduce_sum3A_333 = arith.constant dense<0> : vector<20xi32>
    %reduce_sum3A_334 = vector.multi_reduction <add>, %convert_element_type3A_332, %reduce_sum3A_333 [1] : vector<20x512xi32> to vector<20xi32>
    %broadcast_in_dim3A_335 = vector.shape_cast %reduce_sum3A_334 : vector<20xi32> to vector<20x1xi32>
    %ge3A_336 = arith.constant 405 : i32
    %ge3A_337 = vector.broadcast %ge3A_336 : i32 to vector<20x1xi32>
    %ge3A_338 = arith.cmpi sge, %broadcast_in_dim3A_335, %ge3A_337 : vector<20x1xi32>
    %select_n3A_339 = arith.select %ge3A_338, %or3A_326, %select_n3A_323 : vector<20x1xi1>, vector<20x1xi32>
    %or3A_340 = arith.constant 1024 : i32
    %or3A_341 = vector.broadcast %or3A_340 : i32 to vector<20x1xi32>
    %or3A_342 = arith.ori %select_n3A_339, %or3A_341 : vector<20x1xi32>
    %xor3A_343 = arith.constant -2147483648 : i32
    %xor3A_344 = vector.broadcast %xor3A_343 : i32 to vector<20x1xi32>
    %xor3A_345 = arith.xori %or3A_342, %xor3A_344 : vector<20x1xi32>
    %ge3A_346 = vector.broadcast %xor3A_345 : vector<20x1xi32> to vector<20x512xi32>
    %ge3A_347 = arith.cmpi sge, %select_n3A, %ge3A_346 : vector<20x512xi32>
    %convert_element_type3A_348 = arith.extui %ge3A_347 : vector<20x512xi1> to vector<20x512xi32>
    %reduce_sum3A_349 = arith.constant dense<0> : vector<20xi32>
    %reduce_sum3A_350 = vector.multi_reduction <add>, %convert_element_type3A_348, %reduce_sum3A_349 [1] : vector<20x512xi32> to vector<20xi32>
    %broadcast_in_dim3A_351 = vector.shape_cast %reduce_sum3A_350 : vector<20xi32> to vector<20x1xi32>
    %ge3A_352 = arith.constant 405 : i32
    %ge3A_353 = vector.broadcast %ge3A_352 : i32 to vector<20x1xi32>
    %ge3A_354 = arith.cmpi sge, %broadcast_in_dim3A_351, %ge3A_353 : vector<20x1xi32>
    %select_n3A_355 = arith.select %ge3A_354, %or3A_342, %select_n3A_339 : vector<20x1xi1>, vector<20x1xi32>
    %or3A_356 = arith.constant 512 : i32
    %or3A_357 = vector.broadcast %or3A_356 : i32 to vector<20x1xi32>
    %or3A_358 = arith.ori %select_n3A_355, %or3A_357 : vector<20x1xi32>
    %xor3A_359 = arith.constant -2147483648 : i32
    %xor3A_360 = vector.broadcast %xor3A_359 : i32 to vector<20x1xi32>
    %xor3A_361 = arith.xori %or3A_358, %xor3A_360 : vector<20x1xi32>
    %ge3A_362 = vector.broadcast %xor3A_361 : vector<20x1xi32> to vector<20x512xi32>
    %ge3A_363 = arith.cmpi sge, %select_n3A, %ge3A_362 : vector<20x512xi32>
    %convert_element_type3A_364 = arith.extui %ge3A_363 : vector<20x512xi1> to vector<20x512xi32>
    %reduce_sum3A_365 = arith.constant dense<0> : vector<20xi32>
    %reduce_sum3A_366 = vector.multi_reduction <add>, %convert_element_type3A_364, %reduce_sum3A_365 [1] : vector<20x512xi32> to vector<20xi32>
    %broadcast_in_dim3A_367 = vector.shape_cast %reduce_sum3A_366 : vector<20xi32> to vector<20x1xi32>
    %ge3A_368 = arith.constant 405 : i32
    %ge3A_369 = vector.broadcast %ge3A_368 : i32 to vector<20x1xi32>
    %ge3A_370 = arith.cmpi sge, %broadcast_in_dim3A_367, %ge3A_369 : vector<20x1xi32>
    %select_n3A_371 = arith.select %ge3A_370, %or3A_358, %select_n3A_355 : vector<20x1xi1>, vector<20x1xi32>
    %or3A_372 = arith.constant 256 : i32
    %or3A_373 = vector.broadcast %or3A_372 : i32 to vector<20x1xi32>
    %or3A_374 = arith.ori %select_n3A_371, %or3A_373 : vector<20x1xi32>
    %xor3A_375 = arith.constant -2147483648 : i32
    %xor3A_376 = vector.broadcast %xor3A_375 : i32 to vector<20x1xi32>
    %xor3A_377 = arith.xori %or3A_374, %xor3A_376 : vector<20x1xi32>
    %ge3A_378 = vector.broadcast %xor3A_377 : vector<20x1xi32> to vector<20x512xi32>
    %ge3A_379 = arith.cmpi sge, %select_n3A, %ge3A_378 : vector<20x512xi32>
    %convert_element_type3A_380 = arith.extui %ge3A_379 : vector<20x512xi1> to vector<20x512xi32>
    %reduce_sum3A_381 = arith.constant dense<0> : vector<20xi32>
    %reduce_sum3A_382 = vector.multi_reduction <add>, %convert_element_type3A_380, %reduce_sum3A_381 [1] : vector<20x512xi32> to vector<20xi32>
    %broadcast_in_dim3A_383 = vector.shape_cast %reduce_sum3A_382 : vector<20xi32> to vector<20x1xi32>
    %ge3A_384 = arith.constant 405 : i32
    %ge3A_385 = vector.broadcast %ge3A_384 : i32 to vector<20x1xi32>
    %ge3A_386 = arith.cmpi sge, %broadcast_in_dim3A_383, %ge3A_385 : vector<20x1xi32>
    %select_n3A_387 = arith.select %ge3A_386, %or3A_374, %select_n3A_371 : vector<20x1xi1>, vector<20x1xi32>
    %or3A_388 = arith.constant 128 : i32
    %or3A_389 = vector.broadcast %or3A_388 : i32 to vector<20x1xi32>
    %or3A_390 = arith.ori %select_n3A_387, %or3A_389 : vector<20x1xi32>
    %xor3A_391 = arith.constant -2147483648 : i32
    %xor3A_392 = vector.broadcast %xor3A_391 : i32 to vector<20x1xi32>
    %xor3A_393 = arith.xori %or3A_390, %xor3A_392 : vector<20x1xi32>
    %ge3A_394 = vector.broadcast %xor3A_393 : vector<20x1xi32> to vector<20x512xi32>
    %ge3A_395 = arith.cmpi sge, %select_n3A, %ge3A_394 : vector<20x512xi32>
    %convert_element_type3A_396 = arith.extui %ge3A_395 : vector<20x512xi1> to vector<20x512xi32>
    %reduce_sum3A_397 = arith.constant dense<0> : vector<20xi32>
    %reduce_sum3A_398 = vector.multi_reduction <add>, %convert_element_type3A_396, %reduce_sum3A_397 [1] : vector<20x512xi32> to vector<20xi32>
    %broadcast_in_dim3A_399 = vector.shape_cast %reduce_sum3A_398 : vector<20xi32> to vector<20x1xi32>
    %ge3A_400 = arith.constant 405 : i32
    %ge3A_401 = vector.broadcast %ge3A_400 : i32 to vector<20x1xi32>
    %ge3A_402 = arith.cmpi sge, %broadcast_in_dim3A_399, %ge3A_401 : vector<20x1xi32>
    %select_n3A_403 = arith.select %ge3A_402, %or3A_390, %select_n3A_387 : vector<20x1xi1>, vector<20x1xi32>
    %or3A_404 = arith.constant 64 : i32
    %or3A_405 = vector.broadcast %or3A_404 : i32 to vector<20x1xi32>
    %or3A_406 = arith.ori %select_n3A_403, %or3A_405 : vector<20x1xi32>
    %xor3A_407 = arith.constant -2147483648 : i32
    %xor3A_408 = vector.broadcast %xor3A_407 : i32 to vector<20x1xi32>
    %xor3A_409 = arith.xori %or3A_406, %xor3A_408 : vector<20x1xi32>
    %ge3A_410 = vector.broadcast %xor3A_409 : vector<20x1xi32> to vector<20x512xi32>
    %ge3A_411 = arith.cmpi sge, %select_n3A, %ge3A_410 : vector<20x512xi32>
    %convert_element_type3A_412 = arith.extui %ge3A_411 : vector<20x512xi1> to vector<20x512xi32>
    %reduce_sum3A_413 = arith.constant dense<0> : vector<20xi32>
    %reduce_sum3A_414 = vector.multi_reduction <add>, %convert_element_type3A_412, %reduce_sum3A_413 [1] : vector<20x512xi32> to vector<20xi32>
    %broadcast_in_dim3A_415 = vector.shape_cast %reduce_sum3A_414 : vector<20xi32> to vector<20x1xi32>
    %ge3A_416 = arith.constant 405 : i32
    %ge3A_417 = vector.broadcast %ge3A_416 : i32 to vector<20x1xi32>
    %ge3A_418 = arith.cmpi sge, %broadcast_in_dim3A_415, %ge3A_417 : vector<20x1xi32>
    %select_n3A_419 = arith.select %ge3A_418, %or3A_406, %select_n3A_403 : vector<20x1xi1>, vector<20x1xi32>
    %or3A_420 = arith.constant 32 : i32
    %or3A_421 = vector.broadcast %or3A_420 : i32 to vector<20x1xi32>
    %or3A_422 = arith.ori %select_n3A_419, %or3A_421 : vector<20x1xi32>
    %xor3A_423 = arith.constant -2147483648 : i32
    %xor3A_424 = vector.broadcast %xor3A_423 : i32 to vector<20x1xi32>
    %xor3A_425 = arith.xori %or3A_422, %xor3A_424 : vector<20x1xi32>
    %ge3A_426 = vector.broadcast %xor3A_425 : vector<20x1xi32> to vector<20x512xi32>
    %ge3A_427 = arith.cmpi sge, %select_n3A, %ge3A_426 : vector<20x512xi32>
    %convert_element_type3A_428 = arith.extui %ge3A_427 : vector<20x512xi1> to vector<20x512xi32>
    %reduce_sum3A_429 = arith.constant dense<0> : vector<20xi32>
    %reduce_sum3A_430 = vector.multi_reduction <add>, %convert_element_type3A_428, %reduce_sum3A_429 [1] : vector<20x512xi32> to vector<20xi32>
    %broadcast_in_dim3A_431 = vector.shape_cast %reduce_sum3A_430 : vector<20xi32> to vector<20x1xi32>
    %ge3A_432 = arith.constant 405 : i32
    %ge3A_433 = vector.broadcast %ge3A_432 : i32 to vector<20x1xi32>
    %ge3A_434 = arith.cmpi sge, %broadcast_in_dim3A_431, %ge3A_433 : vector<20x1xi32>
    %select_n3A_435 = arith.select %ge3A_434, %or3A_422, %select_n3A_419 : vector<20x1xi1>, vector<20x1xi32>
    %or3A_436 = arith.constant 16 : i32
    %or3A_437 = vector.broadcast %or3A_436 : i32 to vector<20x1xi32>
    %or3A_438 = arith.ori %select_n3A_435, %or3A_437 : vector<20x1xi32>
    %xor3A_439 = arith.constant -2147483648 : i32
    %xor3A_440 = vector.broadcast %xor3A_439 : i32 to vector<20x1xi32>
    %xor3A_441 = arith.xori %or3A_438, %xor3A_440 : vector<20x1xi32>
    %ge3A_442 = vector.broadcast %xor3A_441 : vector<20x1xi32> to vector<20x512xi32>
    %ge3A_443 = arith.cmpi sge, %select_n3A, %ge3A_442 : vector<20x512xi32>
    %convert_element_type3A_444 = arith.extui %ge3A_443 : vector<20x512xi1> to vector<20x512xi32>
    %reduce_sum3A_445 = arith.constant dense<0> : vector<20xi32>
    %reduce_sum3A_446 = vector.multi_reduction <add>, %convert_element_type3A_444, %reduce_sum3A_445 [1] : vector<20x512xi32> to vector<20xi32>
    %broadcast_in_dim3A_447 = vector.shape_cast %reduce_sum3A_446 : vector<20xi32> to vector<20x1xi32>
    %ge3A_448 = arith.constant 405 : i32
    %ge3A_449 = vector.broadcast %ge3A_448 : i32 to vector<20x1xi32>
    %ge3A_450 = arith.cmpi sge, %broadcast_in_dim3A_447, %ge3A_449 : vector<20x1xi32>
    %select_n3A_451 = arith.select %ge3A_450, %or3A_438, %select_n3A_435 : vector<20x1xi1>, vector<20x1xi32>
    %or3A_452 = arith.constant 8 : i32
    %or3A_453 = vector.broadcast %or3A_452 : i32 to vector<20x1xi32>
    %or3A_454 = arith.ori %select_n3A_451, %or3A_453 : vector<20x1xi32>
    %xor3A_455 = arith.constant -2147483648 : i32
    %xor3A_456 = vector.broadcast %xor3A_455 : i32 to vector<20x1xi32>
    %xor3A_457 = arith.xori %or3A_454, %xor3A_456 : vector<20x1xi32>
    %ge3A_458 = vector.broadcast %xor3A_457 : vector<20x1xi32> to vector<20x512xi32>
    %ge3A_459 = arith.cmpi sge, %select_n3A, %ge3A_458 : vector<20x512xi32>
    %convert_element_type3A_460 = arith.extui %ge3A_459 : vector<20x512xi1> to vector<20x512xi32>
    %reduce_sum3A_461 = arith.constant dense<0> : vector<20xi32>
    %reduce_sum3A_462 = vector.multi_reduction <add>, %convert_element_type3A_460, %reduce_sum3A_461 [1] : vector<20x512xi32> to vector<20xi32>
    %broadcast_in_dim3A_463 = vector.shape_cast %reduce_sum3A_462 : vector<20xi32> to vector<20x1xi32>
    %ge3A_464 = arith.constant 405 : i32
    %ge3A_465 = vector.broadcast %ge3A_464 : i32 to vector<20x1xi32>
    %ge3A_466 = arith.cmpi sge, %broadcast_in_dim3A_463, %ge3A_465 : vector<20x1xi32>
    %select_n3A_467 = arith.select %ge3A_466, %or3A_454, %select_n3A_451 : vector<20x1xi1>, vector<20x1xi32>
    %or3A_468 = arith.constant 4 : i32
    %or3A_469 = vector.broadcast %or3A_468 : i32 to vector<20x1xi32>
    %or3A_470 = arith.ori %select_n3A_467, %or3A_469 : vector<20x1xi32>
    %xor3A_471 = arith.constant -2147483648 : i32
    %xor3A_472 = vector.broadcast %xor3A_471 : i32 to vector<20x1xi32>
    %xor3A_473 = arith.xori %or3A_470, %xor3A_472 : vector<20x1xi32>
    %ge3A_474 = vector.broadcast %xor3A_473 : vector<20x1xi32> to vector<20x512xi32>
    %ge3A_475 = arith.cmpi sge, %select_n3A, %ge3A_474 : vector<20x512xi32>
    %convert_element_type3A_476 = arith.extui %ge3A_475 : vector<20x512xi1> to vector<20x512xi32>
    %reduce_sum3A_477 = arith.constant dense<0> : vector<20xi32>
    %reduce_sum3A_478 = vector.multi_reduction <add>, %convert_element_type3A_476, %reduce_sum3A_477 [1] : vector<20x512xi32> to vector<20xi32>
    %broadcast_in_dim3A_479 = vector.shape_cast %reduce_sum3A_478 : vector<20xi32> to vector<20x1xi32>
    %ge3A_480 = arith.constant 405 : i32
    %ge3A_481 = vector.broadcast %ge3A_480 : i32 to vector<20x1xi32>
    %ge3A_482 = arith.cmpi sge, %broadcast_in_dim3A_479, %ge3A_481 : vector<20x1xi32>
    %select_n3A_483 = arith.select %ge3A_482, %or3A_470, %select_n3A_467 : vector<20x1xi1>, vector<20x1xi32>
    %or3A_484 = arith.constant 2 : i32
    %or3A_485 = vector.broadcast %or3A_484 : i32 to vector<20x1xi32>
    %or3A_486 = arith.ori %select_n3A_483, %or3A_485 : vector<20x1xi32>
    %xor3A_487 = arith.constant -2147483648 : i32
    %xor3A_488 = vector.broadcast %xor3A_487 : i32 to vector<20x1xi32>
    %xor3A_489 = arith.xori %or3A_486, %xor3A_488 : vector<20x1xi32>
    %ge3A_490 = vector.broadcast %xor3A_489 : vector<20x1xi32> to vector<20x512xi32>
    %ge3A_491 = arith.cmpi sge, %select_n3A, %ge3A_490 : vector<20x512xi32>
    %convert_element_type3A_492 = arith.extui %ge3A_491 : vector<20x512xi1> to vector<20x512xi32>
    %reduce_sum3A_493 = arith.constant dense<0> : vector<20xi32>
    %reduce_sum3A_494 = vector.multi_reduction <add>, %convert_element_type3A_492, %reduce_sum3A_493 [1] : vector<20x512xi32> to vector<20xi32>
    %broadcast_in_dim3A_495 = vector.shape_cast %reduce_sum3A_494 : vector<20xi32> to vector<20x1xi32>
    %ge3A_496 = arith.constant 405 : i32
    %ge3A_497 = vector.broadcast %ge3A_496 : i32 to vector<20x1xi32>
    %ge3A_498 = arith.cmpi sge, %broadcast_in_dim3A_495, %ge3A_497 : vector<20x1xi32>
    %select_n3A_499 = arith.select %ge3A_498, %or3A_486, %select_n3A_483 : vector<20x1xi1>, vector<20x1xi32>
    %or3A_500 = arith.constant 1 : i32
    %or3A_501 = vector.broadcast %or3A_500 : i32 to vector<20x1xi32>
    %or3A_502 = arith.ori %select_n3A_499, %or3A_501 : vector<20x1xi32>
    %xor3A_503 = arith.constant -2147483648 : i32
    %xor3A_504 = vector.broadcast %xor3A_503 : i32 to vector<20x1xi32>
    %xor3A_505 = arith.xori %or3A_502, %xor3A_504 : vector<20x1xi32>
    %ge3A_506 = vector.broadcast %xor3A_505 : vector<20x1xi32> to vector<20x512xi32>
    %ge3A_507 = arith.cmpi sge, %select_n3A, %ge3A_506 : vector<20x512xi32>
    %convert_element_type3A_508 = arith.extui %ge3A_507 : vector<20x512xi1> to vector<20x512xi32>
    %reduce_sum3A_509 = arith.constant dense<0> : vector<20xi32>
    %reduce_sum3A_510 = vector.multi_reduction <add>, %convert_element_type3A_508, %reduce_sum3A_509 [1] : vector<20x512xi32> to vector<20xi32>
    %broadcast_in_dim3A_511 = vector.shape_cast %reduce_sum3A_510 : vector<20xi32> to vector<20x1xi32>
    %ge3A_512 = arith.constant 405 : i32
    %ge3A_513 = vector.broadcast %ge3A_512 : i32 to vector<20x1xi32>
    %ge3A_514 = arith.cmpi sge, %broadcast_in_dim3A_511, %ge3A_513 : vector<20x1xi32>
    %select_n3A_515 = arith.select %ge3A_514, %or3A_502, %select_n3A_499 : vector<20x1xi1>, vector<20x1xi32>
    %xor3A_516 = arith.constant -2147483648 : i32
    %xor3A_517 = vector.broadcast %xor3A_516 : i32 to vector<20x1xi32>
    %xor3A_518 = arith.xori %select_n3A_515, %xor3A_517 : vector<20x1xi32>
    %gt3A = vector.broadcast %xor3A_518 : vector<20x1xi32> to vector<20x512xi32>
    %gt3A_519 = arith.cmpi sgt, %select_n3A, %gt3A : vector<20x512xi32>
    %ge3A_520 = vector.broadcast %xor3A_518 : vector<20x1xi32> to vector<20x512xi32>
    %ge3A_521 = arith.cmpi sge, %select_n3A, %ge3A_520 : vector<20x512xi32>
    %not3A = arith.constant dense<true> : vector<20x512xi1>
    %not3A_522 = arith.xori %gt3A_519, %not3A : vector<20x512xi1>
    %and3A = arith.andi %ge3A_521, %not3A_522 : vector<20x512xi1>
    %convert_element_type3A_523 = arith.extui %gt3A_519 : vector<20x512xi1> to vector<20x512xi32>
    %reduce_sum3A_524 = arith.constant dense<0> : vector<20xi32>
    %reduce_sum3A_525 = vector.multi_reduction <add>, %convert_element_type3A_523, %reduce_sum3A_524 [1] : vector<20x512xi32> to vector<20xi32>
    %broadcast_in_dim3A_526 = vector.shape_cast %reduce_sum3A_525 : vector<20xi32> to vector<20x1xi32>
    %convert_element_type3A_527 = arith.extui %and3A : vector<20x512xi1> to vector<20x512xi32>
    %broadcast_in_dim3A_528 = arith.constant 0 : i32
    %broadcast_in_dim3A_529 = vector.broadcast %broadcast_in_dim3A_528 : i32 to vector<20x1xi32>
    %slice3A = vector.extract_strided_slice %convert_element_type3A_527 {offsets = [0, 0], sizes = [20, 511], strides = [1, 1]} : vector<20x512xi32> to vector<20x511xi32>
    %concatenate3A = tpu.concatenate %broadcast_in_dim3A_529, %slice3A in 1 : vector<20x1xi32>, vector<20x511xi32> -> vector<20x512xi32>
    %add3A = arith.addi %convert_element_type3A_527, %concatenate3A : vector<20x512xi32>
    %broadcast_in_dim3A_530 = arith.constant 0 : i32
    %broadcast_in_dim3A_531 = vector.broadcast %broadcast_in_dim3A_530 : i32 to vector<20x2xi32>
    %slice3A_532 = vector.extract_strided_slice %add3A {offsets = [0, 0], sizes = [20, 510], strides = [1, 1]} : vector<20x512xi32> to vector<20x510xi32>
    %concatenate3A_533 = tpu.concatenate %broadcast_in_dim3A_531, %slice3A_532 in 1 : vector<20x2xi32>, vector<20x510xi32> -> vector<20x512xi32>
    %add3A_534 = arith.addi %add3A, %concatenate3A_533 : vector<20x512xi32>
    %broadcast_in_dim3A_535 = arith.constant 0 : i32
    %broadcast_in_dim3A_536 = vector.broadcast %broadcast_in_dim3A_535 : i32 to vector<20x4xi32>
    %slice3A_537 = vector.extract_strided_slice %add3A_534 {offsets = [0, 0], sizes = [20, 508], strides = [1, 1]} : vector<20x512xi32> to vector<20x508xi32>
    %concatenate3A_538 = tpu.concatenate %broadcast_in_dim3A_536, %slice3A_537 in 1 : vector<20x4xi32>, vector<20x508xi32> -> vector<20x512xi32>
    %add3A_539 = arith.addi %add3A_534, %concatenate3A_538 : vector<20x512xi32>
    %broadcast_in_dim3A_540 = arith.constant 0 : i32
    %broadcast_in_dim3A_541 = vector.broadcast %broadcast_in_dim3A_540 : i32 to vector<20x8xi32>
    %slice3A_542 = vector.extract_strided_slice %add3A_539 {offsets = [0, 0], sizes = [20, 504], strides = [1, 1]} : vector<20x512xi32> to vector<20x504xi32>
    %concatenate3A_543 = tpu.concatenate %broadcast_in_dim3A_541, %slice3A_542 in 1 : vector<20x8xi32>, vector<20x504xi32> -> vector<20x512xi32>
    %add3A_544 = arith.addi %add3A_539, %concatenate3A_543 : vector<20x512xi32>
    %broadcast_in_dim3A_545 = arith.constant 0 : i32
    %broadcast_in_dim3A_546 = vector.broadcast %broadcast_in_dim3A_545 : i32 to vector<20x16xi32>
    %slice3A_547 = vector.extract_strided_slice %add3A_544 {offsets = [0, 0], sizes = [20, 496], strides = [1, 1]} : vector<20x512xi32> to vector<20x496xi32>
    %concatenate3A_548 = tpu.concatenate %broadcast_in_dim3A_546, %slice3A_547 in 1 : vector<20x16xi32>, vector<20x496xi32> -> vector<20x512xi32>
    %add3A_549 = arith.addi %add3A_544, %concatenate3A_548 : vector<20x512xi32>
    %broadcast_in_dim3A_550 = arith.constant 0 : i32
    %broadcast_in_dim3A_551 = vector.broadcast %broadcast_in_dim3A_550 : i32 to vector<20x32xi32>
    %slice3A_552 = vector.extract_strided_slice %add3A_549 {offsets = [0, 0], sizes = [20, 480], strides = [1, 1]} : vector<20x512xi32> to vector<20x480xi32>
    %concatenate3A_553 = tpu.concatenate %broadcast_in_dim3A_551, %slice3A_552 in 1 : vector<20x32xi32>, vector<20x480xi32> -> vector<20x512xi32>
    %add3A_554 = arith.addi %add3A_549, %concatenate3A_553 : vector<20x512xi32>
    %broadcast_in_dim3A_555 = arith.constant 0 : i32
    %broadcast_in_dim3A_556 = vector.broadcast %broadcast_in_dim3A_555 : i32 to vector<20x64xi32>
    %slice3A_557 = vector.extract_strided_slice %add3A_554 {offsets = [0, 0], sizes = [20, 448], strides = [1, 1]} : vector<20x512xi32> to vector<20x448xi32>
    %concatenate3A_558 = tpu.concatenate %broadcast_in_dim3A_556, %slice3A_557 in 1 : vector<20x64xi32>, vector<20x448xi32> -> vector<20x512xi32>
    %add3A_559 = arith.addi %add3A_554, %concatenate3A_558 : vector<20x512xi32>
    %broadcast_in_dim3A_560 = arith.constant 0 : i32
    %broadcast_in_dim3A_561 = vector.broadcast %broadcast_in_dim3A_560 : i32 to vector<20x128xi32>
    %slice3A_562 = vector.extract_strided_slice %add3A_559 {offsets = [0, 0], sizes = [20, 384], strides = [1, 1]} : vector<20x512xi32> to vector<20x384xi32>
    %concatenate3A_563 = tpu.concatenate %broadcast_in_dim3A_561, %slice3A_562 in 1 : vector<20x128xi32>, vector<20x384xi32> -> vector<20x512xi32>
    %add3A_564 = arith.addi %add3A_559, %concatenate3A_563 : vector<20x512xi32>
    %broadcast_in_dim3A_565 = arith.constant 0 : i32
    %broadcast_in_dim3A_566 = vector.broadcast %broadcast_in_dim3A_565 : i32 to vector<20x256xi32>
    %slice3A_567 = vector.extract_strided_slice %add3A_564 {offsets = [0, 0], sizes = [20, 256], strides = [1, 1]} : vector<20x512xi32> to vector<20x256xi32>
    %concatenate3A_568 = tpu.concatenate %broadcast_in_dim3A_566, %slice3A_567 in 1 : vector<20x256xi32>, vector<20x256xi32> -> vector<20x512xi32>
    %add3A_569 = arith.addi %add3A_564, %concatenate3A_568 : vector<20x512xi32>
    %sub3A = arith.constant 405 : i32
    %sub3A_570 = vector.broadcast %sub3A : i32 to vector<20x1xi32>
    %sub3A_571 = arith.subi %sub3A_570, %broadcast_in_dim3A_526 : vector<20x1xi32>
    %le3A = vector.broadcast %sub3A_571 : vector<20x1xi32> to vector<20x512xi32>
    %le3A_572 = arith.cmpi sle, %add3A_569, %le3A : vector<20x512xi32>
    %and3A_573 = arith.andi %and3A, %le3A_572 : vector<20x512xi1>
    %or3A_574 = arith.ori %gt3A_519, %and3A_573 : vector<20x512xi1>
    %convert_element_type3A_575 = arith.extui %or3A_574 : vector<20x512xi1> to vector<20x512xi32>
    %convert_element_type3A_576 = arith.sitofp %convert_element_type3A_575 : vector<20x512xi32> to vector<20x512xf32>
    %swap3A = arith.constant 0 : index
    %swap3A_577 = arith.constant 0 : index
    %swap3A_578 = vector.load %arg1[%swap3A, %swap3A_577] : memref<20x512xf32, #tpu.memory_space<vmem>>, vector<20x512xf32>
    tpu.vector_store %arg1[%swap3A, %swap3A_577], %convert_element_type3A_576 {strides = array<i32>} : memref<20x512xf32, #tpu.memory_space<vmem>>, vector<20x512xf32>,
    %max3A = arith.constant -1.000000e+02 : f32
    %max3A_579 = vector.broadcast %max3A : f32 to vector<20x512xf32>
    %max3A_580 = arith.maximumf %get3A_1, %max3A_579 : vector<20x512xf32>
    %tanh3A = math.tanh %max3A_580 : vector<20x512xf32>
    %swap3A_581 = arith.constant 0 : index
    %swap3A_582 = arith.constant 0 : index
    %swap3A_583 = vector.load %arg2[%swap3A_581, %swap3A_582] : memref<20x512xf32, #tpu.memory_space<vmem>>, vector<20x512xf32>
    tpu.vector_store %arg2[%swap3A_581, %swap3A_582], %tanh3A {strides = array<i32>} : memref<20x512xf32, #tpu.memory_space<vmem>>, vector<20x512xf32>,
    return
  }
}

module attributes {stable_mosaic.version = 14 : i64} {
  func.func @body(%arg0: i32, %arg1: memref<4x512x512xbf16, #tpu.memory_space<vmem>>, %arg2: memref<4x512x128xf32, #tpu.memory_space<vmem>>, %arg3: memref<4x512x1xf32, #tpu.memory_space<vmem>>, %arg4: memref<4x512x1xf32, #tpu.memory_space<vmem>>, %arg5: memref<128x128xf32, #tpu.memory_space<vmem>>, %arg6: memref<128x128xf32, #tpu.memory_space<vmem>>, %arg7: memref<1x128xf32, #tpu.memory_space<vmem>>, %arg8: memref<1x128xf32, #tpu.memory_space<vmem>>, %arg9: memref<4x1x256xf32, #tpu.memory_space<vmem>>, %arg10: memref<4x512x128xf32, #tpu.memory_space<vmem>>, %arg11: memref<4x512x1xf32, #tpu.memory_space<vmem>>) attributes {dimension_semantics = [#tpu.dimension_semantics<arbitrary>], iteration_bounds = array<i64: 5>, scalar_prefetch = 0 : i64, scratch_operands = 0 : i64, tpu.core_type = #tpu.core_type<tc>, window_params = [{transform_indices = @transform_0, window_bounds = array<i64: 4, 512, 512>}, {transform_indices = @transform_1, window_bounds = array<i64: 4, 512, 128>}, {transform_indices = @transform_2, window_bounds = array<i64: 4, 512, 1>}, {transform_indices = @transform_3, window_bounds = array<i64: 4, 512, 1>}, {pipeline_mode = #tpu.pipeline_mode<synchronous>, transform_indices = @transform_4, window_bounds = array<i64: 128, 128>}, {pipeline_mode = #tpu.pipeline_mode<synchronous>, transform_indices = @transform_5, window_bounds = array<i64: 128, 128>}, {pipeline_mode = #tpu.pipeline_mode<synchronous>, transform_indices = @transform_6, window_bounds = array<i64: 1, 128>}, {pipeline_mode = #tpu.pipeline_mode<synchronous>, transform_indices = @transform_7, window_bounds = array<i64: 1, 128>}, {transform_indices = @transform_8, window_bounds = array<i64: 4, 1, 256>}, {transform_indices = @transform_9, window_bounds = array<i64: 4, 512, 128>}, {transform_indices = @transform_10, window_bounds = array<i64: 4, 512, 1>}]} {
    %get3A = arith.constant 0 : index
    %get3A_0 = arith.constant 0 : index
    %get3A_1 = vector.load %arg8[%get3A, %get3A_0] : memref<1x128xf32, #tpu.memory_space<vmem>>, vector<1x128xf32>
    %mul3A = arith.mulf %get3A_1, %get3A_1 : vector<1x128xf32>
    %reduce_sum3A = vector.shape_cast %mul3A : vector<1x128xf32> to vector<1x1x128xf32>
    %reduce_sum3A_2 = arith.constant dense<0.000000e+00> : vector<1xf32>
    %reduce_sum3A_3 = vector.multi_reduction <add>, %reduce_sum3A, %reduce_sum3A_2 [1, 2] : vector<1x1x128xf32> to vector<1xf32>
    %reduce_sum3A_4 = vector.shape_cast %reduce_sum3A_3 : vector<1xf32> to vector<1x1x1xf32>
    %reduce_sum3A_5 = vector.extract %reduce_sum3A_4[0, 0, 0] : f32 from vector<1x1x1xf32>
    %sqrt3A = math.sqrt %reduce_sum3A_5 : f32
    %get3A_6 = arith.constant 0 : index
    %get3A_7 = arith.constant 0 : index
    %get3A_8 = arith.constant 0 : index
    %get3A_9 = vector.load %arg3[%get3A_6, %get3A_7, %get3A_8] : memref<4x512x1xf32, #tpu.memory_space<vmem>>, vector<1x512x1xf32>
    %get3A_10 = vector.shape_cast %get3A_9 : vector<1x512x1xf32> to vector<512x1xf32>
    %get3A_11 = arith.constant 0 : index
    %get3A_12 = arith.constant 0 : index
    %get3A_13 = arith.constant 0 : index
    %get3A_14 = vector.load %arg4[%get3A_11, %get3A_12, %get3A_13] : memref<4x512x1xf32, #tpu.memory_space<vmem>>, vector<1x512x1xf32>
    %get3A_15 = vector.shape_cast %get3A_14 : vector<1x512x1xf32> to vector<512x1xf32>
    %get3A_16 = arith.constant 0 : index
    %get3A_17 = arith.constant 0 : index
    %get3A_18 = arith.constant 0 : index
    %get3A_19 = vector.load %arg2[%get3A_16, %get3A_17, %get3A_18] : memref<4x512x128xf32, #tpu.memory_space<vmem>>, vector<1x512x128xf32>
    %get3A_20 = vector.shape_cast %get3A_19 : vector<1x512x128xf32> to vector<512x128xf32>
    %mul3A_21 = vector.broadcast %get3A_15 : vector<512x1xf32> to vector<512x128xf32>
    %mul3A_22 = arith.mulf %get3A_20, %mul3A_21 : vector<512x128xf32>
    %mul3A_23 = vector.broadcast %get3A_10 : vector<512x1xf32> to vector<512x128xf32>
    %mul3A_24 = arith.mulf %mul3A_22, %mul3A_23 : vector<512x128xf32>
    %gt3A = arith.constant 0.000000e+00 : f32
    %gt3A_25 = vector.broadcast %gt3A : f32 to vector<512x1xf32>
    %gt3A_26 = arith.cmpf ogt, %get3A_10, %gt3A_25 : vector<512x1xf32>
    %jit3A = arith.constant 0xFF800000 : f32
    %broadcast_in_dim3A = vector.shape_cast %gt3A_26 : vector<512x1xi1> to vector<512x1xi1>
    %broadcast_in_dim3A_27 = vector.broadcast %broadcast_in_dim3A : vector<512x1xi1> to vector<512x128xi1>
    %broadcast_in_dim3A_28 = vector.broadcast %jit3A : f32 to vector<512x128xf32>
    %select_n3A = arith.select %broadcast_in_dim3A_27, %mul3A_24, %broadcast_in_dim3A_28 : vector<512x128xi1>, vector<512x128xf32>
    %reduce_max3A = arith.constant dense<0xFF800000> : vector<128xf32>
    %reduce_max3A_29 = vector.multi_reduction <maximumf>, %select_n3A, %reduce_max3A [0] : vector<512x128xf32> to vector<128xf32>
    %broadcast_in_dim3A_30 = vector.shape_cast %reduce_max3A_29 : vector<128xf32> to vector<1x128xf32>
    %reduce_sum3A_31 = arith.constant dense<0.000000e+00> : vector<128xf32>
    %reduce_sum3A_32 = vector.multi_reduction <add>, %mul3A_24, %reduce_sum3A_31 [0] : vector<512x128xf32> to vector<128xf32>
    %broadcast_in_dim3A_33 = vector.shape_cast %reduce_sum3A_32 : vector<128xf32> to vector<1x128xf32>
    %mul3A_34 = arith.constant 0.00246913591 : f32
    %mul3A_35 = vector.broadcast %mul3A_34 : f32 to vector<1x128xf32>
    %mul3A_36 = arith.mulf %broadcast_in_dim3A_33, %mul3A_35 : vector<1x128xf32>
    %concatenate3A = tpu.concatenate %broadcast_in_dim3A_30, %mul3A_36 in 1 : vector<1x128xf32>, vector<1x128xf32> -> vector<1x256xf32>
    %swap3A = arith.constant 0 : index
    %swap3A_37 = arith.constant 0 : index
    %swap3A_38 = arith.constant 0 : index
    %swap3A_39 = vector.load %arg9[%swap3A, %swap3A_37, %swap3A_38] : memref<4x1x256xf32, #tpu.memory_space<vmem>>, vector<1x1x256xf32>
    %swap3A_40 = vector.shape_cast %swap3A_39 : vector<1x1x256xf32> to vector<1x256xf32>
    %swap3A_41 = vector.shape_cast %concatenate3A : vector<1x256xf32> to vector<1x1x256xf32>
    tpu.vector_store %arg9[%swap3A, %swap3A_37, %swap3A_38], %swap3A_41 {strides = array<i32>} : memref<4x1x256xf32, #tpu.memory_space<vmem>>, vector<1x1x256xf32>,
    %get3A_42 = arith.constant 0 : index
    %get3A_43 = arith.constant 0 : index
    %get3A_44 = vector.load %arg5[%get3A_42, %get3A_43] : memref<128x128xf32, #tpu.memory_space<vmem>>, vector<128x128xf32>
    %dot_general3A = arith.constant dense<0.000000e+00> : vector<512x128xf32>
    %dot_general3A_45 = tpu.matmul %mul3A_24, %get3A_44, %dot_general3A {dimension_numbers = #tpu.dot_dimension_numbers<[1], [0], [0], [1], [0, 0, 1, 1], [], []>, transpose_lhs_hint = false} : vector<512x128xf32>, vector<128x128xf32>, vector<512x128xf32> -> vector<512x128xf32>
    %get3A_46 = arith.constant 0 : index
    %get3A_47 = arith.constant 0 : index
    %get3A_48 = arith.constant 0 : index
    %get3A_49 = vector.load %arg1[%get3A_46, %get3A_47, %get3A_48] : memref<4x512x512xbf16, #tpu.memory_space<vmem>>, vector<1x512x512xbf16>
    %get3A_50 = vector.shape_cast %get3A_49 : vector<1x512x512xbf16> to vector<512x512xbf16>
    %convert_element_type3A = arith.truncf %dot_general3A_45 : vector<512x128xf32> to vector<512x128xbf16>
    %convert_element_type3A_51 = arith.extf %convert_element_type3A : vector<512x128xbf16> to vector<512x128xf32>
    %sub3A = arith.subf %dot_general3A_45, %convert_element_type3A_51 : vector<512x128xf32>
    %convert_element_type3A_52 = arith.truncf %sub3A : vector<512x128xf32> to vector<512x128xbf16>
    %dot_general3A_53 = arith.constant dense<0.000000e+00> : vector<512x128xf32>
    %dot_general3A_54 = tpu.matmul %get3A_50, %convert_element_type3A, %dot_general3A_53 {dimension_numbers = #tpu.dot_dimension_numbers<[1], [0], [0], [1], [0, 0, 1, 1], [], []>, transpose_lhs_hint = false} : vector<512x512xbf16>, vector<512x128xbf16>, vector<512x128xf32> -> vector<512x128xf32>
    %dot_general3A_55 = arith.constant dense<0.000000e+00> : vector<512x128xf32>
    %dot_general3A_56 = tpu.matmul %get3A_50, %convert_element_type3A_52, %dot_general3A_55 {dimension_numbers = #tpu.dot_dimension_numbers<[1], [0], [0], [1], [0, 0, 1, 1], [], []>, transpose_lhs_hint = false} : vector<512x512xbf16>, vector<512x128xbf16>, vector<512x128xf32> -> vector<512x128xf32>
    %add3A = arith.addf %dot_general3A_54, %dot_general3A_56 : vector<512x128xf32>
    %get3A_57 = arith.constant 0 : index
    %get3A_58 = arith.constant 0 : index
    %get3A_59 = vector.load %arg6[%get3A_57, %get3A_58] : memref<128x128xf32, #tpu.memory_space<vmem>>, vector<128x128xf32>
    %dot_general3A_60 = arith.constant dense<0.000000e+00> : vector<512x128xf32>
    %dot_general3A_61 = tpu.matmul %mul3A_24, %get3A_59, %dot_general3A_60 {dimension_numbers = #tpu.dot_dimension_numbers<[1], [0], [0], [1], [0, 0, 1, 1], [], []>, transpose_lhs_hint = false} : vector<512x128xf32>, vector<128x128xf32>, vector<512x128xf32> -> vector<512x128xf32>
    %add3A_62 = arith.addf %add3A, %dot_general3A_61 : vector<512x128xf32>
    %get3A_63 = arith.constant 0 : index
    %get3A_64 = arith.constant 0 : index
    %get3A_65 = vector.load %arg7[%get3A_63, %get3A_64] : memref<1x128xf32, #tpu.memory_space<vmem>>, vector<1x128xf32>
    %add3A_66 = vector.broadcast %get3A_65 : vector<1x128xf32> to vector<512x128xf32>
    %add3A_67 = arith.addf %add3A_62, %add3A_66 : vector<512x128xf32>
    %max3A = arith.constant 0.000000e+00 : f32
    %max3A_68 = vector.broadcast %max3A : f32 to vector<512x128xf32>
    %max3A_69 = arith.maximumf %add3A_67, %max3A_68 : vector<512x128xf32>
    %mul3A_70 = vector.broadcast %get3A_1 : vector<1x128xf32> to vector<512x128xf32>
    %mul3A_71 = arith.mulf %max3A_69, %mul3A_70 : vector<512x128xf32>
    %reduce_sum3A_72 = arith.constant dense<0.000000e+00> : vector<512xf32>
    %reduce_sum3A_73 = vector.multi_reduction <add>, %mul3A_71, %reduce_sum3A_72 [1] : vector<512x128xf32> to vector<512xf32>
    %broadcast_in_dim3A_74 = vector.shape_cast %reduce_sum3A_73 : vector<512xf32> to vector<512x1xf32>
    %div3A = vector.broadcast %sqrt3A : f32 to vector<512x1xf32>
    %div3A_75 = arith.divf %broadcast_in_dim3A_74, %div3A : vector<512x1xf32>
    %jit3A_76 = arith.constant 0xFF800000 : f32
    %broadcast_in_dim3A_77 = vector.broadcast %jit3A_76 : f32 to vector<512x1xf32>
    %select_n3A_78 = arith.select %gt3A_26, %div3A_75, %broadcast_in_dim3A_77 : vector<512x1xi1>, vector<512x1xf32>
    %swap3A_79 = arith.constant 0 : index
    %swap3A_80 = arith.constant 0 : index
    %swap3A_81 = arith.constant 0 : index
    %swap3A_82 = vector.load %arg11[%swap3A_79, %swap3A_80, %swap3A_81] : memref<4x512x1xf32, #tpu.memory_space<vmem>>, vector<1x512x1xf32>
    %swap3A_83 = vector.shape_cast %swap3A_82 : vector<1x512x1xf32> to vector<512x1xf32>
    %swap3A_84 = vector.shape_cast %select_n3A_78 : vector<512x1xf32> to vector<1x512x1xf32>
    tpu.vector_store %arg11[%swap3A_79, %swap3A_80, %swap3A_81], %swap3A_84 {strides = array<i32>} : memref<4x512x1xf32, #tpu.memory_space<vmem>>, vector<1x512x1xf32>,
    %swap3A_85 = arith.constant 0 : index
    %swap3A_86 = arith.constant 0 : index
    %swap3A_87 = arith.constant 0 : index
    %swap3A_88 = vector.load %arg10[%swap3A_85, %swap3A_86, %swap3A_87] : memref<4x512x128xf32, #tpu.memory_space<vmem>>, vector<1x512x128xf32>
    %swap3A_89 = vector.shape_cast %swap3A_88 : vector<1x512x128xf32> to vector<512x128xf32>
    %swap3A_90 = vector.shape_cast %max3A_69 : vector<512x128xf32> to vector<1x512x128xf32>
    tpu.vector_store %arg10[%swap3A_85, %swap3A_86, %swap3A_87], %swap3A_90 {strides = array<i32>} : memref<4x512x128xf32, #tpu.memory_space<vmem>>, vector<1x512x128xf32>,
    %get3A_91 = arith.constant 1 : index
    %get3A_92 = arith.constant 0 : index
    %get3A_93 = arith.constant 0 : index
    %get3A_94 = vector.load %arg3[%get3A_91, %get3A_92, %get3A_93] : memref<4x512x1xf32, #tpu.memory_space<vmem>>, vector<1x512x1xf32>
    %get3A_95 = vector.shape_cast %get3A_94 : vector<1x512x1xf32> to vector<512x1xf32>
    %get3A_96 = arith.constant 1 : index
    %get3A_97 = arith.constant 0 : index
    %get3A_98 = arith.constant 0 : index
    %get3A_99 = vector.load %arg4[%get3A_96, %get3A_97, %get3A_98] : memref<4x512x1xf32, #tpu.memory_space<vmem>>, vector<1x512x1xf32>
    %get3A_100 = vector.shape_cast %get3A_99 : vector<1x512x1xf32> to vector<512x1xf32>
    %get3A_101 = arith.constant 1 : index
    %get3A_102 = arith.constant 0 : index
    %get3A_103 = arith.constant 0 : index
    %get3A_104 = vector.load %arg2[%get3A_101, %get3A_102, %get3A_103] : memref<4x512x128xf32, #tpu.memory_space<vmem>>, vector<1x512x128xf32>
    %get3A_105 = vector.shape_cast %get3A_104 : vector<1x512x128xf32> to vector<512x128xf32>
    %mul3A_106 = vector.broadcast %get3A_100 : vector<512x1xf32> to vector<512x128xf32>
    %mul3A_107 = arith.mulf %get3A_105, %mul3A_106 : vector<512x128xf32>
    %mul3A_108 = vector.broadcast %get3A_95 : vector<512x1xf32> to vector<512x128xf32>
    %mul3A_109 = arith.mulf %mul3A_107, %mul3A_108 : vector<512x128xf32>
    %gt3A_110 = arith.constant 0.000000e+00 : f32
    %gt3A_111 = vector.broadcast %gt3A_110 : f32 to vector<512x1xf32>
    %gt3A_112 = arith.cmpf ogt, %get3A_95, %gt3A_111 : vector<512x1xf32>
    %jit3A_113 = arith.constant 0xFF800000 : f32
    %broadcast_in_dim3A_114 = vector.shape_cast %gt3A_112 : vector<512x1xi1> to vector<512x1xi1>
    %broadcast_in_dim3A_115 = vector.broadcast %broadcast_in_dim3A_114 : vector<512x1xi1> to vector<512x128xi1>
    %broadcast_in_dim3A_116 = vector.broadcast %jit3A_113 : f32 to vector<512x128xf32>
    %select_n3A_117 = arith.select %broadcast_in_dim3A_115, %mul3A_109, %broadcast_in_dim3A_116 : vector<512x128xi1>, vector<512x128xf32>
    %reduce_max3A_118 = arith.constant dense<0xFF800000> : vector<128xf32>
    %reduce_max3A_119 = vector.multi_reduction <maximumf>, %select_n3A_117, %reduce_max3A_118 [0] : vector<512x128xf32> to vector<128xf32>
    %broadcast_in_dim3A_120 = vector.shape_cast %reduce_max3A_119 : vector<128xf32> to vector<1x128xf32>
    %reduce_sum3A_121 = arith.constant dense<0.000000e+00> : vector<128xf32>
    %reduce_sum3A_122 = vector.multi_reduction <add>, %mul3A_109, %reduce_sum3A_121 [0] : vector<512x128xf32> to vector<128xf32>
    %broadcast_in_dim3A_123 = vector.shape_cast %reduce_sum3A_122 : vector<128xf32> to vector<1x128xf32>
    %mul3A_124 = arith.constant 0.00246913591 : f32
    %mul3A_125 = vector.broadcast %mul3A_124 : f32 to vector<1x128xf32>
    %mul3A_126 = arith.mulf %broadcast_in_dim3A_123, %mul3A_125 : vector<1x128xf32>
    %concatenate3A_127 = tpu.concatenate %broadcast_in_dim3A_120, %mul3A_126 in 1 : vector<1x128xf32>, vector<1x128xf32> -> vector<1x256xf32>
    %swap3A_128 = arith.constant 1 : index
    %swap3A_129 = arith.constant 0 : index
    %swap3A_130 = arith.constant 0 : index
    %swap3A_131 = vector.load %arg9[%swap3A_128, %swap3A_129, %swap3A_130] : memref<4x1x256xf32, #tpu.memory_space<vmem>>, vector<1x1x256xf32>
    %swap3A_132 = vector.shape_cast %swap3A_131 : vector<1x1x256xf32> to vector<1x256xf32>
    %swap3A_133 = vector.shape_cast %concatenate3A_127 : vector<1x256xf32> to vector<1x1x256xf32>
    tpu.vector_store %arg9[%swap3A_128, %swap3A_129, %swap3A_130], %swap3A_133 {strides = array<i32>} : memref<4x1x256xf32, #tpu.memory_space<vmem>>, vector<1x1x256xf32>,
    %get3A_134 = arith.constant 0 : index
    %get3A_135 = arith.constant 0 : index
    %get3A_136 = vector.load %arg5[%get3A_134, %get3A_135] : memref<128x128xf32, #tpu.memory_space<vmem>>, vector<128x128xf32>
    %dot_general3A_137 = arith.constant dense<0.000000e+00> : vector<512x128xf32>
    %dot_general3A_138 = tpu.matmul %mul3A_109, %get3A_136, %dot_general3A_137 {dimension_numbers = #tpu.dot_dimension_numbers<[1], [0], [0], [1], [0, 0, 1, 1], [], []>, transpose_lhs_hint = false} : vector<512x128xf32>, vector<128x128xf32>, vector<512x128xf32> -> vector<512x128xf32>
    %get3A_139 = arith.constant 1 : index
    %get3A_140 = arith.constant 0 : index
    %get3A_141 = arith.constant 0 : index
    %get3A_142 = vector.load %arg1[%get3A_139, %get3A_140, %get3A_141] : memref<4x512x512xbf16, #tpu.memory_space<vmem>>, vector<1x512x512xbf16>
    %get3A_143 = vector.shape_cast %get3A_142 : vector<1x512x512xbf16> to vector<512x512xbf16>
    %convert_element_type3A_144 = arith.truncf %dot_general3A_138 : vector<512x128xf32> to vector<512x128xbf16>
    %convert_element_type3A_145 = arith.extf %convert_element_type3A_144 : vector<512x128xbf16> to vector<512x128xf32>
    %sub3A_146 = arith.subf %dot_general3A_138, %convert_element_type3A_145 : vector<512x128xf32>
    %convert_element_type3A_147 = arith.truncf %sub3A_146 : vector<512x128xf32> to vector<512x128xbf16>
    %dot_general3A_148 = arith.constant dense<0.000000e+00> : vector<512x128xf32>
    %dot_general3A_149 = tpu.matmul %get3A_143, %convert_element_type3A_144, %dot_general3A_148 {dimension_numbers = #tpu.dot_dimension_numbers<[1], [0], [0], [1], [0, 0, 1, 1], [], []>, transpose_lhs_hint = false} : vector<512x512xbf16>, vector<512x128xbf16>, vector<512x128xf32> -> vector<512x128xf32>
    %dot_general3A_150 = arith.constant dense<0.000000e+00> : vector<512x128xf32>
    %dot_general3A_151 = tpu.matmul %get3A_143, %convert_element_type3A_147, %dot_general3A_150 {dimension_numbers = #tpu.dot_dimension_numbers<[1], [0], [0], [1], [0, 0, 1, 1], [], []>, transpose_lhs_hint = false} : vector<512x512xbf16>, vector<512x128xbf16>, vector<512x128xf32> -> vector<512x128xf32>
    %add3A_152 = arith.addf %dot_general3A_149, %dot_general3A_151 : vector<512x128xf32>
    %get3A_153 = arith.constant 0 : index
    %get3A_154 = arith.constant 0 : index
    %get3A_155 = vector.load %arg6[%get3A_153, %get3A_154] : memref<128x128xf32, #tpu.memory_space<vmem>>, vector<128x128xf32>
    %dot_general3A_156 = arith.constant dense<0.000000e+00> : vector<512x128xf32>
    %dot_general3A_157 = tpu.matmul %mul3A_109, %get3A_155, %dot_general3A_156 {dimension_numbers = #tpu.dot_dimension_numbers<[1], [0], [0], [1], [0, 0, 1, 1], [], []>, transpose_lhs_hint = false} : vector<512x128xf32>, vector<128x128xf32>, vector<512x128xf32> -> vector<512x128xf32>
    %add3A_158 = arith.addf %add3A_152, %dot_general3A_157 : vector<512x128xf32>
    %get3A_159 = arith.constant 0 : index
    %get3A_160 = arith.constant 0 : index
    %get3A_161 = vector.load %arg7[%get3A_159, %get3A_160] : memref<1x128xf32, #tpu.memory_space<vmem>>, vector<1x128xf32>
    %add3A_162 = vector.broadcast %get3A_161 : vector<1x128xf32> to vector<512x128xf32>
    %add3A_163 = arith.addf %add3A_158, %add3A_162 : vector<512x128xf32>
    %max3A_164 = arith.constant 0.000000e+00 : f32
    %max3A_165 = vector.broadcast %max3A_164 : f32 to vector<512x128xf32>
    %max3A_166 = arith.maximumf %add3A_163, %max3A_165 : vector<512x128xf32>
    %mul3A_167 = vector.broadcast %get3A_1 : vector<1x128xf32> to vector<512x128xf32>
    %mul3A_168 = arith.mulf %max3A_166, %mul3A_167 : vector<512x128xf32>
    %reduce_sum3A_169 = arith.constant dense<0.000000e+00> : vector<512xf32>
    %reduce_sum3A_170 = vector.multi_reduction <add>, %mul3A_168, %reduce_sum3A_169 [1] : vector<512x128xf32> to vector<512xf32>
    %broadcast_in_dim3A_171 = vector.shape_cast %reduce_sum3A_170 : vector<512xf32> to vector<512x1xf32>
    %div3A_172 = vector.broadcast %sqrt3A : f32 to vector<512x1xf32>
    %div3A_173 = arith.divf %broadcast_in_dim3A_171, %div3A_172 : vector<512x1xf32>
    %jit3A_174 = arith.constant 0xFF800000 : f32
    %broadcast_in_dim3A_175 = vector.broadcast %jit3A_174 : f32 to vector<512x1xf32>
    %select_n3A_176 = arith.select %gt3A_112, %div3A_173, %broadcast_in_dim3A_175 : vector<512x1xi1>, vector<512x1xf32>
    %swap3A_177 = arith.constant 1 : index
    %swap3A_178 = arith.constant 0 : index
    %swap3A_179 = arith.constant 0 : index
    %swap3A_180 = vector.load %arg11[%swap3A_177, %swap3A_178, %swap3A_179] : memref<4x512x1xf32, #tpu.memory_space<vmem>>, vector<1x512x1xf32>
    %swap3A_181 = vector.shape_cast %swap3A_180 : vector<1x512x1xf32> to vector<512x1xf32>
    %swap3A_182 = vector.shape_cast %select_n3A_176 : vector<512x1xf32> to vector<1x512x1xf32>
    tpu.vector_store %arg11[%swap3A_177, %swap3A_178, %swap3A_179], %swap3A_182 {strides = array<i32>} : memref<4x512x1xf32, #tpu.memory_space<vmem>>, vector<1x512x1xf32>,
    %swap3A_183 = arith.constant 1 : index
    %swap3A_184 = arith.constant 0 : index
    %swap3A_185 = arith.constant 0 : index
    %swap3A_186 = vector.load %arg10[%swap3A_183, %swap3A_184, %swap3A_185] : memref<4x512x128xf32, #tpu.memory_space<vmem>>, vector<1x512x128xf32>
    %swap3A_187 = vector.shape_cast %swap3A_186 : vector<1x512x128xf32> to vector<512x128xf32>
    %swap3A_188 = vector.shape_cast %max3A_166 : vector<512x128xf32> to vector<1x512x128xf32>
    tpu.vector_store %arg10[%swap3A_183, %swap3A_184, %swap3A_185], %swap3A_188 {strides = array<i32>} : memref<4x512x128xf32, #tpu.memory_space<vmem>>, vector<1x512x128xf32>,
    %get3A_189 = arith.constant 2 : index
    %get3A_190 = arith.constant 0 : index
    %get3A_191 = arith.constant 0 : index
    %get3A_192 = vector.load %arg3[%get3A_189, %get3A_190, %get3A_191] : memref<4x512x1xf32, #tpu.memory_space<vmem>>, vector<1x512x1xf32>
    %get3A_193 = vector.shape_cast %get3A_192 : vector<1x512x1xf32> to vector<512x1xf32>
    %get3A_194 = arith.constant 2 : index
    %get3A_195 = arith.constant 0 : index
    %get3A_196 = arith.constant 0 : index
    %get3A_197 = vector.load %arg4[%get3A_194, %get3A_195, %get3A_196] : memref<4x512x1xf32, #tpu.memory_space<vmem>>, vector<1x512x1xf32>
    %get3A_198 = vector.shape_cast %get3A_197 : vector<1x512x1xf32> to vector<512x1xf32>
    %get3A_199 = arith.constant 2 : index
    %get3A_200 = arith.constant 0 : index
    %get3A_201 = arith.constant 0 : index
    %get3A_202 = vector.load %arg2[%get3A_199, %get3A_200, %get3A_201] : memref<4x512x128xf32, #tpu.memory_space<vmem>>, vector<1x512x128xf32>
    %get3A_203 = vector.shape_cast %get3A_202 : vector<1x512x128xf32> to vector<512x128xf32>
    %mul3A_204 = vector.broadcast %get3A_198 : vector<512x1xf32> to vector<512x128xf32>
    %mul3A_205 = arith.mulf %get3A_203, %mul3A_204 : vector<512x128xf32>
    %mul3A_206 = vector.broadcast %get3A_193 : vector<512x1xf32> to vector<512x128xf32>
    %mul3A_207 = arith.mulf %mul3A_205, %mul3A_206 : vector<512x128xf32>
    %gt3A_208 = arith.constant 0.000000e+00 : f32
    %gt3A_209 = vector.broadcast %gt3A_208 : f32 to vector<512x1xf32>
    %gt3A_210 = arith.cmpf ogt, %get3A_193, %gt3A_209 : vector<512x1xf32>
    %jit3A_211 = arith.constant 0xFF800000 : f32
    %broadcast_in_dim3A_212 = vector.shape_cast %gt3A_210 : vector<512x1xi1> to vector<512x1xi1>
    %broadcast_in_dim3A_213 = vector.broadcast %broadcast_in_dim3A_212 : vector<512x1xi1> to vector<512x128xi1>
    %broadcast_in_dim3A_214 = vector.broadcast %jit3A_211 : f32 to vector<512x128xf32>
    %select_n3A_215 = arith.select %broadcast_in_dim3A_213, %mul3A_207, %broadcast_in_dim3A_214 : vector<512x128xi1>, vector<512x128xf32>
    %reduce_max3A_216 = arith.constant dense<0xFF800000> : vector<128xf32>
    %reduce_max3A_217 = vector.multi_reduction <maximumf>, %select_n3A_215, %reduce_max3A_216 [0] : vector<512x128xf32> to vector<128xf32>
    %broadcast_in_dim3A_218 = vector.shape_cast %reduce_max3A_217 : vector<128xf32> to vector<1x128xf32>
    %reduce_sum3A_219 = arith.constant dense<0.000000e+00> : vector<128xf32>
    %reduce_sum3A_220 = vector.multi_reduction <add>, %mul3A_207, %reduce_sum3A_219 [0] : vector<512x128xf32> to vector<128xf32>
    %broadcast_in_dim3A_221 = vector.shape_cast %reduce_sum3A_220 : vector<128xf32> to vector<1x128xf32>
    %mul3A_222 = arith.constant 0.00246913591 : f32
    %mul3A_223 = vector.broadcast %mul3A_222 : f32 to vector<1x128xf32>
    %mul3A_224 = arith.mulf %broadcast_in_dim3A_221, %mul3A_223 : vector<1x128xf32>
    %concatenate3A_225 = tpu.concatenate %broadcast_in_dim3A_218, %mul3A_224 in 1 : vector<1x128xf32>, vector<1x128xf32> -> vector<1x256xf32>
    %swap3A_226 = arith.constant 2 : index
    %swap3A_227 = arith.constant 0 : index
    %swap3A_228 = arith.constant 0 : index
    %swap3A_229 = vector.load %arg9[%swap3A_226, %swap3A_227, %swap3A_228] : memref<4x1x256xf32, #tpu.memory_space<vmem>>, vector<1x1x256xf32>
    %swap3A_230 = vector.shape_cast %swap3A_229 : vector<1x1x256xf32> to vector<1x256xf32>
    %swap3A_231 = vector.shape_cast %concatenate3A_225 : vector<1x256xf32> to vector<1x1x256xf32>
    tpu.vector_store %arg9[%swap3A_226, %swap3A_227, %swap3A_228], %swap3A_231 {strides = array<i32>} : memref<4x1x256xf32, #tpu.memory_space<vmem>>, vector<1x1x256xf32>,
    %get3A_232 = arith.constant 0 : index
    %get3A_233 = arith.constant 0 : index
    %get3A_234 = vector.load %arg5[%get3A_232, %get3A_233] : memref<128x128xf32, #tpu.memory_space<vmem>>, vector<128x128xf32>
    %dot_general3A_235 = arith.constant dense<0.000000e+00> : vector<512x128xf32>
    %dot_general3A_236 = tpu.matmul %mul3A_207, %get3A_234, %dot_general3A_235 {dimension_numbers = #tpu.dot_dimension_numbers<[1], [0], [0], [1], [0, 0, 1, 1], [], []>, transpose_lhs_hint = false} : vector<512x128xf32>, vector<128x128xf32>, vector<512x128xf32> -> vector<512x128xf32>
    %get3A_237 = arith.constant 2 : index
    %get3A_238 = arith.constant 0 : index
    %get3A_239 = arith.constant 0 : index
    %get3A_240 = vector.load %arg1[%get3A_237, %get3A_238, %get3A_239] : memref<4x512x512xbf16, #tpu.memory_space<vmem>>, vector<1x512x512xbf16>
    %get3A_241 = vector.shape_cast %get3A_240 : vector<1x512x512xbf16> to vector<512x512xbf16>
    %convert_element_type3A_242 = arith.truncf %dot_general3A_236 : vector<512x128xf32> to vector<512x128xbf16>
    %convert_element_type3A_243 = arith.extf %convert_element_type3A_242 : vector<512x128xbf16> to vector<512x128xf32>
    %sub3A_244 = arith.subf %dot_general3A_236, %convert_element_type3A_243 : vector<512x128xf32>
    %convert_element_type3A_245 = arith.truncf %sub3A_244 : vector<512x128xf32> to vector<512x128xbf16>
    %dot_general3A_246 = arith.constant dense<0.000000e+00> : vector<512x128xf32>
    %dot_general3A_247 = tpu.matmul %get3A_241, %convert_element_type3A_242, %dot_general3A_246 {dimension_numbers = #tpu.dot_dimension_numbers<[1], [0], [0], [1], [0, 0, 1, 1], [], []>, transpose_lhs_hint = false} : vector<512x512xbf16>, vector<512x128xbf16>, vector<512x128xf32> -> vector<512x128xf32>
    %dot_general3A_248 = arith.constant dense<0.000000e+00> : vector<512x128xf32>
    %dot_general3A_249 = tpu.matmul %get3A_241, %convert_element_type3A_245, %dot_general3A_248 {dimension_numbers = #tpu.dot_dimension_numbers<[1], [0], [0], [1], [0, 0, 1, 1], [], []>, transpose_lhs_hint = false} : vector<512x512xbf16>, vector<512x128xbf16>, vector<512x128xf32> -> vector<512x128xf32>
    %add3A_250 = arith.addf %dot_general3A_247, %dot_general3A_249 : vector<512x128xf32>
    %get3A_251 = arith.constant 0 : index
    %get3A_252 = arith.constant 0 : index
    %get3A_253 = vector.load %arg6[%get3A_251, %get3A_252] : memref<128x128xf32, #tpu.memory_space<vmem>>, vector<128x128xf32>
    %dot_general3A_254 = arith.constant dense<0.000000e+00> : vector<512x128xf32>
    %dot_general3A_255 = tpu.matmul %mul3A_207, %get3A_253, %dot_general3A_254 {dimension_numbers = #tpu.dot_dimension_numbers<[1], [0], [0], [1], [0, 0, 1, 1], [], []>, transpose_lhs_hint = false} : vector<512x128xf32>, vector<128x128xf32>, vector<512x128xf32> -> vector<512x128xf32>
    %add3A_256 = arith.addf %add3A_250, %dot_general3A_255 : vector<512x128xf32>
    %get3A_257 = arith.constant 0 : index
    %get3A_258 = arith.constant 0 : index
    %get3A_259 = vector.load %arg7[%get3A_257, %get3A_258] : memref<1x128xf32, #tpu.memory_space<vmem>>, vector<1x128xf32>
    %add3A_260 = vector.broadcast %get3A_259 : vector<1x128xf32> to vector<512x128xf32>
    %add3A_261 = arith.addf %add3A_256, %add3A_260 : vector<512x128xf32>
    %max3A_262 = arith.constant 0.000000e+00 : f32
    %max3A_263 = vector.broadcast %max3A_262 : f32 to vector<512x128xf32>
    %max3A_264 = arith.maximumf %add3A_261, %max3A_263 : vector<512x128xf32>
    %mul3A_265 = vector.broadcast %get3A_1 : vector<1x128xf32> to vector<512x128xf32>
    %mul3A_266 = arith.mulf %max3A_264, %mul3A_265 : vector<512x128xf32>
    %reduce_sum3A_267 = arith.constant dense<0.000000e+00> : vector<512xf32>
    %reduce_sum3A_268 = vector.multi_reduction <add>, %mul3A_266, %reduce_sum3A_267 [1] : vector<512x128xf32> to vector<512xf32>
    %broadcast_in_dim3A_269 = vector.shape_cast %reduce_sum3A_268 : vector<512xf32> to vector<512x1xf32>
    %div3A_270 = vector.broadcast %sqrt3A : f32 to vector<512x1xf32>
    %div3A_271 = arith.divf %broadcast_in_dim3A_269, %div3A_270 : vector<512x1xf32>
    %jit3A_272 = arith.constant 0xFF800000 : f32
    %broadcast_in_dim3A_273 = vector.broadcast %jit3A_272 : f32 to vector<512x1xf32>
    %select_n3A_274 = arith.select %gt3A_210, %div3A_271, %broadcast_in_dim3A_273 : vector<512x1xi1>, vector<512x1xf32>
    %swap3A_275 = arith.constant 2 : index
    %swap3A_276 = arith.constant 0 : index
    %swap3A_277 = arith.constant 0 : index
    %swap3A_278 = vector.load %arg11[%swap3A_275, %swap3A_276, %swap3A_277] : memref<4x512x1xf32, #tpu.memory_space<vmem>>, vector<1x512x1xf32>
    %swap3A_279 = vector.shape_cast %swap3A_278 : vector<1x512x1xf32> to vector<512x1xf32>
    %swap3A_280 = vector.shape_cast %select_n3A_274 : vector<512x1xf32> to vector<1x512x1xf32>
    tpu.vector_store %arg11[%swap3A_275, %swap3A_276, %swap3A_277], %swap3A_280 {strides = array<i32>} : memref<4x512x1xf32, #tpu.memory_space<vmem>>, vector<1x512x1xf32>,
    %swap3A_281 = arith.constant 2 : index
    %swap3A_282 = arith.constant 0 : index
    %swap3A_283 = arith.constant 0 : index
    %swap3A_284 = vector.load %arg10[%swap3A_281, %swap3A_282, %swap3A_283] : memref<4x512x128xf32, #tpu.memory_space<vmem>>, vector<1x512x128xf32>
    %swap3A_285 = vector.shape_cast %swap3A_284 : vector<1x512x128xf32> to vector<512x128xf32>
    %swap3A_286 = vector.shape_cast %max3A_264 : vector<512x128xf32> to vector<1x512x128xf32>
    tpu.vector_store %arg10[%swap3A_281, %swap3A_282, %swap3A_283], %swap3A_286 {strides = array<i32>} : memref<4x512x128xf32, #tpu.memory_space<vmem>>, vector<1x512x128xf32>,
    %get3A_287 = arith.constant 3 : index
    %get3A_288 = arith.constant 0 : index
    %get3A_289 = arith.constant 0 : index
    %get3A_290 = vector.load %arg3[%get3A_287, %get3A_288, %get3A_289] : memref<4x512x1xf32, #tpu.memory_space<vmem>>, vector<1x512x1xf32>
    %get3A_291 = vector.shape_cast %get3A_290 : vector<1x512x1xf32> to vector<512x1xf32>
    %get3A_292 = arith.constant 3 : index
    %get3A_293 = arith.constant 0 : index
    %get3A_294 = arith.constant 0 : index
    %get3A_295 = vector.load %arg4[%get3A_292, %get3A_293, %get3A_294] : memref<4x512x1xf32, #tpu.memory_space<vmem>>, vector<1x512x1xf32>
    %get3A_296 = vector.shape_cast %get3A_295 : vector<1x512x1xf32> to vector<512x1xf32>
    %get3A_297 = arith.constant 3 : index
    %get3A_298 = arith.constant 0 : index
    %get3A_299 = arith.constant 0 : index
    %get3A_300 = vector.load %arg2[%get3A_297, %get3A_298, %get3A_299] : memref<4x512x128xf32, #tpu.memory_space<vmem>>, vector<1x512x128xf32>
    %get3A_301 = vector.shape_cast %get3A_300 : vector<1x512x128xf32> to vector<512x128xf32>
    %mul3A_302 = vector.broadcast %get3A_296 : vector<512x1xf32> to vector<512x128xf32>
    %mul3A_303 = arith.mulf %get3A_301, %mul3A_302 : vector<512x128xf32>
    %mul3A_304 = vector.broadcast %get3A_291 : vector<512x1xf32> to vector<512x128xf32>
    %mul3A_305 = arith.mulf %mul3A_303, %mul3A_304 : vector<512x128xf32>
    %gt3A_306 = arith.constant 0.000000e+00 : f32
    %gt3A_307 = vector.broadcast %gt3A_306 : f32 to vector<512x1xf32>
    %gt3A_308 = arith.cmpf ogt, %get3A_291, %gt3A_307 : vector<512x1xf32>
    %jit3A_309 = arith.constant 0xFF800000 : f32
    %broadcast_in_dim3A_310 = vector.shape_cast %gt3A_308 : vector<512x1xi1> to vector<512x1xi1>
    %broadcast_in_dim3A_311 = vector.broadcast %broadcast_in_dim3A_310 : vector<512x1xi1> to vector<512x128xi1>
    %broadcast_in_dim3A_312 = vector.broadcast %jit3A_309 : f32 to vector<512x128xf32>
    %select_n3A_313 = arith.select %broadcast_in_dim3A_311, %mul3A_305, %broadcast_in_dim3A_312 : vector<512x128xi1>, vector<512x128xf32>
    %reduce_max3A_314 = arith.constant dense<0xFF800000> : vector<128xf32>
    %reduce_max3A_315 = vector.multi_reduction <maximumf>, %select_n3A_313, %reduce_max3A_314 [0] : vector<512x128xf32> to vector<128xf32>
    %broadcast_in_dim3A_316 = vector.shape_cast %reduce_max3A_315 : vector<128xf32> to vector<1x128xf32>
    %reduce_sum3A_317 = arith.constant dense<0.000000e+00> : vector<128xf32>
    %reduce_sum3A_318 = vector.multi_reduction <add>, %mul3A_305, %reduce_sum3A_317 [0] : vector<512x128xf32> to vector<128xf32>
    %broadcast_in_dim3A_319 = vector.shape_cast %reduce_sum3A_318 : vector<128xf32> to vector<1x128xf32>
    %mul3A_320 = arith.constant 0.00246913591 : f32
    %mul3A_321 = vector.broadcast %mul3A_320 : f32 to vector<1x128xf32>
    %mul3A_322 = arith.mulf %broadcast_in_dim3A_319, %mul3A_321 : vector<1x128xf32>
    %concatenate3A_323 = tpu.concatenate %broadcast_in_dim3A_316, %mul3A_322 in 1 : vector<1x128xf32>, vector<1x128xf32> -> vector<1x256xf32>
    %swap3A_324 = arith.constant 3 : index
    %swap3A_325 = arith.constant 0 : index
    %swap3A_326 = arith.constant 0 : index
    %swap3A_327 = vector.load %arg9[%swap3A_324, %swap3A_325, %swap3A_326] : memref<4x1x256xf32, #tpu.memory_space<vmem>>, vector<1x1x256xf32>
    %swap3A_328 = vector.shape_cast %swap3A_327 : vector<1x1x256xf32> to vector<1x256xf32>
    %swap3A_329 = vector.shape_cast %concatenate3A_323 : vector<1x256xf32> to vector<1x1x256xf32>
    tpu.vector_store %arg9[%swap3A_324, %swap3A_325, %swap3A_326], %swap3A_329 {strides = array<i32>} : memref<4x1x256xf32, #tpu.memory_space<vmem>>, vector<1x1x256xf32>,
    %get3A_330 = arith.constant 0 : index
    %get3A_331 = arith.constant 0 : index
    %get3A_332 = vector.load %arg5[%get3A_330, %get3A_331] : memref<128x128xf32, #tpu.memory_space<vmem>>, vector<128x128xf32>
    %dot_general3A_333 = arith.constant dense<0.000000e+00> : vector<512x128xf32>
    %dot_general3A_334 = tpu.matmul %mul3A_305, %get3A_332, %dot_general3A_333 {dimension_numbers = #tpu.dot_dimension_numbers<[1], [0], [0], [1], [0, 0, 1, 1], [], []>, transpose_lhs_hint = false} : vector<512x128xf32>, vector<128x128xf32>, vector<512x128xf32> -> vector<512x128xf32>
    %get3A_335 = arith.constant 3 : index
    %get3A_336 = arith.constant 0 : index
    %get3A_337 = arith.constant 0 : index
    %get3A_338 = vector.load %arg1[%get3A_335, %get3A_336, %get3A_337] : memref<4x512x512xbf16, #tpu.memory_space<vmem>>, vector<1x512x512xbf16>
    %get3A_339 = vector.shape_cast %get3A_338 : vector<1x512x512xbf16> to vector<512x512xbf16>
    %convert_element_type3A_340 = arith.truncf %dot_general3A_334 : vector<512x128xf32> to vector<512x128xbf16>
    %convert_element_type3A_341 = arith.extf %convert_element_type3A_340 : vector<512x128xbf16> to vector<512x128xf32>
    %sub3A_342 = arith.subf %dot_general3A_334, %convert_element_type3A_341 : vector<512x128xf32>
    %convert_element_type3A_343 = arith.truncf %sub3A_342 : vector<512x128xf32> to vector<512x128xbf16>
    %dot_general3A_344 = arith.constant dense<0.000000e+00> : vector<512x128xf32>
    %dot_general3A_345 = tpu.matmul %get3A_339, %convert_element_type3A_340, %dot_general3A_344 {dimension_numbers = #tpu.dot_dimension_numbers<[1], [0], [0], [1], [0, 0, 1, 1], [], []>, transpose_lhs_hint = false} : vector<512x512xbf16>, vector<512x128xbf16>, vector<512x128xf32> -> vector<512x128xf32>
    %dot_general3A_346 = arith.constant dense<0.000000e+00> : vector<512x128xf32>
    %dot_general3A_347 = tpu.matmul %get3A_339, %convert_element_type3A_343, %dot_general3A_346 {dimension_numbers = #tpu.dot_dimension_numbers<[1], [0], [0], [1], [0, 0, 1, 1], [], []>, transpose_lhs_hint = false} : vector<512x512xbf16>, vector<512x128xbf16>, vector<512x128xf32> -> vector<512x128xf32>
    %add3A_348 = arith.addf %dot_general3A_345, %dot_general3A_347 : vector<512x128xf32>
    %get3A_349 = arith.constant 0 : index
    %get3A_350 = arith.constant 0 : index
    %get3A_351 = vector.load %arg6[%get3A_349, %get3A_350] : memref<128x128xf32, #tpu.memory_space<vmem>>, vector<128x128xf32>
    %dot_general3A_352 = arith.constant dense<0.000000e+00> : vector<512x128xf32>
    %dot_general3A_353 = tpu.matmul %mul3A_305, %get3A_351, %dot_general3A_352 {dimension_numbers = #tpu.dot_dimension_numbers<[1], [0], [0], [1], [0, 0, 1, 1], [], []>, transpose_lhs_hint = false} : vector<512x128xf32>, vector<128x128xf32>, vector<512x128xf32> -> vector<512x128xf32>
    %add3A_354 = arith.addf %add3A_348, %dot_general3A_353 : vector<512x128xf32>
    %get3A_355 = arith.constant 0 : index
    %get3A_356 = arith.constant 0 : index
    %get3A_357 = vector.load %arg7[%get3A_355, %get3A_356] : memref<1x128xf32, #tpu.memory_space<vmem>>, vector<1x128xf32>
    %add3A_358 = vector.broadcast %get3A_357 : vector<1x128xf32> to vector<512x128xf32>
    %add3A_359 = arith.addf %add3A_354, %add3A_358 : vector<512x128xf32>
    %max3A_360 = arith.constant 0.000000e+00 : f32
    %max3A_361 = vector.broadcast %max3A_360 : f32 to vector<512x128xf32>
    %max3A_362 = arith.maximumf %add3A_359, %max3A_361 : vector<512x128xf32>
    %mul3A_363 = vector.broadcast %get3A_1 : vector<1x128xf32> to vector<512x128xf32>
    %mul3A_364 = arith.mulf %max3A_362, %mul3A_363 : vector<512x128xf32>
    %reduce_sum3A_365 = arith.constant dense<0.000000e+00> : vector<512xf32>
    %reduce_sum3A_366 = vector.multi_reduction <add>, %mul3A_364, %reduce_sum3A_365 [1] : vector<512x128xf32> to vector<512xf32>
    %broadcast_in_dim3A_367 = vector.shape_cast %reduce_sum3A_366 : vector<512xf32> to vector<512x1xf32>
    %div3A_368 = vector.broadcast %sqrt3A : f32 to vector<512x1xf32>
    %div3A_369 = arith.divf %broadcast_in_dim3A_367, %div3A_368 : vector<512x1xf32>
    %jit3A_370 = arith.constant 0xFF800000 : f32
    %broadcast_in_dim3A_371 = vector.broadcast %jit3A_370 : f32 to vector<512x1xf32>
    %select_n3A_372 = arith.select %gt3A_308, %div3A_369, %broadcast_in_dim3A_371 : vector<512x1xi1>, vector<512x1xf32>
    %swap3A_373 = arith.constant 3 : index
    %swap3A_374 = arith.constant 0 : index
    %swap3A_375 = arith.constant 0 : index
    %swap3A_376 = vector.load %arg11[%swap3A_373, %swap3A_374, %swap3A_375] : memref<4x512x1xf32, #tpu.memory_space<vmem>>, vector<1x512x1xf32>
    %swap3A_377 = vector.shape_cast %swap3A_376 : vector<1x512x1xf32> to vector<512x1xf32>
    %swap3A_378 = vector.shape_cast %select_n3A_372 : vector<512x1xf32> to vector<1x512x1xf32>
    tpu.vector_store %arg11[%swap3A_373, %swap3A_374, %swap3A_375], %swap3A_378 {strides = array<i32>} : memref<4x512x1xf32, #tpu.memory_space<vmem>>, vector<1x512x1xf32>,
    %swap3A_379 = arith.constant 3 : index
    %swap3A_380 = arith.constant 0 : index
    %swap3A_381 = arith.constant 0 : index
    %swap3A_382 = vector.load %arg10[%swap3A_379, %swap3A_380, %swap3A_381] : memref<4x512x128xf32, #tpu.memory_space<vmem>>, vector<1x512x128xf32>
    %swap3A_383 = vector.shape_cast %swap3A_382 : vector<1x512x128xf32> to vector<512x128xf32>
    %swap3A_384 = vector.shape_cast %max3A_362 : vector<512x128xf32> to vector<1x512x128xf32>
    tpu.vector_store %arg10[%swap3A_379, %swap3A_380, %swap3A_381], %swap3A_384 {strides = array<i32>} : memref<4x512x128xf32, #tpu.memory_space<vmem>>, vector<1x512x128xf32>,
    return
  }
  func.func @transform_0(%arg0: i32) -> (i32, i32, i32) {
    %c0_i32 = arith.constant 0 : i32
    %c0_i32_0 = arith.constant 0 : i32
    %c0_i32_1 = arith.constant 0 : i32
    return %arg0, %c0_i32, %c0_i32_0 : i32, i32, i32
  }
  func.func @transform_1(%arg0: i32) -> (i32, i32, i32) {
    %c0_i32 = arith.constant 0 : i32
    %c0_i32_0 = arith.constant 0 : i32
    %c0_i32_1 = arith.constant 0 : i32
    return %arg0, %c0_i32, %c0_i32_0 : i32, i32, i32
  }
  func.func @transform_2(%arg0: i32) -> (i32, i32, i32) {
    %c0_i32 = arith.constant 0 : i32
    %c0_i32_0 = arith.constant 0 : i32
    %c0_i32_1 = arith.constant 0 : i32
    return %arg0, %c0_i32, %c0_i32_0 : i32, i32, i32
  }
  func.func @transform_3(%arg0: i32) -> (i32, i32, i32) {
    %c0_i32 = arith.constant 0 : i32
    %c0_i32_0 = arith.constant 0 : i32
    %c0_i32_1 = arith.constant 0 : i32
    return %arg0, %c0_i32, %c0_i32_0 : i32, i32, i32
  }
  func.func @transform_4(%arg0: i32) -> (i32, i32) {
    %c0_i32 = arith.constant 0 : i32
    %c0_i32_0 = arith.constant 0 : i32
    %c0_i32_1 = arith.constant 0 : i32
    return %c0_i32, %c0_i32_0 : i32, i32
  }
  func.func @transform_5(%arg0: i32) -> (i32, i32) {
    %c0_i32 = arith.constant 0 : i32
    %c0_i32_0 = arith.constant 0 : i32
    %c0_i32_1 = arith.constant 0 : i32
    return %c0_i32, %c0_i32_0 : i32, i32
  }
  func.func @transform_6(%arg0: i32) -> (i32, i32) {
    %c0_i32 = arith.constant 0 : i32
    %c0_i32_0 = arith.constant 0 : i32
    %c0_i32_1 = arith.constant 0 : i32
    return %c0_i32, %c0_i32_0 : i32, i32
  }
  func.func @transform_7(%arg0: i32) -> (i32, i32) {
    %c0_i32 = arith.constant 0 : i32
    %c0_i32_0 = arith.constant 0 : i32
    %c0_i32_1 = arith.constant 0 : i32
    return %c0_i32, %c0_i32_0 : i32, i32
  }
  func.func @transform_8(%arg0: i32) -> (i32, i32, i32) {
    %c0_i32 = arith.constant 0 : i32
    %c0_i32_0 = arith.constant 0 : i32
    %c0_i32_1 = arith.constant 0 : i32
    return %arg0, %c0_i32, %c0_i32_0 : i32, i32, i32
  }
  func.func @transform_9(%arg0: i32) -> (i32, i32, i32) {
    %c0_i32 = arith.constant 0 : i32
    %c0_i32_0 = arith.constant 0 : i32
    %c0_i32_1 = arith.constant 0 : i32
    return %arg0, %c0_i32, %c0_i32_0 : i32, i32, i32
  }
  func.func @transform_10(%arg0: i32) -> (i32, i32, i32) {
    %c0_i32 = arith.constant 0 : i32
    %c0_i32_0 = arith.constant 0 : i32
    %c0_i32_1 = arith.constant 0 : i32
    return %arg0, %c0_i32, %c0_i32_0 : i32, i32, i32
  }
}

module attributes {stable_mosaic.version = 14 : i64} {
  func.func @body(%arg0: memref<20x512xf32, #tpu.memory_space<vmem>>, %arg1: memref<20x512xf32, #tpu.memory_space<vmem>>, %arg2: memref<20x512xf32, #tpu.memory_space<vmem>>) attributes {dimension_semantics = [], scalar_prefetch = 0 : i64, scratch_operands = 0 : i64, tpu.core_type = #tpu.core_type<tc>} {
    %get3A = arith.constant 0 : index
    %get3A_0 = arith.constant 0 : index
    %get3A_1 = vector.load %arg0[%get3A, %get3A_0] : memref<20x512xf32, #tpu.memory_space<vmem>>, vector<20x512xf32>
    %bitcast_convert_type3A = tpu.bitcast %get3A_1 : vector<20x512xf32> -> vector<20x512xi32>
    %ge3A = arith.constant 0 : i32
    %ge3A_2 = vector.broadcast %ge3A : i32 to vector<20x512xi32>
    %ge3A_3 = arith.cmpi sge, %bitcast_convert_type3A, %ge3A_2 : vector<20x512xi32>
    %xor3A = arith.constant 2147483647 : i32
    %xor3A_4 = vector.broadcast %xor3A : i32 to vector<20x512xi32>
    %xor3A_5 = arith.xori %bitcast_convert_type3A, %xor3A_4 : vector<20x512xi32>
    %select_n3A = arith.select %ge3A_3, %bitcast_convert_type3A, %xor3A_5 : vector<20x512xi1>, vector<20x512xi32>
    %broadcast_in_dim3A = arith.constant 0 : i32
    %broadcast_in_dim3A_6 = vector.broadcast %broadcast_in_dim3A : i32 to vector<20x1xi32>
    %or3A = arith.constant -2147483648 : i32
    %or3A_7 = vector.broadcast %or3A : i32 to vector<20x1xi32>
    %or3A_8 = arith.ori %broadcast_in_dim3A_6, %or3A_7 : vector<20x1xi32>
    %xor3A_9 = arith.constant -2147483648 : i32
    %xor3A_10 = vector.broadcast %xor3A_9 : i32 to vector<20x1xi32>
    %xor3A_11 = arith.xori %or3A_8, %xor3A_10 : vector<20x1xi32>
    %ge3A_12 = vector.broadcast %xor3A_11 : vector<20x1xi32> to vector<20x512xi32>
    %ge3A_13 = arith.cmpi sge, %select_n3A, %ge3A_12 : vector<20x512xi32>
    %convert_element_type3A = arith.extui %ge3A_13 : vector<20x512xi1> to vector<20x512xi32>
    %reduce_sum3A = arith.constant dense<0> : vector<20xi32>
    %reduce_sum3A_14 = vector.multi_reduction <add>, %convert_element_type3A, %reduce_sum3A [1] : vector<20x512xi32> to vector<20xi32>
    %broadcast_in_dim3A_15 = vector.shape_cast %reduce_sum3A_14 : vector<20xi32> to vector<20x1xi32>
    %ge3A_16 = arith.constant 365 : i32
    %ge3A_17 = vector.broadcast %ge3A_16 : i32 to vector<20x1xi32>
    %ge3A_18 = arith.cmpi sge, %broadcast_in_dim3A_15, %ge3A_17 : vector<20x1xi32>
    %select_n3A_19 = arith.select %ge3A_18, %or3A_8, %broadcast_in_dim3A_6 : vector<20x1xi1>, vector<20x1xi32>
    %or3A_20 = arith.constant 1073741824 : i32
    %or3A_21 = vector.broadcast %or3A_20 : i32 to vector<20x1xi32>
    %or3A_22 = arith.ori %select_n3A_19, %or3A_21 : vector<20x1xi32>
    %xor3A_23 = arith.constant -2147483648 : i32
    %xor3A_24 = vector.broadcast %xor3A_23 : i32 to vector<20x1xi32>
    %xor3A_25 = arith.xori %or3A_22, %xor3A_24 : vector<20x1xi32>
    %ge3A_26 = vector.broadcast %xor3A_25 : vector<20x1xi32> to vector<20x512xi32>
    %ge3A_27 = arith.cmpi sge, %select_n3A, %ge3A_26 : vector<20x512xi32>
    %convert_element_type3A_28 = arith.extui %ge3A_27 : vector<20x512xi1> to vector<20x512xi32>
    %reduce_sum3A_29 = arith.constant dense<0> : vector<20xi32>
    %reduce_sum3A_30 = vector.multi_reduction <add>, %convert_element_type3A_28, %reduce_sum3A_29 [1] : vector<20x512xi32> to vector<20xi32>
    %broadcast_in_dim3A_31 = vector.shape_cast %reduce_sum3A_30 : vector<20xi32> to vector<20x1xi32>
    %ge3A_32 = arith.constant 365 : i32
    %ge3A_33 = vector.broadcast %ge3A_32 : i32 to vector<20x1xi32>
    %ge3A_34 = arith.cmpi sge, %broadcast_in_dim3A_31, %ge3A_33 : vector<20x1xi32>
    %select_n3A_35 = arith.select %ge3A_34, %or3A_22, %select_n3A_19 : vector<20x1xi1>, vector<20x1xi32>
    %or3A_36 = arith.constant 536870912 : i32
    %or3A_37 = vector.broadcast %or3A_36 : i32 to vector<20x1xi32>
    %or3A_38 = arith.ori %select_n3A_35, %or3A_37 : vector<20x1xi32>
    %xor3A_39 = arith.constant -2147483648 : i32
    %xor3A_40 = vector.broadcast %xor3A_39 : i32 to vector<20x1xi32>
    %xor3A_41 = arith.xori %or3A_38, %xor3A_40 : vector<20x1xi32>
    %ge3A_42 = vector.broadcast %xor3A_41 : vector<20x1xi32> to vector<20x512xi32>
    %ge3A_43 = arith.cmpi sge, %select_n3A, %ge3A_42 : vector<20x512xi32>
    %convert_element_type3A_44 = arith.extui %ge3A_43 : vector<20x512xi1> to vector<20x512xi32>
    %reduce_sum3A_45 = arith.constant dense<0> : vector<20xi32>
    %reduce_sum3A_46 = vector.multi_reduction <add>, %convert_element_type3A_44, %reduce_sum3A_45 [1] : vector<20x512xi32> to vector<20xi32>
    %broadcast_in_dim3A_47 = vector.shape_cast %reduce_sum3A_46 : vector<20xi32> to vector<20x1xi32>
    %ge3A_48 = arith.constant 365 : i32
    %ge3A_49 = vector.broadcast %ge3A_48 : i32 to vector<20x1xi32>
    %ge3A_50 = arith.cmpi sge, %broadcast_in_dim3A_47, %ge3A_49 : vector<20x1xi32>
    %select_n3A_51 = arith.select %ge3A_50, %or3A_38, %select_n3A_35 : vector<20x1xi1>, vector<20x1xi32>
    %or3A_52 = arith.constant 268435456 : i32
    %or3A_53 = vector.broadcast %or3A_52 : i32 to vector<20x1xi32>
    %or3A_54 = arith.ori %select_n3A_51, %or3A_53 : vector<20x1xi32>
    %xor3A_55 = arith.constant -2147483648 : i32
    %xor3A_56 = vector.broadcast %xor3A_55 : i32 to vector<20x1xi32>
    %xor3A_57 = arith.xori %or3A_54, %xor3A_56 : vector<20x1xi32>
    %ge3A_58 = vector.broadcast %xor3A_57 : vector<20x1xi32> to vector<20x512xi32>
    %ge3A_59 = arith.cmpi sge, %select_n3A, %ge3A_58 : vector<20x512xi32>
    %convert_element_type3A_60 = arith.extui %ge3A_59 : vector<20x512xi1> to vector<20x512xi32>
    %reduce_sum3A_61 = arith.constant dense<0> : vector<20xi32>
    %reduce_sum3A_62 = vector.multi_reduction <add>, %convert_element_type3A_60, %reduce_sum3A_61 [1] : vector<20x512xi32> to vector<20xi32>
    %broadcast_in_dim3A_63 = vector.shape_cast %reduce_sum3A_62 : vector<20xi32> to vector<20x1xi32>
    %ge3A_64 = arith.constant 365 : i32
    %ge3A_65 = vector.broadcast %ge3A_64 : i32 to vector<20x1xi32>
    %ge3A_66 = arith.cmpi sge, %broadcast_in_dim3A_63, %ge3A_65 : vector<20x1xi32>
    %select_n3A_67 = arith.select %ge3A_66, %or3A_54, %select_n3A_51 : vector<20x1xi1>, vector<20x1xi32>
    %or3A_68 = arith.constant 134217728 : i32
    %or3A_69 = vector.broadcast %or3A_68 : i32 to vector<20x1xi32>
    %or3A_70 = arith.ori %select_n3A_67, %or3A_69 : vector<20x1xi32>
    %xor3A_71 = arith.constant -2147483648 : i32
    %xor3A_72 = vector.broadcast %xor3A_71 : i32 to vector<20x1xi32>
    %xor3A_73 = arith.xori %or3A_70, %xor3A_72 : vector<20x1xi32>
    %ge3A_74 = vector.broadcast %xor3A_73 : vector<20x1xi32> to vector<20x512xi32>
    %ge3A_75 = arith.cmpi sge, %select_n3A, %ge3A_74 : vector<20x512xi32>
    %convert_element_type3A_76 = arith.extui %ge3A_75 : vector<20x512xi1> to vector<20x512xi32>
    %reduce_sum3A_77 = arith.constant dense<0> : vector<20xi32>
    %reduce_sum3A_78 = vector.multi_reduction <add>, %convert_element_type3A_76, %reduce_sum3A_77 [1] : vector<20x512xi32> to vector<20xi32>
    %broadcast_in_dim3A_79 = vector.shape_cast %reduce_sum3A_78 : vector<20xi32> to vector<20x1xi32>
    %ge3A_80 = arith.constant 365 : i32
    %ge3A_81 = vector.broadcast %ge3A_80 : i32 to vector<20x1xi32>
    %ge3A_82 = arith.cmpi sge, %broadcast_in_dim3A_79, %ge3A_81 : vector<20x1xi32>
    %select_n3A_83 = arith.select %ge3A_82, %or3A_70, %select_n3A_67 : vector<20x1xi1>, vector<20x1xi32>
    %or3A_84 = arith.constant 67108864 : i32
    %or3A_85 = vector.broadcast %or3A_84 : i32 to vector<20x1xi32>
    %or3A_86 = arith.ori %select_n3A_83, %or3A_85 : vector<20x1xi32>
    %xor3A_87 = arith.constant -2147483648 : i32
    %xor3A_88 = vector.broadcast %xor3A_87 : i32 to vector<20x1xi32>
    %xor3A_89 = arith.xori %or3A_86, %xor3A_88 : vector<20x1xi32>
    %ge3A_90 = vector.broadcast %xor3A_89 : vector<20x1xi32> to vector<20x512xi32>
    %ge3A_91 = arith.cmpi sge, %select_n3A, %ge3A_90 : vector<20x512xi32>
    %convert_element_type3A_92 = arith.extui %ge3A_91 : vector<20x512xi1> to vector<20x512xi32>
    %reduce_sum3A_93 = arith.constant dense<0> : vector<20xi32>
    %reduce_sum3A_94 = vector.multi_reduction <add>, %convert_element_type3A_92, %reduce_sum3A_93 [1] : vector<20x512xi32> to vector<20xi32>
    %broadcast_in_dim3A_95 = vector.shape_cast %reduce_sum3A_94 : vector<20xi32> to vector<20x1xi32>
    %ge3A_96 = arith.constant 365 : i32
    %ge3A_97 = vector.broadcast %ge3A_96 : i32 to vector<20x1xi32>
    %ge3A_98 = arith.cmpi sge, %broadcast_in_dim3A_95, %ge3A_97 : vector<20x1xi32>
    %select_n3A_99 = arith.select %ge3A_98, %or3A_86, %select_n3A_83 : vector<20x1xi1>, vector<20x1xi32>
    %or3A_100 = arith.constant 33554432 : i32
    %or3A_101 = vector.broadcast %or3A_100 : i32 to vector<20x1xi32>
    %or3A_102 = arith.ori %select_n3A_99, %or3A_101 : vector<20x1xi32>
    %xor3A_103 = arith.constant -2147483648 : i32
    %xor3A_104 = vector.broadcast %xor3A_103 : i32 to vector<20x1xi32>
    %xor3A_105 = arith.xori %or3A_102, %xor3A_104 : vector<20x1xi32>
    %ge3A_106 = vector.broadcast %xor3A_105 : vector<20x1xi32> to vector<20x512xi32>
    %ge3A_107 = arith.cmpi sge, %select_n3A, %ge3A_106 : vector<20x512xi32>
    %convert_element_type3A_108 = arith.extui %ge3A_107 : vector<20x512xi1> to vector<20x512xi32>
    %reduce_sum3A_109 = arith.constant dense<0> : vector<20xi32>
    %reduce_sum3A_110 = vector.multi_reduction <add>, %convert_element_type3A_108, %reduce_sum3A_109 [1] : vector<20x512xi32> to vector<20xi32>
    %broadcast_in_dim3A_111 = vector.shape_cast %reduce_sum3A_110 : vector<20xi32> to vector<20x1xi32>
    %ge3A_112 = arith.constant 365 : i32
    %ge3A_113 = vector.broadcast %ge3A_112 : i32 to vector<20x1xi32>
    %ge3A_114 = arith.cmpi sge, %broadcast_in_dim3A_111, %ge3A_113 : vector<20x1xi32>
    %select_n3A_115 = arith.select %ge3A_114, %or3A_102, %select_n3A_99 : vector<20x1xi1>, vector<20x1xi32>
    %or3A_116 = arith.constant 16777216 : i32
    %or3A_117 = vector.broadcast %or3A_116 : i32 to vector<20x1xi32>
    %or3A_118 = arith.ori %select_n3A_115, %or3A_117 : vector<20x1xi32>
    %xor3A_119 = arith.constant -2147483648 : i32
    %xor3A_120 = vector.broadcast %xor3A_119 : i32 to vector<20x1xi32>
    %xor3A_121 = arith.xori %or3A_118, %xor3A_120 : vector<20x1xi32>
    %ge3A_122 = vector.broadcast %xor3A_121 : vector<20x1xi32> to vector<20x512xi32>
    %ge3A_123 = arith.cmpi sge, %select_n3A, %ge3A_122 : vector<20x512xi32>
    %convert_element_type3A_124 = arith.extui %ge3A_123 : vector<20x512xi1> to vector<20x512xi32>
    %reduce_sum3A_125 = arith.constant dense<0> : vector<20xi32>
    %reduce_sum3A_126 = vector.multi_reduction <add>, %convert_element_type3A_124, %reduce_sum3A_125 [1] : vector<20x512xi32> to vector<20xi32>
    %broadcast_in_dim3A_127 = vector.shape_cast %reduce_sum3A_126 : vector<20xi32> to vector<20x1xi32>
    %ge3A_128 = arith.constant 365 : i32
    %ge3A_129 = vector.broadcast %ge3A_128 : i32 to vector<20x1xi32>
    %ge3A_130 = arith.cmpi sge, %broadcast_in_dim3A_127, %ge3A_129 : vector<20x1xi32>
    %select_n3A_131 = arith.select %ge3A_130, %or3A_118, %select_n3A_115 : vector<20x1xi1>, vector<20x1xi32>
    %or3A_132 = arith.constant 8388608 : i32
    %or3A_133 = vector.broadcast %or3A_132 : i32 to vector<20x1xi32>
    %or3A_134 = arith.ori %select_n3A_131, %or3A_133 : vector<20x1xi32>
    %xor3A_135 = arith.constant -2147483648 : i32
    %xor3A_136 = vector.broadcast %xor3A_135 : i32 to vector<20x1xi32>
    %xor3A_137 = arith.xori %or3A_134, %xor3A_136 : vector<20x1xi32>
    %ge3A_138 = vector.broadcast %xor3A_137 : vector<20x1xi32> to vector<20x512xi32>
    %ge3A_139 = arith.cmpi sge, %select_n3A, %ge3A_138 : vector<20x512xi32>
    %convert_element_type3A_140 = arith.extui %ge3A_139 : vector<20x512xi1> to vector<20x512xi32>
    %reduce_sum3A_141 = arith.constant dense<0> : vector<20xi32>
    %reduce_sum3A_142 = vector.multi_reduction <add>, %convert_element_type3A_140, %reduce_sum3A_141 [1] : vector<20x512xi32> to vector<20xi32>
    %broadcast_in_dim3A_143 = vector.shape_cast %reduce_sum3A_142 : vector<20xi32> to vector<20x1xi32>
    %ge3A_144 = arith.constant 365 : i32
    %ge3A_145 = vector.broadcast %ge3A_144 : i32 to vector<20x1xi32>
    %ge3A_146 = arith.cmpi sge, %broadcast_in_dim3A_143, %ge3A_145 : vector<20x1xi32>
    %select_n3A_147 = arith.select %ge3A_146, %or3A_134, %select_n3A_131 : vector<20x1xi1>, vector<20x1xi32>
    %or3A_148 = arith.constant 4194304 : i32
    %or3A_149 = vector.broadcast %or3A_148 : i32 to vector<20x1xi32>
    %or3A_150 = arith.ori %select_n3A_147, %or3A_149 : vector<20x1xi32>
    %xor3A_151 = arith.constant -2147483648 : i32
    %xor3A_152 = vector.broadcast %xor3A_151 : i32 to vector<20x1xi32>
    %xor3A_153 = arith.xori %or3A_150, %xor3A_152 : vector<20x1xi32>
    %ge3A_154 = vector.broadcast %xor3A_153 : vector<20x1xi32> to vector<20x512xi32>
    %ge3A_155 = arith.cmpi sge, %select_n3A, %ge3A_154 : vector<20x512xi32>
    %convert_element_type3A_156 = arith.extui %ge3A_155 : vector<20x512xi1> to vector<20x512xi32>
    %reduce_sum3A_157 = arith.constant dense<0> : vector<20xi32>
    %reduce_sum3A_158 = vector.multi_reduction <add>, %convert_element_type3A_156, %reduce_sum3A_157 [1] : vector<20x512xi32> to vector<20xi32>
    %broadcast_in_dim3A_159 = vector.shape_cast %reduce_sum3A_158 : vector<20xi32> to vector<20x1xi32>
    %ge3A_160 = arith.constant 365 : i32
    %ge3A_161 = vector.broadcast %ge3A_160 : i32 to vector<20x1xi32>
    %ge3A_162 = arith.cmpi sge, %broadcast_in_dim3A_159, %ge3A_161 : vector<20x1xi32>
    %select_n3A_163 = arith.select %ge3A_162, %or3A_150, %select_n3A_147 : vector<20x1xi1>, vector<20x1xi32>
    %or3A_164 = arith.constant 2097152 : i32
    %or3A_165 = vector.broadcast %or3A_164 : i32 to vector<20x1xi32>
    %or3A_166 = arith.ori %select_n3A_163, %or3A_165 : vector<20x1xi32>
    %xor3A_167 = arith.constant -2147483648 : i32
    %xor3A_168 = vector.broadcast %xor3A_167 : i32 to vector<20x1xi32>
    %xor3A_169 = arith.xori %or3A_166, %xor3A_168 : vector<20x1xi32>
    %ge3A_170 = vector.broadcast %xor3A_169 : vector<20x1xi32> to vector<20x512xi32>
    %ge3A_171 = arith.cmpi sge, %select_n3A, %ge3A_170 : vector<20x512xi32>
    %convert_element_type3A_172 = arith.extui %ge3A_171 : vector<20x512xi1> to vector<20x512xi32>
    %reduce_sum3A_173 = arith.constant dense<0> : vector<20xi32>
    %reduce_sum3A_174 = vector.multi_reduction <add>, %convert_element_type3A_172, %reduce_sum3A_173 [1] : vector<20x512xi32> to vector<20xi32>
    %broadcast_in_dim3A_175 = vector.shape_cast %reduce_sum3A_174 : vector<20xi32> to vector<20x1xi32>
    %ge3A_176 = arith.constant 365 : i32
    %ge3A_177 = vector.broadcast %ge3A_176 : i32 to vector<20x1xi32>
    %ge3A_178 = arith.cmpi sge, %broadcast_in_dim3A_175, %ge3A_177 : vector<20x1xi32>
    %select_n3A_179 = arith.select %ge3A_178, %or3A_166, %select_n3A_163 : vector<20x1xi1>, vector<20x1xi32>
    %or3A_180 = arith.constant 1048576 : i32
    %or3A_181 = vector.broadcast %or3A_180 : i32 to vector<20x1xi32>
    %or3A_182 = arith.ori %select_n3A_179, %or3A_181 : vector<20x1xi32>
    %xor3A_183 = arith.constant -2147483648 : i32
    %xor3A_184 = vector.broadcast %xor3A_183 : i32 to vector<20x1xi32>
    %xor3A_185 = arith.xori %or3A_182, %xor3A_184 : vector<20x1xi32>
    %ge3A_186 = vector.broadcast %xor3A_185 : vector<20x1xi32> to vector<20x512xi32>
    %ge3A_187 = arith.cmpi sge, %select_n3A, %ge3A_186 : vector<20x512xi32>
    %convert_element_type3A_188 = arith.extui %ge3A_187 : vector<20x512xi1> to vector<20x512xi32>
    %reduce_sum3A_189 = arith.constant dense<0> : vector<20xi32>
    %reduce_sum3A_190 = vector.multi_reduction <add>, %convert_element_type3A_188, %reduce_sum3A_189 [1] : vector<20x512xi32> to vector<20xi32>
    %broadcast_in_dim3A_191 = vector.shape_cast %reduce_sum3A_190 : vector<20xi32> to vector<20x1xi32>
    %ge3A_192 = arith.constant 365 : i32
    %ge3A_193 = vector.broadcast %ge3A_192 : i32 to vector<20x1xi32>
    %ge3A_194 = arith.cmpi sge, %broadcast_in_dim3A_191, %ge3A_193 : vector<20x1xi32>
    %select_n3A_195 = arith.select %ge3A_194, %or3A_182, %select_n3A_179 : vector<20x1xi1>, vector<20x1xi32>
    %or3A_196 = arith.constant 524288 : i32
    %or3A_197 = vector.broadcast %or3A_196 : i32 to vector<20x1xi32>
    %or3A_198 = arith.ori %select_n3A_195, %or3A_197 : vector<20x1xi32>
    %xor3A_199 = arith.constant -2147483648 : i32
    %xor3A_200 = vector.broadcast %xor3A_199 : i32 to vector<20x1xi32>
    %xor3A_201 = arith.xori %or3A_198, %xor3A_200 : vector<20x1xi32>
    %ge3A_202 = vector.broadcast %xor3A_201 : vector<20x1xi32> to vector<20x512xi32>
    %ge3A_203 = arith.cmpi sge, %select_n3A, %ge3A_202 : vector<20x512xi32>
    %convert_element_type3A_204 = arith.extui %ge3A_203 : vector<20x512xi1> to vector<20x512xi32>
    %reduce_sum3A_205 = arith.constant dense<0> : vector<20xi32>
    %reduce_sum3A_206 = vector.multi_reduction <add>, %convert_element_type3A_204, %reduce_sum3A_205 [1] : vector<20x512xi32> to vector<20xi32>
    %broadcast_in_dim3A_207 = vector.shape_cast %reduce_sum3A_206 : vector<20xi32> to vector<20x1xi32>
    %ge3A_208 = arith.constant 365 : i32
    %ge3A_209 = vector.broadcast %ge3A_208 : i32 to vector<20x1xi32>
    %ge3A_210 = arith.cmpi sge, %broadcast_in_dim3A_207, %ge3A_209 : vector<20x1xi32>
    %select_n3A_211 = arith.select %ge3A_210, %or3A_198, %select_n3A_195 : vector<20x1xi1>, vector<20x1xi32>
    %or3A_212 = arith.constant 262144 : i32
    %or3A_213 = vector.broadcast %or3A_212 : i32 to vector<20x1xi32>
    %or3A_214 = arith.ori %select_n3A_211, %or3A_213 : vector<20x1xi32>
    %xor3A_215 = arith.constant -2147483648 : i32
    %xor3A_216 = vector.broadcast %xor3A_215 : i32 to vector<20x1xi32>
    %xor3A_217 = arith.xori %or3A_214, %xor3A_216 : vector<20x1xi32>
    %ge3A_218 = vector.broadcast %xor3A_217 : vector<20x1xi32> to vector<20x512xi32>
    %ge3A_219 = arith.cmpi sge, %select_n3A, %ge3A_218 : vector<20x512xi32>
    %convert_element_type3A_220 = arith.extui %ge3A_219 : vector<20x512xi1> to vector<20x512xi32>
    %reduce_sum3A_221 = arith.constant dense<0> : vector<20xi32>
    %reduce_sum3A_222 = vector.multi_reduction <add>, %convert_element_type3A_220, %reduce_sum3A_221 [1] : vector<20x512xi32> to vector<20xi32>
    %broadcast_in_dim3A_223 = vector.shape_cast %reduce_sum3A_222 : vector<20xi32> to vector<20x1xi32>
    %ge3A_224 = arith.constant 365 : i32
    %ge3A_225 = vector.broadcast %ge3A_224 : i32 to vector<20x1xi32>
    %ge3A_226 = arith.cmpi sge, %broadcast_in_dim3A_223, %ge3A_225 : vector<20x1xi32>
    %select_n3A_227 = arith.select %ge3A_226, %or3A_214, %select_n3A_211 : vector<20x1xi1>, vector<20x1xi32>
    %or3A_228 = arith.constant 131072 : i32
    %or3A_229 = vector.broadcast %or3A_228 : i32 to vector<20x1xi32>
    %or3A_230 = arith.ori %select_n3A_227, %or3A_229 : vector<20x1xi32>
    %xor3A_231 = arith.constant -2147483648 : i32
    %xor3A_232 = vector.broadcast %xor3A_231 : i32 to vector<20x1xi32>
    %xor3A_233 = arith.xori %or3A_230, %xor3A_232 : vector<20x1xi32>
    %ge3A_234 = vector.broadcast %xor3A_233 : vector<20x1xi32> to vector<20x512xi32>
    %ge3A_235 = arith.cmpi sge, %select_n3A, %ge3A_234 : vector<20x512xi32>
    %convert_element_type3A_236 = arith.extui %ge3A_235 : vector<20x512xi1> to vector<20x512xi32>
    %reduce_sum3A_237 = arith.constant dense<0> : vector<20xi32>
    %reduce_sum3A_238 = vector.multi_reduction <add>, %convert_element_type3A_236, %reduce_sum3A_237 [1] : vector<20x512xi32> to vector<20xi32>
    %broadcast_in_dim3A_239 = vector.shape_cast %reduce_sum3A_238 : vector<20xi32> to vector<20x1xi32>
    %ge3A_240 = arith.constant 365 : i32
    %ge3A_241 = vector.broadcast %ge3A_240 : i32 to vector<20x1xi32>
    %ge3A_242 = arith.cmpi sge, %broadcast_in_dim3A_239, %ge3A_241 : vector<20x1xi32>
    %select_n3A_243 = arith.select %ge3A_242, %or3A_230, %select_n3A_227 : vector<20x1xi1>, vector<20x1xi32>
    %or3A_244 = arith.constant 65536 : i32
    %or3A_245 = vector.broadcast %or3A_244 : i32 to vector<20x1xi32>
    %or3A_246 = arith.ori %select_n3A_243, %or3A_245 : vector<20x1xi32>
    %xor3A_247 = arith.constant -2147483648 : i32
    %xor3A_248 = vector.broadcast %xor3A_247 : i32 to vector<20x1xi32>
    %xor3A_249 = arith.xori %or3A_246, %xor3A_248 : vector<20x1xi32>
    %ge3A_250 = vector.broadcast %xor3A_249 : vector<20x1xi32> to vector<20x512xi32>
    %ge3A_251 = arith.cmpi sge, %select_n3A, %ge3A_250 : vector<20x512xi32>
    %convert_element_type3A_252 = arith.extui %ge3A_251 : vector<20x512xi1> to vector<20x512xi32>
    %reduce_sum3A_253 = arith.constant dense<0> : vector<20xi32>
    %reduce_sum3A_254 = vector.multi_reduction <add>, %convert_element_type3A_252, %reduce_sum3A_253 [1] : vector<20x512xi32> to vector<20xi32>
    %broadcast_in_dim3A_255 = vector.shape_cast %reduce_sum3A_254 : vector<20xi32> to vector<20x1xi32>
    %ge3A_256 = arith.constant 365 : i32
    %ge3A_257 = vector.broadcast %ge3A_256 : i32 to vector<20x1xi32>
    %ge3A_258 = arith.cmpi sge, %broadcast_in_dim3A_255, %ge3A_257 : vector<20x1xi32>
    %select_n3A_259 = arith.select %ge3A_258, %or3A_246, %select_n3A_243 : vector<20x1xi1>, vector<20x1xi32>
    %or3A_260 = arith.constant 32768 : i32
    %or3A_261 = vector.broadcast %or3A_260 : i32 to vector<20x1xi32>
    %or3A_262 = arith.ori %select_n3A_259, %or3A_261 : vector<20x1xi32>
    %xor3A_263 = arith.constant -2147483648 : i32
    %xor3A_264 = vector.broadcast %xor3A_263 : i32 to vector<20x1xi32>
    %xor3A_265 = arith.xori %or3A_262, %xor3A_264 : vector<20x1xi32>
    %ge3A_266 = vector.broadcast %xor3A_265 : vector<20x1xi32> to vector<20x512xi32>
    %ge3A_267 = arith.cmpi sge, %select_n3A, %ge3A_266 : vector<20x512xi32>
    %convert_element_type3A_268 = arith.extui %ge3A_267 : vector<20x512xi1> to vector<20x512xi32>
    %reduce_sum3A_269 = arith.constant dense<0> : vector<20xi32>
    %reduce_sum3A_270 = vector.multi_reduction <add>, %convert_element_type3A_268, %reduce_sum3A_269 [1] : vector<20x512xi32> to vector<20xi32>
    %broadcast_in_dim3A_271 = vector.shape_cast %reduce_sum3A_270 : vector<20xi32> to vector<20x1xi32>
    %ge3A_272 = arith.constant 365 : i32
    %ge3A_273 = vector.broadcast %ge3A_272 : i32 to vector<20x1xi32>
    %ge3A_274 = arith.cmpi sge, %broadcast_in_dim3A_271, %ge3A_273 : vector<20x1xi32>
    %select_n3A_275 = arith.select %ge3A_274, %or3A_262, %select_n3A_259 : vector<20x1xi1>, vector<20x1xi32>
    %or3A_276 = arith.constant 16384 : i32
    %or3A_277 = vector.broadcast %or3A_276 : i32 to vector<20x1xi32>
    %or3A_278 = arith.ori %select_n3A_275, %or3A_277 : vector<20x1xi32>
    %xor3A_279 = arith.constant -2147483648 : i32
    %xor3A_280 = vector.broadcast %xor3A_279 : i32 to vector<20x1xi32>
    %xor3A_281 = arith.xori %or3A_278, %xor3A_280 : vector<20x1xi32>
    %ge3A_282 = vector.broadcast %xor3A_281 : vector<20x1xi32> to vector<20x512xi32>
    %ge3A_283 = arith.cmpi sge, %select_n3A, %ge3A_282 : vector<20x512xi32>
    %convert_element_type3A_284 = arith.extui %ge3A_283 : vector<20x512xi1> to vector<20x512xi32>
    %reduce_sum3A_285 = arith.constant dense<0> : vector<20xi32>
    %reduce_sum3A_286 = vector.multi_reduction <add>, %convert_element_type3A_284, %reduce_sum3A_285 [1] : vector<20x512xi32> to vector<20xi32>
    %broadcast_in_dim3A_287 = vector.shape_cast %reduce_sum3A_286 : vector<20xi32> to vector<20x1xi32>
    %ge3A_288 = arith.constant 365 : i32
    %ge3A_289 = vector.broadcast %ge3A_288 : i32 to vector<20x1xi32>
    %ge3A_290 = arith.cmpi sge, %broadcast_in_dim3A_287, %ge3A_289 : vector<20x1xi32>
    %select_n3A_291 = arith.select %ge3A_290, %or3A_278, %select_n3A_275 : vector<20x1xi1>, vector<20x1xi32>
    %or3A_292 = arith.constant 8192 : i32
    %or3A_293 = vector.broadcast %or3A_292 : i32 to vector<20x1xi32>
    %or3A_294 = arith.ori %select_n3A_291, %or3A_293 : vector<20x1xi32>
    %xor3A_295 = arith.constant -2147483648 : i32
    %xor3A_296 = vector.broadcast %xor3A_295 : i32 to vector<20x1xi32>
    %xor3A_297 = arith.xori %or3A_294, %xor3A_296 : vector<20x1xi32>
    %ge3A_298 = vector.broadcast %xor3A_297 : vector<20x1xi32> to vector<20x512xi32>
    %ge3A_299 = arith.cmpi sge, %select_n3A, %ge3A_298 : vector<20x512xi32>
    %convert_element_type3A_300 = arith.extui %ge3A_299 : vector<20x512xi1> to vector<20x512xi32>
    %reduce_sum3A_301 = arith.constant dense<0> : vector<20xi32>
    %reduce_sum3A_302 = vector.multi_reduction <add>, %convert_element_type3A_300, %reduce_sum3A_301 [1] : vector<20x512xi32> to vector<20xi32>
    %broadcast_in_dim3A_303 = vector.shape_cast %reduce_sum3A_302 : vector<20xi32> to vector<20x1xi32>
    %ge3A_304 = arith.constant 365 : i32
    %ge3A_305 = vector.broadcast %ge3A_304 : i32 to vector<20x1xi32>
    %ge3A_306 = arith.cmpi sge, %broadcast_in_dim3A_303, %ge3A_305 : vector<20x1xi32>
    %select_n3A_307 = arith.select %ge3A_306, %or3A_294, %select_n3A_291 : vector<20x1xi1>, vector<20x1xi32>
    %or3A_308 = arith.constant 4096 : i32
    %or3A_309 = vector.broadcast %or3A_308 : i32 to vector<20x1xi32>
    %or3A_310 = arith.ori %select_n3A_307, %or3A_309 : vector<20x1xi32>
    %xor3A_311 = arith.constant -2147483648 : i32
    %xor3A_312 = vector.broadcast %xor3A_311 : i32 to vector<20x1xi32>
    %xor3A_313 = arith.xori %or3A_310, %xor3A_312 : vector<20x1xi32>
    %ge3A_314 = vector.broadcast %xor3A_313 : vector<20x1xi32> to vector<20x512xi32>
    %ge3A_315 = arith.cmpi sge, %select_n3A, %ge3A_314 : vector<20x512xi32>
    %convert_element_type3A_316 = arith.extui %ge3A_315 : vector<20x512xi1> to vector<20x512xi32>
    %reduce_sum3A_317 = arith.constant dense<0> : vector<20xi32>
    %reduce_sum3A_318 = vector.multi_reduction <add>, %convert_element_type3A_316, %reduce_sum3A_317 [1] : vector<20x512xi32> to vector<20xi32>
    %broadcast_in_dim3A_319 = vector.shape_cast %reduce_sum3A_318 : vector<20xi32> to vector<20x1xi32>
    %ge3A_320 = arith.constant 365 : i32
    %ge3A_321 = vector.broadcast %ge3A_320 : i32 to vector<20x1xi32>
    %ge3A_322 = arith.cmpi sge, %broadcast_in_dim3A_319, %ge3A_321 : vector<20x1xi32>
    %select_n3A_323 = arith.select %ge3A_322, %or3A_310, %select_n3A_307 : vector<20x1xi1>, vector<20x1xi32>
    %or3A_324 = arith.constant 2048 : i32
    %or3A_325 = vector.broadcast %or3A_324 : i32 to vector<20x1xi32>
    %or3A_326 = arith.ori %select_n3A_323, %or3A_325 : vector<20x1xi32>
    %xor3A_327 = arith.constant -2147483648 : i32
    %xor3A_328 = vector.broadcast %xor3A_327 : i32 to vector<20x1xi32>
    %xor3A_329 = arith.xori %or3A_326, %xor3A_328 : vector<20x1xi32>
    %ge3A_330 = vector.broadcast %xor3A_329 : vector<20x1xi32> to vector<20x512xi32>
    %ge3A_331 = arith.cmpi sge, %select_n3A, %ge3A_330 : vector<20x512xi32>
    %convert_element_type3A_332 = arith.extui %ge3A_331 : vector<20x512xi1> to vector<20x512xi32>
    %reduce_sum3A_333 = arith.constant dense<0> : vector<20xi32>
    %reduce_sum3A_334 = vector.multi_reduction <add>, %convert_element_type3A_332, %reduce_sum3A_333 [1] : vector<20x512xi32> to vector<20xi32>
    %broadcast_in_dim3A_335 = vector.shape_cast %reduce_sum3A_334 : vector<20xi32> to vector<20x1xi32>
    %ge3A_336 = arith.constant 365 : i32
    %ge3A_337 = vector.broadcast %ge3A_336 : i32 to vector<20x1xi32>
    %ge3A_338 = arith.cmpi sge, %broadcast_in_dim3A_335, %ge3A_337 : vector<20x1xi32>
    %select_n3A_339 = arith.select %ge3A_338, %or3A_326, %select_n3A_323 : vector<20x1xi1>, vector<20x1xi32>
    %or3A_340 = arith.constant 1024 : i32
    %or3A_341 = vector.broadcast %or3A_340 : i32 to vector<20x1xi32>
    %or3A_342 = arith.ori %select_n3A_339, %or3A_341 : vector<20x1xi32>
    %xor3A_343 = arith.constant -2147483648 : i32
    %xor3A_344 = vector.broadcast %xor3A_343 : i32 to vector<20x1xi32>
    %xor3A_345 = arith.xori %or3A_342, %xor3A_344 : vector<20x1xi32>
    %ge3A_346 = vector.broadcast %xor3A_345 : vector<20x1xi32> to vector<20x512xi32>
    %ge3A_347 = arith.cmpi sge, %select_n3A, %ge3A_346 : vector<20x512xi32>
    %convert_element_type3A_348 = arith.extui %ge3A_347 : vector<20x512xi1> to vector<20x512xi32>
    %reduce_sum3A_349 = arith.constant dense<0> : vector<20xi32>
    %reduce_sum3A_350 = vector.multi_reduction <add>, %convert_element_type3A_348, %reduce_sum3A_349 [1] : vector<20x512xi32> to vector<20xi32>
    %broadcast_in_dim3A_351 = vector.shape_cast %reduce_sum3A_350 : vector<20xi32> to vector<20x1xi32>
    %ge3A_352 = arith.constant 365 : i32
    %ge3A_353 = vector.broadcast %ge3A_352 : i32 to vector<20x1xi32>
    %ge3A_354 = arith.cmpi sge, %broadcast_in_dim3A_351, %ge3A_353 : vector<20x1xi32>
    %select_n3A_355 = arith.select %ge3A_354, %or3A_342, %select_n3A_339 : vector<20x1xi1>, vector<20x1xi32>
    %or3A_356 = arith.constant 512 : i32
    %or3A_357 = vector.broadcast %or3A_356 : i32 to vector<20x1xi32>
    %or3A_358 = arith.ori %select_n3A_355, %or3A_357 : vector<20x1xi32>
    %xor3A_359 = arith.constant -2147483648 : i32
    %xor3A_360 = vector.broadcast %xor3A_359 : i32 to vector<20x1xi32>
    %xor3A_361 = arith.xori %or3A_358, %xor3A_360 : vector<20x1xi32>
    %ge3A_362 = vector.broadcast %xor3A_361 : vector<20x1xi32> to vector<20x512xi32>
    %ge3A_363 = arith.cmpi sge, %select_n3A, %ge3A_362 : vector<20x512xi32>
    %convert_element_type3A_364 = arith.extui %ge3A_363 : vector<20x512xi1> to vector<20x512xi32>
    %reduce_sum3A_365 = arith.constant dense<0> : vector<20xi32>
    %reduce_sum3A_366 = vector.multi_reduction <add>, %convert_element_type3A_364, %reduce_sum3A_365 [1] : vector<20x512xi32> to vector<20xi32>
    %broadcast_in_dim3A_367 = vector.shape_cast %reduce_sum3A_366 : vector<20xi32> to vector<20x1xi32>
    %ge3A_368 = arith.constant 365 : i32
    %ge3A_369 = vector.broadcast %ge3A_368 : i32 to vector<20x1xi32>
    %ge3A_370 = arith.cmpi sge, %broadcast_in_dim3A_367, %ge3A_369 : vector<20x1xi32>
    %select_n3A_371 = arith.select %ge3A_370, %or3A_358, %select_n3A_355 : vector<20x1xi1>, vector<20x1xi32>
    %or3A_372 = arith.constant 256 : i32
    %or3A_373 = vector.broadcast %or3A_372 : i32 to vector<20x1xi32>
    %or3A_374 = arith.ori %select_n3A_371, %or3A_373 : vector<20x1xi32>
    %xor3A_375 = arith.constant -2147483648 : i32
    %xor3A_376 = vector.broadcast %xor3A_375 : i32 to vector<20x1xi32>
    %xor3A_377 = arith.xori %or3A_374, %xor3A_376 : vector<20x1xi32>
    %ge3A_378 = vector.broadcast %xor3A_377 : vector<20x1xi32> to vector<20x512xi32>
    %ge3A_379 = arith.cmpi sge, %select_n3A, %ge3A_378 : vector<20x512xi32>
    %convert_element_type3A_380 = arith.extui %ge3A_379 : vector<20x512xi1> to vector<20x512xi32>
    %reduce_sum3A_381 = arith.constant dense<0> : vector<20xi32>
    %reduce_sum3A_382 = vector.multi_reduction <add>, %convert_element_type3A_380, %reduce_sum3A_381 [1] : vector<20x512xi32> to vector<20xi32>
    %broadcast_in_dim3A_383 = vector.shape_cast %reduce_sum3A_382 : vector<20xi32> to vector<20x1xi32>
    %ge3A_384 = arith.constant 365 : i32
    %ge3A_385 = vector.broadcast %ge3A_384 : i32 to vector<20x1xi32>
    %ge3A_386 = arith.cmpi sge, %broadcast_in_dim3A_383, %ge3A_385 : vector<20x1xi32>
    %select_n3A_387 = arith.select %ge3A_386, %or3A_374, %select_n3A_371 : vector<20x1xi1>, vector<20x1xi32>
    %or3A_388 = arith.constant 128 : i32
    %or3A_389 = vector.broadcast %or3A_388 : i32 to vector<20x1xi32>
    %or3A_390 = arith.ori %select_n3A_387, %or3A_389 : vector<20x1xi32>
    %xor3A_391 = arith.constant -2147483648 : i32
    %xor3A_392 = vector.broadcast %xor3A_391 : i32 to vector<20x1xi32>
    %xor3A_393 = arith.xori %or3A_390, %xor3A_392 : vector<20x1xi32>
    %ge3A_394 = vector.broadcast %xor3A_393 : vector<20x1xi32> to vector<20x512xi32>
    %ge3A_395 = arith.cmpi sge, %select_n3A, %ge3A_394 : vector<20x512xi32>
    %convert_element_type3A_396 = arith.extui %ge3A_395 : vector<20x512xi1> to vector<20x512xi32>
    %reduce_sum3A_397 = arith.constant dense<0> : vector<20xi32>
    %reduce_sum3A_398 = vector.multi_reduction <add>, %convert_element_type3A_396, %reduce_sum3A_397 [1] : vector<20x512xi32> to vector<20xi32>
    %broadcast_in_dim3A_399 = vector.shape_cast %reduce_sum3A_398 : vector<20xi32> to vector<20x1xi32>
    %ge3A_400 = arith.constant 365 : i32
    %ge3A_401 = vector.broadcast %ge3A_400 : i32 to vector<20x1xi32>
    %ge3A_402 = arith.cmpi sge, %broadcast_in_dim3A_399, %ge3A_401 : vector<20x1xi32>
    %select_n3A_403 = arith.select %ge3A_402, %or3A_390, %select_n3A_387 : vector<20x1xi1>, vector<20x1xi32>
    %or3A_404 = arith.constant 64 : i32
    %or3A_405 = vector.broadcast %or3A_404 : i32 to vector<20x1xi32>
    %or3A_406 = arith.ori %select_n3A_403, %or3A_405 : vector<20x1xi32>
    %xor3A_407 = arith.constant -2147483648 : i32
    %xor3A_408 = vector.broadcast %xor3A_407 : i32 to vector<20x1xi32>
    %xor3A_409 = arith.xori %or3A_406, %xor3A_408 : vector<20x1xi32>
    %ge3A_410 = vector.broadcast %xor3A_409 : vector<20x1xi32> to vector<20x512xi32>
    %ge3A_411 = arith.cmpi sge, %select_n3A, %ge3A_410 : vector<20x512xi32>
    %convert_element_type3A_412 = arith.extui %ge3A_411 : vector<20x512xi1> to vector<20x512xi32>
    %reduce_sum3A_413 = arith.constant dense<0> : vector<20xi32>
    %reduce_sum3A_414 = vector.multi_reduction <add>, %convert_element_type3A_412, %reduce_sum3A_413 [1] : vector<20x512xi32> to vector<20xi32>
    %broadcast_in_dim3A_415 = vector.shape_cast %reduce_sum3A_414 : vector<20xi32> to vector<20x1xi32>
    %ge3A_416 = arith.constant 365 : i32
    %ge3A_417 = vector.broadcast %ge3A_416 : i32 to vector<20x1xi32>
    %ge3A_418 = arith.cmpi sge, %broadcast_in_dim3A_415, %ge3A_417 : vector<20x1xi32>
    %select_n3A_419 = arith.select %ge3A_418, %or3A_406, %select_n3A_403 : vector<20x1xi1>, vector<20x1xi32>
    %or3A_420 = arith.constant 32 : i32
    %or3A_421 = vector.broadcast %or3A_420 : i32 to vector<20x1xi32>
    %or3A_422 = arith.ori %select_n3A_419, %or3A_421 : vector<20x1xi32>
    %xor3A_423 = arith.constant -2147483648 : i32
    %xor3A_424 = vector.broadcast %xor3A_423 : i32 to vector<20x1xi32>
    %xor3A_425 = arith.xori %or3A_422, %xor3A_424 : vector<20x1xi32>
    %ge3A_426 = vector.broadcast %xor3A_425 : vector<20x1xi32> to vector<20x512xi32>
    %ge3A_427 = arith.cmpi sge, %select_n3A, %ge3A_426 : vector<20x512xi32>
    %convert_element_type3A_428 = arith.extui %ge3A_427 : vector<20x512xi1> to vector<20x512xi32>
    %reduce_sum3A_429 = arith.constant dense<0> : vector<20xi32>
    %reduce_sum3A_430 = vector.multi_reduction <add>, %convert_element_type3A_428, %reduce_sum3A_429 [1] : vector<20x512xi32> to vector<20xi32>
    %broadcast_in_dim3A_431 = vector.shape_cast %reduce_sum3A_430 : vector<20xi32> to vector<20x1xi32>
    %ge3A_432 = arith.constant 365 : i32
    %ge3A_433 = vector.broadcast %ge3A_432 : i32 to vector<20x1xi32>
    %ge3A_434 = arith.cmpi sge, %broadcast_in_dim3A_431, %ge3A_433 : vector<20x1xi32>
    %select_n3A_435 = arith.select %ge3A_434, %or3A_422, %select_n3A_419 : vector<20x1xi1>, vector<20x1xi32>
    %or3A_436 = arith.constant 16 : i32
    %or3A_437 = vector.broadcast %or3A_436 : i32 to vector<20x1xi32>
    %or3A_438 = arith.ori %select_n3A_435, %or3A_437 : vector<20x1xi32>
    %xor3A_439 = arith.constant -2147483648 : i32
    %xor3A_440 = vector.broadcast %xor3A_439 : i32 to vector<20x1xi32>
    %xor3A_441 = arith.xori %or3A_438, %xor3A_440 : vector<20x1xi32>
    %ge3A_442 = vector.broadcast %xor3A_441 : vector<20x1xi32> to vector<20x512xi32>
    %ge3A_443 = arith.cmpi sge, %select_n3A, %ge3A_442 : vector<20x512xi32>
    %convert_element_type3A_444 = arith.extui %ge3A_443 : vector<20x512xi1> to vector<20x512xi32>
    %reduce_sum3A_445 = arith.constant dense<0> : vector<20xi32>
    %reduce_sum3A_446 = vector.multi_reduction <add>, %convert_element_type3A_444, %reduce_sum3A_445 [1] : vector<20x512xi32> to vector<20xi32>
    %broadcast_in_dim3A_447 = vector.shape_cast %reduce_sum3A_446 : vector<20xi32> to vector<20x1xi32>
    %ge3A_448 = arith.constant 365 : i32
    %ge3A_449 = vector.broadcast %ge3A_448 : i32 to vector<20x1xi32>
    %ge3A_450 = arith.cmpi sge, %broadcast_in_dim3A_447, %ge3A_449 : vector<20x1xi32>
    %select_n3A_451 = arith.select %ge3A_450, %or3A_438, %select_n3A_435 : vector<20x1xi1>, vector<20x1xi32>
    %or3A_452 = arith.constant 8 : i32
    %or3A_453 = vector.broadcast %or3A_452 : i32 to vector<20x1xi32>
    %or3A_454 = arith.ori %select_n3A_451, %or3A_453 : vector<20x1xi32>
    %xor3A_455 = arith.constant -2147483648 : i32
    %xor3A_456 = vector.broadcast %xor3A_455 : i32 to vector<20x1xi32>
    %xor3A_457 = arith.xori %or3A_454, %xor3A_456 : vector<20x1xi32>
    %ge3A_458 = vector.broadcast %xor3A_457 : vector<20x1xi32> to vector<20x512xi32>
    %ge3A_459 = arith.cmpi sge, %select_n3A, %ge3A_458 : vector<20x512xi32>
    %convert_element_type3A_460 = arith.extui %ge3A_459 : vector<20x512xi1> to vector<20x512xi32>
    %reduce_sum3A_461 = arith.constant dense<0> : vector<20xi32>
    %reduce_sum3A_462 = vector.multi_reduction <add>, %convert_element_type3A_460, %reduce_sum3A_461 [1] : vector<20x512xi32> to vector<20xi32>
    %broadcast_in_dim3A_463 = vector.shape_cast %reduce_sum3A_462 : vector<20xi32> to vector<20x1xi32>
    %ge3A_464 = arith.constant 365 : i32
    %ge3A_465 = vector.broadcast %ge3A_464 : i32 to vector<20x1xi32>
    %ge3A_466 = arith.cmpi sge, %broadcast_in_dim3A_463, %ge3A_465 : vector<20x1xi32>
    %select_n3A_467 = arith.select %ge3A_466, %or3A_454, %select_n3A_451 : vector<20x1xi1>, vector<20x1xi32>
    %or3A_468 = arith.constant 4 : i32
    %or3A_469 = vector.broadcast %or3A_468 : i32 to vector<20x1xi32>
    %or3A_470 = arith.ori %select_n3A_467, %or3A_469 : vector<20x1xi32>
    %xor3A_471 = arith.constant -2147483648 : i32
    %xor3A_472 = vector.broadcast %xor3A_471 : i32 to vector<20x1xi32>
    %xor3A_473 = arith.xori %or3A_470, %xor3A_472 : vector<20x1xi32>
    %ge3A_474 = vector.broadcast %xor3A_473 : vector<20x1xi32> to vector<20x512xi32>
    %ge3A_475 = arith.cmpi sge, %select_n3A, %ge3A_474 : vector<20x512xi32>
    %convert_element_type3A_476 = arith.extui %ge3A_475 : vector<20x512xi1> to vector<20x512xi32>
    %reduce_sum3A_477 = arith.constant dense<0> : vector<20xi32>
    %reduce_sum3A_478 = vector.multi_reduction <add>, %convert_element_type3A_476, %reduce_sum3A_477 [1] : vector<20x512xi32> to vector<20xi32>
    %broadcast_in_dim3A_479 = vector.shape_cast %reduce_sum3A_478 : vector<20xi32> to vector<20x1xi32>
    %ge3A_480 = arith.constant 365 : i32
    %ge3A_481 = vector.broadcast %ge3A_480 : i32 to vector<20x1xi32>
    %ge3A_482 = arith.cmpi sge, %broadcast_in_dim3A_479, %ge3A_481 : vector<20x1xi32>
    %select_n3A_483 = arith.select %ge3A_482, %or3A_470, %select_n3A_467 : vector<20x1xi1>, vector<20x1xi32>
    %or3A_484 = arith.constant 2 : i32
    %or3A_485 = vector.broadcast %or3A_484 : i32 to vector<20x1xi32>
    %or3A_486 = arith.ori %select_n3A_483, %or3A_485 : vector<20x1xi32>
    %xor3A_487 = arith.constant -2147483648 : i32
    %xor3A_488 = vector.broadcast %xor3A_487 : i32 to vector<20x1xi32>
    %xor3A_489 = arith.xori %or3A_486, %xor3A_488 : vector<20x1xi32>
    %ge3A_490 = vector.broadcast %xor3A_489 : vector<20x1xi32> to vector<20x512xi32>
    %ge3A_491 = arith.cmpi sge, %select_n3A, %ge3A_490 : vector<20x512xi32>
    %convert_element_type3A_492 = arith.extui %ge3A_491 : vector<20x512xi1> to vector<20x512xi32>
    %reduce_sum3A_493 = arith.constant dense<0> : vector<20xi32>
    %reduce_sum3A_494 = vector.multi_reduction <add>, %convert_element_type3A_492, %reduce_sum3A_493 [1] : vector<20x512xi32> to vector<20xi32>
    %broadcast_in_dim3A_495 = vector.shape_cast %reduce_sum3A_494 : vector<20xi32> to vector<20x1xi32>
    %ge3A_496 = arith.constant 365 : i32
    %ge3A_497 = vector.broadcast %ge3A_496 : i32 to vector<20x1xi32>
    %ge3A_498 = arith.cmpi sge, %broadcast_in_dim3A_495, %ge3A_497 : vector<20x1xi32>
    %select_n3A_499 = arith.select %ge3A_498, %or3A_486, %select_n3A_483 : vector<20x1xi1>, vector<20x1xi32>
    %or3A_500 = arith.constant 1 : i32
    %or3A_501 = vector.broadcast %or3A_500 : i32 to vector<20x1xi32>
    %or3A_502 = arith.ori %select_n3A_499, %or3A_501 : vector<20x1xi32>
    %xor3A_503 = arith.constant -2147483648 : i32
    %xor3A_504 = vector.broadcast %xor3A_503 : i32 to vector<20x1xi32>
    %xor3A_505 = arith.xori %or3A_502, %xor3A_504 : vector<20x1xi32>
    %ge3A_506 = vector.broadcast %xor3A_505 : vector<20x1xi32> to vector<20x512xi32>
    %ge3A_507 = arith.cmpi sge, %select_n3A, %ge3A_506 : vector<20x512xi32>
    %convert_element_type3A_508 = arith.extui %ge3A_507 : vector<20x512xi1> to vector<20x512xi32>
    %reduce_sum3A_509 = arith.constant dense<0> : vector<20xi32>
    %reduce_sum3A_510 = vector.multi_reduction <add>, %convert_element_type3A_508, %reduce_sum3A_509 [1] : vector<20x512xi32> to vector<20xi32>
    %broadcast_in_dim3A_511 = vector.shape_cast %reduce_sum3A_510 : vector<20xi32> to vector<20x1xi32>
    %ge3A_512 = arith.constant 365 : i32
    %ge3A_513 = vector.broadcast %ge3A_512 : i32 to vector<20x1xi32>
    %ge3A_514 = arith.cmpi sge, %broadcast_in_dim3A_511, %ge3A_513 : vector<20x1xi32>
    %select_n3A_515 = arith.select %ge3A_514, %or3A_502, %select_n3A_499 : vector<20x1xi1>, vector<20x1xi32>
    %xor3A_516 = arith.constant -2147483648 : i32
    %xor3A_517 = vector.broadcast %xor3A_516 : i32 to vector<20x1xi32>
    %xor3A_518 = arith.xori %select_n3A_515, %xor3A_517 : vector<20x1xi32>
    %gt3A = vector.broadcast %xor3A_518 : vector<20x1xi32> to vector<20x512xi32>
    %gt3A_519 = arith.cmpi sgt, %select_n3A, %gt3A : vector<20x512xi32>
    %ge3A_520 = vector.broadcast %xor3A_518 : vector<20x1xi32> to vector<20x512xi32>
    %ge3A_521 = arith.cmpi sge, %select_n3A, %ge3A_520 : vector<20x512xi32>
    %not3A = arith.constant dense<true> : vector<20x512xi1>
    %not3A_522 = arith.xori %gt3A_519, %not3A : vector<20x512xi1>
    %and3A = arith.andi %ge3A_521, %not3A_522 : vector<20x512xi1>
    %convert_element_type3A_523 = arith.extui %gt3A_519 : vector<20x512xi1> to vector<20x512xi32>
    %reduce_sum3A_524 = arith.constant dense<0> : vector<20xi32>
    %reduce_sum3A_525 = vector.multi_reduction <add>, %convert_element_type3A_523, %reduce_sum3A_524 [1] : vector<20x512xi32> to vector<20xi32>
    %broadcast_in_dim3A_526 = vector.shape_cast %reduce_sum3A_525 : vector<20xi32> to vector<20x1xi32>
    %convert_element_type3A_527 = arith.extui %and3A : vector<20x512xi1> to vector<20x512xi32>
    %broadcast_in_dim3A_528 = arith.constant 0 : i32
    %broadcast_in_dim3A_529 = vector.broadcast %broadcast_in_dim3A_528 : i32 to vector<20x1xi32>
    %slice3A = vector.extract_strided_slice %convert_element_type3A_527 {offsets = [0, 0], sizes = [20, 511], strides = [1, 1]} : vector<20x512xi32> to vector<20x511xi32>
    %concatenate3A = tpu.concatenate %broadcast_in_dim3A_529, %slice3A in 1 : vector<20x1xi32>, vector<20x511xi32> -> vector<20x512xi32>
    %add3A = arith.addi %convert_element_type3A_527, %concatenate3A : vector<20x512xi32>
    %broadcast_in_dim3A_530 = arith.constant 0 : i32
    %broadcast_in_dim3A_531 = vector.broadcast %broadcast_in_dim3A_530 : i32 to vector<20x2xi32>
    %slice3A_532 = vector.extract_strided_slice %add3A {offsets = [0, 0], sizes = [20, 510], strides = [1, 1]} : vector<20x512xi32> to vector<20x510xi32>
    %concatenate3A_533 = tpu.concatenate %broadcast_in_dim3A_531, %slice3A_532 in 1 : vector<20x2xi32>, vector<20x510xi32> -> vector<20x512xi32>
    %add3A_534 = arith.addi %add3A, %concatenate3A_533 : vector<20x512xi32>
    %broadcast_in_dim3A_535 = arith.constant 0 : i32
    %broadcast_in_dim3A_536 = vector.broadcast %broadcast_in_dim3A_535 : i32 to vector<20x4xi32>
    %slice3A_537 = vector.extract_strided_slice %add3A_534 {offsets = [0, 0], sizes = [20, 508], strides = [1, 1]} : vector<20x512xi32> to vector<20x508xi32>
    %concatenate3A_538 = tpu.concatenate %broadcast_in_dim3A_536, %slice3A_537 in 1 : vector<20x4xi32>, vector<20x508xi32> -> vector<20x512xi32>
    %add3A_539 = arith.addi %add3A_534, %concatenate3A_538 : vector<20x512xi32>
    %broadcast_in_dim3A_540 = arith.constant 0 : i32
    %broadcast_in_dim3A_541 = vector.broadcast %broadcast_in_dim3A_540 : i32 to vector<20x8xi32>
    %slice3A_542 = vector.extract_strided_slice %add3A_539 {offsets = [0, 0], sizes = [20, 504], strides = [1, 1]} : vector<20x512xi32> to vector<20x504xi32>
    %concatenate3A_543 = tpu.concatenate %broadcast_in_dim3A_541, %slice3A_542 in 1 : vector<20x8xi32>, vector<20x504xi32> -> vector<20x512xi32>
    %add3A_544 = arith.addi %add3A_539, %concatenate3A_543 : vector<20x512xi32>
    %broadcast_in_dim3A_545 = arith.constant 0 : i32
    %broadcast_in_dim3A_546 = vector.broadcast %broadcast_in_dim3A_545 : i32 to vector<20x16xi32>
    %slice3A_547 = vector.extract_strided_slice %add3A_544 {offsets = [0, 0], sizes = [20, 496], strides = [1, 1]} : vector<20x512xi32> to vector<20x496xi32>
    %concatenate3A_548 = tpu.concatenate %broadcast_in_dim3A_546, %slice3A_547 in 1 : vector<20x16xi32>, vector<20x496xi32> -> vector<20x512xi32>
    %add3A_549 = arith.addi %add3A_544, %concatenate3A_548 : vector<20x512xi32>
    %broadcast_in_dim3A_550 = arith.constant 0 : i32
    %broadcast_in_dim3A_551 = vector.broadcast %broadcast_in_dim3A_550 : i32 to vector<20x32xi32>
    %slice3A_552 = vector.extract_strided_slice %add3A_549 {offsets = [0, 0], sizes = [20, 480], strides = [1, 1]} : vector<20x512xi32> to vector<20x480xi32>
    %concatenate3A_553 = tpu.concatenate %broadcast_in_dim3A_551, %slice3A_552 in 1 : vector<20x32xi32>, vector<20x480xi32> -> vector<20x512xi32>
    %add3A_554 = arith.addi %add3A_549, %concatenate3A_553 : vector<20x512xi32>
    %broadcast_in_dim3A_555 = arith.constant 0 : i32
    %broadcast_in_dim3A_556 = vector.broadcast %broadcast_in_dim3A_555 : i32 to vector<20x64xi32>
    %slice3A_557 = vector.extract_strided_slice %add3A_554 {offsets = [0, 0], sizes = [20, 448], strides = [1, 1]} : vector<20x512xi32> to vector<20x448xi32>
    %concatenate3A_558 = tpu.concatenate %broadcast_in_dim3A_556, %slice3A_557 in 1 : vector<20x64xi32>, vector<20x448xi32> -> vector<20x512xi32>
    %add3A_559 = arith.addi %add3A_554, %concatenate3A_558 : vector<20x512xi32>
    %broadcast_in_dim3A_560 = arith.constant 0 : i32
    %broadcast_in_dim3A_561 = vector.broadcast %broadcast_in_dim3A_560 : i32 to vector<20x128xi32>
    %slice3A_562 = vector.extract_strided_slice %add3A_559 {offsets = [0, 0], sizes = [20, 384], strides = [1, 1]} : vector<20x512xi32> to vector<20x384xi32>
    %concatenate3A_563 = tpu.concatenate %broadcast_in_dim3A_561, %slice3A_562 in 1 : vector<20x128xi32>, vector<20x384xi32> -> vector<20x512xi32>
    %add3A_564 = arith.addi %add3A_559, %concatenate3A_563 : vector<20x512xi32>
    %broadcast_in_dim3A_565 = arith.constant 0 : i32
    %broadcast_in_dim3A_566 = vector.broadcast %broadcast_in_dim3A_565 : i32 to vector<20x256xi32>
    %slice3A_567 = vector.extract_strided_slice %add3A_564 {offsets = [0, 0], sizes = [20, 256], strides = [1, 1]} : vector<20x512xi32> to vector<20x256xi32>
    %concatenate3A_568 = tpu.concatenate %broadcast_in_dim3A_566, %slice3A_567 in 1 : vector<20x256xi32>, vector<20x256xi32> -> vector<20x512xi32>
    %add3A_569 = arith.addi %add3A_564, %concatenate3A_568 : vector<20x512xi32>
    %sub3A = arith.constant 365 : i32
    %sub3A_570 = vector.broadcast %sub3A : i32 to vector<20x1xi32>
    %sub3A_571 = arith.subi %sub3A_570, %broadcast_in_dim3A_526 : vector<20x1xi32>
    %le3A = vector.broadcast %sub3A_571 : vector<20x1xi32> to vector<20x512xi32>
    %le3A_572 = arith.cmpi sle, %add3A_569, %le3A : vector<20x512xi32>
    %and3A_573 = arith.andi %and3A, %le3A_572 : vector<20x512xi1>
    %or3A_574 = arith.ori %gt3A_519, %and3A_573 : vector<20x512xi1>
    %convert_element_type3A_575 = arith.extui %or3A_574 : vector<20x512xi1> to vector<20x512xi32>
    %convert_element_type3A_576 = arith.sitofp %convert_element_type3A_575 : vector<20x512xi32> to vector<20x512xf32>
    %swap3A = arith.constant 0 : index
    %swap3A_577 = arith.constant 0 : index
    %swap3A_578 = vector.load %arg1[%swap3A, %swap3A_577] : memref<20x512xf32, #tpu.memory_space<vmem>>, vector<20x512xf32>
    tpu.vector_store %arg1[%swap3A, %swap3A_577], %convert_element_type3A_576 {strides = array<i32>} : memref<20x512xf32, #tpu.memory_space<vmem>>, vector<20x512xf32>,
    %max3A = arith.constant -1.000000e+02 : f32
    %max3A_579 = vector.broadcast %max3A : f32 to vector<20x512xf32>
    %max3A_580 = arith.maximumf %get3A_1, %max3A_579 : vector<20x512xf32>
    %tanh3A = math.tanh %max3A_580 : vector<20x512xf32>
    %swap3A_581 = arith.constant 0 : index
    %swap3A_582 = arith.constant 0 : index
    %swap3A_583 = vector.load %arg2[%swap3A_581, %swap3A_582] : memref<20x512xf32, #tpu.memory_space<vmem>>, vector<20x512xf32>
    tpu.vector_store %arg2[%swap3A_581, %swap3A_582], %tanh3A {strides = array<i32>} : memref<20x512xf32, #tpu.memory_space<vmem>>, vector<20x512xf32>,
    return
  }
}

module attributes {stable_mosaic.version = 14 : i64} {
  func.func @body(%arg0: i32, %arg1: memref<4x512x128xf32, #tpu.memory_space<vmem>>, %arg2: memref<4x512x1xf32, #tpu.memory_space<vmem>>, %arg3: memref<4x512x1xf32, #tpu.memory_space<vmem>>, %arg4: memref<4x1x256xf32, #tpu.memory_space<vmem>>, %arg5: memref<4x1x256xf32, #tpu.memory_space<vmem>>, %arg6: memref<4x512x128xf32, #tpu.memory_space<vmem>>, %arg7: memref<256x256xf32, #tpu.memory_space<vmem>>, %arg8: memref<1x256xf32, #tpu.memory_space<vmem>>, %arg9: memref<256x128xf32, #tpu.memory_space<vmem>>, %arg10: memref<1x128xf32, #tpu.memory_space<vmem>>, %arg11: memref<4x512x1xf32, #tpu.memory_space<vmem>>) attributes {dimension_semantics = [#tpu.dimension_semantics<arbitrary>], iteration_bounds = array<i64: 5>, scalar_prefetch = 0 : i64, scratch_operands = 0 : i64, tpu.core_type = #tpu.core_type<tc>, window_params = [{transform_indices = @transform_0, window_bounds = array<i64: 4, 512, 128>}, {transform_indices = @transform_1, window_bounds = array<i64: 4, 512, 1>}, {transform_indices = @transform_2, window_bounds = array<i64: 4, 512, 1>}, {transform_indices = @transform_3, window_bounds = array<i64: 4, 1, 256>}, {transform_indices = @transform_4, window_bounds = array<i64: 4, 1, 256>}, {transform_indices = @transform_5, window_bounds = array<i64: 4, 512, 128>}, {pipeline_mode = #tpu.pipeline_mode<synchronous>, transform_indices = @transform_6, window_bounds = array<i64: 256, 256>}, {pipeline_mode = #tpu.pipeline_mode<synchronous>, transform_indices = @transform_7, window_bounds = array<i64: 1, 256>}, {pipeline_mode = #tpu.pipeline_mode<synchronous>, transform_indices = @transform_8, window_bounds = array<i64: 256, 128>}, {pipeline_mode = #tpu.pipeline_mode<synchronous>, transform_indices = @transform_9, window_bounds = array<i64: 1, 128>}, {transform_indices = @transform_10, window_bounds = array<i64: 4, 512, 1>}]} {
    %get3A = arith.constant 0 : index
    %get3A_0 = arith.constant 0 : index
    %get3A_1 = arith.constant 0 : index
    %get3A_2 = vector.load %arg2[%get3A, %get3A_0, %get3A_1] : memref<4x512x1xf32, #tpu.memory_space<vmem>>, vector<1x512x1xf32>
    %get3A_3 = vector.shape_cast %get3A_2 : vector<1x512x1xf32> to vector<512x1xf32>
    %get3A_4 = arith.constant 0 : index
    %get3A_5 = arith.constant 0 : index
    %get3A_6 = arith.constant 0 : index
    %get3A_7 = vector.load %arg3[%get3A_4, %get3A_5, %get3A_6] : memref<4x512x1xf32, #tpu.memory_space<vmem>>, vector<1x512x1xf32>
    %get3A_8 = vector.shape_cast %get3A_7 : vector<1x512x1xf32> to vector<512x1xf32>
    %get3A_9 = arith.constant 0 : index
    %get3A_10 = arith.constant 0 : index
    %get3A_11 = arith.constant 0 : index
    %get3A_12 = vector.load %arg1[%get3A_9, %get3A_10, %get3A_11] : memref<4x512x128xf32, #tpu.memory_space<vmem>>, vector<1x512x128xf32>
    %get3A_13 = vector.shape_cast %get3A_12 : vector<1x512x128xf32> to vector<512x128xf32>
    %mul3A = vector.broadcast %get3A_8 : vector<512x1xf32> to vector<512x128xf32>
    %mul3A_14 = arith.mulf %get3A_13, %mul3A : vector<512x128xf32>
    %mul3A_15 = vector.broadcast %get3A_3 : vector<512x1xf32> to vector<512x128xf32>
    %mul3A_16 = arith.mulf %mul3A_14, %mul3A_15 : vector<512x128xf32>
    %gt3A = arith.constant 0.000000e+00 : f32
    %gt3A_17 = vector.broadcast %gt3A : f32 to vector<512x1xf32>
    %gt3A_18 = arith.cmpf ogt, %get3A_3, %gt3A_17 : vector<512x1xf32>
    %jit3A = arith.constant 0xFF800000 : f32
    %broadcast_in_dim3A = vector.shape_cast %gt3A_18 : vector<512x1xi1> to vector<512x1xi1>
    %broadcast_in_dim3A_19 = vector.broadcast %broadcast_in_dim3A : vector<512x1xi1> to vector<512x128xi1>
    %broadcast_in_dim3A_20 = vector.broadcast %jit3A : f32 to vector<512x128xf32>
    %select_n3A = arith.select %broadcast_in_dim3A_19, %mul3A_16, %broadcast_in_dim3A_20 : vector<512x128xi1>, vector<512x128xf32>
    %reduce_max3A = arith.constant dense<0xFF800000> : vector<128xf32>
    %reduce_max3A_21 = vector.multi_reduction <maximumf>, %select_n3A, %reduce_max3A [0] : vector<512x128xf32> to vector<128xf32>
    %broadcast_in_dim3A_22 = vector.shape_cast %reduce_max3A_21 : vector<128xf32> to vector<1x128xf32>
    %reduce_sum3A = arith.constant dense<0.000000e+00> : vector<128xf32>
    %reduce_sum3A_23 = vector.multi_reduction <add>, %mul3A_16, %reduce_sum3A [0] : vector<512x128xf32> to vector<128xf32>
    %broadcast_in_dim3A_24 = vector.shape_cast %reduce_sum3A_23 : vector<128xf32> to vector<1x128xf32>
    %mul3A_25 = arith.constant 0.0027397261 : f32
    %mul3A_26 = vector.broadcast %mul3A_25 : f32 to vector<1x128xf32>
    %mul3A_27 = arith.mulf %broadcast_in_dim3A_24, %mul3A_26 : vector<1x128xf32>
    %get3A_28 = arith.constant 0 : index
    %get3A_29 = arith.constant 0 : index
    %get3A_30 = arith.constant 0 : index
    %get3A_31 = vector.load %arg4[%get3A_28, %get3A_29, %get3A_30] : memref<4x1x256xf32, #tpu.memory_space<vmem>>, vector<1x1x256xf32>
    %get3A_32 = vector.shape_cast %get3A_31 : vector<1x1x256xf32> to vector<1x256xf32>
    %get3A_33 = arith.constant 0 : index
    %get3A_34 = arith.constant 0 : index
    %get3A_35 = arith.constant 0 : index
    %get3A_36 = vector.load %arg5[%get3A_33, %get3A_34, %get3A_35] : memref<4x1x256xf32, #tpu.memory_space<vmem>>, vector<1x1x256xf32>
    %get3A_37 = vector.shape_cast %get3A_36 : vector<1x1x256xf32> to vector<1x256xf32>
    %add3A = arith.addf %get3A_32, %get3A_37 : vector<1x256xf32>
    %concatenate3A = tpu.concatenate %broadcast_in_dim3A_22, %mul3A_27 in 1 : vector<1x128xf32>, vector<1x128xf32> -> vector<1x256xf32>
    %add3A_38 = arith.addf %add3A, %concatenate3A : vector<1x256xf32>
    %get3A_39 = arith.constant 0 : index
    %get3A_40 = arith.constant 0 : index
    %get3A_41 = vector.load %arg7[%get3A_39, %get3A_40] : memref<256x256xf32, #tpu.memory_space<vmem>>, vector<256x256xf32>
    %dot_general3A = arith.constant dense<0.000000e+00> : vector<1x256xf32>
    %dot_general3A_42 = tpu.matmul %add3A_38, %get3A_41, %dot_general3A {dimension_numbers = #tpu.dot_dimension_numbers<[1], [0], [0], [1], [0, 0, 1, 1], [], []>, transpose_lhs_hint = false} : vector<1x256xf32>, vector<256x256xf32>, vector<1x256xf32> -> vector<1x256xf32>
    %get3A_43 = arith.constant 0 : index
    %get3A_44 = arith.constant 0 : index
    %get3A_45 = vector.load %arg8[%get3A_43, %get3A_44] : memref<1x256xf32, #tpu.memory_space<vmem>>, vector<1x256xf32>
    %add3A_46 = arith.addf %dot_general3A_42, %get3A_45 : vector<1x256xf32>
    %max3A = arith.constant 0.000000e+00 : f32
    %max3A_47 = vector.broadcast %max3A : f32 to vector<1x256xf32>
    %max3A_48 = arith.maximumf %add3A_46, %max3A_47 : vector<1x256xf32>
    %get3A_49 = arith.constant 0 : index
    %get3A_50 = arith.constant 0 : index
    %get3A_51 = vector.load %arg9[%get3A_49, %get3A_50] : memref<256x128xf32, #tpu.memory_space<vmem>>, vector<256x128xf32>
    %dot_general3A_52 = arith.constant dense<0.000000e+00> : vector<1x128xf32>
    %dot_general3A_53 = tpu.matmul %max3A_48, %get3A_51, %dot_general3A_52 {dimension_numbers = #tpu.dot_dimension_numbers<[1], [0], [0], [1], [0, 0, 1, 1], [], []>, transpose_lhs_hint = false} : vector<1x256xf32>, vector<256x128xf32>, vector<1x128xf32> -> vector<1x128xf32>
    %get3A_54 = arith.constant 0 : index
    %get3A_55 = arith.constant 0 : index
    %get3A_56 = vector.load %arg10[%get3A_54, %get3A_55] : memref<1x128xf32, #tpu.memory_space<vmem>>, vector<1x128xf32>
    %add3A_57 = arith.addf %dot_general3A_53, %get3A_56 : vector<1x128xf32>
    %max3A_58 = arith.constant 0.000000e+00 : f32
    %max3A_59 = vector.broadcast %max3A_58 : f32 to vector<1x128xf32>
    %max3A_60 = arith.maximumf %add3A_57, %max3A_59 : vector<1x128xf32>
    %get3A_61 = arith.constant 0 : index
    %get3A_62 = arith.constant 0 : index
    %get3A_63 = arith.constant 0 : index
    %get3A_64 = vector.load %arg6[%get3A_61, %get3A_62, %get3A_63] : memref<4x512x128xf32, #tpu.memory_space<vmem>>, vector<1x512x128xf32>
    %get3A_65 = vector.shape_cast %get3A_64 : vector<1x512x128xf32> to vector<512x128xf32>
    %mul3A_66 = vector.broadcast %max3A_60 : vector<1x128xf32> to vector<512x128xf32>
    %mul3A_67 = arith.mulf %get3A_65, %mul3A_66 : vector<512x128xf32>
    %reduce_sum3A_68 = arith.constant dense<0.000000e+00> : vector<512xf32>
    %reduce_sum3A_69 = vector.multi_reduction <add>, %mul3A_67, %reduce_sum3A_68 [1] : vector<512x128xf32> to vector<512xf32>
    %broadcast_in_dim3A_70 = vector.shape_cast %reduce_sum3A_69 : vector<512xf32> to vector<512x1xf32>
    %neg3A = arith.constant 0.000000e+00 : f32
    %neg3A_71 = vector.broadcast %neg3A : f32 to vector<512x1xf32>
    %neg3A_72 = arith.subf %neg3A_71, %broadcast_in_dim3A_70 : vector<512x1xf32>
    %exp3A = math.exp %neg3A_72 : vector<512x1xf32>
    %add3A_73 = arith.constant 1.000000e+00 : f32
    %add3A_74 = vector.broadcast %add3A_73 : f32 to vector<512x1xf32>
    %add3A_75 = arith.addf %add3A_74, %exp3A : vector<512x1xf32>
    %div3A = arith.constant 1.000000e+00 : f32
    %div3A_76 = vector.broadcast %div3A : f32 to vector<512x1xf32>
    %div3A_77 = arith.divf %div3A_76, %add3A_75 : vector<512x1xf32>
    %swap3A = arith.constant 0 : index
    %swap3A_78 = arith.constant 0 : index
    %swap3A_79 = arith.constant 0 : index
    %swap3A_80 = vector.load %arg11[%swap3A, %swap3A_78, %swap3A_79] : memref<4x512x1xf32, #tpu.memory_space<vmem>>, vector<1x512x1xf32>
    %swap3A_81 = vector.shape_cast %swap3A_80 : vector<1x512x1xf32> to vector<512x1xf32>
    %swap3A_82 = vector.shape_cast %div3A_77 : vector<512x1xf32> to vector<1x512x1xf32>
    tpu.vector_store %arg11[%swap3A, %swap3A_78, %swap3A_79], %swap3A_82 {strides = array<i32>} : memref<4x512x1xf32, #tpu.memory_space<vmem>>, vector<1x512x1xf32>,
    %get3A_83 = arith.constant 1 : index
    %get3A_84 = arith.constant 0 : index
    %get3A_85 = arith.constant 0 : index
    %get3A_86 = vector.load %arg2[%get3A_83, %get3A_84, %get3A_85] : memref<4x512x1xf32, #tpu.memory_space<vmem>>, vector<1x512x1xf32>
    %get3A_87 = vector.shape_cast %get3A_86 : vector<1x512x1xf32> to vector<512x1xf32>
    %get3A_88 = arith.constant 1 : index
    %get3A_89 = arith.constant 0 : index
    %get3A_90 = arith.constant 0 : index
    %get3A_91 = vector.load %arg3[%get3A_88, %get3A_89, %get3A_90] : memref<4x512x1xf32, #tpu.memory_space<vmem>>, vector<1x512x1xf32>
    %get3A_92 = vector.shape_cast %get3A_91 : vector<1x512x1xf32> to vector<512x1xf32>
    %get3A_93 = arith.constant 1 : index
    %get3A_94 = arith.constant 0 : index
    %get3A_95 = arith.constant 0 : index
    %get3A_96 = vector.load %arg1[%get3A_93, %get3A_94, %get3A_95] : memref<4x512x128xf32, #tpu.memory_space<vmem>>, vector<1x512x128xf32>
    %get3A_97 = vector.shape_cast %get3A_96 : vector<1x512x128xf32> to vector<512x128xf32>
    %mul3A_98 = vector.broadcast %get3A_92 : vector<512x1xf32> to vector<512x128xf32>
    %mul3A_99 = arith.mulf %get3A_97, %mul3A_98 : vector<512x128xf32>
    %mul3A_100 = vector.broadcast %get3A_87 : vector<512x1xf32> to vector<512x128xf32>
    %mul3A_101 = arith.mulf %mul3A_99, %mul3A_100 : vector<512x128xf32>
    %gt3A_102 = arith.constant 0.000000e+00 : f32
    %gt3A_103 = vector.broadcast %gt3A_102 : f32 to vector<512x1xf32>
    %gt3A_104 = arith.cmpf ogt, %get3A_87, %gt3A_103 : vector<512x1xf32>
    %jit3A_105 = arith.constant 0xFF800000 : f32
    %broadcast_in_dim3A_106 = vector.shape_cast %gt3A_104 : vector<512x1xi1> to vector<512x1xi1>
    %broadcast_in_dim3A_107 = vector.broadcast %broadcast_in_dim3A_106 : vector<512x1xi1> to vector<512x128xi1>
    %broadcast_in_dim3A_108 = vector.broadcast %jit3A_105 : f32 to vector<512x128xf32>
    %select_n3A_109 = arith.select %broadcast_in_dim3A_107, %mul3A_101, %broadcast_in_dim3A_108 : vector<512x128xi1>, vector<512x128xf32>
    %reduce_max3A_110 = arith.constant dense<0xFF800000> : vector<128xf32>
    %reduce_max3A_111 = vector.multi_reduction <maximumf>, %select_n3A_109, %reduce_max3A_110 [0] : vector<512x128xf32> to vector<128xf32>
    %broadcast_in_dim3A_112 = vector.shape_cast %reduce_max3A_111 : vector<128xf32> to vector<1x128xf32>
    %reduce_sum3A_113 = arith.constant dense<0.000000e+00> : vector<128xf32>
    %reduce_sum3A_114 = vector.multi_reduction <add>, %mul3A_101, %reduce_sum3A_113 [0] : vector<512x128xf32> to vector<128xf32>
    %broadcast_in_dim3A_115 = vector.shape_cast %reduce_sum3A_114 : vector<128xf32> to vector<1x128xf32>
    %mul3A_116 = arith.constant 0.0027397261 : f32
    %mul3A_117 = vector.broadcast %mul3A_116 : f32 to vector<1x128xf32>
    %mul3A_118 = arith.mulf %broadcast_in_dim3A_115, %mul3A_117 : vector<1x128xf32>
    %get3A_119 = arith.constant 1 : index
    %get3A_120 = arith.constant 0 : index
    %get3A_121 = arith.constant 0 : index
    %get3A_122 = vector.load %arg4[%get3A_119, %get3A_120, %get3A_121] : memref<4x1x256xf32, #tpu.memory_space<vmem>>, vector<1x1x256xf32>
    %get3A_123 = vector.shape_cast %get3A_122 : vector<1x1x256xf32> to vector<1x256xf32>
    %get3A_124 = arith.constant 1 : index
    %get3A_125 = arith.constant 0 : index
    %get3A_126 = arith.constant 0 : index
    %get3A_127 = vector.load %arg5[%get3A_124, %get3A_125, %get3A_126] : memref<4x1x256xf32, #tpu.memory_space<vmem>>, vector<1x1x256xf32>
    %get3A_128 = vector.shape_cast %get3A_127 : vector<1x1x256xf32> to vector<1x256xf32>
    %add3A_129 = arith.addf %get3A_123, %get3A_128 : vector<1x256xf32>
    %concatenate3A_130 = tpu.concatenate %broadcast_in_dim3A_112, %mul3A_118 in 1 : vector<1x128xf32>, vector<1x128xf32> -> vector<1x256xf32>
    %add3A_131 = arith.addf %add3A_129, %concatenate3A_130 : vector<1x256xf32>
    %get3A_132 = arith.constant 0 : index
    %get3A_133 = arith.constant 0 : index
    %get3A_134 = vector.load %arg7[%get3A_132, %get3A_133] : memref<256x256xf32, #tpu.memory_space<vmem>>, vector<256x256xf32>
    %dot_general3A_135 = arith.constant dense<0.000000e+00> : vector<1x256xf32>
    %dot_general3A_136 = tpu.matmul %add3A_131, %get3A_134, %dot_general3A_135 {dimension_numbers = #tpu.dot_dimension_numbers<[1], [0], [0], [1], [0, 0, 1, 1], [], []>, transpose_lhs_hint = false} : vector<1x256xf32>, vector<256x256xf32>, vector<1x256xf32> -> vector<1x256xf32>
    %get3A_137 = arith.constant 0 : index
    %get3A_138 = arith.constant 0 : index
    %get3A_139 = vector.load %arg8[%get3A_137, %get3A_138] : memref<1x256xf32, #tpu.memory_space<vmem>>, vector<1x256xf32>
    %add3A_140 = arith.addf %dot_general3A_136, %get3A_139 : vector<1x256xf32>
    %max3A_141 = arith.constant 0.000000e+00 : f32
    %max3A_142 = vector.broadcast %max3A_141 : f32 to vector<1x256xf32>
    %max3A_143 = arith.maximumf %add3A_140, %max3A_142 : vector<1x256xf32>
    %get3A_144 = arith.constant 0 : index
    %get3A_145 = arith.constant 0 : index
    %get3A_146 = vector.load %arg9[%get3A_144, %get3A_145] : memref<256x128xf32, #tpu.memory_space<vmem>>, vector<256x128xf32>
    %dot_general3A_147 = arith.constant dense<0.000000e+00> : vector<1x128xf32>
    %dot_general3A_148 = tpu.matmul %max3A_143, %get3A_146, %dot_general3A_147 {dimension_numbers = #tpu.dot_dimension_numbers<[1], [0], [0], [1], [0, 0, 1, 1], [], []>, transpose_lhs_hint = false} : vector<1x256xf32>, vector<256x128xf32>, vector<1x128xf32> -> vector<1x128xf32>
    %get3A_149 = arith.constant 0 : index
    %get3A_150 = arith.constant 0 : index
    %get3A_151 = vector.load %arg10[%get3A_149, %get3A_150] : memref<1x128xf32, #tpu.memory_space<vmem>>, vector<1x128xf32>
    %add3A_152 = arith.addf %dot_general3A_148, %get3A_151 : vector<1x128xf32>
    %max3A_153 = arith.constant 0.000000e+00 : f32
    %max3A_154 = vector.broadcast %max3A_153 : f32 to vector<1x128xf32>
    %max3A_155 = arith.maximumf %add3A_152, %max3A_154 : vector<1x128xf32>
    %get3A_156 = arith.constant 1 : index
    %get3A_157 = arith.constant 0 : index
    %get3A_158 = arith.constant 0 : index
    %get3A_159 = vector.load %arg6[%get3A_156, %get3A_157, %get3A_158] : memref<4x512x128xf32, #tpu.memory_space<vmem>>, vector<1x512x128xf32>
    %get3A_160 = vector.shape_cast %get3A_159 : vector<1x512x128xf32> to vector<512x128xf32>
    %mul3A_161 = vector.broadcast %max3A_155 : vector<1x128xf32> to vector<512x128xf32>
    %mul3A_162 = arith.mulf %get3A_160, %mul3A_161 : vector<512x128xf32>
    %reduce_sum3A_163 = arith.constant dense<0.000000e+00> : vector<512xf32>
    %reduce_sum3A_164 = vector.multi_reduction <add>, %mul3A_162, %reduce_sum3A_163 [1] : vector<512x128xf32> to vector<512xf32>
    %broadcast_in_dim3A_165 = vector.shape_cast %reduce_sum3A_164 : vector<512xf32> to vector<512x1xf32>
    %neg3A_166 = arith.constant 0.000000e+00 : f32
    %neg3A_167 = vector.broadcast %neg3A_166 : f32 to vector<512x1xf32>
    %neg3A_168 = arith.subf %neg3A_167, %broadcast_in_dim3A_165 : vector<512x1xf32>
    %exp3A_169 = math.exp %neg3A_168 : vector<512x1xf32>
    %add3A_170 = arith.constant 1.000000e+00 : f32
    %add3A_171 = vector.broadcast %add3A_170 : f32 to vector<512x1xf32>
    %add3A_172 = arith.addf %add3A_171, %exp3A_169 : vector<512x1xf32>
    %div3A_173 = arith.constant 1.000000e+00 : f32
    %div3A_174 = vector.broadcast %div3A_173 : f32 to vector<512x1xf32>
    %div3A_175 = arith.divf %div3A_174, %add3A_172 : vector<512x1xf32>
    %swap3A_176 = arith.constant 1 : index
    %swap3A_177 = arith.constant 0 : index
    %swap3A_178 = arith.constant 0 : index
    %swap3A_179 = vector.load %arg11[%swap3A_176, %swap3A_177, %swap3A_178] : memref<4x512x1xf32, #tpu.memory_space<vmem>>, vector<1x512x1xf32>
    %swap3A_180 = vector.shape_cast %swap3A_179 : vector<1x512x1xf32> to vector<512x1xf32>
    %swap3A_181 = vector.shape_cast %div3A_175 : vector<512x1xf32> to vector<1x512x1xf32>
    tpu.vector_store %arg11[%swap3A_176, %swap3A_177, %swap3A_178], %swap3A_181 {strides = array<i32>} : memref<4x512x1xf32, #tpu.memory_space<vmem>>, vector<1x512x1xf32>,
    %get3A_182 = arith.constant 2 : index
    %get3A_183 = arith.constant 0 : index
    %get3A_184 = arith.constant 0 : index
    %get3A_185 = vector.load %arg2[%get3A_182, %get3A_183, %get3A_184] : memref<4x512x1xf32, #tpu.memory_space<vmem>>, vector<1x512x1xf32>
    %get3A_186 = vector.shape_cast %get3A_185 : vector<1x512x1xf32> to vector<512x1xf32>
    %get3A_187 = arith.constant 2 : index
    %get3A_188 = arith.constant 0 : index
    %get3A_189 = arith.constant 0 : index
    %get3A_190 = vector.load %arg3[%get3A_187, %get3A_188, %get3A_189] : memref<4x512x1xf32, #tpu.memory_space<vmem>>, vector<1x512x1xf32>
    %get3A_191 = vector.shape_cast %get3A_190 : vector<1x512x1xf32> to vector<512x1xf32>
    %get3A_192 = arith.constant 2 : index
    %get3A_193 = arith.constant 0 : index
    %get3A_194 = arith.constant 0 : index
    %get3A_195 = vector.load %arg1[%get3A_192, %get3A_193, %get3A_194] : memref<4x512x128xf32, #tpu.memory_space<vmem>>, vector<1x512x128xf32>
    %get3A_196 = vector.shape_cast %get3A_195 : vector<1x512x128xf32> to vector<512x128xf32>
    %mul3A_197 = vector.broadcast %get3A_191 : vector<512x1xf32> to vector<512x128xf32>
    %mul3A_198 = arith.mulf %get3A_196, %mul3A_197 : vector<512x128xf32>
    %mul3A_199 = vector.broadcast %get3A_186 : vector<512x1xf32> to vector<512x128xf32>
    %mul3A_200 = arith.mulf %mul3A_198, %mul3A_199 : vector<512x128xf32>
    %gt3A_201 = arith.constant 0.000000e+00 : f32
    %gt3A_202 = vector.broadcast %gt3A_201 : f32 to vector<512x1xf32>
    %gt3A_203 = arith.cmpf ogt, %get3A_186, %gt3A_202 : vector<512x1xf32>
    %jit3A_204 = arith.constant 0xFF800000 : f32
    %broadcast_in_dim3A_205 = vector.shape_cast %gt3A_203 : vector<512x1xi1> to vector<512x1xi1>
    %broadcast_in_dim3A_206 = vector.broadcast %broadcast_in_dim3A_205 : vector<512x1xi1> to vector<512x128xi1>
    %broadcast_in_dim3A_207 = vector.broadcast %jit3A_204 : f32 to vector<512x128xf32>
    %select_n3A_208 = arith.select %broadcast_in_dim3A_206, %mul3A_200, %broadcast_in_dim3A_207 : vector<512x128xi1>, vector<512x128xf32>
    %reduce_max3A_209 = arith.constant dense<0xFF800000> : vector<128xf32>
    %reduce_max3A_210 = vector.multi_reduction <maximumf>, %select_n3A_208, %reduce_max3A_209 [0] : vector<512x128xf32> to vector<128xf32>
    %broadcast_in_dim3A_211 = vector.shape_cast %reduce_max3A_210 : vector<128xf32> to vector<1x128xf32>
    %reduce_sum3A_212 = arith.constant dense<0.000000e+00> : vector<128xf32>
    %reduce_sum3A_213 = vector.multi_reduction <add>, %mul3A_200, %reduce_sum3A_212 [0] : vector<512x128xf32> to vector<128xf32>
    %broadcast_in_dim3A_214 = vector.shape_cast %reduce_sum3A_213 : vector<128xf32> to vector<1x128xf32>
    %mul3A_215 = arith.constant 0.0027397261 : f32
    %mul3A_216 = vector.broadcast %mul3A_215 : f32 to vector<1x128xf32>
    %mul3A_217 = arith.mulf %broadcast_in_dim3A_214, %mul3A_216 : vector<1x128xf32>
    %get3A_218 = arith.constant 2 : index
    %get3A_219 = arith.constant 0 : index
    %get3A_220 = arith.constant 0 : index
    %get3A_221 = vector.load %arg4[%get3A_218, %get3A_219, %get3A_220] : memref<4x1x256xf32, #tpu.memory_space<vmem>>, vector<1x1x256xf32>
    %get3A_222 = vector.shape_cast %get3A_221 : vector<1x1x256xf32> to vector<1x256xf32>
    %get3A_223 = arith.constant 2 : index
    %get3A_224 = arith.constant 0 : index
    %get3A_225 = arith.constant 0 : index
    %get3A_226 = vector.load %arg5[%get3A_223, %get3A_224, %get3A_225] : memref<4x1x256xf32, #tpu.memory_space<vmem>>, vector<1x1x256xf32>
    %get3A_227 = vector.shape_cast %get3A_226 : vector<1x1x256xf32> to vector<1x256xf32>
    %add3A_228 = arith.addf %get3A_222, %get3A_227 : vector<1x256xf32>
    %concatenate3A_229 = tpu.concatenate %broadcast_in_dim3A_211, %mul3A_217 in 1 : vector<1x128xf32>, vector<1x128xf32> -> vector<1x256xf32>
    %add3A_230 = arith.addf %add3A_228, %concatenate3A_229 : vector<1x256xf32>
    %get3A_231 = arith.constant 0 : index
    %get3A_232 = arith.constant 0 : index
    %get3A_233 = vector.load %arg7[%get3A_231, %get3A_232] : memref<256x256xf32, #tpu.memory_space<vmem>>, vector<256x256xf32>
    %dot_general3A_234 = arith.constant dense<0.000000e+00> : vector<1x256xf32>
    %dot_general3A_235 = tpu.matmul %add3A_230, %get3A_233, %dot_general3A_234 {dimension_numbers = #tpu.dot_dimension_numbers<[1], [0], [0], [1], [0, 0, 1, 1], [], []>, transpose_lhs_hint = false} : vector<1x256xf32>, vector<256x256xf32>, vector<1x256xf32> -> vector<1x256xf32>
    %get3A_236 = arith.constant 0 : index
    %get3A_237 = arith.constant 0 : index
    %get3A_238 = vector.load %arg8[%get3A_236, %get3A_237] : memref<1x256xf32, #tpu.memory_space<vmem>>, vector<1x256xf32>
    %add3A_239 = arith.addf %dot_general3A_235, %get3A_238 : vector<1x256xf32>
    %max3A_240 = arith.constant 0.000000e+00 : f32
    %max3A_241 = vector.broadcast %max3A_240 : f32 to vector<1x256xf32>
    %max3A_242 = arith.maximumf %add3A_239, %max3A_241 : vector<1x256xf32>
    %get3A_243 = arith.constant 0 : index
    %get3A_244 = arith.constant 0 : index
    %get3A_245 = vector.load %arg9[%get3A_243, %get3A_244] : memref<256x128xf32, #tpu.memory_space<vmem>>, vector<256x128xf32>
    %dot_general3A_246 = arith.constant dense<0.000000e+00> : vector<1x128xf32>
    %dot_general3A_247 = tpu.matmul %max3A_242, %get3A_245, %dot_general3A_246 {dimension_numbers = #tpu.dot_dimension_numbers<[1], [0], [0], [1], [0, 0, 1, 1], [], []>, transpose_lhs_hint = false} : vector<1x256xf32>, vector<256x128xf32>, vector<1x128xf32> -> vector<1x128xf32>
    %get3A_248 = arith.constant 0 : index
    %get3A_249 = arith.constant 0 : index
    %get3A_250 = vector.load %arg10[%get3A_248, %get3A_249] : memref<1x128xf32, #tpu.memory_space<vmem>>, vector<1x128xf32>
    %add3A_251 = arith.addf %dot_general3A_247, %get3A_250 : vector<1x128xf32>
    %max3A_252 = arith.constant 0.000000e+00 : f32
    %max3A_253 = vector.broadcast %max3A_252 : f32 to vector<1x128xf32>
    %max3A_254 = arith.maximumf %add3A_251, %max3A_253 : vector<1x128xf32>
    %get3A_255 = arith.constant 2 : index
    %get3A_256 = arith.constant 0 : index
    %get3A_257 = arith.constant 0 : index
    %get3A_258 = vector.load %arg6[%get3A_255, %get3A_256, %get3A_257] : memref<4x512x128xf32, #tpu.memory_space<vmem>>, vector<1x512x128xf32>
    %get3A_259 = vector.shape_cast %get3A_258 : vector<1x512x128xf32> to vector<512x128xf32>
    %mul3A_260 = vector.broadcast %max3A_254 : vector<1x128xf32> to vector<512x128xf32>
    %mul3A_261 = arith.mulf %get3A_259, %mul3A_260 : vector<512x128xf32>
    %reduce_sum3A_262 = arith.constant dense<0.000000e+00> : vector<512xf32>
    %reduce_sum3A_263 = vector.multi_reduction <add>, %mul3A_261, %reduce_sum3A_262 [1] : vector<512x128xf32> to vector<512xf32>
    %broadcast_in_dim3A_264 = vector.shape_cast %reduce_sum3A_263 : vector<512xf32> to vector<512x1xf32>
    %neg3A_265 = arith.constant 0.000000e+00 : f32
    %neg3A_266 = vector.broadcast %neg3A_265 : f32 to vector<512x1xf32>
    %neg3A_267 = arith.subf %neg3A_266, %broadcast_in_dim3A_264 : vector<512x1xf32>
    %exp3A_268 = math.exp %neg3A_267 : vector<512x1xf32>
    %add3A_269 = arith.constant 1.000000e+00 : f32
    %add3A_270 = vector.broadcast %add3A_269 : f32 to vector<512x1xf32>
    %add3A_271 = arith.addf %add3A_270, %exp3A_268 : vector<512x1xf32>
    %div3A_272 = arith.constant 1.000000e+00 : f32
    %div3A_273 = vector.broadcast %div3A_272 : f32 to vector<512x1xf32>
    %div3A_274 = arith.divf %div3A_273, %add3A_271 : vector<512x1xf32>
    %swap3A_275 = arith.constant 2 : index
    %swap3A_276 = arith.constant 0 : index
    %swap3A_277 = arith.constant 0 : index
    %swap3A_278 = vector.load %arg11[%swap3A_275, %swap3A_276, %swap3A_277] : memref<4x512x1xf32, #tpu.memory_space<vmem>>, vector<1x512x1xf32>
    %swap3A_279 = vector.shape_cast %swap3A_278 : vector<1x512x1xf32> to vector<512x1xf32>
    %swap3A_280 = vector.shape_cast %div3A_274 : vector<512x1xf32> to vector<1x512x1xf32>
    tpu.vector_store %arg11[%swap3A_275, %swap3A_276, %swap3A_277], %swap3A_280 {strides = array<i32>} : memref<4x512x1xf32, #tpu.memory_space<vmem>>, vector<1x512x1xf32>,
    %get3A_281 = arith.constant 3 : index
    %get3A_282 = arith.constant 0 : index
    %get3A_283 = arith.constant 0 : index
    %get3A_284 = vector.load %arg2[%get3A_281, %get3A_282, %get3A_283] : memref<4x512x1xf32, #tpu.memory_space<vmem>>, vector<1x512x1xf32>
    %get3A_285 = vector.shape_cast %get3A_284 : vector<1x512x1xf32> to vector<512x1xf32>
    %get3A_286 = arith.constant 3 : index
    %get3A_287 = arith.constant 0 : index
    %get3A_288 = arith.constant 0 : index
    %get3A_289 = vector.load %arg3[%get3A_286, %get3A_287, %get3A_288] : memref<4x512x1xf32, #tpu.memory_space<vmem>>, vector<1x512x1xf32>
    %get3A_290 = vector.shape_cast %get3A_289 : vector<1x512x1xf32> to vector<512x1xf32>
    %get3A_291 = arith.constant 3 : index
    %get3A_292 = arith.constant 0 : index
    %get3A_293 = arith.constant 0 : index
    %get3A_294 = vector.load %arg1[%get3A_291, %get3A_292, %get3A_293] : memref<4x512x128xf32, #tpu.memory_space<vmem>>, vector<1x512x128xf32>
    %get3A_295 = vector.shape_cast %get3A_294 : vector<1x512x128xf32> to vector<512x128xf32>
    %mul3A_296 = vector.broadcast %get3A_290 : vector<512x1xf32> to vector<512x128xf32>
    %mul3A_297 = arith.mulf %get3A_295, %mul3A_296 : vector<512x128xf32>
    %mul3A_298 = vector.broadcast %get3A_285 : vector<512x1xf32> to vector<512x128xf32>
    %mul3A_299 = arith.mulf %mul3A_297, %mul3A_298 : vector<512x128xf32>
    %gt3A_300 = arith.constant 0.000000e+00 : f32
    %gt3A_301 = vector.broadcast %gt3A_300 : f32 to vector<512x1xf32>
    %gt3A_302 = arith.cmpf ogt, %get3A_285, %gt3A_301 : vector<512x1xf32>
    %jit3A_303 = arith.constant 0xFF800000 : f32
    %broadcast_in_dim3A_304 = vector.shape_cast %gt3A_302 : vector<512x1xi1> to vector<512x1xi1>
    %broadcast_in_dim3A_305 = vector.broadcast %broadcast_in_dim3A_304 : vector<512x1xi1> to vector<512x128xi1>
    %broadcast_in_dim3A_306 = vector.broadcast %jit3A_303 : f32 to vector<512x128xf32>
    %select_n3A_307 = arith.select %broadcast_in_dim3A_305, %mul3A_299, %broadcast_in_dim3A_306 : vector<512x128xi1>, vector<512x128xf32>
    %reduce_max3A_308 = arith.constant dense<0xFF800000> : vector<128xf32>
    %reduce_max3A_309 = vector.multi_reduction <maximumf>, %select_n3A_307, %reduce_max3A_308 [0] : vector<512x128xf32> to vector<128xf32>
    %broadcast_in_dim3A_310 = vector.shape_cast %reduce_max3A_309 : vector<128xf32> to vector<1x128xf32>
    %reduce_sum3A_311 = arith.constant dense<0.000000e+00> : vector<128xf32>
    %reduce_sum3A_312 = vector.multi_reduction <add>, %mul3A_299, %reduce_sum3A_311 [0] : vector<512x128xf32> to vector<128xf32>
    %broadcast_in_dim3A_313 = vector.shape_cast %reduce_sum3A_312 : vector<128xf32> to vector<1x128xf32>
    %mul3A_314 = arith.constant 0.0027397261 : f32
    %mul3A_315 = vector.broadcast %mul3A_314 : f32 to vector<1x128xf32>
    %mul3A_316 = arith.mulf %broadcast_in_dim3A_313, %mul3A_315 : vector<1x128xf32>
    %get3A_317 = arith.constant 3 : index
    %get3A_318 = arith.constant 0 : index
    %get3A_319 = arith.constant 0 : index
    %get3A_320 = vector.load %arg4[%get3A_317, %get3A_318, %get3A_319] : memref<4x1x256xf32, #tpu.memory_space<vmem>>, vector<1x1x256xf32>
    %get3A_321 = vector.shape_cast %get3A_320 : vector<1x1x256xf32> to vector<1x256xf32>
    %get3A_322 = arith.constant 3 : index
    %get3A_323 = arith.constant 0 : index
    %get3A_324 = arith.constant 0 : index
    %get3A_325 = vector.load %arg5[%get3A_322, %get3A_323, %get3A_324] : memref<4x1x256xf32, #tpu.memory_space<vmem>>, vector<1x1x256xf32>
    %get3A_326 = vector.shape_cast %get3A_325 : vector<1x1x256xf32> to vector<1x256xf32>
    %add3A_327 = arith.addf %get3A_321, %get3A_326 : vector<1x256xf32>
    %concatenate3A_328 = tpu.concatenate %broadcast_in_dim3A_310, %mul3A_316 in 1 : vector<1x128xf32>, vector<1x128xf32> -> vector<1x256xf32>
    %add3A_329 = arith.addf %add3A_327, %concatenate3A_328 : vector<1x256xf32>
    %get3A_330 = arith.constant 0 : index
    %get3A_331 = arith.constant 0 : index
    %get3A_332 = vector.load %arg7[%get3A_330, %get3A_331] : memref<256x256xf32, #tpu.memory_space<vmem>>, vector<256x256xf32>
    %dot_general3A_333 = arith.constant dense<0.000000e+00> : vector<1x256xf32>
    %dot_general3A_334 = tpu.matmul %add3A_329, %get3A_332, %dot_general3A_333 {dimension_numbers = #tpu.dot_dimension_numbers<[1], [0], [0], [1], [0, 0, 1, 1], [], []>, transpose_lhs_hint = false} : vector<1x256xf32>, vector<256x256xf32>, vector<1x256xf32> -> vector<1x256xf32>
    %get3A_335 = arith.constant 0 : index
    %get3A_336 = arith.constant 0 : index
    %get3A_337 = vector.load %arg8[%get3A_335, %get3A_336] : memref<1x256xf32, #tpu.memory_space<vmem>>, vector<1x256xf32>
    %add3A_338 = arith.addf %dot_general3A_334, %get3A_337 : vector<1x256xf32>
    %max3A_339 = arith.constant 0.000000e+00 : f32
    %max3A_340 = vector.broadcast %max3A_339 : f32 to vector<1x256xf32>
    %max3A_341 = arith.maximumf %add3A_338, %max3A_340 : vector<1x256xf32>
    %get3A_342 = arith.constant 0 : index
    %get3A_343 = arith.constant 0 : index
    %get3A_344 = vector.load %arg9[%get3A_342, %get3A_343] : memref<256x128xf32, #tpu.memory_space<vmem>>, vector<256x128xf32>
    %dot_general3A_345 = arith.constant dense<0.000000e+00> : vector<1x128xf32>
    %dot_general3A_346 = tpu.matmul %max3A_341, %get3A_344, %dot_general3A_345 {dimension_numbers = #tpu.dot_dimension_numbers<[1], [0], [0], [1], [0, 0, 1, 1], [], []>, transpose_lhs_hint = false} : vector<1x256xf32>, vector<256x128xf32>, vector<1x128xf32> -> vector<1x128xf32>
    %get3A_347 = arith.constant 0 : index
    %get3A_348 = arith.constant 0 : index
    %get3A_349 = vector.load %arg10[%get3A_347, %get3A_348] : memref<1x128xf32, #tpu.memory_space<vmem>>, vector<1x128xf32>
    %add3A_350 = arith.addf %dot_general3A_346, %get3A_349 : vector<1x128xf32>
    %max3A_351 = arith.constant 0.000000e+00 : f32
    %max3A_352 = vector.broadcast %max3A_351 : f32 to vector<1x128xf32>
    %max3A_353 = arith.maximumf %add3A_350, %max3A_352 : vector<1x128xf32>
    %get3A_354 = arith.constant 3 : index
    %get3A_355 = arith.constant 0 : index
    %get3A_356 = arith.constant 0 : index
    %get3A_357 = vector.load %arg6[%get3A_354, %get3A_355, %get3A_356] : memref<4x512x128xf32, #tpu.memory_space<vmem>>, vector<1x512x128xf32>
    %get3A_358 = vector.shape_cast %get3A_357 : vector<1x512x128xf32> to vector<512x128xf32>
    %mul3A_359 = vector.broadcast %max3A_353 : vector<1x128xf32> to vector<512x128xf32>
    %mul3A_360 = arith.mulf %get3A_358, %mul3A_359 : vector<512x128xf32>
    %reduce_sum3A_361 = arith.constant dense<0.000000e+00> : vector<512xf32>
    %reduce_sum3A_362 = vector.multi_reduction <add>, %mul3A_360, %reduce_sum3A_361 [1] : vector<512x128xf32> to vector<512xf32>
    %broadcast_in_dim3A_363 = vector.shape_cast %reduce_sum3A_362 : vector<512xf32> to vector<512x1xf32>
    %neg3A_364 = arith.constant 0.000000e+00 : f32
    %neg3A_365 = vector.broadcast %neg3A_364 : f32 to vector<512x1xf32>
    %neg3A_366 = arith.subf %neg3A_365, %broadcast_in_dim3A_363 : vector<512x1xf32>
    %exp3A_367 = math.exp %neg3A_366 : vector<512x1xf32>
    %add3A_368 = arith.constant 1.000000e+00 : f32
    %add3A_369 = vector.broadcast %add3A_368 : f32 to vector<512x1xf32>
    %add3A_370 = arith.addf %add3A_369, %exp3A_367 : vector<512x1xf32>
    %div3A_371 = arith.constant 1.000000e+00 : f32
    %div3A_372 = vector.broadcast %div3A_371 : f32 to vector<512x1xf32>
    %div3A_373 = arith.divf %div3A_372, %add3A_370 : vector<512x1xf32>
    %swap3A_374 = arith.constant 3 : index
    %swap3A_375 = arith.constant 0 : index
    %swap3A_376 = arith.constant 0 : index
    %swap3A_377 = vector.load %arg11[%swap3A_374, %swap3A_375, %swap3A_376] : memref<4x512x1xf32, #tpu.memory_space<vmem>>, vector<1x512x1xf32>
    %swap3A_378 = vector.shape_cast %swap3A_377 : vector<1x512x1xf32> to vector<512x1xf32>
    %swap3A_379 = vector.shape_cast %div3A_373 : vector<512x1xf32> to vector<1x512x1xf32>
    tpu.vector_store %arg11[%swap3A_374, %swap3A_375, %swap3A_376], %swap3A_379 {strides = array<i32>} : memref<4x512x1xf32, #tpu.memory_space<vmem>>, vector<1x512x1xf32>,
    return
  }
  func.func @transform_0(%arg0: i32) -> (i32, i32, i32) {
    %c0_i32 = arith.constant 0 : i32
    %c0_i32_0 = arith.constant 0 : i32
    %c0_i32_1 = arith.constant 0 : i32
    return %arg0, %c0_i32, %c0_i32_0 : i32, i32, i32
  }
  func.func @transform_1(%arg0: i32) -> (i32, i32, i32) {
    %c0_i32 = arith.constant 0 : i32
    %c0_i32_0 = arith.constant 0 : i32
    %c0_i32_1 = arith.constant 0 : i32
    return %arg0, %c0_i32, %c0_i32_0 : i32, i32, i32
  }
  func.func @transform_2(%arg0: i32) -> (i32, i32, i32) {
    %c0_i32 = arith.constant 0 : i32
    %c0_i32_0 = arith.constant 0 : i32
    %c0_i32_1 = arith.constant 0 : i32
    return %arg0, %c0_i32, %c0_i32_0 : i32, i32, i32
  }
  func.func @transform_3(%arg0: i32) -> (i32, i32, i32) {
    %c0_i32 = arith.constant 0 : i32
    %c0_i32_0 = arith.constant 0 : i32
    %c0_i32_1 = arith.constant 0 : i32
    return %arg0, %c0_i32, %c0_i32_0 : i32, i32, i32
  }
  func.func @transform_4(%arg0: i32) -> (i32, i32, i32) {
    %c0_i32 = arith.constant 0 : i32
    %c0_i32_0 = arith.constant 0 : i32
    %c0_i32_1 = arith.constant 0 : i32
    return %arg0, %c0_i32, %c0_i32_0 : i32, i32, i32
  }
  func.func @transform_5(%arg0: i32) -> (i32, i32, i32) {
    %c0_i32 = arith.constant 0 : i32
    %c0_i32_0 = arith.constant 0 : i32
    %c0_i32_1 = arith.constant 0 : i32
    return %arg0, %c0_i32, %c0_i32_0 : i32, i32, i32
  }
  func.func @transform_6(%arg0: i32) -> (i32, i32) {
    %c0_i32 = arith.constant 0 : i32
    %c0_i32_0 = arith.constant 0 : i32
    %c0_i32_1 = arith.constant 0 : i32
    return %c0_i32, %c0_i32_0 : i32, i32
  }
  func.func @transform_7(%arg0: i32) -> (i32, i32) {
    %c0_i32 = arith.constant 0 : i32
    %c0_i32_0 = arith.constant 0 : i32
    %c0_i32_1 = arith.constant 0 : i32
    return %c0_i32, %c0_i32_0 : i32, i32
  }
  func.func @transform_8(%arg0: i32) -> (i32, i32) {
    %c0_i32 = arith.constant 0 : i32
    %c0_i32_0 = arith.constant 0 : i32
    %c0_i32_1 = arith.constant 0 : i32
    return %c0_i32, %c0_i32_0 : i32, i32
  }
  func.func @transform_9(%arg0: i32) -> (i32, i32) {
    %c0_i32 = arith.constant 0 : i32
    %c0_i32_0 = arith.constant 0 : i32
    %c0_i32_1 = arith.constant 0 : i32
    return %c0_i32, %c0_i32_0 : i32, i32
  }
  func.func @transform_10(%arg0: i32) -> (i32, i32, i32) {
    %c0_i32 = arith.constant 0 : i32
    %c0_i32_0 = arith.constant 0 : i32
    %c0_i32_1 = arith.constant 0 : i32
    return %arg0, %c0_i32, %c0_i32_0 : i32, i32, i32
  }
}

</mosaic_0001>

<sc_bundles>
// kernel: kernel.10.cloned.1.call-start
scs
__scs_entry_jumppad:
0x0: {  	(pc) =	sbr.rel $0x88, $3  }
0x1: {  	(tag) =	ssettag $0x0;
	lr =	simm.s32 $0x1  }
0x2: {  	[smem:$0x3F8D] =	sst lr;
	_ =	strace $0xD0000000  }
0x3: {  	_ = 	snop  }
0x4: {  	_ = 	snop  }
0x5: {  	_ = 	snop  }
0x6: {  	_ = 	snop  }
0x7: {  	_ = 	snop  }
__scs_overlays_trampoline_lowered:
0x8: {  	[smem:$0x3F9C] =	sst s0  }
0x9: {  	[smem:$0x3F9D] =	sst s1  }
0xa: {  	[smem:$0x3F9E] =	sst s2  }
0xb: {  	[smem:$0x3F9F] =	sst s3  }
0xc: {  	[smem:$0x3FA0] =	sst s4  }
0xd: {  	[smem:$0x3FA1] =	sst s5  }
0xe: {  	[smem:$0x3FA2] =	sst s6  }
0xf: {  	[smem:$0x3FA3] =	sst s7  }
0x10: {  	[smem:$0x3FA4] =	sst s8  }
0x11: {  	[smem:$0x3FA5] =	sst s9;
	s0 =	simm.s32 @!p0 $0x0  }
0x12: {  	s1 =	sld [smem:$0x3F8B];
	s0 =	simm.s32 @p0 $0x1  }
0x13: {  	[smem:$0x3FA6] =	sst s0;
	s0 =	simm.s32 @!p1 $0x0  }
0x14: {  	s2 =	sld [smem:$0x3F8A];
	s0 =	simm.s32 @p1 $0x1  }
0x15: {  	[smem:$0x3FA7] =	sst s0;
	s0 =	simm.s32 @!p2 $0x0  }
0x16: {  	s3 =	sld [smem:$0x3FDB];
	s0 =	simm.s32 @p2 $0x1  }
0x17: {  	s4 =	simm.s32 $0x1BF5;
	[smem:$0x3FA9] =	sst s0  }
0x18: {  	s0 =	sld [smem:$0x3F8C];
	_ =	swait.ge [sflag:s4], $0x0  }
0x19: {  	s7 =	sld [smem:$0x3F8D]  }
0x1a: {  	s8 =	sadd.s32 $0xFFFFE003, lr  }
0x1b: {  	s9 =	sadd.s32 $0xFFFFFEF7, lr;
	s5 =	simm.s32 $0xFFFFFFFF;
	p2 =	slt.u32 s8, $0xFFFFF086  }
0x1c: {  	p1 =	slt.u32 s9, $0xF7A;
	s5 =	simm.s32 @!p2 $0x0  }
0x1d: {  	s5 =	simm.s32 @p1 $0x1;
	p0 =	seq.s32 s7, s2  }
0x1e: {  	s7 =	smul.u32 @!p0 $0xF7A, s2;
	p2 =	seq.s32 @!p0 s5, $0x0  }
0x1f: {  	s9 =	smul.u32 $0xF7A, s1;
	s8 =	simm.s32 @!p0 $0x1BF5;
	p2 =	por !p2, p0  }
0x20: {  	[sflag:s8] =	ssyncset.s32 @!p0 $0xFFFFF086;
	s6 =	sadd.s32 @!p0 s3, s7;
	s7 =	simm.s32 @!p0 $0x108  }
0x21: {  	s3 =	sadd.s32 s3, s9;
	s6 =	sadd.s32 @!p0 $0x88, s6;
	s7 =	simm.s32 @p2 $0x1082  }
0x22: {  	[simem:s7], [sflag:s8] =	dma.local @!p0 [hbm:s6], $0xF7A  }
0x23: {  	s9 =	sor.u32 $0xD0000000, s2;
	s6 =	simm.s32 $0x108;
	_ =	swait.ge @!p0 [sflag:s8], $0x0  }
0x24: {  	s3 =	sadd.s32 $0x88, s3;
	s6 =	simm.s32 @!p1 $0x1082;
	[sflag:s4] =	ssyncset.s32 $0xFFFFF086  }
0x25: {  	[simem:s6], [sflag:s4] =	dma.local [hbm:s3], $0xF7A  }
0x26: {  	[smem:$0x3F8D] =	sst s1;
	(tag) =	ssettag s2;
	_ =	strace s9  }
0x27: {  	s1 =	sld [smem:$0x3F9D]  }
0x28: {  	s2 =	sld [smem:$0x3F9E]  }
0x29: {  	s4 =	sld [smem:$0x3FA0]  }
0x2a: {  	p0 =	seq.s32 s5, $0x0;
	s5 =	sld [smem:$0x3FA1]  }
0x2b: {  	s6 =	sld [smem:$0x3FA2]  }
0x2c: {  	s7 =	sld [smem:$0x3FA3]  }
0x2d: {  	s3 =	simm.s32 $0x108;
	s8 =	sld [smem:$0x3FA4]  }
0x2e: {  	s3 =	simm.s32 @!p0 $0x1082;
	s9 =	sld [smem:$0x3FA5]  }
0x2f: {  	lr =	sadd.s32 s0, s3;
	s0 =	sld [smem:$0x3F9C]  }
0x30: {  	s3 =	sld [smem:$0x3F9F]  }
0x31: {  	[smem:$0x3FA8] =	sst s10  }
0x32: {  	s10 =	sld [smem:$0x3FA6];
	_ =	sdelay $0x3  }
0x33: {  	p0 =	seq.s32 s10, $0x1;
	s10 =	sld [smem:$0x3FA8];
	_ =	sdelay $0x3  }
0x34: {  	[smem:$0x3FA8] =	sst s10  }
0x35: {  	s10 =	sld [smem:$0x3FA7];
	_ =	sdelay $0x3  }
0x36: {  	p1 =	seq.s32 s10, $0x1;
	s10 =	sld [smem:$0x3FA8];
	_ =	sdelay $0x3  }
0x37: {  	[smem:$0x3FA8] =	sst s10  }
0x38: {  	s10 =	sld [smem:$0x3FA9]  }
0x39: {  	_ = 	snop;
	(pc) =	sbr.ind lr, $3  }
0x3a: {  	_ = 	snop  }
0x3b: {  	_ = 	snop  }
0x3c: {  	p2 =	seq.s32 s10, $0x1;
	s10 =	sld [smem:$0x3FA8]  }
0x3d: {  	_ =	shalt  }
0x3e: {  	_ =	shalt  }
0x3f: {  	_ =	shalt  }
0x40: {  	_ =	shalt  }
0x41: {  	_ =	shalt  }
0x42: {  	_ =	shalt  }
0x43: {  	_ =	shalt  }
0x44: {  	_ =	shalt  }
0x45: {  	_ =	shalt  }
0x46: {  	_ =	shalt  }
0x47: {  	_ =	shalt  }
0x48: {  	_ =	shalt  }
0x49: {  	_ =	shalt  }
0x4a: {  	_ =	shalt  }
0x4b: {  	_ =	shalt  }
0x4c: {  	_ =	shalt  }
0x4d: {  	_ =	shalt  }
0x4e: {  	_ =	shalt  }
0x4f: {  	_ =	shalt  }
0x50: {  	_ =	shalt  }
0x51: {  	_ =	shalt  }
0x52: {  	_ =	shalt  }
0x53: {  	_ =	shalt  }
0x54: {  	_ =	shalt  }
0x55: {  	_ =	shalt  }
0x56: {  	_ =	shalt  }
0x57: {  	_ =	shalt  }
0x58: {  	_ =	shalt  }
0x59: {  	_ =	shalt  }
0x5a: {  	_ =	shalt  }
0x5b: {  	_ =	shalt  }
0x5c: {  	_ =	shalt  }
0x5d: {  	_ =	shalt  }
0x5e: {  	_ =	shalt  }
0x5f: {  	_ =	shalt  }
0x60: {  	_ =	shalt  }
0x61: {  	_ =	shalt  }
0x62: {  	_ =	shalt  }
0x63: {  	_ =	shalt  }
0x64: {  	_ =	shalt  }
0x65: {  	_ =	shalt  }
0x66: {  	_ =	shalt  }
0x67: {  	_ =	shalt  }
0x68: {  	_ =	shalt  }
0x69: {  	_ =	shalt  }
0x6a: {  	_ =	shalt  }
0x6b: {  	_ =	shalt  }
0x6c: {  	_ =	shalt  }
0x6d: {  	_ =	shalt  }
0x6e: {  	_ =	shalt  }
0x6f: {  	_ =	shalt  }
0x70: {  	_ =	shalt  }
0x71: {  	_ =	shalt  }
0x72: {  	_ =	shalt  }
0x73: {  	_ =	shalt  }
0x74: {  	_ =	shalt  }
0x75: {  	_ =	shalt  }
0x76: {  	_ =	shalt  }
0x77: {  	_ =	shalt  }
0x78: {  	_ =	shalt  }
0x79: {  	_ =	shalt  }
0x7a: {  	_ =	shalt  }
0x7b: {  	_ =	shalt  }
0x7c: {  	_ =	shalt  }
0x7d: {  	_ =	shalt  }
0x7e: {  	_ =	shalt  }
0x7f: {  	_ =	shalt  }
0x80: {  	_ =	shalt  }
0x81: {  	_ =	shalt  }
0x82: {  	_ =	shalt  }
0x83: {  	_ =	shalt  }
0x84: {  	_ =	shalt  }
0x85: {  	_ =	shalt  }
0x86: {  	_ =	shalt  }
0x87: {  	_ =	shalt  }
.Lfunc_end0:
.L_simem_size_0:
called_computation_lowered:
.L_overlay_start_0:
0x88: {  	s2 =	sld [smem:$0x3FD9]  }
0x89: {  	s3 =	sld [smem:$0x3FFE];
	_ =	sdelay $0x1  }
0x8a: {  	s1 =	srdreg.scid  }
0x8b: {  	s0 =	sand.u32 $0x1, s1  }
0x8c: {  	s17 =	sshll.u32 s0, $0xA;
	s2 =	sadd.s32 s3, s2  }
0x8d: {  	s2 =	sadd.s32 s2, s17  }
0x8e: {  	[smem:$0x3FB4] =	sst s2  }
0x8f: {  	_ = 	snop  }
0x90: {  	s2 =	sld [smem:$0x3FC7]  }
0x91: {  	s18 =	sld [smem:$0x3FC6]  }
0x92: {  	s4 =	sld [smem:$0x3FD0];
	(tm) =	ssettm $0x1  }
0x93: {  	s5 =	sld [smem:$0x3FFB];
	_ =	sdelay $0x3  }
0x94: {  	_ =	strace s5  }
0x95: {  	s5 =	sld [smem:$0x3FFC];
	_ =	sdelay $0x3  }
0x96: {  	_ =	strace s5  }
0x97: {  	s5 =	sld [smem:$0x3FFD];
	_ =	sdelay $0x3  }
0x98: {  	_ =	strace s5  }
0x99: {  	_ =	strace $0x8FFFFFFF  }
0x9a: {  	s19 =	sld [smem:$0x3FDB];
	_ =	sdelay $0x1  }
0x9b: {  	s6 =	simm.s32 $_scs_section_size  }
0x9c: {  	s7 =	simm.s32 $_size__tile_overlayer_lowered;
	s8 =	simm.s32 $_tile_overlayer_lowered  }
0x9d: {  	s22 =	simm.s32 $0x1BFF;
	s21 =	sshll.u32 s8, $0x1;
	s5 =	sadd.s32 s6, s19  }
0x9e: {  	s9 =	simm.s32 $0x0;
	s20 =	sshll.u32 s7, $0x1;
	s7 =	sadd.s32 s21, s5  }
0x9f: {  	[timem:s9], [sflag:s22] =	dma.local [hbm:s7], s20  }
0xa0: {  	_ =	swait.ge [sflag:s22], s20  }
0xa1: {  	s6 =	ssub.s32 $0x0, s20;
	[sflag:s22] =	ssyncset.done $0x0  }
0xa2: {  	[sflag:s22] =	ssyncadd.s32 s6;
	_ =	sdelay $0x1  }
0xa3: {  	s23 =	simm.s32 $0x1B8B  }
0xa4: {  	_ =	swait.ge [sflag:s23], $0x1  }
0xa5: {  	[sflag:s23] =	ssyncset.done $0x0  }
0xa6: {  	s25 =	simm.s32 $0x1B8E;
	s24 =	sld [smem:$0x3FFE];
	[sflag:s23] =	ssyncadd.s32 $0xFFFFFFFF  }
0xa7: {  	s26 =	simm.s32 $execute0_lowered;
	[smem:$0x3FD2] =	sst s25  }
0xa8: {  	s7 =	sshll.u32 s26, $0x1;
	_ =	strace $0x80000046;
	[dreg:$0x1] =	wrdreg $0xFFFFFFFF  }
0xa9: {  	s28 =	simm.s32 $_size_execute0_lowered;
	s5 =	sadd.s32 s5, s7;
	[dreg:$0x0] =	wrdreg $0x0  }
0xaa: {  	s7 =	sshll.u32 s28, $0x1;
	[dreg:$0x2] =	wrdreg s5  }
0xab: {  	[dreg:$0x3] =	wrdreg s7  }
0xac: {  	[dreg:$0x4] =	wrdreg $0xC0  }
0xad: {  	_ =	task [dreg:s9], $0x5FFFF  }
0xae: {  	[dreg:$0x1] =	wrdreg $0xFFFFFFFF  }
0xaf: {  	[dreg:$0x0] =	wrdreg $0x60  }
0xb0: {  	[dreg:$0x2] =	wrdreg s4  }
0xb1: {  	[dreg:$0x3] =	wrdreg s24  }
0xb2: {  	[dreg:$0x4] =	wrdreg s2  }
0xb3: {  	[dreg:$0x5] =	wrdreg s18  }
0xb4: {  	[dreg:$0x6] =	wrdreg $0x9  }
0xb5: {  	_ =	task.clear_ibuf [dreg:s9], $0x7FFFF;
	_ =	strace $0x90000046  }
0xb6: {  	s29 =	simm.s32 $0x9;
	_ =	strace $0x80000048  }
0xb7: {  	_ =	swait.ge [sflag:s29], $0x1  }
0xb8: {  	[sflag:s29] =	ssyncadd.s32 $0xFFFFFFFF  }
0xb9: {  	_ =	strace $0x90000048  }
0xba: {  	_ =	sfence  }
0xbb: {  	s30 =	sld [smem:$0x0];
	_ =	sdelay $0x2  }
0xbc: {  	s31 =	sshll.u32 s1, $0xD;
	s1 =	sshrl.u32 s1, $0x2  }
0xbd: {  	s3 =	sand.u32 $0x4000, s31;
	s1 =	sadd.s32 s1, s30  }
0xbe: {  	s0 =	sor.u32 s3, s0;
	s1 =	sshll.u32 s1, $0x11  }
0xbf: {  	s0 =	sor.u32 s1, s0  }
0xc0: {  	s0 =	sadd.s32 $0x8F2B, s0  }
0xc1: {  	[sflag:s0] =	ssyncadd.remote.s32 $0x1  }
0xc2: {  	_ =	sfence.sel $0xFFFF  }
0xc3: {  	[dreg:$0x0] =	wrdreg $0xFFFFFFFF;
	(pc) =	sbr.abs _section_cstart, $3  }
0xc4: {  	[dreg:$0x1] =	wrdreg $0xFFFFFFFF  }
0xc5: {  	_ =	task.clear_ibuf [dreg:s9], $0x2FFFF;
	_ =	strace $0x9FFFFFFF  }
0xc6: {  	(tm) =	ssettm $0x7FFFFFFF  }
0xc7: {  	_ =	shalt  }
tec
execute0_lowered:
.L_overlay_start_1:
0x0: {  	(tag) =	ssettag $0x1  }
0x1: {  	s0 =	srdreg.scid  }
0x2: {  	s19 =	stileid.u32;
	s1 =	simm.s32 $0x0;
	s29 =	simm.s32 $0x9  }
0x3: {  	s30 =	simm.s32 $0x180;
	s2 =	sand.u32 $0x1, s0;
	s0 =	rddreg [dreg:$0x1]  }
0x4: {  	s31 =	simm.s32 $0x40;
	s3 =	sshll.u32 s19, $0x1;
	[smem:$0x7FF] =	sst s1  }
0x5: {  	s8 =	sshrl.u32 s19, $0x1;
	p0 =	sgt.u32 s19, $0x7;
	s19 =	simm.s32 $0x0  }
0x6: {  	s3 =	sor.u32 s2, s3;
	s5 =	sadd.s32 $0x7000, s0;
	s6 =	sadd.s32 $0x2000, s0  }
0x7: {  	s7 =	sadd.s32 $0xF6000, s0;
	s9 =	sadd.s32 $0xCE000, s0;
	s10 =	sadd.s32 $0xE000, s0  }
0x8: {  	s11 =	sshll.u32 s8, $0x2;
	s2 =	ssub.s32 $0x2, s2;
	s12 =	smul.u32 $0x3E8, s8  }
0x9: {  	s15 =	sshll.u32 s8, $0x7;
	s16 =	sor.u32 $0x8, s8;
	s4 =	smul.u32 $0x28, s3  }
0xa: {  	s11 =	ssub.s32 s3, s11;
	s13 =	sshrl.u32 s2, $0x1;
	s20 =	smul.u32 $0x1400, s3  }
0xb: {  	s22 =	smul.u32 $0x3E8, s16;
	s14 =	sshll.u32 s11, $0x13;
	s17 =	sadd.s32 s5, s12  }
0xc: {  	s2 =	ssub.s32 s2, s13;
	s12 =	sadd.s32 s6, s12;
	[dreg:$0x5] =	wrdreg s17  }
0xd: {  	s18 =	sor.u32 s15, s14;
	[dreg:$0x6] =	wrdreg s12;
	s23 =	sadd.s32 s7, s20  }
0xe: {  	s14 =	sadd.s32 s9, s20;
	s24 =	sadd.s32 s5, s22;
	[dreg:$0x8] =	wrdreg s23  }
0xf: {  	s12 =	sadd.s32 s6, s22;
	s28 =	smax.u32 s2, $0x1;
	[dreg:$0x9] =	wrdreg s14  }
0x10: {  	s2 =	simm.s32 $0x18300;
	s13 =	sshrl.u32 s18, $0x3;
	[dreg:$0xa] =	wrdreg s24  }
0x11: {  	s18 =	sor.u32 $0x10, s8;
	[dreg:$0xb] =	wrdreg s12;
	s8 =	smul.u32 $0x1F4, s8  }
0x12: {  	s23 =	rddreg [dreg:$0x0];
	s12 =	smul.u32 $0x1F4, s16;
	s16 =	sshll.u32 s11, $0x7  }
0x13: {  	s11 =	simm.s32 $0x6300;
	s21 =	sadd.s32 s10, s13;
	s13 =	sand.u32 $0x3, s3  }
0x14: {  	s17 =	smul.u32 $0x3E8, s18;
	[dreg:$0x7] =	wrdreg s21;
	s25 =	sshll.u32 s13, $0x13  }
0x15: {  	s3 =	smul.u32 $0xA000, s3;
	s14 =	sor.u32 s15, s25;
	s15 =	rddreg [dreg:$0x2]  }
0x16: {  	s5 =	sadd.s32 s5, s17;
	s20 =	sadd.s32 s6, s17;
	s17 =	rddreg [dreg:$0x3]  }
0x17: {  	s3 =	sshrl.u32 s3, $0x3;
	s6 =	simm.s32 $0x1;
	[dreg:$0xd] =	wrdreg s5  }
0x18: {  	s14 =	sshrl.u32 s14, $0x3;
	s26 =	sadd.s32 $0x400, s3;
	[dreg:$0xe] =	wrdreg s20  }
0x19: {  	s21 =	sadd.s32 $0x800, s3;
	s10 =	sadd.s32 s14, s10;
	s14 =	sadd.s32 s7, s26  }
0x1a: {  	s25 =	sadd.s32 $0xC00, s3;
	s22 =	sadd.s32 s9, s26;
	[dreg:$0xc] =	wrdreg s14  }
0x1b: {  	s3 =	sadd.s32 $0x1000, s3;
	s24 =	sadd.s32 s7, s21;
	[dreg:$0xf] =	wrdreg s22  }
0x1c: {  	s20 =	sshll.u32 s13, $0x7;
	s5 =	sadd.s32 s9, s21;
	[dreg:$0x10] =	wrdreg s24  }
0x1d: {  	s26 =	sadd.s32 s7, s25;
	s7 =	sadd.s32 s7, s3;
	[dreg:$0x11] =	wrdreg s5  }
0x1e: {  	s3 =	sadd.s32 s9, s3;
	s21 =	sadd.s32 s12, s20;
	[dreg:$0x12] =	wrdreg s26  }
0x1f: {  	v4 =	vmov s12;
	s12 =	simm.s32 $0x5;
	s5 =	sadd.s32 s9, s25;
	[dreg:$0x14] =	wrdreg s7  }
0x20: {  	[dreg:$0x15] =	wrdreg s3;
	s22 =	sadd.s32 s23, s4;
	s9 =	sadd.s32 s4, s0  }
0x21: {  	s23 =	sadd.s32 $0xC000, s0;
	s14 =	smul.u32 $0x1F4, s18;
	s18 =	sadd.s32 s8, s16  }
0x22: {  	s25 =	sadd.s32 $0x40000, s10;
	s26 =	sadd.s32 $0x80000, s10;
	s16 =	simm.s32 $0x300  }
0x23: {  	s0 =	simm.s32 $0x4300;
	s10 =	simm.s32 $0x2300;
	s3 =	simm.s32 $0x1A280  }
.Ltmp0:
0x24: {  	v3 =	vmov s8;
	s4 =	simm.s32 $0x80;
	s7 =	simm.s32 $0x3;
	(pc) =	sbr.rel .LBB2_1-.Ltmp0, $4  }
0x25: {  	v6 =	vimm.f32 $1.000000000e+00;
	v3 =	vsub.s32 $0x0, v3;
	s8 =	simm.s32 $0x2;
	[dreg:$0x13] =	wrdreg s5;
	s24 =	sadd.s32 $0x1A00, s9  }
0x26: {  	v4 =	vsub.s32 $0x0, v4;
	s5 =	simm.s32 $0x400;
	v0 =	vmov s18;
	s9 =	simm.s32 $0x4;
	s18 =	simm.s32 $0x8;
	v5 =	vmov s14  }
0x27: {  	v3 =	vbroadcast v3, $0x0;
	v4 =	vbroadcast v4, $0x0;
	_ =	strace $0x80000047;
	s13 =	sadd.s32 s14, s20;
	[dreg:$0x16] =	wrdreg s26;
	v5 =	vsub.s32 $0x0, v5  }
0x28: {  	v1 =	vmov s21;
	s26 =	simm.s32 $0x8300;
	s14 =	simm.s32 $0x6;
	v2 =	vmov s13;
	s13 =	simm.s32 $0x7;
	v5 =	vbroadcast v5, $0x0  }
.LBB2_9:
0x29: {  	_ =	swait.ge [sflag:s6], $0x2000  }
0x2a: {  	[sflag:s6] =	ssyncset.done $0x0  }
0x2b: {  	s20 =	rddreg [dreg:$0x10];
	[sflag:s6] =	ssyncadd.s32 $0xFFFFE000  }
0x2c: {  	[hbm4b:s20+s1] =	stream.linear.scatter [tilespmem:s16], [sflag:$0x5], $0x2000, $0x38;
	[tilespmem:$0x1C200] =	vst v63  }
0x2d: {  	_ =	swait.ge [sflag:s7], $0x2000  }
0x2e: {  	[sflag:s7] =	ssyncset.done $0x0  }
0x2f: {  	s21 =	rddreg [dreg:$0x11];
	[sflag:s7] =	ssyncadd.s32 $0xFFFFE000  }
0x30: {  	[hbm4b:s21+s1] =	stream.linear.scatter [tilespmem:s0], [sflag:$0x7], $0x2000, $0x38;
	[tilespmem:$0x1C200] =	vst v63  }
0x31: {  	_ =	swait.ge [sflag:s14], $0x2000  }
0x32: {  	[sflag:s14] =	ssyncset.done $0x0  }
0x33: {  	s21 =	simm.s32 $0xC0;
	[sflag:s14] =	ssyncadd.s32 $0xFFFFE000  }
0x34: {  	[tilespmem:s10], [sflag:$0x2] =	stream.indirect.gather [hbm4b:s15+s31], $0x80, s21, s31, $0xb8;
	[tilespmem:$0x1C200] =	vst v63  }
0x35: {  	_ =	swait.ge [sflag:s18], $0x2000  }
0x36: {  	[sflag:s18] =	ssyncset.done $0x0  }
0x37: {  	s21 =	simm.s32 $0x240;
	[sflag:s18] =	ssyncadd.s32 $0xFFFFE000  }
0x38: {  	[tilespmem:s11], [sflag:$0x4] =	stream.indirect.gather [hbm4b:s17+s31], $0x80, s21, s31, $0xb8;
	[tilespmem:$0x1C200] =	vst v63  }
0x39: {  	_ =	swait.ge [sflag:s8], $0x2000  }
0x3a: {  	[sflag:s8] =	ssyncset.done $0x0  }
0x3b: {  	s21 =	rddreg [dreg:$0x12];
	[sflag:s8] =	ssyncadd.s32 $0xFFFFE000  }
0x3c: {  	[hbm4b:s21+s1] =	stream.linear.scatter [tilespmem:s10], [sflag:$0x6], $0x2000, $0x38;
	[tilespmem:$0x1C200] =	vst v63  }
0x3d: {  	_ =	swait.ge [sflag:s9], $0x2000  }
0x3e: {  	[sflag:s9] =	ssyncset.done $0x0  }
0x3f: {  	s21 =	rddreg [dreg:$0x13];
	[sflag:s9] =	ssyncadd.s32 $0xFFFFE000  }
0x40: {  	[hbm4b:s21+s1] =	stream.linear.scatter [tilespmem:s11], [sflag:$0x8], $0x2000, $0x38;
	[tilespmem:$0x1C200] =	vst v63  }
0x41: {  	_ =	swait.ge [sflag:s12], $0x2000  }
0x42: {  	[sflag:s12] =	ssyncset.done $0x0  }
0x43: {  	s21 =	simm.s32 $0x100;
	[sflag:s12] =	ssyncadd.s32 $0xFFFFE000  }
0x44: {  	[tilespmem:s16], [sflag:$0x1] =	stream.indirect.gather [hbm4b:s15+s31], $0x80, s21, s31, $0xb8;
	[tilespmem:$0x1C200] =	vst v63  }
0x45: {  	_ =	swait.ge [sflag:s13], $0x2000  }
0x46: {  	[sflag:s13] =	ssyncset.done $0x0  }
0x47: {  	s21 =	simm.s32 $0x280;
	[sflag:s13] =	ssyncadd.s32 $0xFFFFE000  }
0x48: {  	[tilespmem:s0], [sflag:$0x3] =	stream.indirect.gather [hbm4b:s17+s31], $0x80, s21, s31, $0xb8;
	[tilespmem:$0x1C200] =	vst v63  }
0x49: {  	_ =	swait.ge [sflag:s6], $0x2000  }
0x4a: {  	[sflag:s6] =	ssyncset.done $0x0  }
0x4b: {  	s21 =	rddreg [dreg:$0x14];
	[sflag:s6] =	ssyncadd.s32 $0xFFFFE000  }
0x4c: {  	[hbm4b:s21+s1] =	stream.linear.scatter [tilespmem:s16], [sflag:$0x5], $0x2000, $0x38;
	[tilespmem:$0x1C200] =	vst v63  }
0x4d: {  	_ =	swait.ge [sflag:s7], $0x2000  }
0x4e: {  	[sflag:s7] =	ssyncset.done $0x0  }
0x4f: {  	s21 =	rddreg [dreg:$0x15];
	[sflag:s7] =	ssyncadd.s32 $0xFFFFE000  }
0x50: {  	[hbm4b:s21+s1] =	stream.linear.scatter [tilespmem:s0], [sflag:$0x7], $0x2000, $0x38;
	[tilespmem:$0x1C200] =	vst v63  }
0x51: {  	_ =	swait.ge [sflag:s14], $0x2000  }
0x52: {  	[sflag:s14] =	ssyncset.done $0x0  }
0x53: {  	[sflag:s14] =	ssyncadd.s32 $0xFFFFE000  }
0x54: {  	_ =	swait.ge [sflag:s18], $0x2000  }
0x55: {  	[sflag:s18] =	ssyncset.done $0x0  }
0x56: {  	s19 =	sadd.s32 $0x1, s19;
	[sflag:s18] =	ssyncadd.s32 $0xFFFFE000  }
0x57: {  	p1 =	sne.s32 s19, s28;
	_ =	swait.ge [sflag:s12], $0x2000  }
.Ltmp1:
0x58: {  	[sflag:s12] =	ssyncset.done $0x0;
	(pc) =	sbr.rel @!p1 .LBB2_10-.Ltmp1, $4  }
0x59: {  	[sflag:s12] =	ssyncadd.s32 $0xFFFFE000  }
0x5a: {  	_ =	swait.ge [sflag:s13], $0x2000  }
0x5b: {  	[sflag:s13] =	ssyncset.done $0x0  }
0x5c: {  	[sflag:s13] =	ssyncadd.s32 $0xFFFFE000  }
.LBB2_1:
0x5d: {  	[tilespmem:s1], [sflag:$0x9] =	stream.linear.gather [hbm4b:s22+s1], $0x140, $0x38;
	[tilespmem:$0x1C200] =	vst v63  }
0x5e: {  	_ =	swait.ge [sflag:s29], $0x140  }
0x5f: {  	[sflag:s29] =	ssyncset.done $0x0  }
0x60: {  	[sflag:s29] =	ssyncadd.s32 $0xFFFFFEC0  }
0x61: {  	[tilespmem:s30], [sflag:$0x9] =	stream.linear.gather [hbm4b:s24+s1], $0x140, $0x38;
	[tilespmem:$0x1C200] =	vst v63  }
0x62: {  	_ =	swait.ge [sflag:s29], $0x140  }
0x63: {  	[sflag:s29] =	ssyncset.done $0x0  }
0x64: {  	[sflag:s29] =	ssyncadd.s32 $0xFFFFFEC0  }
0x65: {  	[tilespmem:s16], [sflag:$0x1] =	stream.indirect.gather [hbm4b:s15+s31], $0x80, s1, s31, $0xb8;
	[tilespmem:$0x1C200] =	vst v63  }
0x66: {  	_ = 	snop  }
0x67: {  	[tilespmem:s0], [sflag:$0x3] =	stream.indirect.gather [hbm4b:s17+s31], $0x80, s30, s31, $0xb8;
	[tilespmem:$0x1C200] =	vst v63  }
0x68: {  	_ = 	snop  }
0x69: {  	[tilespmem:s10], [sflag:$0x2] =	stream.indirect.gather [hbm4b:s15+s31], $0x80, s31, s31, $0xb8;
	[tilespmem:$0x1C200] =	vst v63  }
0x6a: {  	s20 =	simm.s32 $0x1C0  }
0x6b: {  	[tilespmem:s11], [sflag:$0x4] =	stream.indirect.gather [hbm4b:s17+s31], $0x80, s20, s31, $0xb8;
	[tilespmem:$0x1C200] =	vst v63  }
0x6c: {  	_ = 	snop  }
0x6d: {  	[tilespmem:s26], [sflag:$0x9] =	stream.linear.gather [hbm4b:s23+s1], $0x10000, $0x38;
	[tilespmem:$0x1C200] =	vst v63  }
0x6e: {  	_ =	swait.ge [sflag:s29], $0x10000  }
0x6f: {  	[sflag:s29] =	ssyncset.done $0x0  }
0x70: {  	s21 =	rddreg [dreg:$0x5];
	[sflag:s29] =	ssyncadd.s32 $0xFFFF0000  }
0x71: {  	[tilespmem:s2], [sflag:$0x9] =	stream.linear.gather [hbm4b:s21+s1], $0x1F40, $0x38;
	[tilespmem:$0x1C200] =	vst v63  }
0x72: {  	_ =	swait.ge [sflag:s29], $0x1F40  }
0x73: {  	[sflag:s29] =	ssyncset.done $0x0  }
0x74: {  	s21 =	rddreg [dreg:$0x6];
	[sflag:s29] =	ssyncadd.s32 $0xFFFFE0C0  }
0x75: {  	[tilespmem:s3], [sflag:$0x9] =	stream.linear.gather [hbm4b:s21+s1], $0x1F40, $0x38;
	[tilespmem:$0x1C200] =	vst v63  }
0x76: {  	_ =	swait.ge [sflag:s29], $0x1F40  }
0x77: {  	[sflag:s29] =	ssyncset.done $0x0  }
0x78: {  	s20 =	simm.s32 $0x0;
	[sflag:s29] =	ssyncadd.s32 $0xFFFFE0C0  }
.LBB2_2:
0x79: {  	s21 =	sshra.s32 s20, $0x2  }
0x7a: {  	v7 =	vld [tilespmem:s21+$0x1A280];
	_ =	sdelay $0x1  }
0x7b: {  	v8 =	vld [tilespmem:s21+$0x18300];
	_ =	sdelay $0x2  }
0x7c: {  	v7 =	vsub.s32 v7, v0  }
0x7d: {  	vm0 =	vlt.u32 v7, $0x80;
	v7 =	vshll.u32 v7, $0x9  }
0x7e: {  	v8 =	vadd.s32 v3, v8;
	v7 =	vnsel vm0, $0x0, v7  }
0x7f: {  	v7 =	vadd.s32 v7, v8;
	_ =	sdelay $0x4  }
0x80: {  	[tilespmem:v7+s26+$0x0] =	vst.idx.add.f32.msk vm0, v6  }
0x81: {  	v7 =	vld [tilespmem:s21+$0x1A290];
	_ =	sdelay $0x1  }
0x82: {  	v8 =	vld [tilespmem:s21+$0x18310];
	_ =	sdelay $0x2  }
0x83: {  	v7 =	vsub.s32 v7, v0  }
0x84: {  	vm13 =	vlt.u32 v7, $0x80;
	v7 =	vshll.u32 v7, $0x9  }
0x85: {  	v8 =	vadd.s32 v3, v8;
	v7 =	vnsel vm13, $0x0, v7  }
0x86: {  	v7 =	vadd.s32 v7, v8;
	_ =	sdelay $0x4  }
0x87: {  	[tilespmem:v7+s26+$0x0] =	vst.idx.add.f32.msk vm13, v6  }
0x88: {  	v7 =	vld [tilespmem:s21+$0x1A2A0];
	_ =	sdelay $0x1  }
0x89: {  	v8 =	vld [tilespmem:s21+$0x18320];
	_ =	sdelay $0x2  }
0x8a: {  	v7 =	vsub.s32 v7, v0  }
0x8b: {  	vm14 =	vlt.u32 v7, $0x80;
	v7 =	vshll.u32 v7, $0x9  }
0x8c: {  	v8 =	vadd.s32 v3, v8;
	v7 =	vnsel vm14, $0x0, v7  }
0x8d: {  	v7 =	vadd.s32 v7, v8;
	_ =	sdelay $0x4  }
0x8e: {  	[tilespmem:v7+s26+$0x0] =	vst.idx.add.f32.msk vm14, v6  }
0x8f: {  	v7 =	vld [tilespmem:s21+$0x1A2B0];
	_ =	sdelay $0x1  }
0x90: {  	v8 =	vld [tilespmem:s21+$0x18330];
	_ =	sdelay $0x2  }
0x91: {  	v7 =	vsub.s32 v7, v0  }
0x92: {  	vm15 =	vlt.u32 v7, $0x80;
	v7 =	vshll.u32 v7, $0x9  }
0x93: {  	v8 =	vadd.s32 v3, v8;
	v7 =	vnsel vm15, $0x0, v7  }
0x94: {  	p1 =	sne.s32 s20, $0x7C00;
	v7 =	vadd.s32 v7, v8  }
.Ltmp2:
0x95: {  	_ = 	snop;
	(pc) =	sbr.rel @p1 .LBB2_2-.Ltmp2, $2  }
0x96: {  	_ =	sdelay $0x2  }
0x97: {  	s20 =	sadd.s32 $0x100, s20;
	[tilespmem:v7+s26+$0x0] =	vst.idx.add.f32.msk vm15, v6  }
0x98: {  	s20 =	rddreg [dreg:$0x7]  }
0x99: {  	[hbm4b:s20+s4] =	stream.strided.scatter [tilespmem:s26], [sflag:$0x9], $0x10000, s5, s4, $0x38;
	[tilespmem:$0x1C200] =	vst v63  }
0x9a: {  	_ =	swait.ge [sflag:s29], $0x10000  }
0x9b: {  	[sflag:s29] =	ssyncset.done $0x0  }
0x9c: {  	[sflag:s29] =	ssyncadd.s32 $0xFFFF0000  }
0x9d: {  	_ =	swait.ge [sflag:s6], $0x2000  }
0x9e: {  	[sflag:s6] =	ssyncset.done $0x0  }
0x9f: {  	s20 =	simm.s32 $0x0;
	s21 =	rddreg [dreg:$0x8];
	[sflag:s6] =	ssyncadd.s32 $0xFFFFE000  }
0xa0: {  	[hbm4b:s21+s20] =	stream.linear.scatter [tilespmem:s16], [sflag:$0x5], $0x2000, $0x38;
	[tilespmem:$0x1C200] =	vst v63  }
0xa1: {  	_ =	swait.ge [sflag:s7], $0x2000  }
0xa2: {  	[sflag:s7] =	ssyncset.done $0x0  }
0xa3: {  	s21 =	rddreg [dreg:$0x9];
	[sflag:s7] =	ssyncadd.s32 $0xFFFFE000  }
0xa4: {  	[hbm4b:s21+s20] =	stream.linear.scatter [tilespmem:s0], [sflag:$0x7], $0x2000, $0x38;
	[tilespmem:$0x1C200] =	vst v63  }
0xa5: {  	_ = 	snop  }
0xa6: {  	[tilespmem:s26], [sflag:$0x9] =	stream.linear.gather [hbm4b:s23+s20], $0x10000, $0x38;
	[tilespmem:$0x1C200] =	vst v63  }
0xa7: {  	_ =	swait.ge [sflag:s29], $0x10000  }
0xa8: {  	[sflag:s29] =	ssyncset.done $0x0  }
0xa9: {  	s21 =	rddreg [dreg:$0xa];
	[sflag:s29] =	ssyncadd.s32 $0xFFFF0000  }
0xaa: {  	[tilespmem:s2], [sflag:$0x9] =	stream.linear.gather [hbm4b:s21+s20], $0x1F40, $0x38;
	[tilespmem:$0x1C200] =	vst v63  }
0xab: {  	_ =	swait.ge [sflag:s29], $0x1F40  }
0xac: {  	[sflag:s29] =	ssyncset.done $0x0  }
0xad: {  	s21 =	rddreg [dreg:$0xb];
	[sflag:s29] =	ssyncadd.s32 $0xFFFFE0C0  }
0xae: {  	[tilespmem:s3], [sflag:$0x9] =	stream.linear.gather [hbm4b:s21+s20], $0x1F40, $0x38;
	[tilespmem:$0x1C200] =	vst v63  }
0xaf: {  	_ =	swait.ge [sflag:s29], $0x1F40  }
0xb0: {  	[sflag:s29] =	ssyncset.done $0x0  }
0xb1: {  	[sflag:s29] =	ssyncadd.s32 $0xFFFFE0C0  }
.LBB2_4:
0xb2: {  	s21 =	sshra.s32 s20, $0x2  }
0xb3: {  	v7 =	vld [tilespmem:s21+$0x1A280];
	_ =	sdelay $0x1  }
0xb4: {  	v8 =	vld [tilespmem:s21+$0x18300];
	_ =	sdelay $0x2  }
0xb5: {  	v7 =	vsub.s32 v7, v1  }
0xb6: {  	vm0 =	vlt.u32 v7, $0x80;
	v7 =	vshll.u32 v7, $0x9  }
0xb7: {  	v8 =	vadd.s32 v4, v8;
	v7 =	vnsel vm0, $0x0, v7  }
0xb8: {  	v7 =	vadd.s32 v7, v8;
	_ =	sdelay $0x4  }
0xb9: {  	[tilespmem:v7+s26+$0x0] =	vst.idx.add.f32.msk vm0, v6  }
0xba: {  	v7 =	vld [tilespmem:s21+$0x1A290];
	_ =	sdelay $0x1  }
0xbb: {  	v8 =	vld [tilespmem:s21+$0x18310];
	_ =	sdelay $0x2  }
0xbc: {  	v7 =	vsub.s32 v7, v1  }
0xbd: {  	vm13 =	vlt.u32 v7, $0x80;
	v7 =	vshll.u32 v7, $0x9  }
0xbe: {  	v8 =	vadd.s32 v4, v8;
	v7 =	vnsel vm13, $0x0, v7  }
0xbf: {  	v7 =	vadd.s32 v7, v8;
	_ =	sdelay $0x4  }
0xc0: {  	[tilespmem:v7+s26+$0x0] =	vst.idx.add.f32.msk vm13, v6  }
0xc1: {  	v7 =	vld [tilespmem:s21+$0x1A2A0];
	_ =	sdelay $0x1  }
0xc2: {  	v8 =	vld [tilespmem:s21+$0x18320];
	_ =	sdelay $0x2  }
0xc3: {  	v7 =	vsub.s32 v7, v1  }
0xc4: {  	vm14 =	vlt.u32 v7, $0x80;
	v7 =	vshll.u32 v7, $0x9  }
0xc5: {  	v8 =	vadd.s32 v4, v8;
	v7 =	vnsel vm14, $0x0, v7  }
0xc6: {  	v7 =	vadd.s32 v7, v8;
	_ =	sdelay $0x4  }
0xc7: {  	[tilespmem:v7+s26+$0x0] =	vst.idx.add.f32.msk vm14, v6  }
0xc8: {  	v7 =	vld [tilespmem:s21+$0x1A2B0];
	_ =	sdelay $0x1  }
0xc9: {  	v8 =	vld [tilespmem:s21+$0x18330];
	_ =	sdelay $0x2  }
0xca: {  	v7 =	vsub.s32 v7, v1  }
0xcb: {  	vm15 =	vlt.u32 v7, $0x80;
	v7 =	vshll.u32 v7, $0x9  }
0xcc: {  	v8 =	vadd.s32 v4, v8;
	v7 =	vnsel vm15, $0x0, v7  }
0xcd: {  	p1 =	sne.s32 s20, $0x7C00;
	v7 =	vadd.s32 v7, v8  }
.Ltmp3:
0xce: {  	_ = 	snop;
	(pc) =	sbr.rel @p1 .LBB2_4-.Ltmp3, $2  }
0xcf: {  	_ =	sdelay $0x2  }
0xd0: {  	s20 =	sadd.s32 $0x100, s20;
	[tilespmem:v7+s26+$0x0] =	vst.idx.add.f32.msk vm15, v6  }
0xd1: {  	[hbm4b:s25+s4] =	stream.strided.scatter [tilespmem:s26], [sflag:$0x9], $0x10000, s5, s4, $0x38;
	[tilespmem:$0x1C200] =	vst v63  }
0xd2: {  	_ =	swait.ge [sflag:s29], $0x10000  }
0xd3: {  	[sflag:s29] =	ssyncset.done $0x0  }
0xd4: {  	[sflag:s29] =	ssyncadd.s32 $0xFFFF0000  }
0xd5: {  	_ =	swait.ge [sflag:s8], $0x2000  }
0xd6: {  	[sflag:s8] =	ssyncset.done $0x0  }
0xd7: {  	s20 =	rddreg [dreg:$0xc];
	[sflag:s8] =	ssyncadd.s32 $0xFFFFE000  }
0xd8: {  	[hbm4b:s20+s1] =	stream.linear.scatter [tilespmem:s10], [sflag:$0x6], $0x2000, $0x38;
	[tilespmem:$0x1C200] =	vst v63  }
0xd9: {  	_ =	swait.ge [sflag:s9], $0x2000  }
0xda: {  	[sflag:s9] =	ssyncset.done $0x0  }
0xdb: {  	s21 =	rddreg [dreg:$0xf];
	[sflag:s9] =	ssyncadd.s32 $0xFFFFE000  }
0xdc: {  	[hbm4b:s21+s1] =	stream.linear.scatter [tilespmem:s11], [sflag:$0x8], $0x2000, $0x38;
	[tilespmem:$0x1C200] =	vst v63  }
0xdd: {  	_ =	swait.ge [sflag:s12], $0x2000  }
0xde: {  	[sflag:s12] =	ssyncset.done $0x0  }
0xdf: {  	[sflag:s12] =	ssyncadd.s32 $0xFFFFE000  }
0xe0: {  	[tilespmem:s16], [sflag:$0x1] =	stream.indirect.gather [hbm4b:s15+s31], $0x80, s4, s31, $0xb8;
	[tilespmem:$0x1C200] =	vst v63  }
.Ltmp4:
0xe1: {  	_ = 	snop;
	(pc) =	sbr.rel @p0 .LBB2_9-.Ltmp4, $4  }
0xe2: {  	_ =	swait.ge [sflag:s13], $0x2000  }
0xe3: {  	[sflag:s13] =	ssyncset.done $0x0  }
0xe4: {  	s21 =	simm.s32 $0x200;
	[sflag:s13] =	ssyncadd.s32 $0xFFFFE000  }
0xe5: {  	[tilespmem:s0], [sflag:$0x3] =	stream.indirect.gather [hbm4b:s17+s31], $0x80, s21, s31, $0xb8;
	[tilespmem:$0x1C200] =	vst v63  }
0xe6: {  	s20 =	simm.s32 $0x0  }
0xe7: {  	[tilespmem:s26], [sflag:$0x9] =	stream.linear.gather [hbm4b:s23+s20], $0x10000, $0x38;
	[tilespmem:$0x1C200] =	vst v63  }
0xe8: {  	_ =	swait.ge [sflag:s29], $0x10000  }
0xe9: {  	[sflag:s29] =	ssyncset.done $0x0  }
0xea: {  	s21 =	rddreg [dreg:$0xd];
	[sflag:s29] =	ssyncadd.s32 $0xFFFF0000  }
0xeb: {  	[tilespmem:s2], [sflag:$0x9] =	stream.linear.gather [hbm4b:s21+s20], $0x1F40, $0x38;
	[tilespmem:$0x1C200] =	vst v63  }
0xec: {  	_ =	swait.ge [sflag:s29], $0x1F40  }
0xed: {  	[sflag:s29] =	ssyncset.done $0x0  }
0xee: {  	s21 =	rddreg [dreg:$0xe];
	[sflag:s29] =	ssyncadd.s32 $0xFFFFE0C0  }
0xef: {  	[tilespmem:s3], [sflag:$0x9] =	stream.linear.gather [hbm4b:s21+s20], $0x1F40, $0x38;
	[tilespmem:$0x1C200] =	vst v63  }
0xf0: {  	_ =	swait.ge [sflag:s29], $0x1F40  }
0xf1: {  	[sflag:s29] =	ssyncset.done $0x0  }
0xf2: {  	[sflag:s29] =	ssyncadd.s32 $0xFFFFE0C0  }
.LBB2_7:
0xf3: {  	s21 =	sshra.s32 s20, $0x2  }
0xf4: {  	v7 =	vld [tilespmem:s21+$0x1A280];
	_ =	sdelay $0x1  }
0xf5: {  	v8 =	vld [tilespmem:s21+$0x18300];
	_ =	sdelay $0x2  }
0xf6: {  	v7 =	vsub.s32 v7, v2  }
0xf7: {  	vm0 =	vlt.u32 v7, $0x80;
	v7 =	vshll.u32 v7, $0x9  }
0xf8: {  	v8 =	vadd.s32 v5, v8;
	v7 =	vnsel vm0, $0x0, v7  }
0xf9: {  	v7 =	vadd.s32 v7, v8;
	_ =	sdelay $0x4  }
0xfa: {  	[tilespmem:v7+s26+$0x0] =	vst.idx.add.f32.msk vm0, v6  }
0xfb: {  	v7 =	vld [tilespmem:s21+$0x1A290];
	_ =	sdelay $0x1  }
0xfc: {  	v8 =	vld [tilespmem:s21+$0x18310];
	_ =	sdelay $0x2  }
0xfd: {  	v7 =	vsub.s32 v7, v2  }
0xfe: {  	vm13 =	vlt.u32 v7, $0x80;
	v7 =	vshll.u32 v7, $0x9  }
0xff: {  	v8 =	vadd.s32 v5, v8;
	v7 =	vnsel vm13, $0x0, v7  }
0x100: {  	v7 =	vadd.s32 v7, v8;
	_ =	sdelay $0x4  }
0x101: {  	[tilespmem:v7+s26+$0x0] =	vst.idx.add.f32.msk vm13, v6  }
0x102: {  	v7 =	vld [tilespmem:s21+$0x1A2A0];
	_ =	sdelay $0x1  }
0x103: {  	v8 =	vld [tilespmem:s21+$0x18320];
	_ =	sdelay $0x2  }
0x104: {  	v7 =	vsub.s32 v7, v2  }
0x105: {  	vm14 =	vlt.u32 v7, $0x80;
	v7 =	vshll.u32 v7, $0x9  }
0x106: {  	v8 =	vadd.s32 v5, v8;
	v7 =	vnsel vm14, $0x0, v7  }
0x107: {  	v7 =	vadd.s32 v7, v8;
	_ =	sdelay $0x4  }
0x108: {  	[tilespmem:v7+s26+$0x0] =	vst.idx.add.f32.msk vm14, v6  }
0x109: {  	v7 =	vld [tilespmem:s21+$0x1A2B0];
	_ =	sdelay $0x1  }
0x10a: {  	v8 =	vld [tilespmem:s21+$0x18330];
	_ =	sdelay $0x2  }
0x10b: {  	v7 =	vsub.s32 v7, v2  }
0x10c: {  	vm15 =	vlt.u32 v7, $0x80;
	v7 =	vshll.u32 v7, $0x9  }
0x10d: {  	v8 =	vadd.s32 v5, v8;
	v7 =	vnsel vm15, $0x0, v7  }
0x10e: {  	p1 =	sne.s32 s20, $0x7C00;
	v7 =	vadd.s32 v7, v8  }
.Ltmp5:
0x10f: {  	_ = 	snop;
	(pc) =	sbr.rel @p1 .LBB2_7-.Ltmp5, $2  }
0x110: {  	_ =	sdelay $0x2  }
0x111: {  	s20 =	sadd.s32 $0x100, s20;
	[tilespmem:v7+s26+$0x0] =	vst.idx.add.f32.msk vm15, v6  }
.Ltmp6:
0x112: {  	s20 =	rddreg [dreg:$0x16];
	(pc) =	sbr.rel .LBB2_9-.Ltmp6, $4  }
0x113: {  	[hbm4b:s20+s4] =	stream.strided.scatter [tilespmem:s26], [sflag:$0x9], $0x10000, s5, s4, $0x38;
	[tilespmem:$0x1C200] =	vst v63  }
0x114: {  	_ =	swait.ge [sflag:s29], $0x10000  }
0x115: {  	[sflag:s29] =	ssyncset.done $0x0  }
0x116: {  	[sflag:s29] =	ssyncadd.s32 $0xFFFF0000  }
.LBB2_10:
0x117: {  	_ =	sfence.sel $0x180000  }
0x118: {  	[bflag:$0x0] =	sbarrier.arrive $0xFFFF  }
0x119: {  	_ =	strace $0x90000047  }
0x11a: {  	s0 =	stileid.u32;
	[bflag:$0x2] =	sbarrier.arrive $0xFFFF  }
0x11b: {  	p0 =	sne.s32 s0, $0x0;
	s0 =	rddreg [dreg:$0x4]  }
0x11c: {  	s0 =	sadd.s32 @!p0 $0x100000, s0  }
0x11d: {  	[sflag:s0] =	ssyncadd.tile.s32 @!p0 $0x1;
	_ =	shalt  }
.Lfunc_end2:
_tile_overlayer_lowered:
.L_overlay_start_2:
0x11e: {  	(tag) =	ssettag $0x2  }
0x11f: {  	s0 =	rddreg [dreg:$0x0];
	s2 =	stileid.u32  }
0x120: {  	s1 =	rddreg [dreg:$0x1];
	p0 =	sne.s32 s2, $0x0  }
0x121: {  	s3 =	rddreg [dreg:$0x2];
	[bflag:$0x3] =	sbarrier.arrive $0xFFFF;
	s2 =	simm.s32 @!p0 $0x1C09  }
0x122: {  	[timem:s3], [sflag:s2] =	dma.local @!p0 [hbm:s0], s1  }
0x123: {  	s0 =	simm.s32 @!p0 $0x9  }
0x124: {  	_ =	swait.ge @!p0 [sflag:s0], s1  }
0x125: {  	s1 =	ssub.s32 @!p0 $0x0, s1;
	[sflag:s0] =	ssyncset.done @!p0 $0x0  }
0x126: {  	[sflag:s0] =	ssyncadd.s32 @!p0 s1  }
0x127: {  	[bflag:$0x3] =	sbarrier.arrive $0xFFFF  }
0x128: {  	_ =	shalt  }

</sc_bundles>
